<compile_context>
chip_gen: v7x
topology: tpu7x:2x2x1
jax: 0.10.2.dev20260603
libtpu: 0.0.44.dev20260713+nightly
codegen_flags: <defaults>
</compile_context>

<pallas_src>
import functools

import jax
import jax.numpy as jnp
import numpy as np
from jax import lax
from jax.experimental import pallas as pl
from jax.experimental.pallas import tpu as pltpu
from jax.experimental.pallas import tpu_sc as plsc

B = 32
N = 16384 * 3
L = 16
C = N // L
CP = C + 1
W = L * CP
RADIX = 256
HIST = RADIX * L
MIN32 = np.int32(-2147483648)


def _addr(r):
    return r + (((r >> 10) * 21846) >> 16)


def _unkeys(k):
    bits = k ^ (jnp.bitwise_not(k >> 31) | MIN32)
    return plsc.bitcast(bits, jnp.float32)


def _for_count(count, unroll, body_fn):
    def outer(jo, _):
        base = jo * unroll
        for u in range(unroll):
            body_fn(base + u)
        return 0

    lax.fori_loop(0, count // unroll, outer, 0)


def _emd_body(xb, yb, out, bufa, bufb, hist, accb, spill):
    c = lax.axis_index("c")
    s = lax.axis_index("s")
    wid = s * 2 + c
    lane = lax.broadcasted_iota(jnp.int32, (L,), 0)
    ones = jnp.ones((L,), jnp.int32)
    zero = jnp.zeros((L,), jnp.int32)
    lanecp = lane * CP

    def hist_and_scan(load_fn, shift):
        def zbody(j):
            hist[pl.ds(j * L, L)] = zero

        _for_count(HIST // L, 8, zbody)

        def hbody(j):
            k = load_fn(j)
            d = (k >> shift) & 0xFF
            cell = (d << 4) | lane
            plsc.addupdate_scatter(hist, [cell], ones)

        _for_count(C, 8, hbody)

        def pbody(i, carry):
            v = hist[pl.ds(i * L, L)]
            ex = plsc.cumsum(v) - v
            hist[pl.ds(i * L, L)] = ex + carry
            return carry + jnp.sum(v)

        lax.fori_loop(0, HIST // L, pbody, jnp.int32(0))

    def radix_pass(load_fn, dst, shift):
        hist_and_scan(load_fn, shift)

        def sbody(j):
            k = load_fn(j)
            d = (k >> shift) & 0xFF
            cell = (d << 4) | lane
            pos = plsc.load_gather(hist, [cell])
            plsc.store_scatter(dst, [_addr(pos)], k)
            plsc.addupdate_scatter(hist, [cell], ones)

        _for_count(C, 8, sbody)

    def load_contig(j):
        return bufa[pl.ds(j * L, L)]

    def load_pad_a(j):
        return plsc.load_gather(bufa, [lanecp + j])

    def load_pad_b(j):
        return plsc.load_gather(bufb, [lanecp + j])

    def dma_row_in(src_hbm):
        for comp in range(3):
            pltpu.sync_copy(
                src_hbm.at[pl.ds((comp * B + wid) * (N // 3), N // 3)],
                bufa.at[pl.ds(comp * (N // 3), N // 3)],
            )

    dma_row_in(xb)
    radix_pass(load_contig, bufb, 0)
    radix_pass(load_pad_b, bufa, 8)
    radix_pass(load_pad_a, bufb, 16)
    radix_pass(load_pad_b, bufa, 24)
    pltpu.sync_copy(bufa, spill.at[pl.ds(wid * W, W)])

    dma_row_in(yb)
    radix_pass(load_contig, bufb, 0)
    radix_pass(load_pad_b, bufa, 8)
    radix_pass(load_pad_a, bufb, 16)
    hist_and_scan(load_pad_b, 24)
    pltpu.sync_copy(spill.at[pl.ds(wid * W, W)], bufa)

    def fbody(j, acc):
        k = load_pad_b(j)
        d = (k >> 24) & 0xFF
        cell = (d << 4) | lane
        pos = plsc.load_gather(hist, [cell])
        xk = plsc.load_gather(bufa, [_addr(pos)])
        plsc.addupdate_scatter(hist, [cell], ones)
        dd = _unkeys(xk) - _unkeys(k)
        return acc + dd * dd

    def fouter(jo, acc):
        for u in range(8):
            acc = fbody(jo * 8 + u, acc)
        return acc

    acc = lax.fori_loop(0, C // 8, fouter, jnp.zeros((L,), jnp.float32))
    accb[...] = acc
    pltpu.sync_copy(accb, out.at[pl.ds(wid * L, L)])


_emd_sc = functools.partial(
    pl.kernel,
    out_type=jax.ShapeDtypeStruct((B * L,), jnp.float32),
    mesh=plsc.VectorSubcoreMesh(
        core_axis_name="c", subcore_axis_name="s", num_cores=2, num_subcores=16
    ),
    compiler_params=pltpu.CompilerParams(needs_layout_passes=False),
    scratch_types=[
        pltpu.VMEM((W,), jnp.int32),
        pltpu.VMEM((W,), jnp.int32),
        pltpu.VMEM((HIST,), jnp.int32),
        pltpu.VMEM((L,), jnp.float32),
        pltpu.HBM((B * W,), jnp.int32),
    ],
)(_emd_body)


def kernel(x, y):
    def to_keys(v):
        k = lax.bitcast_convert_type(v, jnp.int32)
        k = k.transpose(2, 0, 1).reshape(-1)
        return k ^ ((k >> 31) | MIN32)

    partials = _emd_sc(to_keys(x), to_keys(y))
    return jnp.sum(partials) / jnp.float32(B * N)

# --- scband reference (transcript-rebuilt; emitter-appended) ---
"""Pipeline reference for scband-earth-mover-distance-loss-25074019074109 (READ-ONLY COPY).

The authoritative reference and input builder live on the scoring server;
editing this copy changes nothing except your own understanding.
"""

import jax, jax.numpy as jnp
import numpy as np


def setup_inputs(seed: int = 0) -> dict:
    key = jax.random.key(seed)
    k1, k2 = jax.random.split(key)
    x = jax.random.normal(k1, (32, 16384, 3), dtype=jnp.float32)
    y = jax.random.normal(k2, (32, 16384, 3), dtype=jnp.float32)
    return {"x": x, "y": y}


def reference(x, y):
    batch_size = x.shape[0]
    x_sorted = jnp.sort(x.reshape(batch_size, -1), axis=1)
    y_sorted = jnp.sort(y.reshape(batch_size, -1), axis=1)
    emd = jnp.mean((x_sorted - y_sorted) ** 2)
    return emd

if __name__ == "__main__":
    import jax
    _d = setup_inputs()
    print(jax.jit(kernel)(*tuple(_d.values())))

</pallas_src>

<mosaic_0001>
#map = affine_map<(d0, d1) -> (0)>
module attributes {stable_mosaic.version = 14 : i64} {
  func.func @_emd_body(%arg0: i32, %arg1: i32, %arg2: memref<1572864xi32, #tpu.memory_space<hbm>>, %arg3: memref<1572864xi32, #tpu.memory_space<hbm>>, %arg4: memref<512xf32, #tpu.memory_space<hbm>>, %arg5: memref<49168xi32, #tpu.memory_space<vmem>>, %arg6: memref<49168xi32, #tpu.memory_space<vmem>>, %arg7: memref<4096xi32, #tpu.memory_space<vmem>>, %arg8: memref<16xf32, #tpu.memory_space<vmem>>, %arg9: memref<1573376xi32, #tpu.memory_space<hbm>>) attributes {dimension_semantics = [#tpu.dimension_semantics<core_parallel>, #tpu.dimension_semantics<subcore_parallel>], iteration_bounds = array<i64: 2, 16>, scalar_prefetch = 0 : i64, scratch_operands = 5 : i64, tpu.core_type = #tpu.core_type<sc_vector_subcore>, window_params = [{transform_indices = #map}, {transform_indices = #map}, {transform_indices = #map}]} {
    %mul3A = arith.constant 2 : i32
    %mul3A_0 = arith.muli %arg1, %mul3A : i32
    %add3A = arith.addi %mul3A_0, %arg0 : i32
    %iota3A = tpu.iota {dimensions = array<i32: 0>} : vector<16xi32>
    %broadcast_in_dim3A = arith.constant 1 : i32
    %broadcast_in_dim3A_1 = vector.broadcast %broadcast_in_dim3A : i32 to vector<16xi32>
    %broadcast_in_dim3A_2 = arith.constant 0 : i32
    %broadcast_in_dim3A_3 = vector.broadcast %broadcast_in_dim3A_2 : i32 to vector<16xi32>
    %mul3A_4 = arith.constant 3073 : i32
    %mul3A_5 = vector.broadcast %mul3A_4 : i32 to vector<16xi32>
    %mul3A_6 = arith.muli %iota3A, %mul3A_5 : vector<16xi32>
    %add3A_7 = arith.constant 0 : i32
    %add3A_8 = arith.addi %add3A_7, %add3A : i32
    %mul3A_9 = arith.constant 16384 : i32
    %mul3A_10 = arith.muli %add3A_8, %mul3A_9 : i32
    "tpu.region"() ({
      %run_scoped3A = tpu.sem_alloc : memref<!tpu.dma_semaphore, #tpu.memory_space<semaphore_mem>>
      %dma_start3A = arith.constant 0 : i32
      %dma_start3A_262 = tpu.memref_slice %arg5[%dma_start3A] : memref<49168xi32, #tpu.memory_space<vmem>> -> memref<16384xi32, #tpu.memory_space<vmem>>
      %dma_start3A_263 = tpu.memref_slice %arg2[%mul3A_10] : memref<1572864xi32, #tpu.memory_space<hbm>> -> memref<16384xi32, #tpu.memory_space<hbm>>
      %dma_start3A_264 = arith.constant 0 : i32
      %dma_start3A_265 = tpu.memref_slice %arg5[%dma_start3A_264] : memref<49168xi32, #tpu.memory_space<vmem>> -> memref<16384xi32, #tpu.memory_space<vmem>>
      %dma_start3A_266 = tpu.memref_slice %arg2[%mul3A_10] : memref<1572864xi32, #tpu.memory_space<hbm>> -> memref<16384xi32, #tpu.memory_space<hbm>>
      tpu.enqueue_dma source(%dma_start3A_266 : memref<16384xi32, #tpu.memory_space<hbm>>) target(%dma_start3A_265 : memref<16384xi32, #tpu.memory_space<vmem>>) target_semaphore(%run_scoped3A : memref<!tpu.dma_semaphore, #tpu.memory_space<semaphore_mem>>)
      %dma_wait3A = arith.constant 0 : i32
      %dma_wait3A_267 = tpu.memref_slice %arg5[%dma_wait3A] : memref<49168xi32, #tpu.memory_space<vmem>> -> memref<16384xi32, #tpu.memory_space<vmem>>
      %dma_wait3A_268 = tpu.memref_slice %arg2[%mul3A_10] : memref<1572864xi32, #tpu.memory_space<hbm>> -> memref<16384xi32, #tpu.memory_space<hbm>>
      %dma_wait3A_269 = arith.constant 0 : i32
      %dma_wait3A_270 = tpu.memref_slice %arg5[%dma_wait3A_269] : memref<49168xi32, #tpu.memory_space<vmem>> -> memref<16384xi32, #tpu.memory_space<vmem>>
      %dma_wait3A_271 = tpu.memref_slice %arg2[%mul3A_10] : memref<1572864xi32, #tpu.memory_space<hbm>> -> memref<16384xi32, #tpu.memory_space<hbm>>
      tpu.wait_dma2 semaphore(%run_scoped3A : memref<!tpu.dma_semaphore, #tpu.memory_space<semaphore_mem>>) src(%dma_wait3A_271 : memref<16384xi32, #tpu.memory_space<hbm>>) dst(%dma_wait3A_270 : memref<16384xi32, #tpu.memory_space<vmem>>)
      tpu.yield
    }) : () -> ()
    %add3A_11 = arith.constant 32 : i32
    %add3A_12 = arith.addi %add3A_11, %add3A : i32
    %mul3A_13 = arith.constant 16384 : i32
    %mul3A_14 = arith.muli %add3A_12, %mul3A_13 : i32
    "tpu.region"() ({
      %run_scoped3A = tpu.sem_alloc : memref<!tpu.dma_semaphore, #tpu.memory_space<semaphore_mem>>
      %dma_start3A = arith.constant 16384 : i32
      %dma_start3A_262 = tpu.memref_slice %arg5[%dma_start3A] : memref<49168xi32, #tpu.memory_space<vmem>> -> memref<16384xi32, #tpu.memory_space<vmem>>
      %dma_start3A_263 = tpu.memref_slice %arg2[%mul3A_14] : memref<1572864xi32, #tpu.memory_space<hbm>> -> memref<16384xi32, #tpu.memory_space<hbm>>
      %dma_start3A_264 = arith.constant 16384 : i32
      %dma_start3A_265 = tpu.memref_slice %arg5[%dma_start3A_264] : memref<49168xi32, #tpu.memory_space<vmem>> -> memref<16384xi32, #tpu.memory_space<vmem>>
      %dma_start3A_266 = tpu.memref_slice %arg2[%mul3A_14] : memref<1572864xi32, #tpu.memory_space<hbm>> -> memref<16384xi32, #tpu.memory_space<hbm>>
      tpu.enqueue_dma source(%dma_start3A_266 : memref<16384xi32, #tpu.memory_space<hbm>>) target(%dma_start3A_265 : memref<16384xi32, #tpu.memory_space<vmem>>) target_semaphore(%run_scoped3A : memref<!tpu.dma_semaphore, #tpu.memory_space<semaphore_mem>>)
      %dma_wait3A = arith.constant 16384 : i32
      %dma_wait3A_267 = tpu.memref_slice %arg5[%dma_wait3A] : memref<49168xi32, #tpu.memory_space<vmem>> -> memref<16384xi32, #tpu.memory_space<vmem>>
      %dma_wait3A_268 = tpu.memref_slice %arg2[%mul3A_14] : memref<1572864xi32, #tpu.memory_space<hbm>> -> memref<16384xi32, #tpu.memory_space<hbm>>
      %dma_wait3A_269 = arith.constant 16384 : i32
      %dma_wait3A_270 = tpu.memref_slice %arg5[%dma_wait3A_269] : memref<49168xi32, #tpu.memory_space<vmem>> -> memref<16384xi32, #tpu.memory_space<vmem>>
      %dma_wait3A_271 = tpu.memref_slice %arg2[%mul3A_14] : memref<1572864xi32, #tpu.memory_space<hbm>> -> memref<16384xi32, #tpu.memory_space<hbm>>
      tpu.wait_dma2 semaphore(%run_scoped3A : memref<!tpu.dma_semaphore, #tpu.memory_space<semaphore_mem>>) src(%dma_wait3A_271 : memref<16384xi32, #tpu.memory_space<hbm>>) dst(%dma_wait3A_270 : memref<16384xi32, #tpu.memory_space<vmem>>)
      tpu.yield
    }) : () -> ()
    %add3A_15 = arith.constant 64 : i32
    %add3A_16 = arith.addi %add3A_15, %add3A : i32
    %mul3A_17 = arith.constant 16384 : i32
    %mul3A_18 = arith.muli %add3A_16, %mul3A_17 : i32
    "tpu.region"() ({
      %run_scoped3A = tpu.sem_alloc : memref<!tpu.dma_semaphore, #tpu.memory_space<semaphore_mem>>
      %dma_start3A = arith.constant 32768 : i32
      %dma_start3A_262 = tpu.memref_slice %arg5[%dma_start3A] : memref<49168xi32, #tpu.memory_space<vmem>> -> memref<16384xi32, #tpu.memory_space<vmem>>
      %dma_start3A_263 = tpu.memref_slice %arg2[%mul3A_18] : memref<1572864xi32, #tpu.memory_space<hbm>> -> memref<16384xi32, #tpu.memory_space<hbm>>
      %dma_start3A_264 = arith.constant 32768 : i32
      %dma_start3A_265 = tpu.memref_slice %arg5[%dma_start3A_264] : memref<49168xi32, #tpu.memory_space<vmem>> -> memref<16384xi32, #tpu.memory_space<vmem>>
      %dma_start3A_266 = tpu.memref_slice %arg2[%mul3A_18] : memref<1572864xi32, #tpu.memory_space<hbm>> -> memref<16384xi32, #tpu.memory_space<hbm>>
      tpu.enqueue_dma source(%dma_start3A_266 : memref<16384xi32, #tpu.memory_space<hbm>>) target(%dma_start3A_265 : memref<16384xi32, #tpu.memory_space<vmem>>) target_semaphore(%run_scoped3A : memref<!tpu.dma_semaphore, #tpu.memory_space<semaphore_mem>>)
      %dma_wait3A = arith.constant 32768 : i32
      %dma_wait3A_267 = tpu.memref_slice %arg5[%dma_wait3A] : memref<49168xi32, #tpu.memory_space<vmem>> -> memref<16384xi32, #tpu.memory_space<vmem>>
      %dma_wait3A_268 = tpu.memref_slice %arg2[%mul3A_18] : memref<1572864xi32, #tpu.memory_space<hbm>> -> memref<16384xi32, #tpu.memory_space<hbm>>
      %dma_wait3A_269 = arith.constant 32768 : i32
      %dma_wait3A_270 = tpu.memref_slice %arg5[%dma_wait3A_269] : memref<49168xi32, #tpu.memory_space<vmem>> -> memref<16384xi32, #tpu.memory_space<vmem>>
      %dma_wait3A_271 = tpu.memref_slice %arg2[%mul3A_18] : memref<1572864xi32, #tpu.memory_space<hbm>> -> memref<16384xi32, #tpu.memory_space<hbm>>
      tpu.wait_dma2 semaphore(%run_scoped3A : memref<!tpu.dma_semaphore, #tpu.memory_space<semaphore_mem>>) src(%dma_wait3A_271 : memref<16384xi32, #tpu.memory_space<hbm>>) dst(%dma_wait3A_270 : memref<16384xi32, #tpu.memory_space<vmem>>)
      tpu.yield
    }) : () -> ()
    %scan3A = arith.constant 0 : i32
    %scan3A_19 = arith.constant 0 : i32
    %scan3A_20 = arith.constant 32 : i32
    %scan3A_21 = arith.addi %scan3A_19, %scan3A_20 : i32
    %scan3A_22 = arith.constant 1 : i32
    %scan3A_23 = scf.for %scan3A_262 = %scan3A_19 to %scan3A_21 step %scan3A_22 iter_args(%scan3A_263 = %scan3A) -> (i32)  : i32 {
      %mul3A_264 = arith.constant 8 : i32
      %mul3A_265 = arith.muli %scan3A_262, %mul3A_264 : i32
      %add3A_266 = arith.constant 0 : i32
      %add3A_267 = arith.addi %mul3A_265, %add3A_266 : i32
      %mul3A_268 = arith.constant 16 : i32
      %mul3A_269 = arith.muli %add3A_267, %mul3A_268 : i32
      %swap3A_270 = arith.index_cast %mul3A_269 : i32 to index
      %swap3A_271 = tpu.vector_load %arg7[%swap3A_270] {strides = array<i32>} : memref<4096xi32, #tpu.memory_space<vmem>>, vector<16xi32>,
      tpu.vector_store %arg7[%swap3A_270], %broadcast_in_dim3A_3 {strides = array<i32>} : memref<4096xi32, #tpu.memory_space<vmem>>, vector<16xi32>,
      %add3A_272 = arith.constant 1 : i32
      %add3A_273 = arith.addi %mul3A_265, %add3A_272 : i32
      %mul3A_274 = arith.constant 16 : i32
      %mul3A_275 = arith.muli %add3A_273, %mul3A_274 : i32
      %swap3A_276 = arith.index_cast %mul3A_275 : i32 to index
      %swap3A_277 = tpu.vector_load %arg7[%swap3A_276] {strides = array<i32>} : memref<4096xi32, #tpu.memory_space<vmem>>, vector<16xi32>,
      tpu.vector_store %arg7[%swap3A_276], %broadcast_in_dim3A_3 {strides = array<i32>} : memref<4096xi32, #tpu.memory_space<vmem>>, vector<16xi32>,
      %add3A_278 = arith.constant 2 : i32
      %add3A_279 = arith.addi %mul3A_265, %add3A_278 : i32
      %mul3A_280 = arith.constant 16 : i32
      %mul3A_281 = arith.muli %add3A_279, %mul3A_280 : i32
      %swap3A_282 = arith.index_cast %mul3A_281 : i32 to index
      %swap3A_283 = tpu.vector_load %arg7[%swap3A_282] {strides = array<i32>} : memref<4096xi32, #tpu.memory_space<vmem>>, vector<16xi32>,
      tpu.vector_store %arg7[%swap3A_282], %broadcast_in_dim3A_3 {strides = array<i32>} : memref<4096xi32, #tpu.memory_space<vmem>>, vector<16xi32>,
      %add3A_284 = arith.constant 3 : i32
      %add3A_285 = arith.addi %mul3A_265, %add3A_284 : i32
      %mul3A_286 = arith.constant 16 : i32
      %mul3A_287 = arith.muli %add3A_285, %mul3A_286 : i32
      %swap3A_288 = arith.index_cast %mul3A_287 : i32 to index
      %swap3A_289 = tpu.vector_load %arg7[%swap3A_288] {strides = array<i32>} : memref<4096xi32, #tpu.memory_space<vmem>>, vector<16xi32>,
      tpu.vector_store %arg7[%swap3A_288], %broadcast_in_dim3A_3 {strides = array<i32>} : memref<4096xi32, #tpu.memory_space<vmem>>, vector<16xi32>,
      %add3A_290 = arith.constant 4 : i32
      %add3A_291 = arith.addi %mul3A_265, %add3A_290 : i32
      %mul3A_292 = arith.constant 16 : i32
      %mul3A_293 = arith.muli %add3A_291, %mul3A_292 : i32
      %swap3A_294 = arith.index_cast %mul3A_293 : i32 to index
      %swap3A_295 = tpu.vector_load %arg7[%swap3A_294] {strides = array<i32>} : memref<4096xi32, #tpu.memory_space<vmem>>, vector<16xi32>,
      tpu.vector_store %arg7[%swap3A_294], %broadcast_in_dim3A_3 {strides = array<i32>} : memref<4096xi32, #tpu.memory_space<vmem>>, vector<16xi32>,
      %add3A_296 = arith.constant 5 : i32
      %add3A_297 = arith.addi %mul3A_265, %add3A_296 : i32
      %mul3A_298 = arith.constant 16 : i32
      %mul3A_299 = arith.muli %add3A_297, %mul3A_298 : i32
      %swap3A_300 = arith.index_cast %mul3A_299 : i32 to index
      %swap3A_301 = tpu.vector_load %arg7[%swap3A_300] {strides = array<i32>} : memref<4096xi32, #tpu.memory_space<vmem>>, vector<16xi32>,
      tpu.vector_store %arg7[%swap3A_300], %broadcast_in_dim3A_3 {strides = array<i32>} : memref<4096xi32, #tpu.memory_space<vmem>>, vector<16xi32>,
      %add3A_302 = arith.constant 6 : i32
      %add3A_303 = arith.addi %mul3A_265, %add3A_302 : i32
      %mul3A_304 = arith.constant 16 : i32
      %mul3A_305 = arith.muli %add3A_303, %mul3A_304 : i32
      %swap3A_306 = arith.index_cast %mul3A_305 : i32 to index
      %swap3A_307 = tpu.vector_load %arg7[%swap3A_306] {strides = array<i32>} : memref<4096xi32, #tpu.memory_space<vmem>>, vector<16xi32>,
      tpu.vector_store %arg7[%swap3A_306], %broadcast_in_dim3A_3 {strides = array<i32>} : memref<4096xi32, #tpu.memory_space<vmem>>, vector<16xi32>,
      %add3A_308 = arith.constant 7 : i32
      %add3A_309 = arith.addi %mul3A_265, %add3A_308 : i32
      %mul3A_310 = arith.constant 16 : i32
      %mul3A_311 = arith.muli %add3A_309, %mul3A_310 : i32
      %swap3A_312 = arith.index_cast %mul3A_311 : i32 to index
      %swap3A_313 = tpu.vector_load %arg7[%swap3A_312] {strides = array<i32>} : memref<4096xi32, #tpu.memory_space<vmem>>, vector<16xi32>,
      tpu.vector_store %arg7[%swap3A_312], %broadcast_in_dim3A_3 {strides = array<i32>} : memref<4096xi32, #tpu.memory_space<vmem>>, vector<16xi32>,
      %scan3A_314 = arith.constant 0 : i32
      scf.yield %scan3A_314 : i32
    }
    %scan3A_24 = arith.constant 32 : i32
    %scan3A_25 = arith.constant 0 : i32
    %scan3A_26 = arith.constant 0 : i32
    %scan3A_27 = arith.constant 384 : i32
    %scan3A_28 = arith.addi %scan3A_26, %scan3A_27 : i32
    %scan3A_29 = arith.constant 1 : i32
    %scan3A_30 = scf.for %scan3A_262 = %scan3A_26 to %scan3A_28 step %scan3A_29 iter_args(%scan3A_263 = %scan3A_25) -> (i32)  : i32 {
      %mul3A_264 = arith.constant 8 : i32
      %mul3A_265 = arith.muli %scan3A_262, %mul3A_264 : i32
      %add3A_266 = arith.constant 0 : i32
      %add3A_267 = arith.addi %mul3A_265, %add3A_266 : i32
      %mul3A_268 = arith.constant 16 : i32
      %mul3A_269 = arith.muli %add3A_267, %mul3A_268 : i32
      %get3A = arith.index_cast %mul3A_269 : i32 to index
      %get3A_270 = tpu.vector_load %arg5[%get3A] {strides = array<i32>} : memref<49168xi32, #tpu.memory_space<vmem>>, vector<16xi32>,
      %shift_right_arithmetic3A = arith.constant 0 : i32
      %shift_right_arithmetic3A_271 = vector.broadcast %shift_right_arithmetic3A : i32 to vector<16xi32>
      %shift_right_arithmetic3A_272 = arith.shrsi %get3A_270, %shift_right_arithmetic3A_271 : vector<16xi32>
      %and3A = arith.constant 255 : i32
      %and3A_273 = vector.broadcast %and3A : i32 to vector<16xi32>
      %and3A_274 = arith.andi %shift_right_arithmetic3A_272, %and3A_273 : vector<16xi32>
      %shift_left3A = arith.constant 4 : i32
      %shift_left3A_275 = vector.broadcast %shift_left3A : i32 to vector<16xi32>
      %shift_left3A_276 = arith.shli %and3A_274, %shift_left3A_275 : vector<16xi32>
      %or3A = arith.ori %shift_left3A_276, %iota3A : vector<16xi32>
      tpu.vector_store_idx %arg7[%or3A], %broadcast_in_dim3A_1 {add = true} : memref<4096xi32, #tpu.memory_space<vmem>>[vector<16xi32>], vector<16xi32>,
      %add3A_277 = arith.constant 1 : i32
      %add3A_278 = arith.addi %mul3A_265, %add3A_277 : i32
      %mul3A_279 = arith.constant 16 : i32
      %mul3A_280 = arith.muli %add3A_278, %mul3A_279 : i32
      %get3A_281 = arith.index_cast %mul3A_280 : i32 to index
      %get3A_282 = tpu.vector_load %arg5[%get3A_281] {strides = array<i32>} : memref<49168xi32, #tpu.memory_space<vmem>>, vector<16xi32>,
      %shift_right_arithmetic3A_283 = arith.constant 0 : i32
      %shift_right_arithmetic3A_284 = vector.broadcast %shift_right_arithmetic3A_283 : i32 to vector<16xi32>
      %shift_right_arithmetic3A_285 = arith.shrsi %get3A_282, %shift_right_arithmetic3A_284 : vector<16xi32>
      %and3A_286 = arith.constant 255 : i32
      %and3A_287 = vector.broadcast %and3A_286 : i32 to vector<16xi32>
      %and3A_288 = arith.andi %shift_right_arithmetic3A_285, %and3A_287 : vector<16xi32>
      %shift_left3A_289 = arith.constant 4 : i32
      %shift_left3A_290 = vector.broadcast %shift_left3A_289 : i32 to vector<16xi32>
      %shift_left3A_291 = arith.shli %and3A_288, %shift_left3A_290 : vector<16xi32>
      %or3A_292 = arith.ori %shift_left3A_291, %iota3A : vector<16xi32>
      tpu.vector_store_idx %arg7[%or3A_292], %broadcast_in_dim3A_1 {add = true} : memref<4096xi32, #tpu.memory_space<vmem>>[vector<16xi32>], vector<16xi32>,
      %add3A_293 = arith.constant 2 : i32
      %add3A_294 = arith.addi %mul3A_265, %add3A_293 : i32
      %mul3A_295 = arith.constant 16 : i32
      %mul3A_296 = arith.muli %add3A_294, %mul3A_295 : i32
      %get3A_297 = arith.index_cast %mul3A_296 : i32 to index
      %get3A_298 = tpu.vector_load %arg5[%get3A_297] {strides = array<i32>} : memref<49168xi32, #tpu.memory_space<vmem>>, vector<16xi32>,
      %shift_right_arithmetic3A_299 = arith.constant 0 : i32
      %shift_right_arithmetic3A_300 = vector.broadcast %shift_right_arithmetic3A_299 : i32 to vector<16xi32>
      %shift_right_arithmetic3A_301 = arith.shrsi %get3A_298, %shift_right_arithmetic3A_300 : vector<16xi32>
      %and3A_302 = arith.constant 255 : i32
      %and3A_303 = vector.broadcast %and3A_302 : i32 to vector<16xi32>
      %and3A_304 = arith.andi %shift_right_arithmetic3A_301, %and3A_303 : vector<16xi32>
      %shift_left3A_305 = arith.constant 4 : i32
      %shift_left3A_306 = vector.broadcast %shift_left3A_305 : i32 to vector<16xi32>
      %shift_left3A_307 = arith.shli %and3A_304, %shift_left3A_306 : vector<16xi32>
      %or3A_308 = arith.ori %shift_left3A_307, %iota3A : vector<16xi32>
      tpu.vector_store_idx %arg7[%or3A_308], %broadcast_in_dim3A_1 {add = true} : memref<4096xi32, #tpu.memory_space<vmem>>[vector<16xi32>], vector<16xi32>,
      %add3A_309 = arith.constant 3 : i32
      %add3A_310 = arith.addi %mul3A_265, %add3A_309 : i32
      %mul3A_311 = arith.constant 16 : i32
      %mul3A_312 = arith.muli %add3A_310, %mul3A_311 : i32
      %get3A_313 = arith.index_cast %mul3A_312 : i32 to index
      %get3A_314 = tpu.vector_load %arg5[%get3A_313] {strides = array<i32>} : memref<49168xi32, #tpu.memory_space<vmem>>, vector<16xi32>,
      %shift_right_arithmetic3A_315 = arith.constant 0 : i32
      %shift_right_arithmetic3A_316 = vector.broadcast %shift_right_arithmetic3A_315 : i32 to vector<16xi32>
      %shift_right_arithmetic3A_317 = arith.shrsi %get3A_314, %shift_right_arithmetic3A_316 : vector<16xi32>
      %and3A_318 = arith.constant 255 : i32
      %and3A_319 = vector.broadcast %and3A_318 : i32 to vector<16xi32>
      %and3A_320 = arith.andi %shift_right_arithmetic3A_317, %and3A_319 : vector<16xi32>
      %shift_left3A_321 = arith.constant 4 : i32
      %shift_left3A_322 = vector.broadcast %shift_left3A_321 : i32 to vector<16xi32>
      %shift_left3A_323 = arith.shli %and3A_320, %shift_left3A_322 : vector<16xi32>
      %or3A_324 = arith.ori %shift_left3A_323, %iota3A : vector<16xi32>
      tpu.vector_store_idx %arg7[%or3A_324], %broadcast_in_dim3A_1 {add = true} : memref<4096xi32, #tpu.memory_space<vmem>>[vector<16xi32>], vector<16xi32>,
      %add3A_325 = arith.constant 4 : i32
      %add3A_326 = arith.addi %mul3A_265, %add3A_325 : i32
      %mul3A_327 = arith.constant 16 : i32
      %mul3A_328 = arith.muli %add3A_326, %mul3A_327 : i32
      %get3A_329 = arith.index_cast %mul3A_328 : i32 to index
      %get3A_330 = tpu.vector_load %arg5[%get3A_329] {strides = array<i32>} : memref<49168xi32, #tpu.memory_space<vmem>>, vector<16xi32>,
      %shift_right_arithmetic3A_331 = arith.constant 0 : i32
      %shift_right_arithmetic3A_332 = vector.broadcast %shift_right_arithmetic3A_331 : i32 to vector<16xi32>
      %shift_right_arithmetic3A_333 = arith.shrsi %get3A_330, %shift_right_arithmetic3A_332 : vector<16xi32>
      %and3A_334 = arith.constant 255 : i32
      %and3A_335 = vector.broadcast %and3A_334 : i32 to vector<16xi32>
      %and3A_336 = arith.andi %shift_right_arithmetic3A_333, %and3A_335 : vector<16xi32>
      %shift_left3A_337 = arith.constant 4 : i32
      %shift_left3A_338 = vector.broadcast %shift_left3A_337 : i32 to vector<16xi32>
      %shift_left3A_339 = arith.shli %and3A_336, %shift_left3A_338 : vector<16xi32>
      %or3A_340 = arith.ori %shift_left3A_339, %iota3A : vector<16xi32>
      tpu.vector_store_idx %arg7[%or3A_340], %broadcast_in_dim3A_1 {add = true} : memref<4096xi32, #tpu.memory_space<vmem>>[vector<16xi32>], vector<16xi32>,
      %add3A_341 = arith.constant 5 : i32
      %add3A_342 = arith.addi %mul3A_265, %add3A_341 : i32
      %mul3A_343 = arith.constant 16 : i32
      %mul3A_344 = arith.muli %add3A_342, %mul3A_343 : i32
      %get3A_345 = arith.index_cast %mul3A_344 : i32 to index
      %get3A_346 = tpu.vector_load %arg5[%get3A_345] {strides = array<i32>} : memref<49168xi32, #tpu.memory_space<vmem>>, vector<16xi32>,
      %shift_right_arithmetic3A_347 = arith.constant 0 : i32
      %shift_right_arithmetic3A_348 = vector.broadcast %shift_right_arithmetic3A_347 : i32 to vector<16xi32>
      %shift_right_arithmetic3A_349 = arith.shrsi %get3A_346, %shift_right_arithmetic3A_348 : vector<16xi32>
      %and3A_350 = arith.constant 255 : i32
      %and3A_351 = vector.broadcast %and3A_350 : i32 to vector<16xi32>
      %and3A_352 = arith.andi %shift_right_arithmetic3A_349, %and3A_351 : vector<16xi32>
      %shift_left3A_353 = arith.constant 4 : i32
      %shift_left3A_354 = vector.broadcast %shift_left3A_353 : i32 to vector<16xi32>
      %shift_left3A_355 = arith.shli %and3A_352, %shift_left3A_354 : vector<16xi32>
      %or3A_356 = arith.ori %shift_left3A_355, %iota3A : vector<16xi32>
      tpu.vector_store_idx %arg7[%or3A_356], %broadcast_in_dim3A_1 {add = true} : memref<4096xi32, #tpu.memory_space<vmem>>[vector<16xi32>], vector<16xi32>,
      %add3A_357 = arith.constant 6 : i32
      %add3A_358 = arith.addi %mul3A_265, %add3A_357 : i32
      %mul3A_359 = arith.constant 16 : i32
      %mul3A_360 = arith.muli %add3A_358, %mul3A_359 : i32
      %get3A_361 = arith.index_cast %mul3A_360 : i32 to index
      %get3A_362 = tpu.vector_load %arg5[%get3A_361] {strides = array<i32>} : memref<49168xi32, #tpu.memory_space<vmem>>, vector<16xi32>,
      %shift_right_arithmetic3A_363 = arith.constant 0 : i32
      %shift_right_arithmetic3A_364 = vector.broadcast %shift_right_arithmetic3A_363 : i32 to vector<16xi32>
      %shift_right_arithmetic3A_365 = arith.shrsi %get3A_362, %shift_right_arithmetic3A_364 : vector<16xi32>
      %and3A_366 = arith.constant 255 : i32
      %and3A_367 = vector.broadcast %and3A_366 : i32 to vector<16xi32>
      %and3A_368 = arith.andi %shift_right_arithmetic3A_365, %and3A_367 : vector<16xi32>
      %shift_left3A_369 = arith.constant 4 : i32
      %shift_left3A_370 = vector.broadcast %shift_left3A_369 : i32 to vector<16xi32>
      %shift_left3A_371 = arith.shli %and3A_368, %shift_left3A_370 : vector<16xi32>
      %or3A_372 = arith.ori %shift_left3A_371, %iota3A : vector<16xi32>
      tpu.vector_store_idx %arg7[%or3A_372], %broadcast_in_dim3A_1 {add = true} : memref<4096xi32, #tpu.memory_space<vmem>>[vector<16xi32>], vector<16xi32>,
      %add3A_373 = arith.constant 7 : i32
      %add3A_374 = arith.addi %mul3A_265, %add3A_373 : i32
      %mul3A_375 = arith.constant 16 : i32
      %mul3A_376 = arith.muli %add3A_374, %mul3A_375 : i32
      %get3A_377 = arith.index_cast %mul3A_376 : i32 to index
      %get3A_378 = tpu.vector_load %arg5[%get3A_377] {strides = array<i32>} : memref<49168xi32, #tpu.memory_space<vmem>>, vector<16xi32>,
      %shift_right_arithmetic3A_379 = arith.constant 0 : i32
      %shift_right_arithmetic3A_380 = vector.broadcast %shift_right_arithmetic3A_379 : i32 to vector<16xi32>
      %shift_right_arithmetic3A_381 = arith.shrsi %get3A_378, %shift_right_arithmetic3A_380 : vector<16xi32>
      %and3A_382 = arith.constant 255 : i32
      %and3A_383 = vector.broadcast %and3A_382 : i32 to vector<16xi32>
      %and3A_384 = arith.andi %shift_right_arithmetic3A_381, %and3A_383 : vector<16xi32>
      %shift_left3A_385 = arith.constant 4 : i32
      %shift_left3A_386 = vector.broadcast %shift_left3A_385 : i32 to vector<16xi32>
      %shift_left3A_387 = arith.shli %and3A_384, %shift_left3A_386 : vector<16xi32>
      %or3A_388 = arith.ori %shift_left3A_387, %iota3A : vector<16xi32>
      tpu.vector_store_idx %arg7[%or3A_388], %broadcast_in_dim3A_1 {add = true} : memref<4096xi32, #tpu.memory_space<vmem>>[vector<16xi32>], vector<16xi32>,
      %scan3A_389 = arith.constant 0 : i32
      scf.yield %scan3A_389 : i32
    }
    %scan3A_31 = arith.constant 384 : i32
    %scan3A_32 = arith.constant 0 : i32
    %scan3A_33 = arith.constant 0 : i32
    %scan3A_34 = arith.constant 256 : i32
    %scan3A_35 = arith.addi %scan3A_33, %scan3A_34 : i32
    %scan3A_36 = arith.constant 1 : i32
    %scan3A_37 = scf.for %scan3A_262 = %scan3A_33 to %scan3A_35 step %scan3A_36 iter_args(%scan3A_263 = %scan3A_32) -> (i32)  : i32 {
      %mul3A_264 = arith.constant 16 : i32
      %mul3A_265 = arith.muli %scan3A_262, %mul3A_264 : i32
      %get3A = arith.index_cast %mul3A_265 : i32 to index
      %get3A_266 = tpu.vector_load %arg7[%get3A] {strides = array<i32>} : memref<4096xi32, #tpu.memory_space<vmem>>, vector<16xi32>,
      %broadcast_in_dim3A_267 = arith.constant true
      %broadcast_in_dim3A_268 = vector.broadcast %broadcast_in_dim3A_267 : i1 to vector<16xi1>
      %masked_cumsum3A = tpu.scan <sum>, %get3A_266 masked %broadcast_in_dim3A_268 : vector<16xi32>, vector<16xi1> -> vector<16xi32>
      %sub3A = arith.subi %masked_cumsum3A, %get3A_266 : vector<16xi32>
      %add3A_269 = vector.broadcast %scan3A_263 : i32 to vector<16xi32>
      %add3A_270 = arith.addi %sub3A, %add3A_269 : vector<16xi32>
      %mul3A_271 = arith.constant 16 : i32
      %mul3A_272 = arith.muli %scan3A_262, %mul3A_271 : i32
      %swap3A_273 = arith.index_cast %mul3A_272 : i32 to index
      %swap3A_274 = tpu.vector_load %arg7[%swap3A_273] {strides = array<i32>} : memref<4096xi32, #tpu.memory_space<vmem>>, vector<16xi32>,
      tpu.vector_store %arg7[%swap3A_273], %add3A_270 {strides = array<i32>} : memref<4096xi32, #tpu.memory_space<vmem>>, vector<16xi32>,
      %reduce_sum3A = arith.constant true
      %reduce_sum3A_275 = vector.broadcast %reduce_sum3A : i1 to vector<16xi1>
      %reduce_sum3A_276 = tpu.scan <sum>, %get3A_266 masked %reduce_sum3A_275 : vector<16xi32>, vector<16xi1> -> vector<16xi32>
      %reduce_sum3A_277 = vector.extract %reduce_sum3A_276[15] : i32 from vector<16xi32>
      %add3A_278 = arith.addi %scan3A_263, %reduce_sum3A_277 : i32
      scf.yield %add3A_278 : i32
    }
    %scan3A_38 = arith.constant 256 : i32
    %scan3A_39 = arith.constant 0 : i32
    %scan3A_40 = arith.constant 0 : i32
    %scan3A_41 = arith.constant 384 : i32
    %scan3A_42 = arith.addi %scan3A_40, %scan3A_41 : i32
    %scan3A_43 = arith.constant 1 : i32
    %scan3A_44 = scf.for %scan3A_262 = %scan3A_40 to %scan3A_42 step %scan3A_43 iter_args(%scan3A_263 = %scan3A_39) -> (i32)  : i32 {
      %mul3A_264 = arith.constant 8 : i32
      %mul3A_265 = arith.muli %scan3A_262, %mul3A_264 : i32
      %add3A_266 = arith.constant 0 : i32
      %add3A_267 = arith.addi %mul3A_265, %add3A_266 : i32
      %mul3A_268 = arith.constant 16 : i32
      %mul3A_269 = arith.muli %add3A_267, %mul3A_268 : i32
      %get3A = arith.index_cast %mul3A_269 : i32 to index
      %get3A_270 = tpu.vector_load %arg5[%get3A] {strides = array<i32>} : memref<49168xi32, #tpu.memory_space<vmem>>, vector<16xi32>,
      %shift_right_arithmetic3A = arith.constant 0 : i32
      %shift_right_arithmetic3A_271 = vector.broadcast %shift_right_arithmetic3A : i32 to vector<16xi32>
      %shift_right_arithmetic3A_272 = arith.shrsi %get3A_270, %shift_right_arithmetic3A_271 : vector<16xi32>
      %and3A = arith.constant 255 : i32
      %and3A_273 = vector.broadcast %and3A : i32 to vector<16xi32>
      %and3A_274 = arith.andi %shift_right_arithmetic3A_272, %and3A_273 : vector<16xi32>
      %shift_left3A = arith.constant 4 : i32
      %shift_left3A_275 = vector.broadcast %shift_left3A : i32 to vector<16xi32>
      %shift_left3A_276 = arith.shli %and3A_274, %shift_left3A_275 : vector<16xi32>
      %or3A = arith.ori %shift_left3A_276, %iota3A : vector<16xi32>
      %gather3A = tpu.vector_load_idx %arg7[%or3A] : memref<4096xi32, #tpu.memory_space<vmem>>[vector<16xi32>], vector<16xi32>,
      %shift_right_arithmetic3A_277 = arith.constant 10 : i32
      %shift_right_arithmetic3A_278 = vector.broadcast %shift_right_arithmetic3A_277 : i32 to vector<16xi32>
      %shift_right_arithmetic3A_279 = arith.shrsi %gather3A, %shift_right_arithmetic3A_278 : vector<16xi32>
      %mul3A_280 = arith.constant 21846 : i32
      %mul3A_281 = vector.broadcast %mul3A_280 : i32 to vector<16xi32>
      %mul3A_282 = arith.muli %shift_right_arithmetic3A_279, %mul3A_281 : vector<16xi32>
      %shift_right_arithmetic3A_283 = arith.constant 16 : i32
      %shift_right_arithmetic3A_284 = vector.broadcast %shift_right_arithmetic3A_283 : i32 to vector<16xi32>
      %shift_right_arithmetic3A_285 = arith.shrsi %mul3A_282, %shift_right_arithmetic3A_284 : vector<16xi32>
      %add3A_286 = arith.addi %gather3A, %shift_right_arithmetic3A_285 : vector<16xi32>
      tpu.vector_store_idx %arg6[%add3A_286], %get3A_270 : memref<49168xi32, #tpu.memory_space<vmem>>[vector<16xi32>], vector<16xi32>,
      tpu.vector_store_idx %arg7[%or3A], %broadcast_in_dim3A_1 {add = true} : memref<4096xi32, #tpu.memory_space<vmem>>[vector<16xi32>], vector<16xi32>,
      %add3A_287 = arith.constant 1 : i32
      %add3A_288 = arith.addi %mul3A_265, %add3A_287 : i32
      %mul3A_289 = arith.constant 16 : i32
      %mul3A_290 = arith.muli %add3A_288, %mul3A_289 : i32
      %get3A_291 = arith.index_cast %mul3A_290 : i32 to index
      %get3A_292 = tpu.vector_load %arg5[%get3A_291] {strides = array<i32>} : memref<49168xi32, #tpu.memory_space<vmem>>, vector<16xi32>,
      %shift_right_arithmetic3A_293 = arith.constant 0 : i32
      %shift_right_arithmetic3A_294 = vector.broadcast %shift_right_arithmetic3A_293 : i32 to vector<16xi32>
      %shift_right_arithmetic3A_295 = arith.shrsi %get3A_292, %shift_right_arithmetic3A_294 : vector<16xi32>
      %and3A_296 = arith.constant 255 : i32
      %and3A_297 = vector.broadcast %and3A_296 : i32 to vector<16xi32>
      %and3A_298 = arith.andi %shift_right_arithmetic3A_295, %and3A_297 : vector<16xi32>
      %shift_left3A_299 = arith.constant 4 : i32
      %shift_left3A_300 = vector.broadcast %shift_left3A_299 : i32 to vector<16xi32>
      %shift_left3A_301 = arith.shli %and3A_298, %shift_left3A_300 : vector<16xi32>
      %or3A_302 = arith.ori %shift_left3A_301, %iota3A : vector<16xi32>
      %gather3A_303 = tpu.vector_load_idx %arg7[%or3A_302] : memref<4096xi32, #tpu.memory_space<vmem>>[vector<16xi32>], vector<16xi32>,
      %shift_right_arithmetic3A_304 = arith.constant 10 : i32
      %shift_right_arithmetic3A_305 = vector.broadcast %shift_right_arithmetic3A_304 : i32 to vector<16xi32>
      %shift_right_arithmetic3A_306 = arith.shrsi %gather3A_303, %shift_right_arithmetic3A_305 : vector<16xi32>
      %mul3A_307 = arith.constant 21846 : i32
      %mul3A_308 = vector.broadcast %mul3A_307 : i32 to vector<16xi32>
      %mul3A_309 = arith.muli %shift_right_arithmetic3A_306, %mul3A_308 : vector<16xi32>
      %shift_right_arithmetic3A_310 = arith.constant 16 : i32
      %shift_right_arithmetic3A_311 = vector.broadcast %shift_right_arithmetic3A_310 : i32 to vector<16xi32>
      %shift_right_arithmetic3A_312 = arith.shrsi %mul3A_309, %shift_right_arithmetic3A_311 : vector<16xi32>
      %add3A_313 = arith.addi %gather3A_303, %shift_right_arithmetic3A_312 : vector<16xi32>
      tpu.vector_store_idx %arg6[%add3A_313], %get3A_292 : memref<49168xi32, #tpu.memory_space<vmem>>[vector<16xi32>], vector<16xi32>,
      tpu.vector_store_idx %arg7[%or3A_302], %broadcast_in_dim3A_1 {add = true} : memref<4096xi32, #tpu.memory_space<vmem>>[vector<16xi32>], vector<16xi32>,
      %add3A_314 = arith.constant 2 : i32
      %add3A_315 = arith.addi %mul3A_265, %add3A_314 : i32
      %mul3A_316 = arith.constant 16 : i32
      %mul3A_317 = arith.muli %add3A_315, %mul3A_316 : i32
      %get3A_318 = arith.index_cast %mul3A_317 : i32 to index
      %get3A_319 = tpu.vector_load %arg5[%get3A_318] {strides = array<i32>} : memref<49168xi32, #tpu.memory_space<vmem>>, vector<16xi32>,
      %shift_right_arithmetic3A_320 = arith.constant 0 : i32
      %shift_right_arithmetic3A_321 = vector.broadcast %shift_right_arithmetic3A_320 : i32 to vector<16xi32>
      %shift_right_arithmetic3A_322 = arith.shrsi %get3A_319, %shift_right_arithmetic3A_321 : vector<16xi32>
      %and3A_323 = arith.constant 255 : i32
      %and3A_324 = vector.broadcast %and3A_323 : i32 to vector<16xi32>
      %and3A_325 = arith.andi %shift_right_arithmetic3A_322, %and3A_324 : vector<16xi32>
      %shift_left3A_326 = arith.constant 4 : i32
      %shift_left3A_327 = vector.broadcast %shift_left3A_326 : i32 to vector<16xi32>
      %shift_left3A_328 = arith.shli %and3A_325, %shift_left3A_327 : vector<16xi32>
      %or3A_329 = arith.ori %shift_left3A_328, %iota3A : vector<16xi32>
      %gather3A_330 = tpu.vector_load_idx %arg7[%or3A_329] : memref<4096xi32, #tpu.memory_space<vmem>>[vector<16xi32>], vector<16xi32>,
      %shift_right_arithmetic3A_331 = arith.constant 10 : i32
      %shift_right_arithmetic3A_332 = vector.broadcast %shift_right_arithmetic3A_331 : i32 to vector<16xi32>
      %shift_right_arithmetic3A_333 = arith.shrsi %gather3A_330, %shift_right_arithmetic3A_332 : vector<16xi32>
      %mul3A_334 = arith.constant 21846 : i32
      %mul3A_335 = vector.broadcast %mul3A_334 : i32 to vector<16xi32>
      %mul3A_336 = arith.muli %shift_right_arithmetic3A_333, %mul3A_335 : vector<16xi32>
      %shift_right_arithmetic3A_337 = arith.constant 16 : i32
      %shift_right_arithmetic3A_338 = vector.broadcast %shift_right_arithmetic3A_337 : i32 to vector<16xi32>
      %shift_right_arithmetic3A_339 = arith.shrsi %mul3A_336, %shift_right_arithmetic3A_338 : vector<16xi32>
      %add3A_340 = arith.addi %gather3A_330, %shift_right_arithmetic3A_339 : vector<16xi32>
      tpu.vector_store_idx %arg6[%add3A_340], %get3A_319 : memref<49168xi32, #tpu.memory_space<vmem>>[vector<16xi32>], vector<16xi32>,
      tpu.vector_store_idx %arg7[%or3A_329], %broadcast_in_dim3A_1 {add = true} : memref<4096xi32, #tpu.memory_space<vmem>>[vector<16xi32>], vector<16xi32>,
      %add3A_341 = arith.constant 3 : i32
      %add3A_342 = arith.addi %mul3A_265, %add3A_341 : i32
      %mul3A_343 = arith.constant 16 : i32
      %mul3A_344 = arith.muli %add3A_342, %mul3A_343 : i32
      %get3A_345 = arith.index_cast %mul3A_344 : i32 to index
      %get3A_346 = tpu.vector_load %arg5[%get3A_345] {strides = array<i32>} : memref<49168xi32, #tpu.memory_space<vmem>>, vector<16xi32>,
      %shift_right_arithmetic3A_347 = arith.constant 0 : i32
      %shift_right_arithmetic3A_348 = vector.broadcast %shift_right_arithmetic3A_347 : i32 to vector<16xi32>
      %shift_right_arithmetic3A_349 = arith.shrsi %get3A_346, %shift_right_arithmetic3A_348 : vector<16xi32>
      %and3A_350 = arith.constant 255 : i32
      %and3A_351 = vector.broadcast %and3A_350 : i32 to vector<16xi32>
      %and3A_352 = arith.andi %shift_right_arithmetic3A_349, %and3A_351 : vector<16xi32>
      %shift_left3A_353 = arith.constant 4 : i32
      %shift_left3A_354 = vector.broadcast %shift_left3A_353 : i32 to vector<16xi32>
      %shift_left3A_355 = arith.shli %and3A_352, %shift_left3A_354 : vector<16xi32>
      %or3A_356 = arith.ori %shift_left3A_355, %iota3A : vector<16xi32>
      %gather3A_357 = tpu.vector_load_idx %arg7[%or3A_356] : memref<4096xi32, #tpu.memory_space<vmem>>[vector<16xi32>], vector<16xi32>,
      %shift_right_arithmetic3A_358 = arith.constant 10 : i32
      %shift_right_arithmetic3A_359 = vector.broadcast %shift_right_arithmetic3A_358 : i32 to vector<16xi32>
      %shift_right_arithmetic3A_360 = arith.shrsi %gather3A_357, %shift_right_arithmetic3A_359 : vector<16xi32>
      %mul3A_361 = arith.constant 21846 : i32
      %mul3A_362 = vector.broadcast %mul3A_361 : i32 to vector<16xi32>
      %mul3A_363 = arith.muli %shift_right_arithmetic3A_360, %mul3A_362 : vector<16xi32>
      %shift_right_arithmetic3A_364 = arith.constant 16 : i32
      %shift_right_arithmetic3A_365 = vector.broadcast %shift_right_arithmetic3A_364 : i32 to vector<16xi32>
      %shift_right_arithmetic3A_366 = arith.shrsi %mul3A_363, %shift_right_arithmetic3A_365 : vector<16xi32>
      %add3A_367 = arith.addi %gather3A_357, %shift_right_arithmetic3A_366 : vector<16xi32>
      tpu.vector_store_idx %arg6[%add3A_367], %get3A_346 : memref<49168xi32, #tpu.memory_space<vmem>>[vector<16xi32>], vector<16xi32>,
      tpu.vector_store_idx %arg7[%or3A_356], %broadcast_in_dim3A_1 {add = true} : memref<4096xi32, #tpu.memory_space<vmem>>[vector<16xi32>], vector<16xi32>,
      %add3A_368 = arith.constant 4 : i32
      %add3A_369 = arith.addi %mul3A_265, %add3A_368 : i32
      %mul3A_370 = arith.constant 16 : i32
      %mul3A_371 = arith.muli %add3A_369, %mul3A_370 : i32
      %get3A_372 = arith.index_cast %mul3A_371 : i32 to index
      %get3A_373 = tpu.vector_load %arg5[%get3A_372] {strides = array<i32>} : memref<49168xi32, #tpu.memory_space<vmem>>, vector<16xi32>,
      %shift_right_arithmetic3A_374 = arith.constant 0 : i32
      %shift_right_arithmetic3A_375 = vector.broadcast %shift_right_arithmetic3A_374 : i32 to vector<16xi32>
      %shift_right_arithmetic3A_376 = arith.shrsi %get3A_373, %shift_right_arithmetic3A_375 : vector<16xi32>
      %and3A_377 = arith.constant 255 : i32
      %and3A_378 = vector.broadcast %and3A_377 : i32 to vector<16xi32>
      %and3A_379 = arith.andi %shift_right_arithmetic3A_376, %and3A_378 : vector<16xi32>
      %shift_left3A_380 = arith.constant 4 : i32
      %shift_left3A_381 = vector.broadcast %shift_left3A_380 : i32 to vector<16xi32>
      %shift_left3A_382 = arith.shli %and3A_379, %shift_left3A_381 : vector<16xi32>
      %or3A_383 = arith.ori %shift_left3A_382, %iota3A : vector<16xi32>
      %gather3A_384 = tpu.vector_load_idx %arg7[%or3A_383] : memref<4096xi32, #tpu.memory_space<vmem>>[vector<16xi32>], vector<16xi32>,
      %shift_right_arithmetic3A_385 = arith.constant 10 : i32
      %shift_right_arithmetic3A_386 = vector.broadcast %shift_right_arithmetic3A_385 : i32 to vector<16xi32>
      %shift_right_arithmetic3A_387 = arith.shrsi %gather3A_384, %shift_right_arithmetic3A_386 : vector<16xi32>
      %mul3A_388 = arith.constant 21846 : i32
      %mul3A_389 = vector.broadcast %mul3A_388 : i32 to vector<16xi32>
      %mul3A_390 = arith.muli %shift_right_arithmetic3A_387, %mul3A_389 : vector<16xi32>
      %shift_right_arithmetic3A_391 = arith.constant 16 : i32
      %shift_right_arithmetic3A_392 = vector.broadcast %shift_right_arithmetic3A_391 : i32 to vector<16xi32>
      %shift_right_arithmetic3A_393 = arith.shrsi %mul3A_390, %shift_right_arithmetic3A_392 : vector<16xi32>
      %add3A_394 = arith.addi %gather3A_384, %shift_right_arithmetic3A_393 : vector<16xi32>
      tpu.vector_store_idx %arg6[%add3A_394], %get3A_373 : memref<49168xi32, #tpu.memory_space<vmem>>[vector<16xi32>], vector<16xi32>,
      tpu.vector_store_idx %arg7[%or3A_383], %broadcast_in_dim3A_1 {add = true} : memref<4096xi32, #tpu.memory_space<vmem>>[vector<16xi32>], vector<16xi32>,
      %add3A_395 = arith.constant 5 : i32
      %add3A_396 = arith.addi %mul3A_265, %add3A_395 : i32
      %mul3A_397 = arith.constant 16 : i32
      %mul3A_398 = arith.muli %add3A_396, %mul3A_397 : i32
      %get3A_399 = arith.index_cast %mul3A_398 : i32 to index
      %get3A_400 = tpu.vector_load %arg5[%get3A_399] {strides = array<i32>} : memref<49168xi32, #tpu.memory_space<vmem>>, vector<16xi32>,
      %shift_right_arithmetic3A_401 = arith.constant 0 : i32
      %shift_right_arithmetic3A_402 = vector.broadcast %shift_right_arithmetic3A_401 : i32 to vector<16xi32>
      %shift_right_arithmetic3A_403 = arith.shrsi %get3A_400, %shift_right_arithmetic3A_402 : vector<16xi32>
      %and3A_404 = arith.constant 255 : i32
      %and3A_405 = vector.broadcast %and3A_404 : i32 to vector<16xi32>
      %and3A_406 = arith.andi %shift_right_arithmetic3A_403, %and3A_405 : vector<16xi32>
      %shift_left3A_407 = arith.constant 4 : i32
      %shift_left3A_408 = vector.broadcast %shift_left3A_407 : i32 to vector<16xi32>
      %shift_left3A_409 = arith.shli %and3A_406, %shift_left3A_408 : vector<16xi32>
      %or3A_410 = arith.ori %shift_left3A_409, %iota3A : vector<16xi32>
      %gather3A_411 = tpu.vector_load_idx %arg7[%or3A_410] : memref<4096xi32, #tpu.memory_space<vmem>>[vector<16xi32>], vector<16xi32>,
      %shift_right_arithmetic3A_412 = arith.constant 10 : i32
      %shift_right_arithmetic3A_413 = vector.broadcast %shift_right_arithmetic3A_412 : i32 to vector<16xi32>
      %shift_right_arithmetic3A_414 = arith.shrsi %gather3A_411, %shift_right_arithmetic3A_413 : vector<16xi32>
      %mul3A_415 = arith.constant 21846 : i32
      %mul3A_416 = vector.broadcast %mul3A_415 : i32 to vector<16xi32>
      %mul3A_417 = arith.muli %shift_right_arithmetic3A_414, %mul3A_416 : vector<16xi32>
      %shift_right_arithmetic3A_418 = arith.constant 16 : i32
      %shift_right_arithmetic3A_419 = vector.broadcast %shift_right_arithmetic3A_418 : i32 to vector<16xi32>
      %shift_right_arithmetic3A_420 = arith.shrsi %mul3A_417, %shift_right_arithmetic3A_419 : vector<16xi32>
      %add3A_421 = arith.addi %gather3A_411, %shift_right_arithmetic3A_420 : vector<16xi32>
      tpu.vector_store_idx %arg6[%add3A_421], %get3A_400 : memref<49168xi32, #tpu.memory_space<vmem>>[vector<16xi32>], vector<16xi32>,
      tpu.vector_store_idx %arg7[%or3A_410], %broadcast_in_dim3A_1 {add = true} : memref<4096xi32, #tpu.memory_space<vmem>>[vector<16xi32>], vector<16xi32>,
      %add3A_422 = arith.constant 6 : i32
      %add3A_423 = arith.addi %mul3A_265, %add3A_422 : i32
      %mul3A_424 = arith.constant 16 : i32
      %mul3A_425 = arith.muli %add3A_423, %mul3A_424 : i32
      %get3A_426 = arith.index_cast %mul3A_425 : i32 to index
      %get3A_427 = tpu.vector_load %arg5[%get3A_426] {strides = array<i32>} : memref<49168xi32, #tpu.memory_space<vmem>>, vector<16xi32>,
      %shift_right_arithmetic3A_428 = arith.constant 0 : i32
      %shift_right_arithmetic3A_429 = vector.broadcast %shift_right_arithmetic3A_428 : i32 to vector<16xi32>
      %shift_right_arithmetic3A_430 = arith.shrsi %get3A_427, %shift_right_arithmetic3A_429 : vector<16xi32>
      %and3A_431 = arith.constant 255 : i32
      %and3A_432 = vector.broadcast %and3A_431 : i32 to vector<16xi32>
      %and3A_433 = arith.andi %shift_right_arithmetic3A_430, %and3A_432 : vector<16xi32>
      %shift_left3A_434 = arith.constant 4 : i32
      %shift_left3A_435 = vector.broadcast %shift_left3A_434 : i32 to vector<16xi32>
      %shift_left3A_436 = arith.shli %and3A_433, %shift_left3A_435 : vector<16xi32>
      %or3A_437 = arith.ori %shift_left3A_436, %iota3A : vector<16xi32>
      %gather3A_438 = tpu.vector_load_idx %arg7[%or3A_437] : memref<4096xi32, #tpu.memory_space<vmem>>[vector<16xi32>], vector<16xi32>,
      %shift_right_arithmetic3A_439 = arith.constant 10 : i32
      %shift_right_arithmetic3A_440 = vector.broadcast %shift_right_arithmetic3A_439 : i32 to vector<16xi32>
      %shift_right_arithmetic3A_441 = arith.shrsi %gather3A_438, %shift_right_arithmetic3A_440 : vector<16xi32>
      %mul3A_442 = arith.constant 21846 : i32
      %mul3A_443 = vector.broadcast %mul3A_442 : i32 to vector<16xi32>
      %mul3A_444 = arith.muli %shift_right_arithmetic3A_441, %mul3A_443 : vector<16xi32>
      %shift_right_arithmetic3A_445 = arith.constant 16 : i32
      %shift_right_arithmetic3A_446 = vector.broadcast %shift_right_arithmetic3A_445 : i32 to vector<16xi32>
      %shift_right_arithmetic3A_447 = arith.shrsi %mul3A_444, %shift_right_arithmetic3A_446 : vector<16xi32>
      %add3A_448 = arith.addi %gather3A_438, %shift_right_arithmetic3A_447 : vector<16xi32>
      tpu.vector_store_idx %arg6[%add3A_448], %get3A_427 : memref<49168xi32, #tpu.memory_space<vmem>>[vector<16xi32>], vector<16xi32>,
      tpu.vector_store_idx %arg7[%or3A_437], %broadcast_in_dim3A_1 {add = true} : memref<4096xi32, #tpu.memory_space<vmem>>[vector<16xi32>], vector<16xi32>,
      %add3A_449 = arith.constant 7 : i32
      %add3A_450 = arith.addi %mul3A_265, %add3A_449 : i32
      %mul3A_451 = arith.constant 16 : i32
      %mul3A_452 = arith.muli %add3A_450, %mul3A_451 : i32
      %get3A_453 = arith.index_cast %mul3A_452 : i32 to index
      %get3A_454 = tpu.vector_load %arg5[%get3A_453] {strides = array<i32>} : memref<49168xi32, #tpu.memory_space<vmem>>, vector<16xi32>,
      %shift_right_arithmetic3A_455 = arith.constant 0 : i32
      %shift_right_arithmetic3A_456 = vector.broadcast %shift_right_arithmetic3A_455 : i32 to vector<16xi32>
      %shift_right_arithmetic3A_457 = arith.shrsi %get3A_454, %shift_right_arithmetic3A_456 : vector<16xi32>
      %and3A_458 = arith.constant 255 : i32
      %and3A_459 = vector.broadcast %and3A_458 : i32 to vector<16xi32>
      %and3A_460 = arith.andi %shift_right_arithmetic3A_457, %and3A_459 : vector<16xi32>
      %shift_left3A_461 = arith.constant 4 : i32
      %shift_left3A_462 = vector.broadcast %shift_left3A_461 : i32 to vector<16xi32>
      %shift_left3A_463 = arith.shli %and3A_460, %shift_left3A_462 : vector<16xi32>
      %or3A_464 = arith.ori %shift_left3A_463, %iota3A : vector<16xi32>
      %gather3A_465 = tpu.vector_load_idx %arg7[%or3A_464] : memref<4096xi32, #tpu.memory_space<vmem>>[vector<16xi32>], vector<16xi32>,
      %shift_right_arithmetic3A_466 = arith.constant 10 : i32
      %shift_right_arithmetic3A_467 = vector.broadcast %shift_right_arithmetic3A_466 : i32 to vector<16xi32>
      %shift_right_arithmetic3A_468 = arith.shrsi %gather3A_465, %shift_right_arithmetic3A_467 : vector<16xi32>
      %mul3A_469 = arith.constant 21846 : i32
      %mul3A_470 = vector.broadcast %mul3A_469 : i32 to vector<16xi32>
      %mul3A_471 = arith.muli %shift_right_arithmetic3A_468, %mul3A_470 : vector<16xi32>
      %shift_right_arithmetic3A_472 = arith.constant 16 : i32
      %shift_right_arithmetic3A_473 = vector.broadcast %shift_right_arithmetic3A_472 : i32 to vector<16xi32>
      %shift_right_arithmetic3A_474 = arith.shrsi %mul3A_471, %shift_right_arithmetic3A_473 : vector<16xi32>
      %add3A_475 = arith.addi %gather3A_465, %shift_right_arithmetic3A_474 : vector<16xi32>
      tpu.vector_store_idx %arg6[%add3A_475], %get3A_454 : memref<49168xi32, #tpu.memory_space<vmem>>[vector<16xi32>], vector<16xi32>,
      tpu.vector_store_idx %arg7[%or3A_464], %broadcast_in_dim3A_1 {add = true} : memref<4096xi32, #tpu.memory_space<vmem>>[vector<16xi32>], vector<16xi32>,
      %scan3A_476 = arith.constant 0 : i32
      scf.yield %scan3A_476 : i32
    }
    %scan3A_45 = arith.constant 384 : i32
    %scan3A_46 = arith.constant 0 : i32
    %scan3A_47 = arith.constant 0 : i32
    %scan3A_48 = arith.constant 32 : i32
    %scan3A_49 = arith.addi %scan3A_47, %scan3A_48 : i32
    %scan3A_50 = arith.constant 1 : i32
    %scan3A_51 = scf.for %scan3A_262 = %scan3A_47 to %scan3A_49 step %scan3A_50 iter_args(%scan3A_263 = %scan3A_46) -> (i32)  : i32 {
      %mul3A_264 = arith.constant 8 : i32
      %mul3A_265 = arith.muli %scan3A_262, %mul3A_264 : i32
      %add3A_266 = arith.constant 0 : i32
      %add3A_267 = arith.addi %mul3A_265, %add3A_266 : i32
      %mul3A_268 = arith.constant 16 : i32
      %mul3A_269 = arith.muli %add3A_267, %mul3A_268 : i32
      %swap3A_270 = arith.index_cast %mul3A_269 : i32 to index
      %swap3A_271 = tpu.vector_load %arg7[%swap3A_270] {strides = array<i32>} : memref<4096xi32, #tpu.memory_space<vmem>>, vector<16xi32>,
      tpu.vector_store %arg7[%swap3A_270], %broadcast_in_dim3A_3 {strides = array<i32>} : memref<4096xi32, #tpu.memory_space<vmem>>, vector<16xi32>,
      %add3A_272 = arith.constant 1 : i32
      %add3A_273 = arith.addi %mul3A_265, %add3A_272 : i32
      %mul3A_274 = arith.constant 16 : i32
      %mul3A_275 = arith.muli %add3A_273, %mul3A_274 : i32
      %swap3A_276 = arith.index_cast %mul3A_275 : i32 to index
      %swap3A_277 = tpu.vector_load %arg7[%swap3A_276] {strides = array<i32>} : memref<4096xi32, #tpu.memory_space<vmem>>, vector<16xi32>,
      tpu.vector_store %arg7[%swap3A_276], %broadcast_in_dim3A_3 {strides = array<i32>} : memref<4096xi32, #tpu.memory_space<vmem>>, vector<16xi32>,
      %add3A_278 = arith.constant 2 : i32
      %add3A_279 = arith.addi %mul3A_265, %add3A_278 : i32
      %mul3A_280 = arith.constant 16 : i32
      %mul3A_281 = arith.muli %add3A_279, %mul3A_280 : i32
      %swap3A_282 = arith.index_cast %mul3A_281 : i32 to index
      %swap3A_283 = tpu.vector_load %arg7[%swap3A_282] {strides = array<i32>} : memref<4096xi32, #tpu.memory_space<vmem>>, vector<16xi32>,
      tpu.vector_store %arg7[%swap3A_282], %broadcast_in_dim3A_3 {strides = array<i32>} : memref<4096xi32, #tpu.memory_space<vmem>>, vector<16xi32>,
      %add3A_284 = arith.constant 3 : i32
      %add3A_285 = arith.addi %mul3A_265, %add3A_284 : i32
      %mul3A_286 = arith.constant 16 : i32
      %mul3A_287 = arith.muli %add3A_285, %mul3A_286 : i32
      %swap3A_288 = arith.index_cast %mul3A_287 : i32 to index
      %swap3A_289 = tpu.vector_load %arg7[%swap3A_288] {strides = array<i32>} : memref<4096xi32, #tpu.memory_space<vmem>>, vector<16xi32>,
      tpu.vector_store %arg7[%swap3A_288], %broadcast_in_dim3A_3 {strides = array<i32>} : memref<4096xi32, #tpu.memory_space<vmem>>, vector<16xi32>,
      %add3A_290 = arith.constant 4 : i32
      %add3A_291 = arith.addi %mul3A_265, %add3A_290 : i32
      %mul3A_292 = arith.constant 16 : i32
      %mul3A_293 = arith.muli %add3A_291, %mul3A_292 : i32
      %swap3A_294 = arith.index_cast %mul3A_293 : i32 to index
      %swap3A_295 = tpu.vector_load %arg7[%swap3A_294] {strides = array<i32>} : memref<4096xi32, #tpu.memory_space<vmem>>, vector<16xi32>,
      tpu.vector_store %arg7[%swap3A_294], %broadcast_in_dim3A_3 {strides = array<i32>} : memref<4096xi32, #tpu.memory_space<vmem>>, vector<16xi32>,
      %add3A_296 = arith.constant 5 : i32
      %add3A_297 = arith.addi %mul3A_265, %add3A_296 : i32
      %mul3A_298 = arith.constant 16 : i32
      %mul3A_299 = arith.muli %add3A_297, %mul3A_298 : i32
      %swap3A_300 = arith.index_cast %mul3A_299 : i32 to index
      %swap3A_301 = tpu.vector_load %arg7[%swap3A_300] {strides = array<i32>} : memref<4096xi32, #tpu.memory_space<vmem>>, vector<16xi32>,
      tpu.vector_store %arg7[%swap3A_300], %broadcast_in_dim3A_3 {strides = array<i32>} : memref<4096xi32, #tpu.memory_space<vmem>>, vector<16xi32>,
      %add3A_302 = arith.constant 6 : i32
      %add3A_303 = arith.addi %mul3A_265, %add3A_302 : i32
      %mul3A_304 = arith.constant 16 : i32
      %mul3A_305 = arith.muli %add3A_303, %mul3A_304 : i32
      %swap3A_306 = arith.index_cast %mul3A_305 : i32 to index
      %swap3A_307 = tpu.vector_load %arg7[%swap3A_306] {strides = array<i32>} : memref<4096xi32, #tpu.memory_space<vmem>>, vector<16xi32>,
      tpu.vector_store %arg7[%swap3A_306], %broadcast_in_dim3A_3 {strides = array<i32>} : memref<4096xi32, #tpu.memory_space<vmem>>, vector<16xi32>,
      %add3A_308 = arith.constant 7 : i32
      %add3A_309 = arith.addi %mul3A_265, %add3A_308 : i32
      %mul3A_310 = arith.constant 16 : i32
      %mul3A_311 = arith.muli %add3A_309, %mul3A_310 : i32
      %swap3A_312 = arith.index_cast %mul3A_311 : i32 to index
      %swap3A_313 = tpu.vector_load %arg7[%swap3A_312] {strides = array<i32>} : memref<4096xi32, #tpu.memory_space<vmem>>, vector<16xi32>,
      tpu.vector_store %arg7[%swap3A_312], %broadcast_in_dim3A_3 {strides = array<i32>} : memref<4096xi32, #tpu.memory_space<vmem>>, vector<16xi32>,
      %scan3A_314 = arith.constant 0 : i32
      scf.yield %scan3A_314 : i32
    }
    %scan3A_52 = arith.constant 32 : i32
    %scan3A_53 = arith.constant 0 : i32
    %scan3A_54 = arith.constant 0 : i32
    %scan3A_55 = arith.constant 384 : i32
    %scan3A_56 = arith.addi %scan3A_54, %scan3A_55 : i32
    %scan3A_57 = arith.constant 1 : i32
    %scan3A_58 = scf.for %scan3A_262 = %scan3A_54 to %scan3A_56 step %scan3A_57 iter_args(%scan3A_263 = %scan3A_53) -> (i32)  : i32 {
      %mul3A_264 = arith.constant 8 : i32
      %mul3A_265 = arith.muli %scan3A_262, %mul3A_264 : i32
      %add3A_266 = arith.constant 0 : i32
      %add3A_267 = arith.addi %mul3A_265, %add3A_266 : i32
      %add3A_268 = vector.broadcast %add3A_267 : i32 to vector<16xi32>
      %add3A_269 = arith.addi %mul3A_6, %add3A_268 : vector<16xi32>
      %gather3A = tpu.vector_load_idx %arg6[%add3A_269] : memref<49168xi32, #tpu.memory_space<vmem>>[vector<16xi32>], vector<16xi32>,
      %shift_right_arithmetic3A = arith.constant 8 : i32
      %shift_right_arithmetic3A_270 = vector.broadcast %shift_right_arithmetic3A : i32 to vector<16xi32>
      %shift_right_arithmetic3A_271 = arith.shrsi %gather3A, %shift_right_arithmetic3A_270 : vector<16xi32>
      %and3A = arith.constant 255 : i32
      %and3A_272 = vector.broadcast %and3A : i32 to vector<16xi32>
      %and3A_273 = arith.andi %shift_right_arithmetic3A_271, %and3A_272 : vector<16xi32>
      %shift_left3A = arith.constant 4 : i32
      %shift_left3A_274 = vector.broadcast %shift_left3A : i32 to vector<16xi32>
      %shift_left3A_275 = arith.shli %and3A_273, %shift_left3A_274 : vector<16xi32>
      %or3A = arith.ori %shift_left3A_275, %iota3A : vector<16xi32>
      tpu.vector_store_idx %arg7[%or3A], %broadcast_in_dim3A_1 {add = true} : memref<4096xi32, #tpu.memory_space<vmem>>[vector<16xi32>], vector<16xi32>,
      %add3A_276 = arith.constant 1 : i32
      %add3A_277 = arith.addi %mul3A_265, %add3A_276 : i32
      %add3A_278 = vector.broadcast %add3A_277 : i32 to vector<16xi32>
      %add3A_279 = arith.addi %mul3A_6, %add3A_278 : vector<16xi32>
      %gather3A_280 = tpu.vector_load_idx %arg6[%add3A_279] : memref<49168xi32, #tpu.memory_space<vmem>>[vector<16xi32>], vector<16xi32>,
      %shift_right_arithmetic3A_281 = arith.constant 8 : i32
      %shift_right_arithmetic3A_282 = vector.broadcast %shift_right_arithmetic3A_281 : i32 to vector<16xi32>
      %shift_right_arithmetic3A_283 = arith.shrsi %gather3A_280, %shift_right_arithmetic3A_282 : vector<16xi32>
      %and3A_284 = arith.constant 255 : i32
      %and3A_285 = vector.broadcast %and3A_284 : i32 to vector<16xi32>
      %and3A_286 = arith.andi %shift_right_arithmetic3A_283, %and3A_285 : vector<16xi32>
      %shift_left3A_287 = arith.constant 4 : i32
      %shift_left3A_288 = vector.broadcast %shift_left3A_287 : i32 to vector<16xi32>
      %shift_left3A_289 = arith.shli %and3A_286, %shift_left3A_288 : vector<16xi32>
      %or3A_290 = arith.ori %shift_left3A_289, %iota3A : vector<16xi32>
      tpu.vector_store_idx %arg7[%or3A_290], %broadcast_in_dim3A_1 {add = true} : memref<4096xi32, #tpu.memory_space<vmem>>[vector<16xi32>], vector<16xi32>,
      %add3A_291 = arith.constant 2 : i32
      %add3A_292 = arith.addi %mul3A_265, %add3A_291 : i32
      %add3A_293 = vector.broadcast %add3A_292 : i32 to vector<16xi32>
      %add3A_294 = arith.addi %mul3A_6, %add3A_293 : vector<16xi32>
      %gather3A_295 = tpu.vector_load_idx %arg6[%add3A_294] : memref<49168xi32, #tpu.memory_space<vmem>>[vector<16xi32>], vector<16xi32>,
      %shift_right_arithmetic3A_296 = arith.constant 8 : i32
      %shift_right_arithmetic3A_297 = vector.broadcast %shift_right_arithmetic3A_296 : i32 to vector<16xi32>
      %shift_right_arithmetic3A_298 = arith.shrsi %gather3A_295, %shift_right_arithmetic3A_297 : vector<16xi32>
      %and3A_299 = arith.constant 255 : i32
      %and3A_300 = vector.broadcast %and3A_299 : i32 to vector<16xi32>
      %and3A_301 = arith.andi %shift_right_arithmetic3A_298, %and3A_300 : vector<16xi32>
      %shift_left3A_302 = arith.constant 4 : i32
      %shift_left3A_303 = vector.broadcast %shift_left3A_302 : i32 to vector<16xi32>
      %shift_left3A_304 = arith.shli %and3A_301, %shift_left3A_303 : vector<16xi32>
      %or3A_305 = arith.ori %shift_left3A_304, %iota3A : vector<16xi32>
      tpu.vector_store_idx %arg7[%or3A_305], %broadcast_in_dim3A_1 {add = true} : memref<4096xi32, #tpu.memory_space<vmem>>[vector<16xi32>], vector<16xi32>,
      %add3A_306 = arith.constant 3 : i32
      %add3A_307 = arith.addi %mul3A_265, %add3A_306 : i32
      %add3A_308 = vector.broadcast %add3A_307 : i32 to vector<16xi32>
      %add3A_309 = arith.addi %mul3A_6, %add3A_308 : vector<16xi32>
      %gather3A_310 = tpu.vector_load_idx %arg6[%add3A_309] : memref<49168xi32, #tpu.memory_space<vmem>>[vector<16xi32>], vector<16xi32>,
      %shift_right_arithmetic3A_311 = arith.constant 8 : i32
      %shift_right_arithmetic3A_312 = vector.broadcast %shift_right_arithmetic3A_311 : i32 to vector<16xi32>
      %shift_right_arithmetic3A_313 = arith.shrsi %gather3A_310, %shift_right_arithmetic3A_312 : vector<16xi32>
      %and3A_314 = arith.constant 255 : i32
      %and3A_315 = vector.broadcast %and3A_314 : i32 to vector<16xi32>
      %and3A_316 = arith.andi %shift_right_arithmetic3A_313, %and3A_315 : vector<16xi32>
      %shift_left3A_317 = arith.constant 4 : i32
      %shift_left3A_318 = vector.broadcast %shift_left3A_317 : i32 to vector<16xi32>
      %shift_left3A_319 = arith.shli %and3A_316, %shift_left3A_318 : vector<16xi32>
      %or3A_320 = arith.ori %shift_left3A_319, %iota3A : vector<16xi32>
      tpu.vector_store_idx %arg7[%or3A_320], %broadcast_in_dim3A_1 {add = true} : memref<4096xi32, #tpu.memory_space<vmem>>[vector<16xi32>], vector<16xi32>,
      %add3A_321 = arith.constant 4 : i32
      %add3A_322 = arith.addi %mul3A_265, %add3A_321 : i32
      %add3A_323 = vector.broadcast %add3A_322 : i32 to vector<16xi32>
      %add3A_324 = arith.addi %mul3A_6, %add3A_323 : vector<16xi32>
      %gather3A_325 = tpu.vector_load_idx %arg6[%add3A_324] : memref<49168xi32, #tpu.memory_space<vmem>>[vector<16xi32>], vector<16xi32>,
      %shift_right_arithmetic3A_326 = arith.constant 8 : i32
      %shift_right_arithmetic3A_327 = vector.broadcast %shift_right_arithmetic3A_326 : i32 to vector<16xi32>
      %shift_right_arithmetic3A_328 = arith.shrsi %gather3A_325, %shift_right_arithmetic3A_327 : vector<16xi32>
      %and3A_329 = arith.constant 255 : i32
      %and3A_330 = vector.broadcast %and3A_329 : i32 to vector<16xi32>
      %and3A_331 = arith.andi %shift_right_arithmetic3A_328, %and3A_330 : vector<16xi32>
      %shift_left3A_332 = arith.constant 4 : i32
      %shift_left3A_333 = vector.broadcast %shift_left3A_332 : i32 to vector<16xi32>
      %shift_left3A_334 = arith.shli %and3A_331, %shift_left3A_333 : vector<16xi32>
      %or3A_335 = arith.ori %shift_left3A_334, %iota3A : vector<16xi32>
      tpu.vector_store_idx %arg7[%or3A_335], %broadcast_in_dim3A_1 {add = true} : memref<4096xi32, #tpu.memory_space<vmem>>[vector<16xi32>], vector<16xi32>,
      %add3A_336 = arith.constant 5 : i32
      %add3A_337 = arith.addi %mul3A_265, %add3A_336 : i32
      %add3A_338 = vector.broadcast %add3A_337 : i32 to vector<16xi32>
      %add3A_339 = arith.addi %mul3A_6, %add3A_338 : vector<16xi32>
      %gather3A_340 = tpu.vector_load_idx %arg6[%add3A_339] : memref<49168xi32, #tpu.memory_space<vmem>>[vector<16xi32>], vector<16xi32>,
      %shift_right_arithmetic3A_341 = arith.constant 8 : i32
      %shift_right_arithmetic3A_342 = vector.broadcast %shift_right_arithmetic3A_341 : i32 to vector<16xi32>
      %shift_right_arithmetic3A_343 = arith.shrsi %gather3A_340, %shift_right_arithmetic3A_342 : vector<16xi32>
      %and3A_344 = arith.constant 255 : i32
      %and3A_345 = vector.broadcast %and3A_344 : i32 to vector<16xi32>
      %and3A_346 = arith.andi %shift_right_arithmetic3A_343, %and3A_345 : vector<16xi32>
      %shift_left3A_347 = arith.constant 4 : i32
      %shift_left3A_348 = vector.broadcast %shift_left3A_347 : i32 to vector<16xi32>
      %shift_left3A_349 = arith.shli %and3A_346, %shift_left3A_348 : vector<16xi32>
      %or3A_350 = arith.ori %shift_left3A_349, %iota3A : vector<16xi32>
      tpu.vector_store_idx %arg7[%or3A_350], %broadcast_in_dim3A_1 {add = true} : memref<4096xi32, #tpu.memory_space<vmem>>[vector<16xi32>], vector<16xi32>,
      %add3A_351 = arith.constant 6 : i32
      %add3A_352 = arith.addi %mul3A_265, %add3A_351 : i32
      %add3A_353 = vector.broadcast %add3A_352 : i32 to vector<16xi32>
      %add3A_354 = arith.addi %mul3A_6, %add3A_353 : vector<16xi32>
      %gather3A_355 = tpu.vector_load_idx %arg6[%add3A_354] : memref<49168xi32, #tpu.memory_space<vmem>>[vector<16xi32>], vector<16xi32>,
      %shift_right_arithmetic3A_356 = arith.constant 8 : i32
      %shift_right_arithmetic3A_357 = vector.broadcast %shift_right_arithmetic3A_356 : i32 to vector<16xi32>
      %shift_right_arithmetic3A_358 = arith.shrsi %gather3A_355, %shift_right_arithmetic3A_357 : vector<16xi32>
      %and3A_359 = arith.constant 255 : i32
      %and3A_360 = vector.broadcast %and3A_359 : i32 to vector<16xi32>
      %and3A_361 = arith.andi %shift_right_arithmetic3A_358, %and3A_360 : vector<16xi32>
      %shift_left3A_362 = arith.constant 4 : i32
      %shift_left3A_363 = vector.broadcast %shift_left3A_362 : i32 to vector<16xi32>
      %shift_left3A_364 = arith.shli %and3A_361, %shift_left3A_363 : vector<16xi32>
      %or3A_365 = arith.ori %shift_left3A_364, %iota3A : vector<16xi32>
      tpu.vector_store_idx %arg7[%or3A_365], %broadcast_in_dim3A_1 {add = true} : memref<4096xi32, #tpu.memory_space<vmem>>[vector<16xi32>], vector<16xi32>,
      %add3A_366 = arith.constant 7 : i32
      %add3A_367 = arith.addi %mul3A_265, %add3A_366 : i32
      %add3A_368 = vector.broadcast %add3A_367 : i32 to vector<16xi32>
      %add3A_369 = arith.addi %mul3A_6, %add3A_368 : vector<16xi32>
      %gather3A_370 = tpu.vector_load_idx %arg6[%add3A_369] : memref<49168xi32, #tpu.memory_space<vmem>>[vector<16xi32>], vector<16xi32>,
      %shift_right_arithmetic3A_371 = arith.constant 8 : i32
      %shift_right_arithmetic3A_372 = vector.broadcast %shift_right_arithmetic3A_371 : i32 to vector<16xi32>
      %shift_right_arithmetic3A_373 = arith.shrsi %gather3A_370, %shift_right_arithmetic3A_372 : vector<16xi32>
      %and3A_374 = arith.constant 255 : i32
      %and3A_375 = vector.broadcast %and3A_374 : i32 to vector<16xi32>
      %and3A_376 = arith.andi %shift_right_arithmetic3A_373, %and3A_375 : vector<16xi32>
      %shift_left3A_377 = arith.constant 4 : i32
      %shift_left3A_378 = vector.broadcast %shift_left3A_377 : i32 to vector<16xi32>
      %shift_left3A_379 = arith.shli %and3A_376, %shift_left3A_378 : vector<16xi32>
      %or3A_380 = arith.ori %shift_left3A_379, %iota3A : vector<16xi32>
      tpu.vector_store_idx %arg7[%or3A_380], %broadcast_in_dim3A_1 {add = true} : memref<4096xi32, #tpu.memory_space<vmem>>[vector<16xi32>], vector<16xi32>,
      %scan3A_381 = arith.constant 0 : i32
      scf.yield %scan3A_381 : i32
    }
    %scan3A_59 = arith.constant 384 : i32
    %scan3A_60 = arith.constant 0 : i32
    %scan3A_61 = arith.constant 0 : i32
    %scan3A_62 = arith.constant 256 : i32
    %scan3A_63 = arith.addi %scan3A_61, %scan3A_62 : i32
    %scan3A_64 = arith.constant 1 : i32
    %scan3A_65 = scf.for %scan3A_262 = %scan3A_61 to %scan3A_63 step %scan3A_64 iter_args(%scan3A_263 = %scan3A_60) -> (i32)  : i32 {
      %mul3A_264 = arith.constant 16 : i32
      %mul3A_265 = arith.muli %scan3A_262, %mul3A_264 : i32
      %get3A = arith.index_cast %mul3A_265 : i32 to index
      %get3A_266 = tpu.vector_load %arg7[%get3A] {strides = array<i32>} : memref<4096xi32, #tpu.memory_space<vmem>>, vector<16xi32>,
      %broadcast_in_dim3A_267 = arith.constant true
      %broadcast_in_dim3A_268 = vector.broadcast %broadcast_in_dim3A_267 : i1 to vector<16xi1>
      %masked_cumsum3A = tpu.scan <sum>, %get3A_266 masked %broadcast_in_dim3A_268 : vector<16xi32>, vector<16xi1> -> vector<16xi32>
      %sub3A = arith.subi %masked_cumsum3A, %get3A_266 : vector<16xi32>
      %add3A_269 = vector.broadcast %scan3A_263 : i32 to vector<16xi32>
      %add3A_270 = arith.addi %sub3A, %add3A_269 : vector<16xi32>
      %mul3A_271 = arith.constant 16 : i32
      %mul3A_272 = arith.muli %scan3A_262, %mul3A_271 : i32
      %swap3A_273 = arith.index_cast %mul3A_272 : i32 to index
      %swap3A_274 = tpu.vector_load %arg7[%swap3A_273] {strides = array<i32>} : memref<4096xi32, #tpu.memory_space<vmem>>, vector<16xi32>,
      tpu.vector_store %arg7[%swap3A_273], %add3A_270 {strides = array<i32>} : memref<4096xi32, #tpu.memory_space<vmem>>, vector<16xi32>,
      %reduce_sum3A = arith.constant true
      %reduce_sum3A_275 = vector.broadcast %reduce_sum3A : i1 to vector<16xi1>
      %reduce_sum3A_276 = tpu.scan <sum>, %get3A_266 masked %reduce_sum3A_275 : vector<16xi32>, vector<16xi1> -> vector<16xi32>
      %reduce_sum3A_277 = vector.extract %reduce_sum3A_276[15] : i32 from vector<16xi32>
      %add3A_278 = arith.addi %scan3A_263, %reduce_sum3A_277 : i32
      scf.yield %add3A_278 : i32
    }
    %scan3A_66 = arith.constant 256 : i32
    %scan3A_67 = arith.constant 0 : i32
    %scan3A_68 = arith.constant 0 : i32
    %scan3A_69 = arith.constant 384 : i32
    %scan3A_70 = arith.addi %scan3A_68, %scan3A_69 : i32
    %scan3A_71 = arith.constant 1 : i32
    %scan3A_72 = scf.for %scan3A_262 = %scan3A_68 to %scan3A_70 step %scan3A_71 iter_args(%scan3A_263 = %scan3A_67) -> (i32)  : i32 {
      %mul3A_264 = arith.constant 8 : i32
      %mul3A_265 = arith.muli %scan3A_262, %mul3A_264 : i32
      %add3A_266 = arith.constant 0 : i32
      %add3A_267 = arith.addi %mul3A_265, %add3A_266 : i32
      %add3A_268 = vector.broadcast %add3A_267 : i32 to vector<16xi32>
      %add3A_269 = arith.addi %mul3A_6, %add3A_268 : vector<16xi32>
      %gather3A = tpu.vector_load_idx %arg6[%add3A_269] : memref<49168xi32, #tpu.memory_space<vmem>>[vector<16xi32>], vector<16xi32>,
      %shift_right_arithmetic3A = arith.constant 8 : i32
      %shift_right_arithmetic3A_270 = vector.broadcast %shift_right_arithmetic3A : i32 to vector<16xi32>
      %shift_right_arithmetic3A_271 = arith.shrsi %gather3A, %shift_right_arithmetic3A_270 : vector<16xi32>
      %and3A = arith.constant 255 : i32
      %and3A_272 = vector.broadcast %and3A : i32 to vector<16xi32>
      %and3A_273 = arith.andi %shift_right_arithmetic3A_271, %and3A_272 : vector<16xi32>
      %shift_left3A = arith.constant 4 : i32
      %shift_left3A_274 = vector.broadcast %shift_left3A : i32 to vector<16xi32>
      %shift_left3A_275 = arith.shli %and3A_273, %shift_left3A_274 : vector<16xi32>
      %or3A = arith.ori %shift_left3A_275, %iota3A : vector<16xi32>
      %gather3A_276 = tpu.vector_load_idx %arg7[%or3A] : memref<4096xi32, #tpu.memory_space<vmem>>[vector<16xi32>], vector<16xi32>,
      %shift_right_arithmetic3A_277 = arith.constant 10 : i32
      %shift_right_arithmetic3A_278 = vector.broadcast %shift_right_arithmetic3A_277 : i32 to vector<16xi32>
      %shift_right_arithmetic3A_279 = arith.shrsi %gather3A_276, %shift_right_arithmetic3A_278 : vector<16xi32>
      %mul3A_280 = arith.constant 21846 : i32
      %mul3A_281 = vector.broadcast %mul3A_280 : i32 to vector<16xi32>
      %mul3A_282 = arith.muli %shift_right_arithmetic3A_279, %mul3A_281 : vector<16xi32>
      %shift_right_arithmetic3A_283 = arith.constant 16 : i32
      %shift_right_arithmetic3A_284 = vector.broadcast %shift_right_arithmetic3A_283 : i32 to vector<16xi32>
      %shift_right_arithmetic3A_285 = arith.shrsi %mul3A_282, %shift_right_arithmetic3A_284 : vector<16xi32>
      %add3A_286 = arith.addi %gather3A_276, %shift_right_arithmetic3A_285 : vector<16xi32>
      tpu.vector_store_idx %arg5[%add3A_286], %gather3A : memref<49168xi32, #tpu.memory_space<vmem>>[vector<16xi32>], vector<16xi32>,
      tpu.vector_store_idx %arg7[%or3A], %broadcast_in_dim3A_1 {add = true} : memref<4096xi32, #tpu.memory_space<vmem>>[vector<16xi32>], vector<16xi32>,
      %add3A_287 = arith.constant 1 : i32
      %add3A_288 = arith.addi %mul3A_265, %add3A_287 : i32
      %add3A_289 = vector.broadcast %add3A_288 : i32 to vector<16xi32>
      %add3A_290 = arith.addi %mul3A_6, %add3A_289 : vector<16xi32>
      %gather3A_291 = tpu.vector_load_idx %arg6[%add3A_290] : memref<49168xi32, #tpu.memory_space<vmem>>[vector<16xi32>], vector<16xi32>,
      %shift_right_arithmetic3A_292 = arith.constant 8 : i32
      %shift_right_arithmetic3A_293 = vector.broadcast %shift_right_arithmetic3A_292 : i32 to vector<16xi32>
      %shift_right_arithmetic3A_294 = arith.shrsi %gather3A_291, %shift_right_arithmetic3A_293 : vector<16xi32>
      %and3A_295 = arith.constant 255 : i32
      %and3A_296 = vector.broadcast %and3A_295 : i32 to vector<16xi32>
      %and3A_297 = arith.andi %shift_right_arithmetic3A_294, %and3A_296 : vector<16xi32>
      %shift_left3A_298 = arith.constant 4 : i32
      %shift_left3A_299 = vector.broadcast %shift_left3A_298 : i32 to vector<16xi32>
      %shift_left3A_300 = arith.shli %and3A_297, %shift_left3A_299 : vector<16xi32>
      %or3A_301 = arith.ori %shift_left3A_300, %iota3A : vector<16xi32>
      %gather3A_302 = tpu.vector_load_idx %arg7[%or3A_301] : memref<4096xi32, #tpu.memory_space<vmem>>[vector<16xi32>], vector<16xi32>,
      %shift_right_arithmetic3A_303 = arith.constant 10 : i32
      %shift_right_arithmetic3A_304 = vector.broadcast %shift_right_arithmetic3A_303 : i32 to vector<16xi32>
      %shift_right_arithmetic3A_305 = arith.shrsi %gather3A_302, %shift_right_arithmetic3A_304 : vector<16xi32>
      %mul3A_306 = arith.constant 21846 : i32
      %mul3A_307 = vector.broadcast %mul3A_306 : i32 to vector<16xi32>
      %mul3A_308 = arith.muli %shift_right_arithmetic3A_305, %mul3A_307 : vector<16xi32>
      %shift_right_arithmetic3A_309 = arith.constant 16 : i32
      %shift_right_arithmetic3A_310 = vector.broadcast %shift_right_arithmetic3A_309 : i32 to vector<16xi32>
      %shift_right_arithmetic3A_311 = arith.shrsi %mul3A_308, %shift_right_arithmetic3A_310 : vector<16xi32>
      %add3A_312 = arith.addi %gather3A_302, %shift_right_arithmetic3A_311 : vector<16xi32>
      tpu.vector_store_idx %arg5[%add3A_312], %gather3A_291 : memref<49168xi32, #tpu.memory_space<vmem>>[vector<16xi32>], vector<16xi32>,
      tpu.vector_store_idx %arg7[%or3A_301], %broadcast_in_dim3A_1 {add = true} : memref<4096xi32, #tpu.memory_space<vmem>>[vector<16xi32>], vector<16xi32>,
      %add3A_313 = arith.constant 2 : i32
      %add3A_314 = arith.addi %mul3A_265, %add3A_313 : i32
      %add3A_315 = vector.broadcast %add3A_314 : i32 to vector<16xi32>
      %add3A_316 = arith.addi %mul3A_6, %add3A_315 : vector<16xi32>
      %gather3A_317 = tpu.vector_load_idx %arg6[%add3A_316] : memref<49168xi32, #tpu.memory_space<vmem>>[vector<16xi32>], vector<16xi32>,
      %shift_right_arithmetic3A_318 = arith.constant 8 : i32
      %shift_right_arithmetic3A_319 = vector.broadcast %shift_right_arithmetic3A_318 : i32 to vector<16xi32>
      %shift_right_arithmetic3A_320 = arith.shrsi %gather3A_317, %shift_right_arithmetic3A_319 : vector<16xi32>
      %and3A_321 = arith.constant 255 : i32
      %and3A_322 = vector.broadcast %and3A_321 : i32 to vector<16xi32>
      %and3A_323 = arith.andi %shift_right_arithmetic3A_320, %and3A_322 : vector<16xi32>
      %shift_left3A_324 = arith.constant 4 : i32
      %shift_left3A_325 = vector.broadcast %shift_left3A_324 : i32 to vector<16xi32>
      %shift_left3A_326 = arith.shli %and3A_323, %shift_left3A_325 : vector<16xi32>
      %or3A_327 = arith.ori %shift_left3A_326, %iota3A : vector<16xi32>
      %gather3A_328 = tpu.vector_load_idx %arg7[%or3A_327] : memref<4096xi32, #tpu.memory_space<vmem>>[vector<16xi32>], vector<16xi32>,
      %shift_right_arithmetic3A_329 = arith.constant 10 : i32
      %shift_right_arithmetic3A_330 = vector.broadcast %shift_right_arithmetic3A_329 : i32 to vector<16xi32>
      %shift_right_arithmetic3A_331 = arith.shrsi %gather3A_328, %shift_right_arithmetic3A_330 : vector<16xi32>
      %mul3A_332 = arith.constant 21846 : i32
      %mul3A_333 = vector.broadcast %mul3A_332 : i32 to vector<16xi32>
      %mul3A_334 = arith.muli %shift_right_arithmetic3A_331, %mul3A_333 : vector<16xi32>
      %shift_right_arithmetic3A_335 = arith.constant 16 : i32
      %shift_right_arithmetic3A_336 = vector.broadcast %shift_right_arithmetic3A_335 : i32 to vector<16xi32>
      %shift_right_arithmetic3A_337 = arith.shrsi %mul3A_334, %shift_right_arithmetic3A_336 : vector<16xi32>
      %add3A_338 = arith.addi %gather3A_328, %shift_right_arithmetic3A_337 : vector<16xi32>
      tpu.vector_store_idx %arg5[%add3A_338], %gather3A_317 : memref<49168xi32, #tpu.memory_space<vmem>>[vector<16xi32>], vector<16xi32>,
      tpu.vector_store_idx %arg7[%or3A_327], %broadcast_in_dim3A_1 {add = true} : memref<4096xi32, #tpu.memory_space<vmem>>[vector<16xi32>], vector<16xi32>,
      %add3A_339 = arith.constant 3 : i32
      %add3A_340 = arith.addi %mul3A_265, %add3A_339 : i32
      %add3A_341 = vector.broadcast %add3A_340 : i32 to vector<16xi32>
      %add3A_342 = arith.addi %mul3A_6, %add3A_341 : vector<16xi32>
      %gather3A_343 = tpu.vector_load_idx %arg6[%add3A_342] : memref<49168xi32, #tpu.memory_space<vmem>>[vector<16xi32>], vector<16xi32>,
      %shift_right_arithmetic3A_344 = arith.constant 8 : i32
      %shift_right_arithmetic3A_345 = vector.broadcast %shift_right_arithmetic3A_344 : i32 to vector<16xi32>
      %shift_right_arithmetic3A_346 = arith.shrsi %gather3A_343, %shift_right_arithmetic3A_345 : vector<16xi32>
      %and3A_347 = arith.constant 255 : i32
      %and3A_348 = vector.broadcast %and3A_347 : i32 to vector<16xi32>
      %and3A_349 = arith.andi %shift_right_arithmetic3A_346, %and3A_348 : vector<16xi32>
      %shift_left3A_350 = arith.constant 4 : i32
      %shift_left3A_351 = vector.broadcast %shift_left3A_350 : i32 to vector<16xi32>
      %shift_left3A_352 = arith.shli %and3A_349, %shift_left3A_351 : vector<16xi32>
      %or3A_353 = arith.ori %shift_left3A_352, %iota3A : vector<16xi32>
      %gather3A_354 = tpu.vector_load_idx %arg7[%or3A_353] : memref<4096xi32, #tpu.memory_space<vmem>>[vector<16xi32>], vector<16xi32>,
      %shift_right_arithmetic3A_355 = arith.constant 10 : i32
      %shift_right_arithmetic3A_356 = vector.broadcast %shift_right_arithmetic3A_355 : i32 to vector<16xi32>
      %shift_right_arithmetic3A_357 = arith.shrsi %gather3A_354, %shift_right_arithmetic3A_356 : vector<16xi32>
      %mul3A_358 = arith.constant 21846 : i32
      %mul3A_359 = vector.broadcast %mul3A_358 : i32 to vector<16xi32>
      %mul3A_360 = arith.muli %shift_right_arithmetic3A_357, %mul3A_359 : vector<16xi32>
      %shift_right_arithmetic3A_361 = arith.constant 16 : i32
      %shift_right_arithmetic3A_362 = vector.broadcast %shift_right_arithmetic3A_361 : i32 to vector<16xi32>
      %shift_right_arithmetic3A_363 = arith.shrsi %mul3A_360, %shift_right_arithmetic3A_362 : vector<16xi32>
      %add3A_364 = arith.addi %gather3A_354, %shift_right_arithmetic3A_363 : vector<16xi32>
      tpu.vector_store_idx %arg5[%add3A_364], %gather3A_343 : memref<49168xi32, #tpu.memory_space<vmem>>[vector<16xi32>], vector<16xi32>,
      tpu.vector_store_idx %arg7[%or3A_353], %broadcast_in_dim3A_1 {add = true} : memref<4096xi32, #tpu.memory_space<vmem>>[vector<16xi32>], vector<16xi32>,
      %add3A_365 = arith.constant 4 : i32
      %add3A_366 = arith.addi %mul3A_265, %add3A_365 : i32
      %add3A_367 = vector.broadcast %add3A_366 : i32 to vector<16xi32>
      %add3A_368 = arith.addi %mul3A_6, %add3A_367 : vector<16xi32>
      %gather3A_369 = tpu.vector_load_idx %arg6[%add3A_368] : memref<49168xi32, #tpu.memory_space<vmem>>[vector<16xi32>], vector<16xi32>,
      %shift_right_arithmetic3A_370 = arith.constant 8 : i32
      %shift_right_arithmetic3A_371 = vector.broadcast %shift_right_arithmetic3A_370 : i32 to vector<16xi32>
      %shift_right_arithmetic3A_372 = arith.shrsi %gather3A_369, %shift_right_arithmetic3A_371 : vector<16xi32>
      %and3A_373 = arith.constant 255 : i32
      %and3A_374 = vector.broadcast %and3A_373 : i32 to vector<16xi32>
      %and3A_375 = arith.andi %shift_right_arithmetic3A_372, %and3A_374 : vector<16xi32>
      %shift_left3A_376 = arith.constant 4 : i32
      %shift_left3A_377 = vector.broadcast %shift_left3A_376 : i32 to vector<16xi32>
      %shift_left3A_378 = arith.shli %and3A_375, %shift_left3A_377 : vector<16xi32>
      %or3A_379 = arith.ori %shift_left3A_378, %iota3A : vector<16xi32>
      %gather3A_380 = tpu.vector_load_idx %arg7[%or3A_379] : memref<4096xi32, #tpu.memory_space<vmem>>[vector<16xi32>], vector<16xi32>,
      %shift_right_arithmetic3A_381 = arith.constant 10 : i32
      %shift_right_arithmetic3A_382 = vector.broadcast %shift_right_arithmetic3A_381 : i32 to vector<16xi32>
      %shift_right_arithmetic3A_383 = arith.shrsi %gather3A_380, %shift_right_arithmetic3A_382 : vector<16xi32>
      %mul3A_384 = arith.constant 21846 : i32
      %mul3A_385 = vector.broadcast %mul3A_384 : i32 to vector<16xi32>
      %mul3A_386 = arith.muli %shift_right_arithmetic3A_383, %mul3A_385 : vector<16xi32>
      %shift_right_arithmetic3A_387 = arith.constant 16 : i32
      %shift_right_arithmetic3A_388 = vector.broadcast %shift_right_arithmetic3A_387 : i32 to vector<16xi32>
      %shift_right_arithmetic3A_389 = arith.shrsi %mul3A_386, %shift_right_arithmetic3A_388 : vector<16xi32>
      %add3A_390 = arith.addi %gather3A_380, %shift_right_arithmetic3A_389 : vector<16xi32>
      tpu.vector_store_idx %arg5[%add3A_390], %gather3A_369 : memref<49168xi32, #tpu.memory_space<vmem>>[vector<16xi32>], vector<16xi32>,
      tpu.vector_store_idx %arg7[%or3A_379], %broadcast_in_dim3A_1 {add = true} : memref<4096xi32, #tpu.memory_space<vmem>>[vector<16xi32>], vector<16xi32>,
      %add3A_391 = arith.constant 5 : i32
      %add3A_392 = arith.addi %mul3A_265, %add3A_391 : i32
      %add3A_393 = vector.broadcast %add3A_392 : i32 to vector<16xi32>
      %add3A_394 = arith.addi %mul3A_6, %add3A_393 : vector<16xi32>
      %gather3A_395 = tpu.vector_load_idx %arg6[%add3A_394] : memref<49168xi32, #tpu.memory_space<vmem>>[vector<16xi32>], vector<16xi32>,
      %shift_right_arithmetic3A_396 = arith.constant 8 : i32
      %shift_right_arithmetic3A_397 = vector.broadcast %shift_right_arithmetic3A_396 : i32 to vector<16xi32>
      %shift_right_arithmetic3A_398 = arith.shrsi %gather3A_395, %shift_right_arithmetic3A_397 : vector<16xi32>
      %and3A_399 = arith.constant 255 : i32
      %and3A_400 = vector.broadcast %and3A_399 : i32 to vector<16xi32>
      %and3A_401 = arith.andi %shift_right_arithmetic3A_398, %and3A_400 : vector<16xi32>
      %shift_left3A_402 = arith.constant 4 : i32
      %shift_left3A_403 = vector.broadcast %shift_left3A_402 : i32 to vector<16xi32>
      %shift_left3A_404 = arith.shli %and3A_401, %shift_left3A_403 : vector<16xi32>
      %or3A_405 = arith.ori %shift_left3A_404, %iota3A : vector<16xi32>
      %gather3A_406 = tpu.vector_load_idx %arg7[%or3A_405] : memref<4096xi32, #tpu.memory_space<vmem>>[vector<16xi32>], vector<16xi32>,
      %shift_right_arithmetic3A_407 = arith.constant 10 : i32
      %shift_right_arithmetic3A_408 = vector.broadcast %shift_right_arithmetic3A_407 : i32 to vector<16xi32>
      %shift_right_arithmetic3A_409 = arith.shrsi %gather3A_406, %shift_right_arithmetic3A_408 : vector<16xi32>
      %mul3A_410 = arith.constant 21846 : i32
      %mul3A_411 = vector.broadcast %mul3A_410 : i32 to vector<16xi32>
      %mul3A_412 = arith.muli %shift_right_arithmetic3A_409, %mul3A_411 : vector<16xi32>
      %shift_right_arithmetic3A_413 = arith.constant 16 : i32
      %shift_right_arithmetic3A_414 = vector.broadcast %shift_right_arithmetic3A_413 : i32 to vector<16xi32>
      %shift_right_arithmetic3A_415 = arith.shrsi %mul3A_412, %shift_right_arithmetic3A_414 : vector<16xi32>
      %add3A_416 = arith.addi %gather3A_406, %shift_right_arithmetic3A_415 : vector<16xi32>
      tpu.vector_store_idx %arg5[%add3A_416], %gather3A_395 : memref<49168xi32, #tpu.memory_space<vmem>>[vector<16xi32>], vector<16xi32>,
      tpu.vector_store_idx %arg7[%or3A_405], %broadcast_in_dim3A_1 {add = true} : memref<4096xi32, #tpu.memory_space<vmem>>[vector<16xi32>], vector<16xi32>,
      %add3A_417 = arith.constant 6 : i32
      %add3A_418 = arith.addi %mul3A_265, %add3A_417 : i32
      %add3A_419 = vector.broadcast %add3A_418 : i32 to vector<16xi32>
      %add3A_420 = arith.addi %mul3A_6, %add3A_419 : vector<16xi32>
      %gather3A_421 = tpu.vector_load_idx %arg6[%add3A_420] : memref<49168xi32, #tpu.memory_space<vmem>>[vector<16xi32>], vector<16xi32>,
      %shift_right_arithmetic3A_422 = arith.constant 8 : i32
      %shift_right_arithmetic3A_423 = vector.broadcast %shift_right_arithmetic3A_422 : i32 to vector<16xi32>
      %shift_right_arithmetic3A_424 = arith.shrsi %gather3A_421, %shift_right_arithmetic3A_423 : vector<16xi32>
      %and3A_425 = arith.constant 255 : i32
      %and3A_426 = vector.broadcast %and3A_425 : i32 to vector<16xi32>
      %and3A_427 = arith.andi %shift_right_arithmetic3A_424, %and3A_426 : vector<16xi32>
      %shift_left3A_428 = arith.constant 4 : i32
      %shift_left3A_429 = vector.broadcast %shift_left3A_428 : i32 to vector<16xi32>
      %shift_left3A_430 = arith.shli %and3A_427, %shift_left3A_429 : vector<16xi32>
      %or3A_431 = arith.ori %shift_left3A_430, %iota3A : vector<16xi32>
      %gather3A_432 = tpu.vector_load_idx %arg7[%or3A_431] : memref<4096xi32, #tpu.memory_space<vmem>>[vector<16xi32>], vector<16xi32>,
      %shift_right_arithmetic3A_433 = arith.constant 10 : i32
      %shift_right_arithmetic3A_434 = vector.broadcast %shift_right_arithmetic3A_433 : i32 to vector<16xi32>
      %shift_right_arithmetic3A_435 = arith.shrsi %gather3A_432, %shift_right_arithmetic3A_434 : vector<16xi32>
      %mul3A_436 = arith.constant 21846 : i32
      %mul3A_437 = vector.broadcast %mul3A_436 : i32 to vector<16xi32>
      %mul3A_438 = arith.muli %shift_right_arithmetic3A_435, %mul3A_437 : vector<16xi32>
      %shift_right_arithmetic3A_439 = arith.constant 16 : i32
      %shift_right_arithmetic3A_440 = vector.broadcast %shift_right_arithmetic3A_439 : i32 to vector<16xi32>
      %shift_right_arithmetic3A_441 = arith.shrsi %mul3A_438, %shift_right_arithmetic3A_440 : vector<16xi32>
      %add3A_442 = arith.addi %gather3A_432, %shift_right_arithmetic3A_441 : vector<16xi32>
      tpu.vector_store_idx %arg5[%add3A_442], %gather3A_421 : memref<49168xi32, #tpu.memory_space<vmem>>[vector<16xi32>], vector<16xi32>,
      tpu.vector_store_idx %arg7[%or3A_431], %broadcast_in_dim3A_1 {add = true} : memref<4096xi32, #tpu.memory_space<vmem>>[vector<16xi32>], vector<16xi32>,
      %add3A_443 = arith.constant 7 : i32
      %add3A_444 = arith.addi %mul3A_265, %add3A_443 : i32
      %add3A_445 = vector.broadcast %add3A_444 : i32 to vector<16xi32>
      %add3A_446 = arith.addi %mul3A_6, %add3A_445 : vector<16xi32>
      %gather3A_447 = tpu.vector_load_idx %arg6[%add3A_446] : memref<49168xi32, #tpu.memory_space<vmem>>[vector<16xi32>], vector<16xi32>,
      %shift_right_arithmetic3A_448 = arith.constant 8 : i32
      %shift_right_arithmetic3A_449 = vector.broadcast %shift_right_arithmetic3A_448 : i32 to vector<16xi32>
      %shift_right_arithmetic3A_450 = arith.shrsi %gather3A_447, %shift_right_arithmetic3A_449 : vector<16xi32>
      %and3A_451 = arith.constant 255 : i32
      %and3A_452 = vector.broadcast %and3A_451 : i32 to vector<16xi32>
      %and3A_453 = arith.andi %shift_right_arithmetic3A_450, %and3A_452 : vector<16xi32>
      %shift_left3A_454 = arith.constant 4 : i32
      %shift_left3A_455 = vector.broadcast %shift_left3A_454 : i32 to vector<16xi32>
      %shift_left3A_456 = arith.shli %and3A_453, %shift_left3A_455 : vector<16xi32>
      %or3A_457 = arith.ori %shift_left3A_456, %iota3A : vector<16xi32>
      %gather3A_458 = tpu.vector_load_idx %arg7[%or3A_457] : memref<4096xi32, #tpu.memory_space<vmem>>[vector<16xi32>], vector<16xi32>,
      %shift_right_arithmetic3A_459 = arith.constant 10 : i32
      %shift_right_arithmetic3A_460 = vector.broadcast %shift_right_arithmetic3A_459 : i32 to vector<16xi32>
      %shift_right_arithmetic3A_461 = arith.shrsi %gather3A_458, %shift_right_arithmetic3A_460 : vector<16xi32>
      %mul3A_462 = arith.constant 21846 : i32
      %mul3A_463 = vector.broadcast %mul3A_462 : i32 to vector<16xi32>
      %mul3A_464 = arith.muli %shift_right_arithmetic3A_461, %mul3A_463 : vector<16xi32>
      %shift_right_arithmetic3A_465 = arith.constant 16 : i32
      %shift_right_arithmetic3A_466 = vector.broadcast %shift_right_arithmetic3A_465 : i32 to vector<16xi32>
      %shift_right_arithmetic3A_467 = arith.shrsi %mul3A_464, %shift_right_arithmetic3A_466 : vector<16xi32>
      %add3A_468 = arith.addi %gather3A_458, %shift_right_arithmetic3A_467 : vector<16xi32>
      tpu.vector_store_idx %arg5[%add3A_468], %gather3A_447 : memref<49168xi32, #tpu.memory_space<vmem>>[vector<16xi32>], vector<16xi32>,
      tpu.vector_store_idx %arg7[%or3A_457], %broadcast_in_dim3A_1 {add = true} : memref<4096xi32, #tpu.memory_space<vmem>>[vector<16xi32>], vector<16xi32>,
      %scan3A_469 = arith.constant 0 : i32
      scf.yield %scan3A_469 : i32
    }
    %scan3A_73 = arith.constant 384 : i32
    %scan3A_74 = arith.constant 0 : i32
    %scan3A_75 = arith.constant 0 : i32
    %scan3A_76 = arith.constant 32 : i32
    %scan3A_77 = arith.addi %scan3A_75, %scan3A_76 : i32
    %scan3A_78 = arith.constant 1 : i32
    %scan3A_79 = scf.for %scan3A_262 = %scan3A_75 to %scan3A_77 step %scan3A_78 iter_args(%scan3A_263 = %scan3A_74) -> (i32)  : i32 {
      %mul3A_264 = arith.constant 8 : i32
      %mul3A_265 = arith.muli %scan3A_262, %mul3A_264 : i32
      %add3A_266 = arith.constant 0 : i32
      %add3A_267 = arith.addi %mul3A_265, %add3A_266 : i32
      %mul3A_268 = arith.constant 16 : i32
      %mul3A_269 = arith.muli %add3A_267, %mul3A_268 : i32
      %swap3A_270 = arith.index_cast %mul3A_269 : i32 to index
      %swap3A_271 = tpu.vector_load %arg7[%swap3A_270] {strides = array<i32>} : memref<4096xi32, #tpu.memory_space<vmem>>, vector<16xi32>,
      tpu.vector_store %arg7[%swap3A_270], %broadcast_in_dim3A_3 {strides = array<i32>} : memref<4096xi32, #tpu.memory_space<vmem>>, vector<16xi32>,
      %add3A_272 = arith.constant 1 : i32
      %add3A_273 = arith.addi %mul3A_265, %add3A_272 : i32
      %mul3A_274 = arith.constant 16 : i32
      %mul3A_275 = arith.muli %add3A_273, %mul3A_274 : i32
      %swap3A_276 = arith.index_cast %mul3A_275 : i32 to index
      %swap3A_277 = tpu.vector_load %arg7[%swap3A_276] {strides = array<i32>} : memref<4096xi32, #tpu.memory_space<vmem>>, vector<16xi32>,
      tpu.vector_store %arg7[%swap3A_276], %broadcast_in_dim3A_3 {strides = array<i32>} : memref<4096xi32, #tpu.memory_space<vmem>>, vector<16xi32>,
      %add3A_278 = arith.constant 2 : i32
      %add3A_279 = arith.addi %mul3A_265, %add3A_278 : i32
      %mul3A_280 = arith.constant 16 : i32
      %mul3A_281 = arith.muli %add3A_279, %mul3A_280 : i32
      %swap3A_282 = arith.index_cast %mul3A_281 : i32 to index
      %swap3A_283 = tpu.vector_load %arg7[%swap3A_282] {strides = array<i32>} : memref<4096xi32, #tpu.memory_space<vmem>>, vector<16xi32>,
      tpu.vector_store %arg7[%swap3A_282], %broadcast_in_dim3A_3 {strides = array<i32>} : memref<4096xi32, #tpu.memory_space<vmem>>, vector<16xi32>,
      %add3A_284 = arith.constant 3 : i32
      %add3A_285 = arith.addi %mul3A_265, %add3A_284 : i32
      %mul3A_286 = arith.constant 16 : i32
      %mul3A_287 = arith.muli %add3A_285, %mul3A_286 : i32
      %swap3A_288 = arith.index_cast %mul3A_287 : i32 to index
      %swap3A_289 = tpu.vector_load %arg7[%swap3A_288] {strides = array<i32>} : memref<4096xi32, #tpu.memory_space<vmem>>, vector<16xi32>,
      tpu.vector_store %arg7[%swap3A_288], %broadcast_in_dim3A_3 {strides = array<i32>} : memref<4096xi32, #tpu.memory_space<vmem>>, vector<16xi32>,
      %add3A_290 = arith.constant 4 : i32
      %add3A_291 = arith.addi %mul3A_265, %add3A_290 : i32
      %mul3A_292 = arith.constant 16 : i32
      %mul3A_293 = arith.muli %add3A_291, %mul3A_292 : i32
      %swap3A_294 = arith.index_cast %mul3A_293 : i32 to index
      %swap3A_295 = tpu.vector_load %arg7[%swap3A_294] {strides = array<i32>} : memref<4096xi32, #tpu.memory_space<vmem>>, vector<16xi32>,
      tpu.vector_store %arg7[%swap3A_294], %broadcast_in_dim3A_3 {strides = array<i32>} : memref<4096xi32, #tpu.memory_space<vmem>>, vector<16xi32>,
      %add3A_296 = arith.constant 5 : i32
      %add3A_297 = arith.addi %mul3A_265, %add3A_296 : i32
      %mul3A_298 = arith.constant 16 : i32
      %mul3A_299 = arith.muli %add3A_297, %mul3A_298 : i32
      %swap3A_300 = arith.index_cast %mul3A_299 : i32 to index
      %swap3A_301 = tpu.vector_load %arg7[%swap3A_300] {strides = array<i32>} : memref<4096xi32, #tpu.memory_space<vmem>>, vector<16xi32>,
      tpu.vector_store %arg7[%swap3A_300], %broadcast_in_dim3A_3 {strides = array<i32>} : memref<4096xi32, #tpu.memory_space<vmem>>, vector<16xi32>,
      %add3A_302 = arith.constant 6 : i32
      %add3A_303 = arith.addi %mul3A_265, %add3A_302 : i32
      %mul3A_304 = arith.constant 16 : i32
      %mul3A_305 = arith.muli %add3A_303, %mul3A_304 : i32
      %swap3A_306 = arith.index_cast %mul3A_305 : i32 to index
      %swap3A_307 = tpu.vector_load %arg7[%swap3A_306] {strides = array<i32>} : memref<4096xi32, #tpu.memory_space<vmem>>, vector<16xi32>,
      tpu.vector_store %arg7[%swap3A_306], %broadcast_in_dim3A_3 {strides = array<i32>} : memref<4096xi32, #tpu.memory_space<vmem>>, vector<16xi32>,
      %add3A_308 = arith.constant 7 : i32
      %add3A_309 = arith.addi %mul3A_265, %add3A_308 : i32
      %mul3A_310 = arith.constant 16 : i32
      %mul3A_311 = arith.muli %add3A_309, %mul3A_310 : i32
      %swap3A_312 = arith.index_cast %mul3A_311 : i32 to index
      %swap3A_313 = tpu.vector_load %arg7[%swap3A_312] {strides = array<i32>} : memref<4096xi32, #tpu.memory_space<vmem>>, vector<16xi32>,
      tpu.vector_store %arg7[%swap3A_312], %broadcast_in_dim3A_3 {strides = array<i32>} : memref<4096xi32, #tpu.memory_space<vmem>>, vector<16xi32>,
      %scan3A_314 = arith.constant 0 : i32
      scf.yield %scan3A_314 : i32
    }
    %scan3A_80 = arith.constant 32 : i32
    %scan3A_81 = arith.constant 0 : i32
    %scan3A_82 = arith.constant 0 : i32
    %scan3A_83 = arith.constant 384 : i32
    %scan3A_84 = arith.addi %scan3A_82, %scan3A_83 : i32
    %scan3A_85 = arith.constant 1 : i32
    %scan3A_86 = scf.for %scan3A_262 = %scan3A_82 to %scan3A_84 step %scan3A_85 iter_args(%scan3A_263 = %scan3A_81) -> (i32)  : i32 {
      %mul3A_264 = arith.constant 8 : i32
      %mul3A_265 = arith.muli %scan3A_262, %mul3A_264 : i32
      %add3A_266 = arith.constant 0 : i32
      %add3A_267 = arith.addi %mul3A_265, %add3A_266 : i32
      %add3A_268 = vector.broadcast %add3A_267 : i32 to vector<16xi32>
      %add3A_269 = arith.addi %mul3A_6, %add3A_268 : vector<16xi32>
      %gather3A = tpu.vector_load_idx %arg5[%add3A_269] : memref<49168xi32, #tpu.memory_space<vmem>>[vector<16xi32>], vector<16xi32>,
      %shift_right_arithmetic3A = arith.constant 16 : i32
      %shift_right_arithmetic3A_270 = vector.broadcast %shift_right_arithmetic3A : i32 to vector<16xi32>
      %shift_right_arithmetic3A_271 = arith.shrsi %gather3A, %shift_right_arithmetic3A_270 : vector<16xi32>
      %and3A = arith.constant 255 : i32
      %and3A_272 = vector.broadcast %and3A : i32 to vector<16xi32>
      %and3A_273 = arith.andi %shift_right_arithmetic3A_271, %and3A_272 : vector<16xi32>
      %shift_left3A = arith.constant 4 : i32
      %shift_left3A_274 = vector.broadcast %shift_left3A : i32 to vector<16xi32>
      %shift_left3A_275 = arith.shli %and3A_273, %shift_left3A_274 : vector<16xi32>
      %or3A = arith.ori %shift_left3A_275, %iota3A : vector<16xi32>
      tpu.vector_store_idx %arg7[%or3A], %broadcast_in_dim3A_1 {add = true} : memref<4096xi32, #tpu.memory_space<vmem>>[vector<16xi32>], vector<16xi32>,
      %add3A_276 = arith.constant 1 : i32
      %add3A_277 = arith.addi %mul3A_265, %add3A_276 : i32
      %add3A_278 = vector.broadcast %add3A_277 : i32 to vector<16xi32>
      %add3A_279 = arith.addi %mul3A_6, %add3A_278 : vector<16xi32>
      %gather3A_280 = tpu.vector_load_idx %arg5[%add3A_279] : memref<49168xi32, #tpu.memory_space<vmem>>[vector<16xi32>], vector<16xi32>,
      %shift_right_arithmetic3A_281 = arith.constant 16 : i32
      %shift_right_arithmetic3A_282 = vector.broadcast %shift_right_arithmetic3A_281 : i32 to vector<16xi32>
      %shift_right_arithmetic3A_283 = arith.shrsi %gather3A_280, %shift_right_arithmetic3A_282 : vector<16xi32>
      %and3A_284 = arith.constant 255 : i32
      %and3A_285 = vector.broadcast %and3A_284 : i32 to vector<16xi32>
      %and3A_286 = arith.andi %shift_right_arithmetic3A_283, %and3A_285 : vector<16xi32>
      %shift_left3A_287 = arith.constant 4 : i32
      %shift_left3A_288 = vector.broadcast %shift_left3A_287 : i32 to vector<16xi32>
      %shift_left3A_289 = arith.shli %and3A_286, %shift_left3A_288 : vector<16xi32>
      %or3A_290 = arith.ori %shift_left3A_289, %iota3A : vector<16xi32>
      tpu.vector_store_idx %arg7[%or3A_290], %broadcast_in_dim3A_1 {add = true} : memref<4096xi32, #tpu.memory_space<vmem>>[vector<16xi32>], vector<16xi32>,
      %add3A_291 = arith.constant 2 : i32
      %add3A_292 = arith.addi %mul3A_265, %add3A_291 : i32
      %add3A_293 = vector.broadcast %add3A_292 : i32 to vector<16xi32>
      %add3A_294 = arith.addi %mul3A_6, %add3A_293 : vector<16xi32>
      %gather3A_295 = tpu.vector_load_idx %arg5[%add3A_294] : memref<49168xi32, #tpu.memory_space<vmem>>[vector<16xi32>], vector<16xi32>,
      %shift_right_arithmetic3A_296 = arith.constant 16 : i32
      %shift_right_arithmetic3A_297 = vector.broadcast %shift_right_arithmetic3A_296 : i32 to vector<16xi32>
      %shift_right_arithmetic3A_298 = arith.shrsi %gather3A_295, %shift_right_arithmetic3A_297 : vector<16xi32>
      %and3A_299 = arith.constant 255 : i32
      %and3A_300 = vector.broadcast %and3A_299 : i32 to vector<16xi32>
      %and3A_301 = arith.andi %shift_right_arithmetic3A_298, %and3A_300 : vector<16xi32>
      %shift_left3A_302 = arith.constant 4 : i32
      %shift_left3A_303 = vector.broadcast %shift_left3A_302 : i32 to vector<16xi32>
      %shift_left3A_304 = arith.shli %and3A_301, %shift_left3A_303 : vector<16xi32>
      %or3A_305 = arith.ori %shift_left3A_304, %iota3A : vector<16xi32>
      tpu.vector_store_idx %arg7[%or3A_305], %broadcast_in_dim3A_1 {add = true} : memref<4096xi32, #tpu.memory_space<vmem>>[vector<16xi32>], vector<16xi32>,
      %add3A_306 = arith.constant 3 : i32
      %add3A_307 = arith.addi %mul3A_265, %add3A_306 : i32
      %add3A_308 = vector.broadcast %add3A_307 : i32 to vector<16xi32>
      %add3A_309 = arith.addi %mul3A_6, %add3A_308 : vector<16xi32>
      %gather3A_310 = tpu.vector_load_idx %arg5[%add3A_309] : memref<49168xi32, #tpu.memory_space<vmem>>[vector<16xi32>], vector<16xi32>,
      %shift_right_arithmetic3A_311 = arith.constant 16 : i32
      %shift_right_arithmetic3A_312 = vector.broadcast %shift_right_arithmetic3A_311 : i32 to vector<16xi32>
      %shift_right_arithmetic3A_313 = arith.shrsi %gather3A_310, %shift_right_arithmetic3A_312 : vector<16xi32>
      %and3A_314 = arith.constant 255 : i32
      %and3A_315 = vector.broadcast %and3A_314 : i32 to vector<16xi32>
      %and3A_316 = arith.andi %shift_right_arithmetic3A_313, %and3A_315 : vector<16xi32>
      %shift_left3A_317 = arith.constant 4 : i32
      %shift_left3A_318 = vector.broadcast %shift_left3A_317 : i32 to vector<16xi32>
      %shift_left3A_319 = arith.shli %and3A_316, %shift_left3A_318 : vector<16xi32>
      %or3A_320 = arith.ori %shift_left3A_319, %iota3A : vector<16xi32>
      tpu.vector_store_idx %arg7[%or3A_320], %broadcast_in_dim3A_1 {add = true} : memref<4096xi32, #tpu.memory_space<vmem>>[vector<16xi32>], vector<16xi32>,
      %add3A_321 = arith.constant 4 : i32
      %add3A_322 = arith.addi %mul3A_265, %add3A_321 : i32
      %add3A_323 = vector.broadcast %add3A_322 : i32 to vector<16xi32>
      %add3A_324 = arith.addi %mul3A_6, %add3A_323 : vector<16xi32>
      %gather3A_325 = tpu.vector_load_idx %arg5[%add3A_324] : memref<49168xi32, #tpu.memory_space<vmem>>[vector<16xi32>], vector<16xi32>,
      %shift_right_arithmetic3A_326 = arith.constant 16 : i32
      %shift_right_arithmetic3A_327 = vector.broadcast %shift_right_arithmetic3A_326 : i32 to vector<16xi32>
      %shift_right_arithmetic3A_328 = arith.shrsi %gather3A_325, %shift_right_arithmetic3A_327 : vector<16xi32>
      %and3A_329 = arith.constant 255 : i32
      %and3A_330 = vector.broadcast %and3A_329 : i32 to vector<16xi32>
      %and3A_331 = arith.andi %shift_right_arithmetic3A_328, %and3A_330 : vector<16xi32>
      %shift_left3A_332 = arith.constant 4 : i32
      %shift_left3A_333 = vector.broadcast %shift_left3A_332 : i32 to vector<16xi32>
      %shift_left3A_334 = arith.shli %and3A_331, %shift_left3A_333 : vector<16xi32>
      %or3A_335 = arith.ori %shift_left3A_334, %iota3A : vector<16xi32>
      tpu.vector_store_idx %arg7[%or3A_335], %broadcast_in_dim3A_1 {add = true} : memref<4096xi32, #tpu.memory_space<vmem>>[vector<16xi32>], vector<16xi32>,
      %add3A_336 = arith.constant 5 : i32
      %add3A_337 = arith.addi %mul3A_265, %add3A_336 : i32
      %add3A_338 = vector.broadcast %add3A_337 : i32 to vector<16xi32>
      %add3A_339 = arith.addi %mul3A_6, %add3A_338 : vector<16xi32>
      %gather3A_340 = tpu.vector_load_idx %arg5[%add3A_339] : memref<49168xi32, #tpu.memory_space<vmem>>[vector<16xi32>], vector<16xi32>,
      %shift_right_arithmetic3A_341 = arith.constant 16 : i32
      %shift_right_arithmetic3A_342 = vector.broadcast %shift_right_arithmetic3A_341 : i32 to vector<16xi32>
      %shift_right_arithmetic3A_343 = arith.shrsi %gather3A_340, %shift_right_arithmetic3A_342 : vector<16xi32>
      %and3A_344 = arith.constant 255 : i32
      %and3A_345 = vector.broadcast %and3A_344 : i32 to vector<16xi32>
      %and3A_346 = arith.andi %shift_right_arithmetic3A_343, %and3A_345 : vector<16xi32>
      %shift_left3A_347 = arith.constant 4 : i32
      %shift_left3A_348 = vector.broadcast %shift_left3A_347 : i32 to vector<16xi32>
      %shift_left3A_349 = arith.shli %and3A_346, %shift_left3A_348 : vector<16xi32>
      %or3A_350 = arith.ori %shift_left3A_349, %iota3A : vector<16xi32>
      tpu.vector_store_idx %arg7[%or3A_350], %broadcast_in_dim3A_1 {add = true} : memref<4096xi32, #tpu.memory_space<vmem>>[vector<16xi32>], vector<16xi32>,
      %add3A_351 = arith.constant 6 : i32
      %add3A_352 = arith.addi %mul3A_265, %add3A_351 : i32
      %add3A_353 = vector.broadcast %add3A_352 : i32 to vector<16xi32>
      %add3A_354 = arith.addi %mul3A_6, %add3A_353 : vector<16xi32>
      %gather3A_355 = tpu.vector_load_idx %arg5[%add3A_354] : memref<49168xi32, #tpu.memory_space<vmem>>[vector<16xi32>], vector<16xi32>,
      %shift_right_arithmetic3A_356 = arith.constant 16 : i32
      %shift_right_arithmetic3A_357 = vector.broadcast %shift_right_arithmetic3A_356 : i32 to vector<16xi32>
      %shift_right_arithmetic3A_358 = arith.shrsi %gather3A_355, %shift_right_arithmetic3A_357 : vector<16xi32>
      %and3A_359 = arith.constant 255 : i32
      %and3A_360 = vector.broadcast %and3A_359 : i32 to vector<16xi32>
      %and3A_361 = arith.andi %shift_right_arithmetic3A_358, %and3A_360 : vector<16xi32>
      %shift_left3A_362 = arith.constant 4 : i32
      %shift_left3A_363 = vector.broadcast %shift_left3A_362 : i32 to vector<16xi32>
      %shift_left3A_364 = arith.shli %and3A_361, %shift_left3A_363 : vector<16xi32>
      %or3A_365 = arith.ori %shift_left3A_364, %iota3A : vector<16xi32>
      tpu.vector_store_idx %arg7[%or3A_365], %broadcast_in_dim3A_1 {add = true} : memref<4096xi32, #tpu.memory_space<vmem>>[vector<16xi32>], vector<16xi32>,
      %add3A_366 = arith.constant 7 : i32
      %add3A_367 = arith.addi %mul3A_265, %add3A_366 : i32
      %add3A_368 = vector.broadcast %add3A_367 : i32 to vector<16xi32>
      %add3A_369 = arith.addi %mul3A_6, %add3A_368 : vector<16xi32>
      %gather3A_370 = tpu.vector_load_idx %arg5[%add3A_369] : memref<49168xi32, #tpu.memory_space<vmem>>[vector<16xi32>], vector<16xi32>,
      %shift_right_arithmetic3A_371 = arith.constant 16 : i32
      %shift_right_arithmetic3A_372 = vector.broadcast %shift_right_arithmetic3A_371 : i32 to vector<16xi32>
      %shift_right_arithmetic3A_373 = arith.shrsi %gather3A_370, %shift_right_arithmetic3A_372 : vector<16xi32>
      %and3A_374 = arith.constant 255 : i32
      %and3A_375 = vector.broadcast %and3A_374 : i32 to vector<16xi32>
      %and3A_376 = arith.andi %shift_right_arithmetic3A_373, %and3A_375 : vector<16xi32>
      %shift_left3A_377 = arith.constant 4 : i32
      %shift_left3A_378 = vector.broadcast %shift_left3A_377 : i32 to vector<16xi32>
      %shift_left3A_379 = arith.shli %and3A_376, %shift_left3A_378 : vector<16xi32>
      %or3A_380 = arith.ori %shift_left3A_379, %iota3A : vector<16xi32>
      tpu.vector_store_idx %arg7[%or3A_380], %broadcast_in_dim3A_1 {add = true} : memref<4096xi32, #tpu.memory_space<vmem>>[vector<16xi32>], vector<16xi32>,
      %scan3A_381 = arith.constant 0 : i32
      scf.yield %scan3A_381 : i32
    }
    %scan3A_87 = arith.constant 384 : i32
    %scan3A_88 = arith.constant 0 : i32
    %scan3A_89 = arith.constant 0 : i32
    %scan3A_90 = arith.constant 256 : i32
    %scan3A_91 = arith.addi %scan3A_89, %scan3A_90 : i32
    %scan3A_92 = arith.constant 1 : i32
    %scan3A_93 = scf.for %scan3A_262 = %scan3A_89 to %scan3A_91 step %scan3A_92 iter_args(%scan3A_263 = %scan3A_88) -> (i32)  : i32 {
      %mul3A_264 = arith.constant 16 : i32
      %mul3A_265 = arith.muli %scan3A_262, %mul3A_264 : i32
      %get3A = arith.index_cast %mul3A_265 : i32 to index
      %get3A_266 = tpu.vector_load %arg7[%get3A] {strides = array<i32>} : memref<4096xi32, #tpu.memory_space<vmem>>, vector<16xi32>,
      %broadcast_in_dim3A_267 = arith.constant true
      %broadcast_in_dim3A_268 = vector.broadcast %broadcast_in_dim3A_267 : i1 to vector<16xi1>
      %masked_cumsum3A = tpu.scan <sum>, %get3A_266 masked %broadcast_in_dim3A_268 : vector<16xi32>, vector<16xi1> -> vector<16xi32>
      %sub3A = arith.subi %masked_cumsum3A, %get3A_266 : vector<16xi32>
      %add3A_269 = vector.broadcast %scan3A_263 : i32 to vector<16xi32>
      %add3A_270 = arith.addi %sub3A, %add3A_269 : vector<16xi32>
      %mul3A_271 = arith.constant 16 : i32
      %mul3A_272 = arith.muli %scan3A_262, %mul3A_271 : i32
      %swap3A_273 = arith.index_cast %mul3A_272 : i32 to index
      %swap3A_274 = tpu.vector_load %arg7[%swap3A_273] {strides = array<i32>} : memref<4096xi32, #tpu.memory_space<vmem>>, vector<16xi32>,
      tpu.vector_store %arg7[%swap3A_273], %add3A_270 {strides = array<i32>} : memref<4096xi32, #tpu.memory_space<vmem>>, vector<16xi32>,
      %reduce_sum3A = arith.constant true
      %reduce_sum3A_275 = vector.broadcast %reduce_sum3A : i1 to vector<16xi1>
      %reduce_sum3A_276 = tpu.scan <sum>, %get3A_266 masked %reduce_sum3A_275 : vector<16xi32>, vector<16xi1> -> vector<16xi32>
      %reduce_sum3A_277 = vector.extract %reduce_sum3A_276[15] : i32 from vector<16xi32>
      %add3A_278 = arith.addi %scan3A_263, %reduce_sum3A_277 : i32
      scf.yield %add3A_278 : i32
    }
    %scan3A_94 = arith.constant 256 : i32
    %scan3A_95 = arith.constant 0 : i32
    %scan3A_96 = arith.constant 0 : i32
    %scan3A_97 = arith.constant 384 : i32
    %scan3A_98 = arith.addi %scan3A_96, %scan3A_97 : i32
    %scan3A_99 = arith.constant 1 : i32
    %scan3A_100 = scf.for %scan3A_262 = %scan3A_96 to %scan3A_98 step %scan3A_99 iter_args(%scan3A_263 = %scan3A_95) -> (i32)  : i32 {
      %mul3A_264 = arith.constant 8 : i32
      %mul3A_265 = arith.muli %scan3A_262, %mul3A_264 : i32
      %add3A_266 = arith.constant 0 : i32
      %add3A_267 = arith.addi %mul3A_265, %add3A_266 : i32
      %add3A_268 = vector.broadcast %add3A_267 : i32 to vector<16xi32>
      %add3A_269 = arith.addi %mul3A_6, %add3A_268 : vector<16xi32>
      %gather3A = tpu.vector_load_idx %arg5[%add3A_269] : memref<49168xi32, #tpu.memory_space<vmem>>[vector<16xi32>], vector<16xi32>,
      %shift_right_arithmetic3A = arith.constant 16 : i32
      %shift_right_arithmetic3A_270 = vector.broadcast %shift_right_arithmetic3A : i32 to vector<16xi32>
      %shift_right_arithmetic3A_271 = arith.shrsi %gather3A, %shift_right_arithmetic3A_270 : vector<16xi32>
      %and3A = arith.constant 255 : i32
      %and3A_272 = vector.broadcast %and3A : i32 to vector<16xi32>
      %and3A_273 = arith.andi %shift_right_arithmetic3A_271, %and3A_272 : vector<16xi32>
      %shift_left3A = arith.constant 4 : i32
      %shift_left3A_274 = vector.broadcast %shift_left3A : i32 to vector<16xi32>
      %shift_left3A_275 = arith.shli %and3A_273, %shift_left3A_274 : vector<16xi32>
      %or3A = arith.ori %shift_left3A_275, %iota3A : vector<16xi32>
      %gather3A_276 = tpu.vector_load_idx %arg7[%or3A] : memref<4096xi32, #tpu.memory_space<vmem>>[vector<16xi32>], vector<16xi32>,
      %shift_right_arithmetic3A_277 = arith.constant 10 : i32
      %shift_right_arithmetic3A_278 = vector.broadcast %shift_right_arithmetic3A_277 : i32 to vector<16xi32>
      %shift_right_arithmetic3A_279 = arith.shrsi %gather3A_276, %shift_right_arithmetic3A_278 : vector<16xi32>
      %mul3A_280 = arith.constant 21846 : i32
      %mul3A_281 = vector.broadcast %mul3A_280 : i32 to vector<16xi32>
      %mul3A_282 = arith.muli %shift_right_arithmetic3A_279, %mul3A_281 : vector<16xi32>
      %shift_right_arithmetic3A_283 = arith.constant 16 : i32
      %shift_right_arithmetic3A_284 = vector.broadcast %shift_right_arithmetic3A_283 : i32 to vector<16xi32>
      %shift_right_arithmetic3A_285 = arith.shrsi %mul3A_282, %shift_right_arithmetic3A_284 : vector<16xi32>
      %add3A_286 = arith.addi %gather3A_276, %shift_right_arithmetic3A_285 : vector<16xi32>
      tpu.vector_store_idx %arg6[%add3A_286], %gather3A : memref<49168xi32, #tpu.memory_space<vmem>>[vector<16xi32>], vector<16xi32>,
      tpu.vector_store_idx %arg7[%or3A], %broadcast_in_dim3A_1 {add = true} : memref<4096xi32, #tpu.memory_space<vmem>>[vector<16xi32>], vector<16xi32>,
      %add3A_287 = arith.constant 1 : i32
      %add3A_288 = arith.addi %mul3A_265, %add3A_287 : i32
      %add3A_289 = vector.broadcast %add3A_288 : i32 to vector<16xi32>
      %add3A_290 = arith.addi %mul3A_6, %add3A_289 : vector<16xi32>
      %gather3A_291 = tpu.vector_load_idx %arg5[%add3A_290] : memref<49168xi32, #tpu.memory_space<vmem>>[vector<16xi32>], vector<16xi32>,
      %shift_right_arithmetic3A_292 = arith.constant 16 : i32
      %shift_right_arithmetic3A_293 = vector.broadcast %shift_right_arithmetic3A_292 : i32 to vector<16xi32>
      %shift_right_arithmetic3A_294 = arith.shrsi %gather3A_291, %shift_right_arithmetic3A_293 : vector<16xi32>
      %and3A_295 = arith.constant 255 : i32
      %and3A_296 = vector.broadcast %and3A_295 : i32 to vector<16xi32>
      %and3A_297 = arith.andi %shift_right_arithmetic3A_294, %and3A_296 : vector<16xi32>
      %shift_left3A_298 = arith.constant 4 : i32
      %shift_left3A_299 = vector.broadcast %shift_left3A_298 : i32 to vector<16xi32>
      %shift_left3A_300 = arith.shli %and3A_297, %shift_left3A_299 : vector<16xi32>
      %or3A_301 = arith.ori %shift_left3A_300, %iota3A : vector<16xi32>
      %gather3A_302 = tpu.vector_load_idx %arg7[%or3A_301] : memref<4096xi32, #tpu.memory_space<vmem>>[vector<16xi32>], vector<16xi32>,
      %shift_right_arithmetic3A_303 = arith.constant 10 : i32
      %shift_right_arithmetic3A_304 = vector.broadcast %shift_right_arithmetic3A_303 : i32 to vector<16xi32>
      %shift_right_arithmetic3A_305 = arith.shrsi %gather3A_302, %shift_right_arithmetic3A_304 : vector<16xi32>
      %mul3A_306 = arith.constant 21846 : i32
      %mul3A_307 = vector.broadcast %mul3A_306 : i32 to vector<16xi32>
      %mul3A_308 = arith.muli %shift_right_arithmetic3A_305, %mul3A_307 : vector<16xi32>
      %shift_right_arithmetic3A_309 = arith.constant 16 : i32
      %shift_right_arithmetic3A_310 = vector.broadcast %shift_right_arithmetic3A_309 : i32 to vector<16xi32>
      %shift_right_arithmetic3A_311 = arith.shrsi %mul3A_308, %shift_right_arithmetic3A_310 : vector<16xi32>
      %add3A_312 = arith.addi %gather3A_302, %shift_right_arithmetic3A_311 : vector<16xi32>
      tpu.vector_store_idx %arg6[%add3A_312], %gather3A_291 : memref<49168xi32, #tpu.memory_space<vmem>>[vector<16xi32>], vector<16xi32>,
      tpu.vector_store_idx %arg7[%or3A_301], %broadcast_in_dim3A_1 {add = true} : memref<4096xi32, #tpu.memory_space<vmem>>[vector<16xi32>], vector<16xi32>,
      %add3A_313 = arith.constant 2 : i32
      %add3A_314 = arith.addi %mul3A_265, %add3A_313 : i32
      %add3A_315 = vector.broadcast %add3A_314 : i32 to vector<16xi32>
      %add3A_316 = arith.addi %mul3A_6, %add3A_315 : vector<16xi32>
      %gather3A_317 = tpu.vector_load_idx %arg5[%add3A_316] : memref<49168xi32, #tpu.memory_space<vmem>>[vector<16xi32>], vector<16xi32>,
      %shift_right_arithmetic3A_318 = arith.constant 16 : i32
      %shift_right_arithmetic3A_319 = vector.broadcast %shift_right_arithmetic3A_318 : i32 to vector<16xi32>
      %shift_right_arithmetic3A_320 = arith.shrsi %gather3A_317, %shift_right_arithmetic3A_319 : vector<16xi32>
      %and3A_321 = arith.constant 255 : i32
      %and3A_322 = vector.broadcast %and3A_321 : i32 to vector<16xi32>
      %and3A_323 = arith.andi %shift_right_arithmetic3A_320, %and3A_322 : vector<16xi32>
      %shift_left3A_324 = arith.constant 4 : i32
      %shift_left3A_325 = vector.broadcast %shift_left3A_324 : i32 to vector<16xi32>
      %shift_left3A_326 = arith.shli %and3A_323, %shift_left3A_325 : vector<16xi32>
      %or3A_327 = arith.ori %shift_left3A_326, %iota3A : vector<16xi32>
      %gather3A_328 = tpu.vector_load_idx %arg7[%or3A_327] : memref<4096xi32, #tpu.memory_space<vmem>>[vector<16xi32>], vector<16xi32>,
      %shift_right_arithmetic3A_329 = arith.constant 10 : i32
      %shift_right_arithmetic3A_330 = vector.broadcast %shift_right_arithmetic3A_329 : i32 to vector<16xi32>
      %shift_right_arithmetic3A_331 = arith.shrsi %gather3A_328, %shift_right_arithmetic3A_330 : vector<16xi32>
      %mul3A_332 = arith.constant 21846 : i32
      %mul3A_333 = vector.broadcast %mul3A_332 : i32 to vector<16xi32>
      %mul3A_334 = arith.muli %shift_right_arithmetic3A_331, %mul3A_333 : vector<16xi32>
      %shift_right_arithmetic3A_335 = arith.constant 16 : i32
      %shift_right_arithmetic3A_336 = vector.broadcast %shift_right_arithmetic3A_335 : i32 to vector<16xi32>
      %shift_right_arithmetic3A_337 = arith.shrsi %mul3A_334, %shift_right_arithmetic3A_336 : vector<16xi32>
      %add3A_338 = arith.addi %gather3A_328, %shift_right_arithmetic3A_337 : vector<16xi32>
      tpu.vector_store_idx %arg6[%add3A_338], %gather3A_317 : memref<49168xi32, #tpu.memory_space<vmem>>[vector<16xi32>], vector<16xi32>,
      tpu.vector_store_idx %arg7[%or3A_327], %broadcast_in_dim3A_1 {add = true} : memref<4096xi32, #tpu.memory_space<vmem>>[vector<16xi32>], vector<16xi32>,
      %add3A_339 = arith.constant 3 : i32
      %add3A_340 = arith.addi %mul3A_265, %add3A_339 : i32
      %add3A_341 = vector.broadcast %add3A_340 : i32 to vector<16xi32>
      %add3A_342 = arith.addi %mul3A_6, %add3A_341 : vector<16xi32>
      %gather3A_343 = tpu.vector_load_idx %arg5[%add3A_342] : memref<49168xi32, #tpu.memory_space<vmem>>[vector<16xi32>], vector<16xi32>,
      %shift_right_arithmetic3A_344 = arith.constant 16 : i32
      %shift_right_arithmetic3A_345 = vector.broadcast %shift_right_arithmetic3A_344 : i32 to vector<16xi32>
      %shift_right_arithmetic3A_346 = arith.shrsi %gather3A_343, %shift_right_arithmetic3A_345 : vector<16xi32>
      %and3A_347 = arith.constant 255 : i32
      %and3A_348 = vector.broadcast %and3A_347 : i32 to vector<16xi32>
      %and3A_349 = arith.andi %shift_right_arithmetic3A_346, %and3A_348 : vector<16xi32>
      %shift_left3A_350 = arith.constant 4 : i32
      %shift_left3A_351 = vector.broadcast %shift_left3A_350 : i32 to vector<16xi32>
      %shift_left3A_352 = arith.shli %and3A_349, %shift_left3A_351 : vector<16xi32>
      %or3A_353 = arith.ori %shift_left3A_352, %iota3A : vector<16xi32>
      %gather3A_354 = tpu.vector_load_idx %arg7[%or3A_353] : memref<4096xi32, #tpu.memory_space<vmem>>[vector<16xi32>], vector<16xi32>,
      %shift_right_arithmetic3A_355 = arith.constant 10 : i32
      %shift_right_arithmetic3A_356 = vector.broadcast %shift_right_arithmetic3A_355 : i32 to vector<16xi32>
      %shift_right_arithmetic3A_357 = arith.shrsi %gather3A_354, %shift_right_arithmetic3A_356 : vector<16xi32>
      %mul3A_358 = arith.constant 21846 : i32
      %mul3A_359 = vector.broadcast %mul3A_358 : i32 to vector<16xi32>
      %mul3A_360 = arith.muli %shift_right_arithmetic3A_357, %mul3A_359 : vector<16xi32>
      %shift_right_arithmetic3A_361 = arith.constant 16 : i32
      %shift_right_arithmetic3A_362 = vector.broadcast %shift_right_arithmetic3A_361 : i32 to vector<16xi32>
      %shift_right_arithmetic3A_363 = arith.shrsi %mul3A_360, %shift_right_arithmetic3A_362 : vector<16xi32>
      %add3A_364 = arith.addi %gather3A_354, %shift_right_arithmetic3A_363 : vector<16xi32>
      tpu.vector_store_idx %arg6[%add3A_364], %gather3A_343 : memref<49168xi32, #tpu.memory_space<vmem>>[vector<16xi32>], vector<16xi32>,
      tpu.vector_store_idx %arg7[%or3A_353], %broadcast_in_dim3A_1 {add = true} : memref<4096xi32, #tpu.memory_space<vmem>>[vector<16xi32>], vector<16xi32>,
      %add3A_365 = arith.constant 4 : i32
      %add3A_366 = arith.addi %mul3A_265, %add3A_365 : i32
      %add3A_367 = vector.broadcast %add3A_366 : i32 to vector<16xi32>
      %add3A_368 = arith.addi %mul3A_6, %add3A_367 : vector<16xi32>
      %gather3A_369 = tpu.vector_load_idx %arg5[%add3A_368] : memref<49168xi32, #tpu.memory_space<vmem>>[vector<16xi32>], vector<16xi32>,
      %shift_right_arithmetic3A_370 = arith.constant 16 : i32
      %shift_right_arithmetic3A_371 = vector.broadcast %shift_right_arithmetic3A_370 : i32 to vector<16xi32>
      %shift_right_arithmetic3A_372 = arith.shrsi %gather3A_369, %shift_right_arithmetic3A_371 : vector<16xi32>
      %and3A_373 = arith.constant 255 : i32
      %and3A_374 = vector.broadcast %and3A_373 : i32 to vector<16xi32>
      %and3A_375 = arith.andi %shift_right_arithmetic3A_372, %and3A_374 : vector<16xi32>
      %shift_left3A_376 = arith.constant 4 : i32
      %shift_left3A_377 = vector.broadcast %shift_left3A_376 : i32 to vector<16xi32>
      %shift_left3A_378 = arith.shli %and3A_375, %shift_left3A_377 : vector<16xi32>
      %or3A_379 = arith.ori %shift_left3A_378, %iota3A : vector<16xi32>
      %gather3A_380 = tpu.vector_load_idx %arg7[%or3A_379] : memref<4096xi32, #tpu.memory_space<vmem>>[vector<16xi32>], vector<16xi32>,
      %shift_right_arithmetic3A_381 = arith.constant 10 : i32
      %shift_right_arithmetic3A_382 = vector.broadcast %shift_right_arithmetic3A_381 : i32 to vector<16xi32>
      %shift_right_arithmetic3A_383 = arith.shrsi %gather3A_380, %shift_right_arithmetic3A_382 : vector<16xi32>
      %mul3A_384 = arith.constant 21846 : i32
      %mul3A_385 = vector.broadcast %mul3A_384 : i32 to vector<16xi32>
      %mul3A_386 = arith.muli %shift_right_arithmetic3A_383, %mul3A_385 : vector<16xi32>
      %shift_right_arithmetic3A_387 = arith.constant 16 : i32
      %shift_right_arithmetic3A_388 = vector.broadcast %shift_right_arithmetic3A_387 : i32 to vector<16xi32>
      %shift_right_arithmetic3A_389 = arith.shrsi %mul3A_386, %shift_right_arithmetic3A_388 : vector<16xi32>
      %add3A_390 = arith.addi %gather3A_380, %shift_right_arithmetic3A_389 : vector<16xi32>
      tpu.vector_store_idx %arg6[%add3A_390], %gather3A_369 : memref<49168xi32, #tpu.memory_space<vmem>>[vector<16xi32>], vector<16xi32>,
      tpu.vector_store_idx %arg7[%or3A_379], %broadcast_in_dim3A_1 {add = true} : memref<4096xi32, #tpu.memory_space<vmem>>[vector<16xi32>], vector<16xi32>,
      %add3A_391 = arith.constant 5 : i32
      %add3A_392 = arith.addi %mul3A_265, %add3A_391 : i32
      %add3A_393 = vector.broadcast %add3A_392 : i32 to vector<16xi32>
      %add3A_394 = arith.addi %mul3A_6, %add3A_393 : vector<16xi32>
      %gather3A_395 = tpu.vector_load_idx %arg5[%add3A_394] : memref<49168xi32, #tpu.memory_space<vmem>>[vector<16xi32>], vector<16xi32>,
      %shift_right_arithmetic3A_396 = arith.constant 16 : i32
      %shift_right_arithmetic3A_397 = vector.broadcast %shift_right_arithmetic3A_396 : i32 to vector<16xi32>
      %shift_right_arithmetic3A_398 = arith.shrsi %gather3A_395, %shift_right_arithmetic3A_397 : vector<16xi32>
      %and3A_399 = arith.constant 255 : i32
      %and3A_400 = vector.broadcast %and3A_399 : i32 to vector<16xi32>
      %and3A_401 = arith.andi %shift_right_arithmetic3A_398, %and3A_400 : vector<16xi32>
      %shift_left3A_402 = arith.constant 4 : i32
      %shift_left3A_403 = vector.broadcast %shift_left3A_402 : i32 to vector<16xi32>
      %shift_left3A_404 = arith.shli %and3A_401, %shift_left3A_403 : vector<16xi32>
      %or3A_405 = arith.ori %shift_left3A_404, %iota3A : vector<16xi32>
      %gather3A_406 = tpu.vector_load_idx %arg7[%or3A_405] : memref<4096xi32, #tpu.memory_space<vmem>>[vector<16xi32>], vector<16xi32>,
      %shift_right_arithmetic3A_407 = arith.constant 10 : i32
      %shift_right_arithmetic3A_408 = vector.broadcast %shift_right_arithmetic3A_407 : i32 to vector<16xi32>
      %shift_right_arithmetic3A_409 = arith.shrsi %gather3A_406, %shift_right_arithmetic3A_408 : vector<16xi32>
      %mul3A_410 = arith.constant 21846 : i32
      %mul3A_411 = vector.broadcast %mul3A_410 : i32 to vector<16xi32>
      %mul3A_412 = arith.muli %shift_right_arithmetic3A_409, %mul3A_411 : vector<16xi32>
      %shift_right_arithmetic3A_413 = arith.constant 16 : i32
      %shift_right_arithmetic3A_414 = vector.broadcast %shift_right_arithmetic3A_413 : i32 to vector<16xi32>
      %shift_right_arithmetic3A_415 = arith.shrsi %mul3A_412, %shift_right_arithmetic3A_414 : vector<16xi32>
      %add3A_416 = arith.addi %gather3A_406, %shift_right_arithmetic3A_415 : vector<16xi32>
      tpu.vector_store_idx %arg6[%add3A_416], %gather3A_395 : memref<49168xi32, #tpu.memory_space<vmem>>[vector<16xi32>], vector<16xi32>,
      tpu.vector_store_idx %arg7[%or3A_405], %broadcast_in_dim3A_1 {add = true} : memref<4096xi32, #tpu.memory_space<vmem>>[vector<16xi32>], vector<16xi32>,
      %add3A_417 = arith.constant 6 : i32
      %add3A_418 = arith.addi %mul3A_265, %add3A_417 : i32
      %add3A_419 = vector.broadcast %add3A_418 : i32 to vector<16xi32>
      %add3A_420 = arith.addi %mul3A_6, %add3A_419 : vector<16xi32>
      %gather3A_421 = tpu.vector_load_idx %arg5[%add3A_420] : memref<49168xi32, #tpu.memory_space<vmem>>[vector<16xi32>], vector<16xi32>,
      %shift_right_arithmetic3A_422 = arith.constant 16 : i32
      %shift_right_arithmetic3A_423 = vector.broadcast %shift_right_arithmetic3A_422 : i32 to vector<16xi32>
      %shift_right_arithmetic3A_424 = arith.shrsi %gather3A_421, %shift_right_arithmetic3A_423 : vector<16xi32>
      %and3A_425 = arith.constant 255 : i32
      %and3A_426 = vector.broadcast %and3A_425 : i32 to vector<16xi32>
      %and3A_427 = arith.andi %shift_right_arithmetic3A_424, %and3A_426 : vector<16xi32>
      %shift_left3A_428 = arith.constant 4 : i32
      %shift_left3A_429 = vector.broadcast %shift_left3A_428 : i32 to vector<16xi32>
      %shift_left3A_430 = arith.shli %and3A_427, %shift_left3A_429 : vector<16xi32>
      %or3A_431 = arith.ori %shift_left3A_430, %iota3A : vector<16xi32>
      %gather3A_432 = tpu.vector_load_idx %arg7[%or3A_431] : memref<4096xi32, #tpu.memory_space<vmem>>[vector<16xi32>], vector<16xi32>,
      %shift_right_arithmetic3A_433 = arith.constant 10 : i32
      %shift_right_arithmetic3A_434 = vector.broadcast %shift_right_arithmetic3A_433 : i32 to vector<16xi32>
      %shift_right_arithmetic3A_435 = arith.shrsi %gather3A_432, %shift_right_arithmetic3A_434 : vector<16xi32>
      %mul3A_436 = arith.constant 21846 : i32
      %mul3A_437 = vector.broadcast %mul3A_436 : i32 to vector<16xi32>
      %mul3A_438 = arith.muli %shift_right_arithmetic3A_435, %mul3A_437 : vector<16xi32>
      %shift_right_arithmetic3A_439 = arith.constant 16 : i32
      %shift_right_arithmetic3A_440 = vector.broadcast %shift_right_arithmetic3A_439 : i32 to vector<16xi32>
      %shift_right_arithmetic3A_441 = arith.shrsi %mul3A_438, %shift_right_arithmetic3A_440 : vector<16xi32>
      %add3A_442 = arith.addi %gather3A_432, %shift_right_arithmetic3A_441 : vector<16xi32>
      tpu.vector_store_idx %arg6[%add3A_442], %gather3A_421 : memref<49168xi32, #tpu.memory_space<vmem>>[vector<16xi32>], vector<16xi32>,
      tpu.vector_store_idx %arg7[%or3A_431], %broadcast_in_dim3A_1 {add = true} : memref<4096xi32, #tpu.memory_space<vmem>>[vector<16xi32>], vector<16xi32>,
      %add3A_443 = arith.constant 7 : i32
      %add3A_444 = arith.addi %mul3A_265, %add3A_443 : i32
      %add3A_445 = vector.broadcast %add3A_444 : i32 to vector<16xi32>
      %add3A_446 = arith.addi %mul3A_6, %add3A_445 : vector<16xi32>
      %gather3A_447 = tpu.vector_load_idx %arg5[%add3A_446] : memref<49168xi32, #tpu.memory_space<vmem>>[vector<16xi32>], vector<16xi32>,
      %shift_right_arithmetic3A_448 = arith.constant 16 : i32
      %shift_right_arithmetic3A_449 = vector.broadcast %shift_right_arithmetic3A_448 : i32 to vector<16xi32>
      %shift_right_arithmetic3A_450 = arith.shrsi %gather3A_447, %shift_right_arithmetic3A_449 : vector<16xi32>
      %and3A_451 = arith.constant 255 : i32
      %and3A_452 = vector.broadcast %and3A_451 : i32 to vector<16xi32>
      %and3A_453 = arith.andi %shift_right_arithmetic3A_450, %and3A_452 : vector<16xi32>
      %shift_left3A_454 = arith.constant 4 : i32
      %shift_left3A_455 = vector.broadcast %shift_left3A_454 : i32 to vector<16xi32>
      %shift_left3A_456 = arith.shli %and3A_453, %shift_left3A_455 : vector<16xi32>
      %or3A_457 = arith.ori %shift_left3A_456, %iota3A : vector<16xi32>
      %gather3A_458 = tpu.vector_load_idx %arg7[%or3A_457] : memref<4096xi32, #tpu.memory_space<vmem>>[vector<16xi32>], vector<16xi32>,
      %shift_right_arithmetic3A_459 = arith.constant 10 : i32
      %shift_right_arithmetic3A_460 = vector.broadcast %shift_right_arithmetic3A_459 : i32 to vector<16xi32>
      %shift_right_arithmetic3A_461 = arith.shrsi %gather3A_458, %shift_right_arithmetic3A_460 : vector<16xi32>
      %mul3A_462 = arith.constant 21846 : i32
      %mul3A_463 = vector.broadcast %mul3A_462 : i32 to vector<16xi32>
      %mul3A_464 = arith.muli %shift_right_arithmetic3A_461, %mul3A_463 : vector<16xi32>
      %shift_right_arithmetic3A_465 = arith.constant 16 : i32
      %shift_right_arithmetic3A_466 = vector.broadcast %shift_right_arithmetic3A_465 : i32 to vector<16xi32>
      %shift_right_arithmetic3A_467 = arith.shrsi %mul3A_464, %shift_right_arithmetic3A_466 : vector<16xi32>
      %add3A_468 = arith.addi %gather3A_458, %shift_right_arithmetic3A_467 : vector<16xi32>
      tpu.vector_store_idx %arg6[%add3A_468], %gather3A_447 : memref<49168xi32, #tpu.memory_space<vmem>>[vector<16xi32>], vector<16xi32>,
      tpu.vector_store_idx %arg7[%or3A_457], %broadcast_in_dim3A_1 {add = true} : memref<4096xi32, #tpu.memory_space<vmem>>[vector<16xi32>], vector<16xi32>,
      %scan3A_469 = arith.constant 0 : i32
      scf.yield %scan3A_469 : i32
    }
    %scan3A_101 = arith.constant 384 : i32
    %scan3A_102 = arith.constant 0 : i32
    %scan3A_103 = arith.constant 0 : i32
    %scan3A_104 = arith.constant 32 : i32
    %scan3A_105 = arith.addi %scan3A_103, %scan3A_104 : i32
    %scan3A_106 = arith.constant 1 : i32
    %scan3A_107 = scf.for %scan3A_262 = %scan3A_103 to %scan3A_105 step %scan3A_106 iter_args(%scan3A_263 = %scan3A_102) -> (i32)  : i32 {
      %mul3A_264 = arith.constant 8 : i32
      %mul3A_265 = arith.muli %scan3A_262, %mul3A_264 : i32
      %add3A_266 = arith.constant 0 : i32
      %add3A_267 = arith.addi %mul3A_265, %add3A_266 : i32
      %mul3A_268 = arith.constant 16 : i32
      %mul3A_269 = arith.muli %add3A_267, %mul3A_268 : i32
      %swap3A_270 = arith.index_cast %mul3A_269 : i32 to index
      %swap3A_271 = tpu.vector_load %arg7[%swap3A_270] {strides = array<i32>} : memref<4096xi32, #tpu.memory_space<vmem>>, vector<16xi32>,
      tpu.vector_store %arg7[%swap3A_270], %broadcast_in_dim3A_3 {strides = array<i32>} : memref<4096xi32, #tpu.memory_space<vmem>>, vector<16xi32>,
      %add3A_272 = arith.constant 1 : i32
      %add3A_273 = arith.addi %mul3A_265, %add3A_272 : i32
      %mul3A_274 = arith.constant 16 : i32
      %mul3A_275 = arith.muli %add3A_273, %mul3A_274 : i32
      %swap3A_276 = arith.index_cast %mul3A_275 : i32 to index
      %swap3A_277 = tpu.vector_load %arg7[%swap3A_276] {strides = array<i32>} : memref<4096xi32, #tpu.memory_space<vmem>>, vector<16xi32>,
      tpu.vector_store %arg7[%swap3A_276], %broadcast_in_dim3A_3 {strides = array<i32>} : memref<4096xi32, #tpu.memory_space<vmem>>, vector<16xi32>,
      %add3A_278 = arith.constant 2 : i32
      %add3A_279 = arith.addi %mul3A_265, %add3A_278 : i32
      %mul3A_280 = arith.constant 16 : i32
      %mul3A_281 = arith.muli %add3A_279, %mul3A_280 : i32
      %swap3A_282 = arith.index_cast %mul3A_281 : i32 to index
      %swap3A_283 = tpu.vector_load %arg7[%swap3A_282] {strides = array<i32>} : memref<4096xi32, #tpu.memory_space<vmem>>, vector<16xi32>,
      tpu.vector_store %arg7[%swap3A_282], %broadcast_in_dim3A_3 {strides = array<i32>} : memref<4096xi32, #tpu.memory_space<vmem>>, vector<16xi32>,
      %add3A_284 = arith.constant 3 : i32
      %add3A_285 = arith.addi %mul3A_265, %add3A_284 : i32
      %mul3A_286 = arith.constant 16 : i32
      %mul3A_287 = arith.muli %add3A_285, %mul3A_286 : i32
      %swap3A_288 = arith.index_cast %mul3A_287 : i32 to index
      %swap3A_289 = tpu.vector_load %arg7[%swap3A_288] {strides = array<i32>} : memref<4096xi32, #tpu.memory_space<vmem>>, vector<16xi32>,
      tpu.vector_store %arg7[%swap3A_288], %broadcast_in_dim3A_3 {strides = array<i32>} : memref<4096xi32, #tpu.memory_space<vmem>>, vector<16xi32>,
      %add3A_290 = arith.constant 4 : i32
      %add3A_291 = arith.addi %mul3A_265, %add3A_290 : i32
      %mul3A_292 = arith.constant 16 : i32
      %mul3A_293 = arith.muli %add3A_291, %mul3A_292 : i32
      %swap3A_294 = arith.index_cast %mul3A_293 : i32 to index
      %swap3A_295 = tpu.vector_load %arg7[%swap3A_294] {strides = array<i32>} : memref<4096xi32, #tpu.memory_space<vmem>>, vector<16xi32>,
      tpu.vector_store %arg7[%swap3A_294], %broadcast_in_dim3A_3 {strides = array<i32>} : memref<4096xi32, #tpu.memory_space<vmem>>, vector<16xi32>,
      %add3A_296 = arith.constant 5 : i32
      %add3A_297 = arith.addi %mul3A_265, %add3A_296 : i32
      %mul3A_298 = arith.constant 16 : i32
      %mul3A_299 = arith.muli %add3A_297, %mul3A_298 : i32
      %swap3A_300 = arith.index_cast %mul3A_299 : i32 to index
      %swap3A_301 = tpu.vector_load %arg7[%swap3A_300] {strides = array<i32>} : memref<4096xi32, #tpu.memory_space<vmem>>, vector<16xi32>,
      tpu.vector_store %arg7[%swap3A_300], %broadcast_in_dim3A_3 {strides = array<i32>} : memref<4096xi32, #tpu.memory_space<vmem>>, vector<16xi32>,
      %add3A_302 = arith.constant 6 : i32
      %add3A_303 = arith.addi %mul3A_265, %add3A_302 : i32
      %mul3A_304 = arith.constant 16 : i32
      %mul3A_305 = arith.muli %add3A_303, %mul3A_304 : i32
      %swap3A_306 = arith.index_cast %mul3A_305 : i32 to index
      %swap3A_307 = tpu.vector_load %arg7[%swap3A_306] {strides = array<i32>} : memref<4096xi32, #tpu.memory_space<vmem>>, vector<16xi32>,
      tpu.vector_store %arg7[%swap3A_306], %broadcast_in_dim3A_3 {strides = array<i32>} : memref<4096xi32, #tpu.memory_space<vmem>>, vector<16xi32>,
      %add3A_308 = arith.constant 7 : i32
      %add3A_309 = arith.addi %mul3A_265, %add3A_308 : i32
      %mul3A_310 = arith.constant 16 : i32
      %mul3A_311 = arith.muli %add3A_309, %mul3A_310 : i32
      %swap3A_312 = arith.index_cast %mul3A_311 : i32 to index
      %swap3A_313 = tpu.vector_load %arg7[%swap3A_312] {strides = array<i32>} : memref<4096xi32, #tpu.memory_space<vmem>>, vector<16xi32>,
      tpu.vector_store %arg7[%swap3A_312], %broadcast_in_dim3A_3 {strides = array<i32>} : memref<4096xi32, #tpu.memory_space<vmem>>, vector<16xi32>,
      %scan3A_314 = arith.constant 0 : i32
      scf.yield %scan3A_314 : i32
    }
    %scan3A_108 = arith.constant 32 : i32
    %scan3A_109 = arith.constant 0 : i32
    %scan3A_110 = arith.constant 0 : i32
    %scan3A_111 = arith.constant 384 : i32
    %scan3A_112 = arith.addi %scan3A_110, %scan3A_111 : i32
    %scan3A_113 = arith.constant 1 : i32
    %scan3A_114 = scf.for %scan3A_262 = %scan3A_110 to %scan3A_112 step %scan3A_113 iter_args(%scan3A_263 = %scan3A_109) -> (i32)  : i32 {
      %mul3A_264 = arith.constant 8 : i32
      %mul3A_265 = arith.muli %scan3A_262, %mul3A_264 : i32
      %add3A_266 = arith.constant 0 : i32
      %add3A_267 = arith.addi %mul3A_265, %add3A_266 : i32
      %add3A_268 = vector.broadcast %add3A_267 : i32 to vector<16xi32>
      %add3A_269 = arith.addi %mul3A_6, %add3A_268 : vector<16xi32>
      %gather3A = tpu.vector_load_idx %arg6[%add3A_269] : memref<49168xi32, #tpu.memory_space<vmem>>[vector<16xi32>], vector<16xi32>,
      %shift_right_arithmetic3A = arith.constant 24 : i32
      %shift_right_arithmetic3A_270 = vector.broadcast %shift_right_arithmetic3A : i32 to vector<16xi32>
      %shift_right_arithmetic3A_271 = arith.shrsi %gather3A, %shift_right_arithmetic3A_270 : vector<16xi32>
      %and3A = arith.constant 255 : i32
      %and3A_272 = vector.broadcast %and3A : i32 to vector<16xi32>
      %and3A_273 = arith.andi %shift_right_arithmetic3A_271, %and3A_272 : vector<16xi32>
      %shift_left3A = arith.constant 4 : i32
      %shift_left3A_274 = vector.broadcast %shift_left3A : i32 to vector<16xi32>
      %shift_left3A_275 = arith.shli %and3A_273, %shift_left3A_274 : vector<16xi32>
      %or3A = arith.ori %shift_left3A_275, %iota3A : vector<16xi32>
      tpu.vector_store_idx %arg7[%or3A], %broadcast_in_dim3A_1 {add = true} : memref<4096xi32, #tpu.memory_space<vmem>>[vector<16xi32>], vector<16xi32>,
      %add3A_276 = arith.constant 1 : i32
      %add3A_277 = arith.addi %mul3A_265, %add3A_276 : i32
      %add3A_278 = vector.broadcast %add3A_277 : i32 to vector<16xi32>
      %add3A_279 = arith.addi %mul3A_6, %add3A_278 : vector<16xi32>
      %gather3A_280 = tpu.vector_load_idx %arg6[%add3A_279] : memref<49168xi32, #tpu.memory_space<vmem>>[vector<16xi32>], vector<16xi32>,
      %shift_right_arithmetic3A_281 = arith.constant 24 : i32
      %shift_right_arithmetic3A_282 = vector.broadcast %shift_right_arithmetic3A_281 : i32 to vector<16xi32>
      %shift_right_arithmetic3A_283 = arith.shrsi %gather3A_280, %shift_right_arithmetic3A_282 : vector<16xi32>
      %and3A_284 = arith.constant 255 : i32
      %and3A_285 = vector.broadcast %and3A_284 : i32 to vector<16xi32>
      %and3A_286 = arith.andi %shift_right_arithmetic3A_283, %and3A_285 : vector<16xi32>
      %shift_left3A_287 = arith.constant 4 : i32
      %shift_left3A_288 = vector.broadcast %shift_left3A_287 : i32 to vector<16xi32>
      %shift_left3A_289 = arith.shli %and3A_286, %shift_left3A_288 : vector<16xi32>
      %or3A_290 = arith.ori %shift_left3A_289, %iota3A : vector<16xi32>
      tpu.vector_store_idx %arg7[%or3A_290], %broadcast_in_dim3A_1 {add = true} : memref<4096xi32, #tpu.memory_space<vmem>>[vector<16xi32>], vector<16xi32>,
      %add3A_291 = arith.constant 2 : i32
      %add3A_292 = arith.addi %mul3A_265, %add3A_291 : i32
      %add3A_293 = vector.broadcast %add3A_292 : i32 to vector<16xi32>
      %add3A_294 = arith.addi %mul3A_6, %add3A_293 : vector<16xi32>
      %gather3A_295 = tpu.vector_load_idx %arg6[%add3A_294] : memref<49168xi32, #tpu.memory_space<vmem>>[vector<16xi32>], vector<16xi32>,
      %shift_right_arithmetic3A_296 = arith.constant 24 : i32
      %shift_right_arithmetic3A_297 = vector.broadcast %shift_right_arithmetic3A_296 : i32 to vector<16xi32>
      %shift_right_arithmetic3A_298 = arith.shrsi %gather3A_295, %shift_right_arithmetic3A_297 : vector<16xi32>
      %and3A_299 = arith.constant 255 : i32
      %and3A_300 = vector.broadcast %and3A_299 : i32 to vector<16xi32>
      %and3A_301 = arith.andi %shift_right_arithmetic3A_298, %and3A_300 : vector<16xi32>
      %shift_left3A_302 = arith.constant 4 : i32
      %shift_left3A_303 = vector.broadcast %shift_left3A_302 : i32 to vector<16xi32>
      %shift_left3A_304 = arith.shli %and3A_301, %shift_left3A_303 : vector<16xi32>
      %or3A_305 = arith.ori %shift_left3A_304, %iota3A : vector<16xi32>
      tpu.vector_store_idx %arg7[%or3A_305], %broadcast_in_dim3A_1 {add = true} : memref<4096xi32, #tpu.memory_space<vmem>>[vector<16xi32>], vector<16xi32>,
      %add3A_306 = arith.constant 3 : i32
      %add3A_307 = arith.addi %mul3A_265, %add3A_306 : i32
      %add3A_308 = vector.broadcast %add3A_307 : i32 to vector<16xi32>
      %add3A_309 = arith.addi %mul3A_6, %add3A_308 : vector<16xi32>
      %gather3A_310 = tpu.vector_load_idx %arg6[%add3A_309] : memref<49168xi32, #tpu.memory_space<vmem>>[vector<16xi32>], vector<16xi32>,
      %shift_right_arithmetic3A_311 = arith.constant 24 : i32
      %shift_right_arithmetic3A_312 = vector.broadcast %shift_right_arithmetic3A_311 : i32 to vector<16xi32>
      %shift_right_arithmetic3A_313 = arith.shrsi %gather3A_310, %shift_right_arithmetic3A_312 : vector<16xi32>
      %and3A_314 = arith.constant 255 : i32
      %and3A_315 = vector.broadcast %and3A_314 : i32 to vector<16xi32>
      %and3A_316 = arith.andi %shift_right_arithmetic3A_313, %and3A_315 : vector<16xi32>
      %shift_left3A_317 = arith.constant 4 : i32
      %shift_left3A_318 = vector.broadcast %shift_left3A_317 : i32 to vector<16xi32>
      %shift_left3A_319 = arith.shli %and3A_316, %shift_left3A_318 : vector<16xi32>
      %or3A_320 = arith.ori %shift_left3A_319, %iota3A : vector<16xi32>
      tpu.vector_store_idx %arg7[%or3A_320], %broadcast_in_dim3A_1 {add = true} : memref<4096xi32, #tpu.memory_space<vmem>>[vector<16xi32>], vector<16xi32>,
      %add3A_321 = arith.constant 4 : i32
      %add3A_322 = arith.addi %mul3A_265, %add3A_321 : i32
      %add3A_323 = vector.broadcast %add3A_322 : i32 to vector<16xi32>
      %add3A_324 = arith.addi %mul3A_6, %add3A_323 : vector<16xi32>
      %gather3A_325 = tpu.vector_load_idx %arg6[%add3A_324] : memref<49168xi32, #tpu.memory_space<vmem>>[vector<16xi32>], vector<16xi32>,
      %shift_right_arithmetic3A_326 = arith.constant 24 : i32
      %shift_right_arithmetic3A_327 = vector.broadcast %shift_right_arithmetic3A_326 : i32 to vector<16xi32>
      %shift_right_arithmetic3A_328 = arith.shrsi %gather3A_325, %shift_right_arithmetic3A_327 : vector<16xi32>
      %and3A_329 = arith.constant 255 : i32
      %and3A_330 = vector.broadcast %and3A_329 : i32 to vector<16xi32>
      %and3A_331 = arith.andi %shift_right_arithmetic3A_328, %and3A_330 : vector<16xi32>
      %shift_left3A_332 = arith.constant 4 : i32
      %shift_left3A_333 = vector.broadcast %shift_left3A_332 : i32 to vector<16xi32>
      %shift_left3A_334 = arith.shli %and3A_331, %shift_left3A_333 : vector<16xi32>
      %or3A_335 = arith.ori %shift_left3A_334, %iota3A : vector<16xi32>
      tpu.vector_store_idx %arg7[%or3A_335], %broadcast_in_dim3A_1 {add = true} : memref<4096xi32, #tpu.memory_space<vmem>>[vector<16xi32>], vector<16xi32>,
      %add3A_336 = arith.constant 5 : i32
      %add3A_337 = arith.addi %mul3A_265, %add3A_336 : i32
      %add3A_338 = vector.broadcast %add3A_337 : i32 to vector<16xi32>
      %add3A_339 = arith.addi %mul3A_6, %add3A_338 : vector<16xi32>
      %gather3A_340 = tpu.vector_load_idx %arg6[%add3A_339] : memref<49168xi32, #tpu.memory_space<vmem>>[vector<16xi32>], vector<16xi32>,
      %shift_right_arithmetic3A_341 = arith.constant 24 : i32
      %shift_right_arithmetic3A_342 = vector.broadcast %shift_right_arithmetic3A_341 : i32 to vector<16xi32>
      %shift_right_arithmetic3A_343 = arith.shrsi %gather3A_340, %shift_right_arithmetic3A_342 : vector<16xi32>
      %and3A_344 = arith.constant 255 : i32
      %and3A_345 = vector.broadcast %and3A_344 : i32 to vector<16xi32>
      %and3A_346 = arith.andi %shift_right_arithmetic3A_343, %and3A_345 : vector<16xi32>
      %shift_left3A_347 = arith.constant 4 : i32
      %shift_left3A_348 = vector.broadcast %shift_left3A_347 : i32 to vector<16xi32>
      %shift_left3A_349 = arith.shli %and3A_346, %shift_left3A_348 : vector<16xi32>
      %or3A_350 = arith.ori %shift_left3A_349, %iota3A : vector<16xi32>
      tpu.vector_store_idx %arg7[%or3A_350], %broadcast_in_dim3A_1 {add = true} : memref<4096xi32, #tpu.memory_space<vmem>>[vector<16xi32>], vector<16xi32>,
      %add3A_351 = arith.constant 6 : i32
      %add3A_352 = arith.addi %mul3A_265, %add3A_351 : i32
      %add3A_353 = vector.broadcast %add3A_352 : i32 to vector<16xi32>
      %add3A_354 = arith.addi %mul3A_6, %add3A_353 : vector<16xi32>
      %gather3A_355 = tpu.vector_load_idx %arg6[%add3A_354] : memref<49168xi32, #tpu.memory_space<vmem>>[vector<16xi32>], vector<16xi32>,
      %shift_right_arithmetic3A_356 = arith.constant 24 : i32
      %shift_right_arithmetic3A_357 = vector.broadcast %shift_right_arithmetic3A_356 : i32 to vector<16xi32>
      %shift_right_arithmetic3A_358 = arith.shrsi %gather3A_355, %shift_right_arithmetic3A_357 : vector<16xi32>
      %and3A_359 = arith.constant 255 : i32
      %and3A_360 = vector.broadcast %and3A_359 : i32 to vector<16xi32>
      %and3A_361 = arith.andi %shift_right_arithmetic3A_358, %and3A_360 : vector<16xi32>
      %shift_left3A_362 = arith.constant 4 : i32
      %shift_left3A_363 = vector.broadcast %shift_left3A_362 : i32 to vector<16xi32>
      %shift_left3A_364 = arith.shli %and3A_361, %shift_left3A_363 : vector<16xi32>
      %or3A_365 = arith.ori %shift_left3A_364, %iota3A : vector<16xi32>
      tpu.vector_store_idx %arg7[%or3A_365], %broadcast_in_dim3A_1 {add = true} : memref<4096xi32, #tpu.memory_space<vmem>>[vector<16xi32>], vector<16xi32>,
      %add3A_366 = arith.constant 7 : i32
      %add3A_367 = arith.addi %mul3A_265, %add3A_366 : i32
      %add3A_368 = vector.broadcast %add3A_367 : i32 to vector<16xi32>
      %add3A_369 = arith.addi %mul3A_6, %add3A_368 : vector<16xi32>
      %gather3A_370 = tpu.vector_load_idx %arg6[%add3A_369] : memref<49168xi32, #tpu.memory_space<vmem>>[vector<16xi32>], vector<16xi32>,
      %shift_right_arithmetic3A_371 = arith.constant 24 : i32
      %shift_right_arithmetic3A_372 = vector.broadcast %shift_right_arithmetic3A_371 : i32 to vector<16xi32>
      %shift_right_arithmetic3A_373 = arith.shrsi %gather3A_370, %shift_right_arithmetic3A_372 : vector<16xi32>
      %and3A_374 = arith.constant 255 : i32
      %and3A_375 = vector.broadcast %and3A_374 : i32 to vector<16xi32>
      %and3A_376 = arith.andi %shift_right_arithmetic3A_373, %and3A_375 : vector<16xi32>
      %shift_left3A_377 = arith.constant 4 : i32
      %shift_left3A_378 = vector.broadcast %shift_left3A_377 : i32 to vector<16xi32>
      %shift_left3A_379 = arith.shli %and3A_376, %shift_left3A_378 : vector<16xi32>
      %or3A_380 = arith.ori %shift_left3A_379, %iota3A : vector<16xi32>
      tpu.vector_store_idx %arg7[%or3A_380], %broadcast_in_dim3A_1 {add = true} : memref<4096xi32, #tpu.memory_space<vmem>>[vector<16xi32>], vector<16xi32>,
      %scan3A_381 = arith.constant 0 : i32
      scf.yield %scan3A_381 : i32
    }
    %scan3A_115 = arith.constant 384 : i32
    %scan3A_116 = arith.constant 0 : i32
    %scan3A_117 = arith.constant 0 : i32
    %scan3A_118 = arith.constant 256 : i32
    %scan3A_119 = arith.addi %scan3A_117, %scan3A_118 : i32
    %scan3A_120 = arith.constant 1 : i32
    %scan3A_121 = scf.for %scan3A_262 = %scan3A_117 to %scan3A_119 step %scan3A_120 iter_args(%scan3A_263 = %scan3A_116) -> (i32)  : i32 {
      %mul3A_264 = arith.constant 16 : i32
      %mul3A_265 = arith.muli %scan3A_262, %mul3A_264 : i32
      %get3A = arith.index_cast %mul3A_265 : i32 to index
      %get3A_266 = tpu.vector_load %arg7[%get3A] {strides = array<i32>} : memref<4096xi32, #tpu.memory_space<vmem>>, vector<16xi32>,
      %broadcast_in_dim3A_267 = arith.constant true
      %broadcast_in_dim3A_268 = vector.broadcast %broadcast_in_dim3A_267 : i1 to vector<16xi1>
      %masked_cumsum3A = tpu.scan <sum>, %get3A_266 masked %broadcast_in_dim3A_268 : vector<16xi32>, vector<16xi1> -> vector<16xi32>
      %sub3A = arith.subi %masked_cumsum3A, %get3A_266 : vector<16xi32>
      %add3A_269 = vector.broadcast %scan3A_263 : i32 to vector<16xi32>
      %add3A_270 = arith.addi %sub3A, %add3A_269 : vector<16xi32>
      %mul3A_271 = arith.constant 16 : i32
      %mul3A_272 = arith.muli %scan3A_262, %mul3A_271 : i32
      %swap3A_273 = arith.index_cast %mul3A_272 : i32 to index
      %swap3A_274 = tpu.vector_load %arg7[%swap3A_273] {strides = array<i32>} : memref<4096xi32, #tpu.memory_space<vmem>>, vector<16xi32>,
      tpu.vector_store %arg7[%swap3A_273], %add3A_270 {strides = array<i32>} : memref<4096xi32, #tpu.memory_space<vmem>>, vector<16xi32>,
      %reduce_sum3A = arith.constant true
      %reduce_sum3A_275 = vector.broadcast %reduce_sum3A : i1 to vector<16xi1>
      %reduce_sum3A_276 = tpu.scan <sum>, %get3A_266 masked %reduce_sum3A_275 : vector<16xi32>, vector<16xi1> -> vector<16xi32>
      %reduce_sum3A_277 = vector.extract %reduce_sum3A_276[15] : i32 from vector<16xi32>
      %add3A_278 = arith.addi %scan3A_263, %reduce_sum3A_277 : i32
      scf.yield %add3A_278 : i32
    }
    %scan3A_122 = arith.constant 256 : i32
    %scan3A_123 = arith.constant 0 : i32
    %scan3A_124 = arith.constant 0 : i32
    %scan3A_125 = arith.constant 384 : i32
    %scan3A_126 = arith.addi %scan3A_124, %scan3A_125 : i32
    %scan3A_127 = arith.constant 1 : i32
    %scan3A_128 = scf.for %scan3A_262 = %scan3A_124 to %scan3A_126 step %scan3A_127 iter_args(%scan3A_263 = %scan3A_123) -> (i32)  : i32 {
      %mul3A_264 = arith.constant 8 : i32
      %mul3A_265 = arith.muli %scan3A_262, %mul3A_264 : i32
      %add3A_266 = arith.constant 0 : i32
      %add3A_267 = arith.addi %mul3A_265, %add3A_266 : i32
      %add3A_268 = vector.broadcast %add3A_267 : i32 to vector<16xi32>
      %add3A_269 = arith.addi %mul3A_6, %add3A_268 : vector<16xi32>
      %gather3A = tpu.vector_load_idx %arg6[%add3A_269] : memref<49168xi32, #tpu.memory_space<vmem>>[vector<16xi32>], vector<16xi32>,
      %shift_right_arithmetic3A = arith.constant 24 : i32
      %shift_right_arithmetic3A_270 = vector.broadcast %shift_right_arithmetic3A : i32 to vector<16xi32>
      %shift_right_arithmetic3A_271 = arith.shrsi %gather3A, %shift_right_arithmetic3A_270 : vector<16xi32>
      %and3A = arith.constant 255 : i32
      %and3A_272 = vector.broadcast %and3A : i32 to vector<16xi32>
      %and3A_273 = arith.andi %shift_right_arithmetic3A_271, %and3A_272 : vector<16xi32>
      %shift_left3A = arith.constant 4 : i32
      %shift_left3A_274 = vector.broadcast %shift_left3A : i32 to vector<16xi32>
      %shift_left3A_275 = arith.shli %and3A_273, %shift_left3A_274 : vector<16xi32>
      %or3A = arith.ori %shift_left3A_275, %iota3A : vector<16xi32>
      %gather3A_276 = tpu.vector_load_idx %arg7[%or3A] : memref<4096xi32, #tpu.memory_space<vmem>>[vector<16xi32>], vector<16xi32>,
      %shift_right_arithmetic3A_277 = arith.constant 10 : i32
      %shift_right_arithmetic3A_278 = vector.broadcast %shift_right_arithmetic3A_277 : i32 to vector<16xi32>
      %shift_right_arithmetic3A_279 = arith.shrsi %gather3A_276, %shift_right_arithmetic3A_278 : vector<16xi32>
      %mul3A_280 = arith.constant 21846 : i32
      %mul3A_281 = vector.broadcast %mul3A_280 : i32 to vector<16xi32>
      %mul3A_282 = arith.muli %shift_right_arithmetic3A_279, %mul3A_281 : vector<16xi32>
      %shift_right_arithmetic3A_283 = arith.constant 16 : i32
      %shift_right_arithmetic3A_284 = vector.broadcast %shift_right_arithmetic3A_283 : i32 to vector<16xi32>
      %shift_right_arithmetic3A_285 = arith.shrsi %mul3A_282, %shift_right_arithmetic3A_284 : vector<16xi32>
      %add3A_286 = arith.addi %gather3A_276, %shift_right_arithmetic3A_285 : vector<16xi32>
      tpu.vector_store_idx %arg5[%add3A_286], %gather3A : memref<49168xi32, #tpu.memory_space<vmem>>[vector<16xi32>], vector<16xi32>,
      tpu.vector_store_idx %arg7[%or3A], %broadcast_in_dim3A_1 {add = true} : memref<4096xi32, #tpu.memory_space<vmem>>[vector<16xi32>], vector<16xi32>,
      %add3A_287 = arith.constant 1 : i32
      %add3A_288 = arith.addi %mul3A_265, %add3A_287 : i32
      %add3A_289 = vector.broadcast %add3A_288 : i32 to vector<16xi32>
      %add3A_290 = arith.addi %mul3A_6, %add3A_289 : vector<16xi32>
      %gather3A_291 = tpu.vector_load_idx %arg6[%add3A_290] : memref<49168xi32, #tpu.memory_space<vmem>>[vector<16xi32>], vector<16xi32>,
      %shift_right_arithmetic3A_292 = arith.constant 24 : i32
      %shift_right_arithmetic3A_293 = vector.broadcast %shift_right_arithmetic3A_292 : i32 to vector<16xi32>
      %shift_right_arithmetic3A_294 = arith.shrsi %gather3A_291, %shift_right_arithmetic3A_293 : vector<16xi32>
      %and3A_295 = arith.constant 255 : i32
      %and3A_296 = vector.broadcast %and3A_295 : i32 to vector<16xi32>
      %and3A_297 = arith.andi %shift_right_arithmetic3A_294, %and3A_296 : vector<16xi32>
      %shift_left3A_298 = arith.constant 4 : i32
      %shift_left3A_299 = vector.broadcast %shift_left3A_298 : i32 to vector<16xi32>
      %shift_left3A_300 = arith.shli %and3A_297, %shift_left3A_299 : vector<16xi32>
      %or3A_301 = arith.ori %shift_left3A_300, %iota3A : vector<16xi32>
      %gather3A_302 = tpu.vector_load_idx %arg7[%or3A_301] : memref<4096xi32, #tpu.memory_space<vmem>>[vector<16xi32>], vector<16xi32>,
      %shift_right_arithmetic3A_303 = arith.constant 10 : i32
      %shift_right_arithmetic3A_304 = vector.broadcast %shift_right_arithmetic3A_303 : i32 to vector<16xi32>
      %shift_right_arithmetic3A_305 = arith.shrsi %gather3A_302, %shift_right_arithmetic3A_304 : vector<16xi32>
      %mul3A_306 = arith.constant 21846 : i32
      %mul3A_307 = vector.broadcast %mul3A_306 : i32 to vector<16xi32>
      %mul3A_308 = arith.muli %shift_right_arithmetic3A_305, %mul3A_307 : vector<16xi32>
      %shift_right_arithmetic3A_309 = arith.constant 16 : i32
      %shift_right_arithmetic3A_310 = vector.broadcast %shift_right_arithmetic3A_309 : i32 to vector<16xi32>
      %shift_right_arithmetic3A_311 = arith.shrsi %mul3A_308, %shift_right_arithmetic3A_310 : vector<16xi32>
      %add3A_312 = arith.addi %gather3A_302, %shift_right_arithmetic3A_311 : vector<16xi32>
      tpu.vector_store_idx %arg5[%add3A_312], %gather3A_291 : memref<49168xi32, #tpu.memory_space<vmem>>[vector<16xi32>], vector<16xi32>,
      tpu.vector_store_idx %arg7[%or3A_301], %broadcast_in_dim3A_1 {add = true} : memref<4096xi32, #tpu.memory_space<vmem>>[vector<16xi32>], vector<16xi32>,
      %add3A_313 = arith.constant 2 : i32
      %add3A_314 = arith.addi %mul3A_265, %add3A_313 : i32
      %add3A_315 = vector.broadcast %add3A_314 : i32 to vector<16xi32>
      %add3A_316 = arith.addi %mul3A_6, %add3A_315 : vector<16xi32>
      %gather3A_317 = tpu.vector_load_idx %arg6[%add3A_316] : memref<49168xi32, #tpu.memory_space<vmem>>[vector<16xi32>], vector<16xi32>,
      %shift_right_arithmetic3A_318 = arith.constant 24 : i32
      %shift_right_arithmetic3A_319 = vector.broadcast %shift_right_arithmetic3A_318 : i32 to vector<16xi32>
      %shift_right_arithmetic3A_320 = arith.shrsi %gather3A_317, %shift_right_arithmetic3A_319 : vector<16xi32>
      %and3A_321 = arith.constant 255 : i32
      %and3A_322 = vector.broadcast %and3A_321 : i32 to vector<16xi32>
      %and3A_323 = arith.andi %shift_right_arithmetic3A_320, %and3A_322 : vector<16xi32>
      %shift_left3A_324 = arith.constant 4 : i32
      %shift_left3A_325 = vector.broadcast %shift_left3A_324 : i32 to vector<16xi32>
      %shift_left3A_326 = arith.shli %and3A_323, %shift_left3A_325 : vector<16xi32>
      %or3A_327 = arith.ori %shift_left3A_326, %iota3A : vector<16xi32>
      %gather3A_328 = tpu.vector_load_idx %arg7[%or3A_327] : memref<4096xi32, #tpu.memory_space<vmem>>[vector<16xi32>], vector<16xi32>,
      %shift_right_arithmetic3A_329 = arith.constant 10 : i32
      %shift_right_arithmetic3A_330 = vector.broadcast %shift_right_arithmetic3A_329 : i32 to vector<16xi32>
      %shift_right_arithmetic3A_331 = arith.shrsi %gather3A_328, %shift_right_arithmetic3A_330 : vector<16xi32>
      %mul3A_332 = arith.constant 21846 : i32
      %mul3A_333 = vector.broadcast %mul3A_332 : i32 to vector<16xi32>
      %mul3A_334 = arith.muli %shift_right_arithmetic3A_331, %mul3A_333 : vector<16xi32>
      %shift_right_arithmetic3A_335 = arith.constant 16 : i32
      %shift_right_arithmetic3A_336 = vector.broadcast %shift_right_arithmetic3A_335 : i32 to vector<16xi32>
      %shift_right_arithmetic3A_337 = arith.shrsi %mul3A_334, %shift_right_arithmetic3A_336 : vector<16xi32>
      %add3A_338 = arith.addi %gather3A_328, %shift_right_arithmetic3A_337 : vector<16xi32>
      tpu.vector_store_idx %arg5[%add3A_338], %gather3A_317 : memref<49168xi32, #tpu.memory_space<vmem>>[vector<16xi32>], vector<16xi32>,
      tpu.vector_store_idx %arg7[%or3A_327], %broadcast_in_dim3A_1 {add = true} : memref<4096xi32, #tpu.memory_space<vmem>>[vector<16xi32>], vector<16xi32>,
      %add3A_339 = arith.constant 3 : i32
      %add3A_340 = arith.addi %mul3A_265, %add3A_339 : i32
      %add3A_341 = vector.broadcast %add3A_340 : i32 to vector<16xi32>
      %add3A_342 = arith.addi %mul3A_6, %add3A_341 : vector<16xi32>
      %gather3A_343 = tpu.vector_load_idx %arg6[%add3A_342] : memref<49168xi32, #tpu.memory_space<vmem>>[vector<16xi32>], vector<16xi32>,
      %shift_right_arithmetic3A_344 = arith.constant 24 : i32
      %shift_right_arithmetic3A_345 = vector.broadcast %shift_right_arithmetic3A_344 : i32 to vector<16xi32>
      %shift_right_arithmetic3A_346 = arith.shrsi %gather3A_343, %shift_right_arithmetic3A_345 : vector<16xi32>
      %and3A_347 = arith.constant 255 : i32
      %and3A_348 = vector.broadcast %and3A_347 : i32 to vector<16xi32>
      %and3A_349 = arith.andi %shift_right_arithmetic3A_346, %and3A_348 : vector<16xi32>
      %shift_left3A_350 = arith.constant 4 : i32
      %shift_left3A_351 = vector.broadcast %shift_left3A_350 : i32 to vector<16xi32>
      %shift_left3A_352 = arith.shli %and3A_349, %shift_left3A_351 : vector<16xi32>
      %or3A_353 = arith.ori %shift_left3A_352, %iota3A : vector<16xi32>
      %gather3A_354 = tpu.vector_load_idx %arg7[%or3A_353] : memref<4096xi32, #tpu.memory_space<vmem>>[vector<16xi32>], vector<16xi32>,
      %shift_right_arithmetic3A_355 = arith.constant 10 : i32
      %shift_right_arithmetic3A_356 = vector.broadcast %shift_right_arithmetic3A_355 : i32 to vector<16xi32>
      %shift_right_arithmetic3A_357 = arith.shrsi %gather3A_354, %shift_right_arithmetic3A_356 : vector<16xi32>
      %mul3A_358 = arith.constant 21846 : i32
      %mul3A_359 = vector.broadcast %mul3A_358 : i32 to vector<16xi32>
      %mul3A_360 = arith.muli %shift_right_arithmetic3A_357, %mul3A_359 : vector<16xi32>
      %shift_right_arithmetic3A_361 = arith.constant 16 : i32
      %shift_right_arithmetic3A_362 = vector.broadcast %shift_right_arithmetic3A_361 : i32 to vector<16xi32>
      %shift_right_arithmetic3A_363 = arith.shrsi %mul3A_360, %shift_right_arithmetic3A_362 : vector<16xi32>
      %add3A_364 = arith.addi %gather3A_354, %shift_right_arithmetic3A_363 : vector<16xi32>
      tpu.vector_store_idx %arg5[%add3A_364], %gather3A_343 : memref<49168xi32, #tpu.memory_space<vmem>>[vector<16xi32>], vector<16xi32>,
      tpu.vector_store_idx %arg7[%or3A_353], %broadcast_in_dim3A_1 {add = true} : memref<4096xi32, #tpu.memory_space<vmem>>[vector<16xi32>], vector<16xi32>,
      %add3A_365 = arith.constant 4 : i32
      %add3A_366 = arith.addi %mul3A_265, %add3A_365 : i32
      %add3A_367 = vector.broadcast %add3A_366 : i32 to vector<16xi32>
      %add3A_368 = arith.addi %mul3A_6, %add3A_367 : vector<16xi32>
      %gather3A_369 = tpu.vector_load_idx %arg6[%add3A_368] : memref<49168xi32, #tpu.memory_space<vmem>>[vector<16xi32>], vector<16xi32>,
      %shift_right_arithmetic3A_370 = arith.constant 24 : i32
      %shift_right_arithmetic3A_371 = vector.broadcast %shift_right_arithmetic3A_370 : i32 to vector<16xi32>
      %shift_right_arithmetic3A_372 = arith.shrsi %gather3A_369, %shift_right_arithmetic3A_371 : vector<16xi32>
      %and3A_373 = arith.constant 255 : i32
      %and3A_374 = vector.broadcast %and3A_373 : i32 to vector<16xi32>
      %and3A_375 = arith.andi %shift_right_arithmetic3A_372, %and3A_374 : vector<16xi32>
      %shift_left3A_376 = arith.constant 4 : i32
      %shift_left3A_377 = vector.broadcast %shift_left3A_376 : i32 to vector<16xi32>
      %shift_left3A_378 = arith.shli %and3A_375, %shift_left3A_377 : vector<16xi32>
      %or3A_379 = arith.ori %shift_left3A_378, %iota3A : vector<16xi32>
      %gather3A_380 = tpu.vector_load_idx %arg7[%or3A_379] : memref<4096xi32, #tpu.memory_space<vmem>>[vector<16xi32>], vector<16xi32>,
      %shift_right_arithmetic3A_381 = arith.constant 10 : i32
      %shift_right_arithmetic3A_382 = vector.broadcast %shift_right_arithmetic3A_381 : i32 to vector<16xi32>
      %shift_right_arithmetic3A_383 = arith.shrsi %gather3A_380, %shift_right_arithmetic3A_382 : vector<16xi32>
      %mul3A_384 = arith.constant 21846 : i32
      %mul3A_385 = vector.broadcast %mul3A_384 : i32 to vector<16xi32>
      %mul3A_386 = arith.muli %shift_right_arithmetic3A_383, %mul3A_385 : vector<16xi32>
      %shift_right_arithmetic3A_387 = arith.constant 16 : i32
      %shift_right_arithmetic3A_388 = vector.broadcast %shift_right_arithmetic3A_387 : i32 to vector<16xi32>
      %shift_right_arithmetic3A_389 = arith.shrsi %mul3A_386, %shift_right_arithmetic3A_388 : vector<16xi32>
      %add3A_390 = arith.addi %gather3A_380, %shift_right_arithmetic3A_389 : vector<16xi32>
      tpu.vector_store_idx %arg5[%add3A_390], %gather3A_369 : memref<49168xi32, #tpu.memory_space<vmem>>[vector<16xi32>], vector<16xi32>,
      tpu.vector_store_idx %arg7[%or3A_379], %broadcast_in_dim3A_1 {add = true} : memref<4096xi32, #tpu.memory_space<vmem>>[vector<16xi32>], vector<16xi32>,
      %add3A_391 = arith.constant 5 : i32
      %add3A_392 = arith.addi %mul3A_265, %add3A_391 : i32
      %add3A_393 = vector.broadcast %add3A_392 : i32 to vector<16xi32>
      %add3A_394 = arith.addi %mul3A_6, %add3A_393 : vector<16xi32>
      %gather3A_395 = tpu.vector_load_idx %arg6[%add3A_394] : memref<49168xi32, #tpu.memory_space<vmem>>[vector<16xi32>], vector<16xi32>,
      %shift_right_arithmetic3A_396 = arith.constant 24 : i32
      %shift_right_arithmetic3A_397 = vector.broadcast %shift_right_arithmetic3A_396 : i32 to vector<16xi32>
      %shift_right_arithmetic3A_398 = arith.shrsi %gather3A_395, %shift_right_arithmetic3A_397 : vector<16xi32>
      %and3A_399 = arith.constant 255 : i32
      %and3A_400 = vector.broadcast %and3A_399 : i32 to vector<16xi32>
      %and3A_401 = arith.andi %shift_right_arithmetic3A_398, %and3A_400 : vector<16xi32>
      %shift_left3A_402 = arith.constant 4 : i32
      %shift_left3A_403 = vector.broadcast %shift_left3A_402 : i32 to vector<16xi32>
      %shift_left3A_404 = arith.shli %and3A_401, %shift_left3A_403 : vector<16xi32>
      %or3A_405 = arith.ori %shift_left3A_404, %iota3A : vector<16xi32>
      %gather3A_406 = tpu.vector_load_idx %arg7[%or3A_405] : memref<4096xi32, #tpu.memory_space<vmem>>[vector<16xi32>], vector<16xi32>,
      %shift_right_arithmetic3A_407 = arith.constant 10 : i32
      %shift_right_arithmetic3A_408 = vector.broadcast %shift_right_arithmetic3A_407 : i32 to vector<16xi32>
      %shift_right_arithmetic3A_409 = arith.shrsi %gather3A_406, %shift_right_arithmetic3A_408 : vector<16xi32>
      %mul3A_410 = arith.constant 21846 : i32
      %mul3A_411 = vector.broadcast %mul3A_410 : i32 to vector<16xi32>
      %mul3A_412 = arith.muli %shift_right_arithmetic3A_409, %mul3A_411 : vector<16xi32>
      %shift_right_arithmetic3A_413 = arith.constant 16 : i32
      %shift_right_arithmetic3A_414 = vector.broadcast %shift_right_arithmetic3A_413 : i32 to vector<16xi32>
      %shift_right_arithmetic3A_415 = arith.shrsi %mul3A_412, %shift_right_arithmetic3A_414 : vector<16xi32>
      %add3A_416 = arith.addi %gather3A_406, %shift_right_arithmetic3A_415 : vector<16xi32>
      tpu.vector_store_idx %arg5[%add3A_416], %gather3A_395 : memref<49168xi32, #tpu.memory_space<vmem>>[vector<16xi32>], vector<16xi32>,
      tpu.vector_store_idx %arg7[%or3A_405], %broadcast_in_dim3A_1 {add = true} : memref<4096xi32, #tpu.memory_space<vmem>>[vector<16xi32>], vector<16xi32>,
      %add3A_417 = arith.constant 6 : i32
      %add3A_418 = arith.addi %mul3A_265, %add3A_417 : i32
      %add3A_419 = vector.broadcast %add3A_418 : i32 to vector<16xi32>
      %add3A_420 = arith.addi %mul3A_6, %add3A_419 : vector<16xi32>
      %gather3A_421 = tpu.vector_load_idx %arg6[%add3A_420] : memref<49168xi32, #tpu.memory_space<vmem>>[vector<16xi32>], vector<16xi32>,
      %shift_right_arithmetic3A_422 = arith.constant 24 : i32
      %shift_right_arithmetic3A_423 = vector.broadcast %shift_right_arithmetic3A_422 : i32 to vector<16xi32>
      %shift_right_arithmetic3A_424 = arith.shrsi %gather3A_421, %shift_right_arithmetic3A_423 : vector<16xi32>
      %and3A_425 = arith.constant 255 : i32
      %and3A_426 = vector.broadcast %and3A_425 : i32 to vector<16xi32>
      %and3A_427 = arith.andi %shift_right_arithmetic3A_424, %and3A_426 : vector<16xi32>
      %shift_left3A_428 = arith.constant 4 : i32
      %shift_left3A_429 = vector.broadcast %shift_left3A_428 : i32 to vector<16xi32>
      %shift_left3A_430 = arith.shli %and3A_427, %shift_left3A_429 : vector<16xi32>
      %or3A_431 = arith.ori %shift_left3A_430, %iota3A : vector<16xi32>
      %gather3A_432 = tpu.vector_load_idx %arg7[%or3A_431] : memref<4096xi32, #tpu.memory_space<vmem>>[vector<16xi32>], vector<16xi32>,
      %shift_right_arithmetic3A_433 = arith.constant 10 : i32
      %shift_right_arithmetic3A_434 = vector.broadcast %shift_right_arithmetic3A_433 : i32 to vector<16xi32>
      %shift_right_arithmetic3A_435 = arith.shrsi %gather3A_432, %shift_right_arithmetic3A_434 : vector<16xi32>
      %mul3A_436 = arith.constant 21846 : i32
      %mul3A_437 = vector.broadcast %mul3A_436 : i32 to vector<16xi32>
      %mul3A_438 = arith.muli %shift_right_arithmetic3A_435, %mul3A_437 : vector<16xi32>
      %shift_right_arithmetic3A_439 = arith.constant 16 : i32
      %shift_right_arithmetic3A_440 = vector.broadcast %shift_right_arithmetic3A_439 : i32 to vector<16xi32>
      %shift_right_arithmetic3A_441 = arith.shrsi %mul3A_438, %shift_right_arithmetic3A_440 : vector<16xi32>
      %add3A_442 = arith.addi %gather3A_432, %shift_right_arithmetic3A_441 : vector<16xi32>
      tpu.vector_store_idx %arg5[%add3A_442], %gather3A_421 : memref<49168xi32, #tpu.memory_space<vmem>>[vector<16xi32>], vector<16xi32>,
      tpu.vector_store_idx %arg7[%or3A_431], %broadcast_in_dim3A_1 {add = true} : memref<4096xi32, #tpu.memory_space<vmem>>[vector<16xi32>], vector<16xi32>,
      %add3A_443 = arith.constant 7 : i32
      %add3A_444 = arith.addi %mul3A_265, %add3A_443 : i32
      %add3A_445 = vector.broadcast %add3A_444 : i32 to vector<16xi32>
      %add3A_446 = arith.addi %mul3A_6, %add3A_445 : vector<16xi32>
      %gather3A_447 = tpu.vector_load_idx %arg6[%add3A_446] : memref<49168xi32, #tpu.memory_space<vmem>>[vector<16xi32>], vector<16xi32>,
      %shift_right_arithmetic3A_448 = arith.constant 24 : i32
      %shift_right_arithmetic3A_449 = vector.broadcast %shift_right_arithmetic3A_448 : i32 to vector<16xi32>
      %shift_right_arithmetic3A_450 = arith.shrsi %gather3A_447, %shift_right_arithmetic3A_449 : vector<16xi32>
      %and3A_451 = arith.constant 255 : i32
      %and3A_452 = vector.broadcast %and3A_451 : i32 to vector<16xi32>
      %and3A_453 = arith.andi %shift_right_arithmetic3A_450, %and3A_452 : vector<16xi32>
      %shift_left3A_454 = arith.constant 4 : i32
      %shift_left3A_455 = vector.broadcast %shift_left3A_454 : i32 to vector<16xi32>
      %shift_left3A_456 = arith.shli %and3A_453, %shift_left3A_455 : vector<16xi32>
      %or3A_457 = arith.ori %shift_left3A_456, %iota3A : vector<16xi32>
      %gather3A_458 = tpu.vector_load_idx %arg7[%or3A_457] : memref<4096xi32, #tpu.memory_space<vmem>>[vector<16xi32>], vector<16xi32>,
      %shift_right_arithmetic3A_459 = arith.constant 10 : i32
      %shift_right_arithmetic3A_460 = vector.broadcast %shift_right_arithmetic3A_459 : i32 to vector<16xi32>
      %shift_right_arithmetic3A_461 = arith.shrsi %gather3A_458, %shift_right_arithmetic3A_460 : vector<16xi32>
      %mul3A_462 = arith.constant 21846 : i32
      %mul3A_463 = vector.broadcast %mul3A_462 : i32 to vector<16xi32>
      %mul3A_464 = arith.muli %shift_right_arithmetic3A_461, %mul3A_463 : vector<16xi32>
      %shift_right_arithmetic3A_465 = arith.constant 16 : i32
      %shift_right_arithmetic3A_466 = vector.broadcast %shift_right_arithmetic3A_465 : i32 to vector<16xi32>
      %shift_right_arithmetic3A_467 = arith.shrsi %mul3A_464, %shift_right_arithmetic3A_466 : vector<16xi32>
      %add3A_468 = arith.addi %gather3A_458, %shift_right_arithmetic3A_467 : vector<16xi32>
      tpu.vector_store_idx %arg5[%add3A_468], %gather3A_447 : memref<49168xi32, #tpu.memory_space<vmem>>[vector<16xi32>], vector<16xi32>,
      tpu.vector_store_idx %arg7[%or3A_457], %broadcast_in_dim3A_1 {add = true} : memref<4096xi32, #tpu.memory_space<vmem>>[vector<16xi32>], vector<16xi32>,
      %scan3A_469 = arith.constant 0 : i32
      scf.yield %scan3A_469 : i32
    }
    %scan3A_129 = arith.constant 384 : i32
    %mul3A_130 = arith.constant 49168 : i32
    %mul3A_131 = arith.muli %add3A, %mul3A_130 : i32
    "tpu.region"() ({
      %run_scoped3A = tpu.sem_alloc : memref<!tpu.dma_semaphore, #tpu.memory_space<semaphore_mem>>
      %dma_start3A = tpu.memref_slice %arg9[%mul3A_131] : memref<1573376xi32, #tpu.memory_space<hbm>> -> memref<49168xi32, #tpu.memory_space<hbm>>
      %dma_start3A_262 = tpu.memref_slice %arg9[%mul3A_131] : memref<1573376xi32, #tpu.memory_space<hbm>> -> memref<49168xi32, #tpu.memory_space<hbm>>
      tpu.enqueue_dma source(%arg5 : memref<49168xi32, #tpu.memory_space<vmem>>) target(%dma_start3A_262 : memref<49168xi32, #tpu.memory_space<hbm>>) target_semaphore(%run_scoped3A : memref<!tpu.dma_semaphore, #tpu.memory_space<semaphore_mem>>)
      %dma_wait3A = tpu.memref_slice %arg9[%mul3A_131] : memref<1573376xi32, #tpu.memory_space<hbm>> -> memref<49168xi32, #tpu.memory_space<hbm>>
      %dma_wait3A_263 = tpu.memref_slice %arg9[%mul3A_131] : memref<1573376xi32, #tpu.memory_space<hbm>> -> memref<49168xi32, #tpu.memory_space<hbm>>
      tpu.wait_dma2 semaphore(%run_scoped3A : memref<!tpu.dma_semaphore, #tpu.memory_space<semaphore_mem>>) src(%arg5 : memref<49168xi32, #tpu.memory_space<vmem>>) dst(%dma_wait3A_263 : memref<49168xi32, #tpu.memory_space<hbm>>)
      tpu.yield
    }) : () -> ()
    %add3A_132 = arith.constant 0 : i32
    %add3A_133 = arith.addi %add3A_132, %add3A : i32
    %mul3A_134 = arith.constant 16384 : i32
    %mul3A_135 = arith.muli %add3A_133, %mul3A_134 : i32
    "tpu.region"() ({
      %run_scoped3A = tpu.sem_alloc : memref<!tpu.dma_semaphore, #tpu.memory_space<semaphore_mem>>
      %dma_start3A = arith.constant 0 : i32
      %dma_start3A_262 = tpu.memref_slice %arg5[%dma_start3A] : memref<49168xi32, #tpu.memory_space<vmem>> -> memref<16384xi32, #tpu.memory_space<vmem>>
      %dma_start3A_263 = tpu.memref_slice %arg3[%mul3A_135] : memref<1572864xi32, #tpu.memory_space<hbm>> -> memref<16384xi32, #tpu.memory_space<hbm>>
      %dma_start3A_264 = arith.constant 0 : i32
      %dma_start3A_265 = tpu.memref_slice %arg5[%dma_start3A_264] : memref<49168xi32, #tpu.memory_space<vmem>> -> memref<16384xi32, #tpu.memory_space<vmem>>
      %dma_start3A_266 = tpu.memref_slice %arg3[%mul3A_135] : memref<1572864xi32, #tpu.memory_space<hbm>> -> memref<16384xi32, #tpu.memory_space<hbm>>
      tpu.enqueue_dma source(%dma_start3A_266 : memref<16384xi32, #tpu.memory_space<hbm>>) target(%dma_start3A_265 : memref<16384xi32, #tpu.memory_space<vmem>>) target_semaphore(%run_scoped3A : memref<!tpu.dma_semaphore, #tpu.memory_space<semaphore_mem>>)
      %dma_wait3A = arith.constant 0 : i32
      %dma_wait3A_267 = tpu.memref_slice %arg5[%dma_wait3A] : memref<49168xi32, #tpu.memory_space<vmem>> -> memref<16384xi32, #tpu.memory_space<vmem>>
      %dma_wait3A_268 = tpu.memref_slice %arg3[%mul3A_135] : memref<1572864xi32, #tpu.memory_space<hbm>> -> memref<16384xi32, #tpu.memory_space<hbm>>
      %dma_wait3A_269 = arith.constant 0 : i32
      %dma_wait3A_270 = tpu.memref_slice %arg5[%dma_wait3A_269] : memref<49168xi32, #tpu.memory_space<vmem>> -> memref<16384xi32, #tpu.memory_space<vmem>>
      %dma_wait3A_271 = tpu.memref_slice %arg3[%mul3A_135] : memref<1572864xi32, #tpu.memory_space<hbm>> -> memref<16384xi32, #tpu.memory_space<hbm>>
      tpu.wait_dma2 semaphore(%run_scoped3A : memref<!tpu.dma_semaphore, #tpu.memory_space<semaphore_mem>>) src(%dma_wait3A_271 : memref<16384xi32, #tpu.memory_space<hbm>>) dst(%dma_wait3A_270 : memref<16384xi32, #tpu.memory_space<vmem>>)
      tpu.yield
    }) : () -> ()
    %add3A_136 = arith.constant 32 : i32
    %add3A_137 = arith.addi %add3A_136, %add3A : i32
    %mul3A_138 = arith.constant 16384 : i32
    %mul3A_139 = arith.muli %add3A_137, %mul3A_138 : i32
    "tpu.region"() ({
      %run_scoped3A = tpu.sem_alloc : memref<!tpu.dma_semaphore, #tpu.memory_space<semaphore_mem>>
      %dma_start3A = arith.constant 16384 : i32
      %dma_start3A_262 = tpu.memref_slice %arg5[%dma_start3A] : memref<49168xi32, #tpu.memory_space<vmem>> -> memref<16384xi32, #tpu.memory_space<vmem>>
      %dma_start3A_263 = tpu.memref_slice %arg3[%mul3A_139] : memref<1572864xi32, #tpu.memory_space<hbm>> -> memref<16384xi32, #tpu.memory_space<hbm>>
      %dma_start3A_264 = arith.constant 16384 : i32
      %dma_start3A_265 = tpu.memref_slice %arg5[%dma_start3A_264] : memref<49168xi32, #tpu.memory_space<vmem>> -> memref<16384xi32, #tpu.memory_space<vmem>>
      %dma_start3A_266 = tpu.memref_slice %arg3[%mul3A_139] : memref<1572864xi32, #tpu.memory_space<hbm>> -> memref<16384xi32, #tpu.memory_space<hbm>>
      tpu.enqueue_dma source(%dma_start3A_266 : memref<16384xi32, #tpu.memory_space<hbm>>) target(%dma_start3A_265 : memref<16384xi32, #tpu.memory_space<vmem>>) target_semaphore(%run_scoped3A : memref<!tpu.dma_semaphore, #tpu.memory_space<semaphore_mem>>)
      %dma_wait3A = arith.constant 16384 : i32
      %dma_wait3A_267 = tpu.memref_slice %arg5[%dma_wait3A] : memref<49168xi32, #tpu.memory_space<vmem>> -> memref<16384xi32, #tpu.memory_space<vmem>>
      %dma_wait3A_268 = tpu.memref_slice %arg3[%mul3A_139] : memref<1572864xi32, #tpu.memory_space<hbm>> -> memref<16384xi32, #tpu.memory_space<hbm>>
      %dma_wait3A_269 = arith.constant 16384 : i32
      %dma_wait3A_270 = tpu.memref_slice %arg5[%dma_wait3A_269] : memref<49168xi32, #tpu.memory_space<vmem>> -> memref<16384xi32, #tpu.memory_space<vmem>>
      %dma_wait3A_271 = tpu.memref_slice %arg3[%mul3A_139] : memref<1572864xi32, #tpu.memory_space<hbm>> -> memref<16384xi32, #tpu.memory_space<hbm>>
      tpu.wait_dma2 semaphore(%run_scoped3A : memref<!tpu.dma_semaphore, #tpu.memory_space<semaphore_mem>>) src(%dma_wait3A_271 : memref<16384xi32, #tpu.memory_space<hbm>>) dst(%dma_wait3A_270 : memref<16384xi32, #tpu.memory_space<vmem>>)
      tpu.yield
    }) : () -> ()
    %add3A_140 = arith.constant 64 : i32
    %add3A_141 = arith.addi %add3A_140, %add3A : i32
    %mul3A_142 = arith.constant 16384 : i32
    %mul3A_143 = arith.muli %add3A_141, %mul3A_142 : i32
    "tpu.region"() ({
      %run_scoped3A = tpu.sem_alloc : memref<!tpu.dma_semaphore, #tpu.memory_space<semaphore_mem>>
      %dma_start3A = arith.constant 32768 : i32
      %dma_start3A_262 = tpu.memref_slice %arg5[%dma_start3A] : memref<49168xi32, #tpu.memory_space<vmem>> -> memref<16384xi32, #tpu.memory_space<vmem>>
      %dma_start3A_263 = tpu.memref_slice %arg3[%mul3A_143] : memref<1572864xi32, #tpu.memory_space<hbm>> -> memref<16384xi32, #tpu.memory_space<hbm>>
      %dma_start3A_264 = arith.constant 32768 : i32
      %dma_start3A_265 = tpu.memref_slice %arg5[%dma_start3A_264] : memref<49168xi32, #tpu.memory_space<vmem>> -> memref<16384xi32, #tpu.memory_space<vmem>>
      %dma_start3A_266 = tpu.memref_slice %arg3[%mul3A_143] : memref<1572864xi32, #tpu.memory_space<hbm>> -> memref<16384xi32, #tpu.memory_space<hbm>>
      tpu.enqueue_dma source(%dma_start3A_266 : memref<16384xi32, #tpu.memory_space<hbm>>) target(%dma_start3A_265 : memref<16384xi32, #tpu.memory_space<vmem>>) target_semaphore(%run_scoped3A : memref<!tpu.dma_semaphore, #tpu.memory_space<semaphore_mem>>)
      %dma_wait3A = arith.constant 32768 : i32
      %dma_wait3A_267 = tpu.memref_slice %arg5[%dma_wait3A] : memref<49168xi32, #tpu.memory_space<vmem>> -> memref<16384xi32, #tpu.memory_space<vmem>>
      %dma_wait3A_268 = tpu.memref_slice %arg3[%mul3A_143] : memref<1572864xi32, #tpu.memory_space<hbm>> -> memref<16384xi32, #tpu.memory_space<hbm>>
      %dma_wait3A_269 = arith.constant 32768 : i32
      %dma_wait3A_270 = tpu.memref_slice %arg5[%dma_wait3A_269] : memref<49168xi32, #tpu.memory_space<vmem>> -> memref<16384xi32, #tpu.memory_space<vmem>>
      %dma_wait3A_271 = tpu.memref_slice %arg3[%mul3A_143] : memref<1572864xi32, #tpu.memory_space<hbm>> -> memref<16384xi32, #tpu.memory_space<hbm>>
      tpu.wait_dma2 semaphore(%run_scoped3A : memref<!tpu.dma_semaphore, #tpu.memory_space<semaphore_mem>>) src(%dma_wait3A_271 : memref<16384xi32, #tpu.memory_space<hbm>>) dst(%dma_wait3A_270 : memref<16384xi32, #tpu.memory_space<vmem>>)
      tpu.yield
    }) : () -> ()
    %scan3A_144 = arith.constant 0 : i32
    %scan3A_145 = arith.constant 0 : i32
    %scan3A_146 = arith.constant 32 : i32
    %scan3A_147 = arith.addi %scan3A_145, %scan3A_146 : i32
    %scan3A_148 = arith.constant 1 : i32
    %scan3A_149 = scf.for %scan3A_262 = %scan3A_145 to %scan3A_147 step %scan3A_148 iter_args(%scan3A_263 = %scan3A_144) -> (i32)  : i32 {
      %mul3A_264 = arith.constant 8 : i32
      %mul3A_265 = arith.muli %scan3A_262, %mul3A_264 : i32
      %add3A_266 = arith.constant 0 : i32
      %add3A_267 = arith.addi %mul3A_265, %add3A_266 : i32
      %mul3A_268 = arith.constant 16 : i32
      %mul3A_269 = arith.muli %add3A_267, %mul3A_268 : i32
      %swap3A_270 = arith.index_cast %mul3A_269 : i32 to index
      %swap3A_271 = tpu.vector_load %arg7[%swap3A_270] {strides = array<i32>} : memref<4096xi32, #tpu.memory_space<vmem>>, vector<16xi32>,
      tpu.vector_store %arg7[%swap3A_270], %broadcast_in_dim3A_3 {strides = array<i32>} : memref<4096xi32, #tpu.memory_space<vmem>>, vector<16xi32>,
      %add3A_272 = arith.constant 1 : i32
      %add3A_273 = arith.addi %mul3A_265, %add3A_272 : i32
      %mul3A_274 = arith.constant 16 : i32
      %mul3A_275 = arith.muli %add3A_273, %mul3A_274 : i32
      %swap3A_276 = arith.index_cast %mul3A_275 : i32 to index
      %swap3A_277 = tpu.vector_load %arg7[%swap3A_276] {strides = array<i32>} : memref<4096xi32, #tpu.memory_space<vmem>>, vector<16xi32>,
      tpu.vector_store %arg7[%swap3A_276], %broadcast_in_dim3A_3 {strides = array<i32>} : memref<4096xi32, #tpu.memory_space<vmem>>, vector<16xi32>,
      %add3A_278 = arith.constant 2 : i32
      %add3A_279 = arith.addi %mul3A_265, %add3A_278 : i32
      %mul3A_280 = arith.constant 16 : i32
      %mul3A_281 = arith.muli %add3A_279, %mul3A_280 : i32
      %swap3A_282 = arith.index_cast %mul3A_281 : i32 to index
      %swap3A_283 = tpu.vector_load %arg7[%swap3A_282] {strides = array<i32>} : memref<4096xi32, #tpu.memory_space<vmem>>, vector<16xi32>,
      tpu.vector_store %arg7[%swap3A_282], %broadcast_in_dim3A_3 {strides = array<i32>} : memref<4096xi32, #tpu.memory_space<vmem>>, vector<16xi32>,
      %add3A_284 = arith.constant 3 : i32
      %add3A_285 = arith.addi %mul3A_265, %add3A_284 : i32
      %mul3A_286 = arith.constant 16 : i32
      %mul3A_287 = arith.muli %add3A_285, %mul3A_286 : i32
      %swap3A_288 = arith.index_cast %mul3A_287 : i32 to index
      %swap3A_289 = tpu.vector_load %arg7[%swap3A_288] {strides = array<i32>} : memref<4096xi32, #tpu.memory_space<vmem>>, vector<16xi32>,
      tpu.vector_store %arg7[%swap3A_288], %broadcast_in_dim3A_3 {strides = array<i32>} : memref<4096xi32, #tpu.memory_space<vmem>>, vector<16xi32>,
      %add3A_290 = arith.constant 4 : i32
      %add3A_291 = arith.addi %mul3A_265, %add3A_290 : i32
      %mul3A_292 = arith.constant 16 : i32
      %mul3A_293 = arith.muli %add3A_291, %mul3A_292 : i32
      %swap3A_294 = arith.index_cast %mul3A_293 : i32 to index
      %swap3A_295 = tpu.vector_load %arg7[%swap3A_294] {strides = array<i32>} : memref<4096xi32, #tpu.memory_space<vmem>>, vector<16xi32>,
      tpu.vector_store %arg7[%swap3A_294], %broadcast_in_dim3A_3 {strides = array<i32>} : memref<4096xi32, #tpu.memory_space<vmem>>, vector<16xi32>,
      %add3A_296 = arith.constant 5 : i32
      %add3A_297 = arith.addi %mul3A_265, %add3A_296 : i32
      %mul3A_298 = arith.constant 16 : i32
      %mul3A_299 = arith.muli %add3A_297, %mul3A_298 : i32
      %swap3A_300 = arith.index_cast %mul3A_299 : i32 to index
      %swap3A_301 = tpu.vector_load %arg7[%swap3A_300] {strides = array<i32>} : memref<4096xi32, #tpu.memory_space<vmem>>, vector<16xi32>,
      tpu.vector_store %arg7[%swap3A_300], %broadcast_in_dim3A_3 {strides = array<i32>} : memref<4096xi32, #tpu.memory_space<vmem>>, vector<16xi32>,
      %add3A_302 = arith.constant 6 : i32
      %add3A_303 = arith.addi %mul3A_265, %add3A_302 : i32
      %mul3A_304 = arith.constant 16 : i32
      %mul3A_305 = arith.muli %add3A_303, %mul3A_304 : i32
      %swap3A_306 = arith.index_cast %mul3A_305 : i32 to index
      %swap3A_307 = tpu.vector_load %arg7[%swap3A_306] {strides = array<i32>} : memref<4096xi32, #tpu.memory_space<vmem>>, vector<16xi32>,
      tpu.vector_store %arg7[%swap3A_306], %broadcast_in_dim3A_3 {strides = array<i32>} : memref<4096xi32, #tpu.memory_space<vmem>>, vector<16xi32>,
      %add3A_308 = arith.constant 7 : i32
      %add3A_309 = arith.addi %mul3A_265, %add3A_308 : i32
      %mul3A_310 = arith.constant 16 : i32
      %mul3A_311 = arith.muli %add3A_309, %mul3A_310 : i32
      %swap3A_312 = arith.index_cast %mul3A_311 : i32 to index
      %swap3A_313 = tpu.vector_load %arg7[%swap3A_312] {strides = array<i32>} : memref<4096xi32, #tpu.memory_space<vmem>>, vector<16xi32>,
      tpu.vector_store %arg7[%swap3A_312], %broadcast_in_dim3A_3 {strides = array<i32>} : memref<4096xi32, #tpu.memory_space<vmem>>, vector<16xi32>,
      %scan3A_314 = arith.constant 0 : i32
      scf.yield %scan3A_314 : i32
    }
    %scan3A_150 = arith.constant 32 : i32
    %scan3A_151 = arith.constant 0 : i32
    %scan3A_152 = arith.constant 0 : i32
    %scan3A_153 = arith.constant 384 : i32
    %scan3A_154 = arith.addi %scan3A_152, %scan3A_153 : i32
    %scan3A_155 = arith.constant 1 : i32
    %scan3A_156 = scf.for %scan3A_262 = %scan3A_152 to %scan3A_154 step %scan3A_155 iter_args(%scan3A_263 = %scan3A_151) -> (i32)  : i32 {
      %mul3A_264 = arith.constant 8 : i32
      %mul3A_265 = arith.muli %scan3A_262, %mul3A_264 : i32
      %add3A_266 = arith.constant 0 : i32
      %add3A_267 = arith.addi %mul3A_265, %add3A_266 : i32
      %mul3A_268 = arith.constant 16 : i32
      %mul3A_269 = arith.muli %add3A_267, %mul3A_268 : i32
      %get3A = arith.index_cast %mul3A_269 : i32 to index
      %get3A_270 = tpu.vector_load %arg5[%get3A] {strides = array<i32>} : memref<49168xi32, #tpu.memory_space<vmem>>, vector<16xi32>,
      %shift_right_arithmetic3A = arith.constant 0 : i32
      %shift_right_arithmetic3A_271 = vector.broadcast %shift_right_arithmetic3A : i32 to vector<16xi32>
      %shift_right_arithmetic3A_272 = arith.shrsi %get3A_270, %shift_right_arithmetic3A_271 : vector<16xi32>
      %and3A = arith.constant 255 : i32
      %and3A_273 = vector.broadcast %and3A : i32 to vector<16xi32>
      %and3A_274 = arith.andi %shift_right_arithmetic3A_272, %and3A_273 : vector<16xi32>
      %shift_left3A = arith.constant 4 : i32
      %shift_left3A_275 = vector.broadcast %shift_left3A : i32 to vector<16xi32>
      %shift_left3A_276 = arith.shli %and3A_274, %shift_left3A_275 : vector<16xi32>
      %or3A = arith.ori %shift_left3A_276, %iota3A : vector<16xi32>
      tpu.vector_store_idx %arg7[%or3A], %broadcast_in_dim3A_1 {add = true} : memref<4096xi32, #tpu.memory_space<vmem>>[vector<16xi32>], vector<16xi32>,
      %add3A_277 = arith.constant 1 : i32
      %add3A_278 = arith.addi %mul3A_265, %add3A_277 : i32
      %mul3A_279 = arith.constant 16 : i32
      %mul3A_280 = arith.muli %add3A_278, %mul3A_279 : i32
      %get3A_281 = arith.index_cast %mul3A_280 : i32 to index
      %get3A_282 = tpu.vector_load %arg5[%get3A_281] {strides = array<i32>} : memref<49168xi32, #tpu.memory_space<vmem>>, vector<16xi32>,
      %shift_right_arithmetic3A_283 = arith.constant 0 : i32
      %shift_right_arithmetic3A_284 = vector.broadcast %shift_right_arithmetic3A_283 : i32 to vector<16xi32>
      %shift_right_arithmetic3A_285 = arith.shrsi %get3A_282, %shift_right_arithmetic3A_284 : vector<16xi32>
      %and3A_286 = arith.constant 255 : i32
      %and3A_287 = vector.broadcast %and3A_286 : i32 to vector<16xi32>
      %and3A_288 = arith.andi %shift_right_arithmetic3A_285, %and3A_287 : vector<16xi32>
      %shift_left3A_289 = arith.constant 4 : i32
      %shift_left3A_290 = vector.broadcast %shift_left3A_289 : i32 to vector<16xi32>
      %shift_left3A_291 = arith.shli %and3A_288, %shift_left3A_290 : vector<16xi32>
      %or3A_292 = arith.ori %shift_left3A_291, %iota3A : vector<16xi32>
      tpu.vector_store_idx %arg7[%or3A_292], %broadcast_in_dim3A_1 {add = true} : memref<4096xi32, #tpu.memory_space<vmem>>[vector<16xi32>], vector<16xi32>,
      %add3A_293 = arith.constant 2 : i32
      %add3A_294 = arith.addi %mul3A_265, %add3A_293 : i32
      %mul3A_295 = arith.constant 16 : i32
      %mul3A_296 = arith.muli %add3A_294, %mul3A_295 : i32
      %get3A_297 = arith.index_cast %mul3A_296 : i32 to index
      %get3A_298 = tpu.vector_load %arg5[%get3A_297] {strides = array<i32>} : memref<49168xi32, #tpu.memory_space<vmem>>, vector<16xi32>,
      %shift_right_arithmetic3A_299 = arith.constant 0 : i32
      %shift_right_arithmetic3A_300 = vector.broadcast %shift_right_arithmetic3A_299 : i32 to vector<16xi32>
      %shift_right_arithmetic3A_301 = arith.shrsi %get3A_298, %shift_right_arithmetic3A_300 : vector<16xi32>
      %and3A_302 = arith.constant 255 : i32
      %and3A_303 = vector.broadcast %and3A_302 : i32 to vector<16xi32>
      %and3A_304 = arith.andi %shift_right_arithmetic3A_301, %and3A_303 : vector<16xi32>
      %shift_left3A_305 = arith.constant 4 : i32
      %shift_left3A_306 = vector.broadcast %shift_left3A_305 : i32 to vector<16xi32>
      %shift_left3A_307 = arith.shli %and3A_304, %shift_left3A_306 : vector<16xi32>
      %or3A_308 = arith.ori %shift_left3A_307, %iota3A : vector<16xi32>
      tpu.vector_store_idx %arg7[%or3A_308], %broadcast_in_dim3A_1 {add = true} : memref<4096xi32, #tpu.memory_space<vmem>>[vector<16xi32>], vector<16xi32>,
      %add3A_309 = arith.constant 3 : i32
      %add3A_310 = arith.addi %mul3A_265, %add3A_309 : i32
      %mul3A_311 = arith.constant 16 : i32
      %mul3A_312 = arith.muli %add3A_310, %mul3A_311 : i32
      %get3A_313 = arith.index_cast %mul3A_312 : i32 to index
      %get3A_314 = tpu.vector_load %arg5[%get3A_313] {strides = array<i32>} : memref<49168xi32, #tpu.memory_space<vmem>>, vector<16xi32>,
      %shift_right_arithmetic3A_315 = arith.constant 0 : i32
      %shift_right_arithmetic3A_316 = vector.broadcast %shift_right_arithmetic3A_315 : i32 to vector<16xi32>
      %shift_right_arithmetic3A_317 = arith.shrsi %get3A_314, %shift_right_arithmetic3A_316 : vector<16xi32>
      %and3A_318 = arith.constant 255 : i32
      %and3A_319 = vector.broadcast %and3A_318 : i32 to vector<16xi32>
      %and3A_320 = arith.andi %shift_right_arithmetic3A_317, %and3A_319 : vector<16xi32>
      %shift_left3A_321 = arith.constant 4 : i32
      %shift_left3A_322 = vector.broadcast %shift_left3A_321 : i32 to vector<16xi32>
      %shift_left3A_323 = arith.shli %and3A_320, %shift_left3A_322 : vector<16xi32>
      %or3A_324 = arith.ori %shift_left3A_323, %iota3A : vector<16xi32>
      tpu.vector_store_idx %arg7[%or3A_324], %broadcast_in_dim3A_1 {add = true} : memref<4096xi32, #tpu.memory_space<vmem>>[vector<16xi32>], vector<16xi32>,
      %add3A_325 = arith.constant 4 : i32
      %add3A_326 = arith.addi %mul3A_265, %add3A_325 : i32
      %mul3A_327 = arith.constant 16 : i32
      %mul3A_328 = arith.muli %add3A_326, %mul3A_327 : i32
      %get3A_329 = arith.index_cast %mul3A_328 : i32 to index
      %get3A_330 = tpu.vector_load %arg5[%get3A_329] {strides = array<i32>} : memref<49168xi32, #tpu.memory_space<vmem>>, vector<16xi32>,
      %shift_right_arithmetic3A_331 = arith.constant 0 : i32
      %shift_right_arithmetic3A_332 = vector.broadcast %shift_right_arithmetic3A_331 : i32 to vector<16xi32>
      %shift_right_arithmetic3A_333 = arith.shrsi %get3A_330, %shift_right_arithmetic3A_332 : vector<16xi32>
      %and3A_334 = arith.constant 255 : i32
      %and3A_335 = vector.broadcast %and3A_334 : i32 to vector<16xi32>
      %and3A_336 = arith.andi %shift_right_arithmetic3A_333, %and3A_335 : vector<16xi32>
      %shift_left3A_337 = arith.constant 4 : i32
      %shift_left3A_338 = vector.broadcast %shift_left3A_337 : i32 to vector<16xi32>
      %shift_left3A_339 = arith.shli %and3A_336, %shift_left3A_338 : vector<16xi32>
      %or3A_340 = arith.ori %shift_left3A_339, %iota3A : vector<16xi32>
      tpu.vector_store_idx %arg7[%or3A_340], %broadcast_in_dim3A_1 {add = true} : memref<4096xi32, #tpu.memory_space<vmem>>[vector<16xi32>], vector<16xi32>,
      %add3A_341 = arith.constant 5 : i32
      %add3A_342 = arith.addi %mul3A_265, %add3A_341 : i32
      %mul3A_343 = arith.constant 16 : i32
      %mul3A_344 = arith.muli %add3A_342, %mul3A_343 : i32
      %get3A_345 = arith.index_cast %mul3A_344 : i32 to index
      %get3A_346 = tpu.vector_load %arg5[%get3A_345] {strides = array<i32>} : memref<49168xi32, #tpu.memory_space<vmem>>, vector<16xi32>,
      %shift_right_arithmetic3A_347 = arith.constant 0 : i32
      %shift_right_arithmetic3A_348 = vector.broadcast %shift_right_arithmetic3A_347 : i32 to vector<16xi32>
      %shift_right_arithmetic3A_349 = arith.shrsi %get3A_346, %shift_right_arithmetic3A_348 : vector<16xi32>
      %and3A_350 = arith.constant 255 : i32
      %and3A_351 = vector.broadcast %and3A_350 : i32 to vector<16xi32>
      %and3A_352 = arith.andi %shift_right_arithmetic3A_349, %and3A_351 : vector<16xi32>
      %shift_left3A_353 = arith.constant 4 : i32
      %shift_left3A_354 = vector.broadcast %shift_left3A_353 : i32 to vector<16xi32>
      %shift_left3A_355 = arith.shli %and3A_352, %shift_left3A_354 : vector<16xi32>
      %or3A_356 = arith.ori %shift_left3A_355, %iota3A : vector<16xi32>
      tpu.vector_store_idx %arg7[%or3A_356], %broadcast_in_dim3A_1 {add = true} : memref<4096xi32, #tpu.memory_space<vmem>>[vector<16xi32>], vector<16xi32>,
      %add3A_357 = arith.constant 6 : i32
      %add3A_358 = arith.addi %mul3A_265, %add3A_357 : i32
      %mul3A_359 = arith.constant 16 : i32
      %mul3A_360 = arith.muli %add3A_358, %mul3A_359 : i32
      %get3A_361 = arith.index_cast %mul3A_360 : i32 to index
      %get3A_362 = tpu.vector_load %arg5[%get3A_361] {strides = array<i32>} : memref<49168xi32, #tpu.memory_space<vmem>>, vector<16xi32>,
      %shift_right_arithmetic3A_363 = arith.constant 0 : i32
      %shift_right_arithmetic3A_364 = vector.broadcast %shift_right_arithmetic3A_363 : i32 to vector<16xi32>
      %shift_right_arithmetic3A_365 = arith.shrsi %get3A_362, %shift_right_arithmetic3A_364 : vector<16xi32>
      %and3A_366 = arith.constant 255 : i32
      %and3A_367 = vector.broadcast %and3A_366 : i32 to vector<16xi32>
      %and3A_368 = arith.andi %shift_right_arithmetic3A_365, %and3A_367 : vector<16xi32>
      %shift_left3A_369 = arith.constant 4 : i32
      %shift_left3A_370 = vector.broadcast %shift_left3A_369 : i32 to vector<16xi32>
      %shift_left3A_371 = arith.shli %and3A_368, %shift_left3A_370 : vector<16xi32>
      %or3A_372 = arith.ori %shift_left3A_371, %iota3A : vector<16xi32>
      tpu.vector_store_idx %arg7[%or3A_372], %broadcast_in_dim3A_1 {add = true} : memref<4096xi32, #tpu.memory_space<vmem>>[vector<16xi32>], vector<16xi32>,
      %add3A_373 = arith.constant 7 : i32
      %add3A_374 = arith.addi %mul3A_265, %add3A_373 : i32
      %mul3A_375 = arith.constant 16 : i32
      %mul3A_376 = arith.muli %add3A_374, %mul3A_375 : i32
      %get3A_377 = arith.index_cast %mul3A_376 : i32 to index
      %get3A_378 = tpu.vector_load %arg5[%get3A_377] {strides = array<i32>} : memref<49168xi32, #tpu.memory_space<vmem>>, vector<16xi32>,
      %shift_right_arithmetic3A_379 = arith.constant 0 : i32
      %shift_right_arithmetic3A_380 = vector.broadcast %shift_right_arithmetic3A_379 : i32 to vector<16xi32>
      %shift_right_arithmetic3A_381 = arith.shrsi %get3A_378, %shift_right_arithmetic3A_380 : vector<16xi32>
      %and3A_382 = arith.constant 255 : i32
      %and3A_383 = vector.broadcast %and3A_382 : i32 to vector<16xi32>
      %and3A_384 = arith.andi %shift_right_arithmetic3A_381, %and3A_383 : vector<16xi32>
      %shift_left3A_385 = arith.constant 4 : i32
      %shift_left3A_386 = vector.broadcast %shift_left3A_385 : i32 to vector<16xi32>
      %shift_left3A_387 = arith.shli %and3A_384, %shift_left3A_386 : vector<16xi32>
      %or3A_388 = arith.ori %shift_left3A_387, %iota3A : vector<16xi32>
      tpu.vector_store_idx %arg7[%or3A_388], %broadcast_in_dim3A_1 {add = true} : memref<4096xi32, #tpu.memory_space<vmem>>[vector<16xi32>], vector<16xi32>,
      %scan3A_389 = arith.constant 0 : i32
      scf.yield %scan3A_389 : i32
    }
    %scan3A_157 = arith.constant 384 : i32
    %scan3A_158 = arith.constant 0 : i32
    %scan3A_159 = arith.constant 0 : i32
    %scan3A_160 = arith.constant 256 : i32
    %scan3A_161 = arith.addi %scan3A_159, %scan3A_160 : i32
    %scan3A_162 = arith.constant 1 : i32
    %scan3A_163 = scf.for %scan3A_262 = %scan3A_159 to %scan3A_161 step %scan3A_162 iter_args(%scan3A_263 = %scan3A_158) -> (i32)  : i32 {
      %mul3A_264 = arith.constant 16 : i32
      %mul3A_265 = arith.muli %scan3A_262, %mul3A_264 : i32
      %get3A = arith.index_cast %mul3A_265 : i32 to index
      %get3A_266 = tpu.vector_load %arg7[%get3A] {strides = array<i32>} : memref<4096xi32, #tpu.memory_space<vmem>>, vector<16xi32>,
      %broadcast_in_dim3A_267 = arith.constant true
      %broadcast_in_dim3A_268 = vector.broadcast %broadcast_in_dim3A_267 : i1 to vector<16xi1>
      %masked_cumsum3A = tpu.scan <sum>, %get3A_266 masked %broadcast_in_dim3A_268 : vector<16xi32>, vector<16xi1> -> vector<16xi32>
      %sub3A = arith.subi %masked_cumsum3A, %get3A_266 : vector<16xi32>
      %add3A_269 = vector.broadcast %scan3A_263 : i32 to vector<16xi32>
      %add3A_270 = arith.addi %sub3A, %add3A_269 : vector<16xi32>
      %mul3A_271 = arith.constant 16 : i32
      %mul3A_272 = arith.muli %scan3A_262, %mul3A_271 : i32
      %swap3A_273 = arith.index_cast %mul3A_272 : i32 to index
      %swap3A_274 = tpu.vector_load %arg7[%swap3A_273] {strides = array<i32>} : memref<4096xi32, #tpu.memory_space<vmem>>, vector<16xi32>,
      tpu.vector_store %arg7[%swap3A_273], %add3A_270 {strides = array<i32>} : memref<4096xi32, #tpu.memory_space<vmem>>, vector<16xi32>,
      %reduce_sum3A = arith.constant true
      %reduce_sum3A_275 = vector.broadcast %reduce_sum3A : i1 to vector<16xi1>
      %reduce_sum3A_276 = tpu.scan <sum>, %get3A_266 masked %reduce_sum3A_275 : vector<16xi32>, vector<16xi1> -> vector<16xi32>
      %reduce_sum3A_277 = vector.extract %reduce_sum3A_276[15] : i32 from vector<16xi32>
      %add3A_278 = arith.addi %scan3A_263, %reduce_sum3A_277 : i32
      scf.yield %add3A_278 : i32
    }
    %scan3A_164 = arith.constant 256 : i32
    %scan3A_165 = arith.constant 0 : i32
    %scan3A_166 = arith.constant 0 : i32
    %scan3A_167 = arith.constant 384 : i32
    %scan3A_168 = arith.addi %scan3A_166, %scan3A_167 : i32
    %scan3A_169 = arith.constant 1 : i32
    %scan3A_170 = scf.for %scan3A_262 = %scan3A_166 to %scan3A_168 step %scan3A_169 iter_args(%scan3A_263 = %scan3A_165) -> (i32)  : i32 {
      %mul3A_264 = arith.constant 8 : i32
      %mul3A_265 = arith.muli %scan3A_262, %mul3A_264 : i32
      %add3A_266 = arith.constant 0 : i32
      %add3A_267 = arith.addi %mul3A_265, %add3A_266 : i32
      %mul3A_268 = arith.constant 16 : i32
      %mul3A_269 = arith.muli %add3A_267, %mul3A_268 : i32
      %get3A = arith.index_cast %mul3A_269 : i32 to index
      %get3A_270 = tpu.vector_load %arg5[%get3A] {strides = array<i32>} : memref<49168xi32, #tpu.memory_space<vmem>>, vector<16xi32>,
      %shift_right_arithmetic3A = arith.constant 0 : i32
      %shift_right_arithmetic3A_271 = vector.broadcast %shift_right_arithmetic3A : i32 to vector<16xi32>
      %shift_right_arithmetic3A_272 = arith.shrsi %get3A_270, %shift_right_arithmetic3A_271 : vector<16xi32>
      %and3A = arith.constant 255 : i32
      %and3A_273 = vector.broadcast %and3A : i32 to vector<16xi32>
      %and3A_274 = arith.andi %shift_right_arithmetic3A_272, %and3A_273 : vector<16xi32>
      %shift_left3A = arith.constant 4 : i32
      %shift_left3A_275 = vector.broadcast %shift_left3A : i32 to vector<16xi32>
      %shift_left3A_276 = arith.shli %and3A_274, %shift_left3A_275 : vector<16xi32>
      %or3A = arith.ori %shift_left3A_276, %iota3A : vector<16xi32>
      %gather3A = tpu.vector_load_idx %arg7[%or3A] : memref<4096xi32, #tpu.memory_space<vmem>>[vector<16xi32>], vector<16xi32>,
      %shift_right_arithmetic3A_277 = arith.constant 10 : i32
      %shift_right_arithmetic3A_278 = vector.broadcast %shift_right_arithmetic3A_277 : i32 to vector<16xi32>
      %shift_right_arithmetic3A_279 = arith.shrsi %gather3A, %shift_right_arithmetic3A_278 : vector<16xi32>
      %mul3A_280 = arith.constant 21846 : i32
      %mul3A_281 = vector.broadcast %mul3A_280 : i32 to vector<16xi32>
      %mul3A_282 = arith.muli %shift_right_arithmetic3A_279, %mul3A_281 : vector<16xi32>
      %shift_right_arithmetic3A_283 = arith.constant 16 : i32
      %shift_right_arithmetic3A_284 = vector.broadcast %shift_right_arithmetic3A_283 : i32 to vector<16xi32>
      %shift_right_arithmetic3A_285 = arith.shrsi %mul3A_282, %shift_right_arithmetic3A_284 : vector<16xi32>
      %add3A_286 = arith.addi %gather3A, %shift_right_arithmetic3A_285 : vector<16xi32>
      tpu.vector_store_idx %arg6[%add3A_286], %get3A_270 : memref<49168xi32, #tpu.memory_space<vmem>>[vector<16xi32>], vector<16xi32>,
      tpu.vector_store_idx %arg7[%or3A], %broadcast_in_dim3A_1 {add = true} : memref<4096xi32, #tpu.memory_space<vmem>>[vector<16xi32>], vector<16xi32>,
      %add3A_287 = arith.constant 1 : i32
      %add3A_288 = arith.addi %mul3A_265, %add3A_287 : i32
      %mul3A_289 = arith.constant 16 : i32
      %mul3A_290 = arith.muli %add3A_288, %mul3A_289 : i32
      %get3A_291 = arith.index_cast %mul3A_290 : i32 to index
      %get3A_292 = tpu.vector_load %arg5[%get3A_291] {strides = array<i32>} : memref<49168xi32, #tpu.memory_space<vmem>>, vector<16xi32>,
      %shift_right_arithmetic3A_293 = arith.constant 0 : i32
      %shift_right_arithmetic3A_294 = vector.broadcast %shift_right_arithmetic3A_293 : i32 to vector<16xi32>
      %shift_right_arithmetic3A_295 = arith.shrsi %get3A_292, %shift_right_arithmetic3A_294 : vector<16xi32>
      %and3A_296 = arith.constant 255 : i32
      %and3A_297 = vector.broadcast %and3A_296 : i32 to vector<16xi32>
      %and3A_298 = arith.andi %shift_right_arithmetic3A_295, %and3A_297 : vector<16xi32>
      %shift_left3A_299 = arith.constant 4 : i32
      %shift_left3A_300 = vector.broadcast %shift_left3A_299 : i32 to vector<16xi32>
      %shift_left3A_301 = arith.shli %and3A_298, %shift_left3A_300 : vector<16xi32>
      %or3A_302 = arith.ori %shift_left3A_301, %iota3A : vector<16xi32>
      %gather3A_303 = tpu.vector_load_idx %arg7[%or3A_302] : memref<4096xi32, #tpu.memory_space<vmem>>[vector<16xi32>], vector<16xi32>,
      %shift_right_arithmetic3A_304 = arith.constant 10 : i32
      %shift_right_arithmetic3A_305 = vector.broadcast %shift_right_arithmetic3A_304 : i32 to vector<16xi32>
      %shift_right_arithmetic3A_306 = arith.shrsi %gather3A_303, %shift_right_arithmetic3A_305 : vector<16xi32>
      %mul3A_307 = arith.constant 21846 : i32
      %mul3A_308 = vector.broadcast %mul3A_307 : i32 to vector<16xi32>
      %mul3A_309 = arith.muli %shift_right_arithmetic3A_306, %mul3A_308 : vector<16xi32>
      %shift_right_arithmetic3A_310 = arith.constant 16 : i32
      %shift_right_arithmetic3A_311 = vector.broadcast %shift_right_arithmetic3A_310 : i32 to vector<16xi32>
      %shift_right_arithmetic3A_312 = arith.shrsi %mul3A_309, %shift_right_arithmetic3A_311 : vector<16xi32>
      %add3A_313 = arith.addi %gather3A_303, %shift_right_arithmetic3A_312 : vector<16xi32>
      tpu.vector_store_idx %arg6[%add3A_313], %get3A_292 : memref<49168xi32, #tpu.memory_space<vmem>>[vector<16xi32>], vector<16xi32>,
      tpu.vector_store_idx %arg7[%or3A_302], %broadcast_in_dim3A_1 {add = true} : memref<4096xi32, #tpu.memory_space<vmem>>[vector<16xi32>], vector<16xi32>,
      %add3A_314 = arith.constant 2 : i32
      %add3A_315 = arith.addi %mul3A_265, %add3A_314 : i32
      %mul3A_316 = arith.constant 16 : i32
      %mul3A_317 = arith.muli %add3A_315, %mul3A_316 : i32
      %get3A_318 = arith.index_cast %mul3A_317 : i32 to index
      %get3A_319 = tpu.vector_load %arg5[%get3A_318] {strides = array<i32>} : memref<49168xi32, #tpu.memory_space<vmem>>, vector<16xi32>,
      %shift_right_arithmetic3A_320 = arith.constant 0 : i32
      %shift_right_arithmetic3A_321 = vector.broadcast %shift_right_arithmetic3A_320 : i32 to vector<16xi32>
      %shift_right_arithmetic3A_322 = arith.shrsi %get3A_319, %shift_right_arithmetic3A_321 : vector<16xi32>
      %and3A_323 = arith.constant 255 : i32
      %and3A_324 = vector.broadcast %and3A_323 : i32 to vector<16xi32>
      %and3A_325 = arith.andi %shift_right_arithmetic3A_322, %and3A_324 : vector<16xi32>
      %shift_left3A_326 = arith.constant 4 : i32
      %shift_left3A_327 = vector.broadcast %shift_left3A_326 : i32 to vector<16xi32>
      %shift_left3A_328 = arith.shli %and3A_325, %shift_left3A_327 : vector<16xi32>
      %or3A_329 = arith.ori %shift_left3A_328, %iota3A : vector<16xi32>
      %gather3A_330 = tpu.vector_load_idx %arg7[%or3A_329] : memref<4096xi32, #tpu.memory_space<vmem>>[vector<16xi32>], vector<16xi32>,
      %shift_right_arithmetic3A_331 = arith.constant 10 : i32
      %shift_right_arithmetic3A_332 = vector.broadcast %shift_right_arithmetic3A_331 : i32 to vector<16xi32>
      %shift_right_arithmetic3A_333 = arith.shrsi %gather3A_330, %shift_right_arithmetic3A_332 : vector<16xi32>
      %mul3A_334 = arith.constant 21846 : i32
      %mul3A_335 = vector.broadcast %mul3A_334 : i32 to vector<16xi32>
      %mul3A_336 = arith.muli %shift_right_arithmetic3A_333, %mul3A_335 : vector<16xi32>
      %shift_right_arithmetic3A_337 = arith.constant 16 : i32
      %shift_right_arithmetic3A_338 = vector.broadcast %shift_right_arithmetic3A_337 : i32 to vector<16xi32>
      %shift_right_arithmetic3A_339 = arith.shrsi %mul3A_336, %shift_right_arithmetic3A_338 : vector<16xi32>
      %add3A_340 = arith.addi %gather3A_330, %shift_right_arithmetic3A_339 : vector<16xi32>
      tpu.vector_store_idx %arg6[%add3A_340], %get3A_319 : memref<49168xi32, #tpu.memory_space<vmem>>[vector<16xi32>], vector<16xi32>,
      tpu.vector_store_idx %arg7[%or3A_329], %broadcast_in_dim3A_1 {add = true} : memref<4096xi32, #tpu.memory_space<vmem>>[vector<16xi32>], vector<16xi32>,
      %add3A_341 = arith.constant 3 : i32
      %add3A_342 = arith.addi %mul3A_265, %add3A_341 : i32
      %mul3A_343 = arith.constant 16 : i32
      %mul3A_344 = arith.muli %add3A_342, %mul3A_343 : i32
      %get3A_345 = arith.index_cast %mul3A_344 : i32 to index
      %get3A_346 = tpu.vector_load %arg5[%get3A_345] {strides = array<i32>} : memref<49168xi32, #tpu.memory_space<vmem>>, vector<16xi32>,
      %shift_right_arithmetic3A_347 = arith.constant 0 : i32
      %shift_right_arithmetic3A_348 = vector.broadcast %shift_right_arithmetic3A_347 : i32 to vector<16xi32>
      %shift_right_arithmetic3A_349 = arith.shrsi %get3A_346, %shift_right_arithmetic3A_348 : vector<16xi32>
      %and3A_350 = arith.constant 255 : i32
      %and3A_351 = vector.broadcast %and3A_350 : i32 to vector<16xi32>
      %and3A_352 = arith.andi %shift_right_arithmetic3A_349, %and3A_351 : vector<16xi32>
      %shift_left3A_353 = arith.constant 4 : i32
      %shift_left3A_354 = vector.broadcast %shift_left3A_353 : i32 to vector<16xi32>
      %shift_left3A_355 = arith.shli %and3A_352, %shift_left3A_354 : vector<16xi32>
      %or3A_356 = arith.ori %shift_left3A_355, %iota3A : vector<16xi32>
      %gather3A_357 = tpu.vector_load_idx %arg7[%or3A_356] : memref<4096xi32, #tpu.memory_space<vmem>>[vector<16xi32>], vector<16xi32>,
      %shift_right_arithmetic3A_358 = arith.constant 10 : i32
      %shift_right_arithmetic3A_359 = vector.broadcast %shift_right_arithmetic3A_358 : i32 to vector<16xi32>
      %shift_right_arithmetic3A_360 = arith.shrsi %gather3A_357, %shift_right_arithmetic3A_359 : vector<16xi32>
      %mul3A_361 = arith.constant 21846 : i32
      %mul3A_362 = vector.broadcast %mul3A_361 : i32 to vector<16xi32>
      %mul3A_363 = arith.muli %shift_right_arithmetic3A_360, %mul3A_362 : vector<16xi32>
      %shift_right_arithmetic3A_364 = arith.constant 16 : i32
      %shift_right_arithmetic3A_365 = vector.broadcast %shift_right_arithmetic3A_364 : i32 to vector<16xi32>
      %shift_right_arithmetic3A_366 = arith.shrsi %mul3A_363, %shift_right_arithmetic3A_365 : vector<16xi32>
      %add3A_367 = arith.addi %gather3A_357, %shift_right_arithmetic3A_366 : vector<16xi32>
      tpu.vector_store_idx %arg6[%add3A_367], %get3A_346 : memref<49168xi32, #tpu.memory_space<vmem>>[vector<16xi32>], vector<16xi32>,
      tpu.vector_store_idx %arg7[%or3A_356], %broadcast_in_dim3A_1 {add = true} : memref<4096xi32, #tpu.memory_space<vmem>>[vector<16xi32>], vector<16xi32>,
      %add3A_368 = arith.constant 4 : i32
      %add3A_369 = arith.addi %mul3A_265, %add3A_368 : i32
      %mul3A_370 = arith.constant 16 : i32
      %mul3A_371 = arith.muli %add3A_369, %mul3A_370 : i32
      %get3A_372 = arith.index_cast %mul3A_371 : i32 to index
      %get3A_373 = tpu.vector_load %arg5[%get3A_372] {strides = array<i32>} : memref<49168xi32, #tpu.memory_space<vmem>>, vector<16xi32>,
      %shift_right_arithmetic3A_374 = arith.constant 0 : i32
      %shift_right_arithmetic3A_375 = vector.broadcast %shift_right_arithmetic3A_374 : i32 to vector<16xi32>
      %shift_right_arithmetic3A_376 = arith.shrsi %get3A_373, %shift_right_arithmetic3A_375 : vector<16xi32>
      %and3A_377 = arith.constant 255 : i32
      %and3A_378 = vector.broadcast %and3A_377 : i32 to vector<16xi32>
      %and3A_379 = arith.andi %shift_right_arithmetic3A_376, %and3A_378 : vector<16xi32>
      %shift_left3A_380 = arith.constant 4 : i32
      %shift_left3A_381 = vector.broadcast %shift_left3A_380 : i32 to vector<16xi32>
      %shift_left3A_382 = arith.shli %and3A_379, %shift_left3A_381 : vector<16xi32>
      %or3A_383 = arith.ori %shift_left3A_382, %iota3A : vector<16xi32>
      %gather3A_384 = tpu.vector_load_idx %arg7[%or3A_383] : memref<4096xi32, #tpu.memory_space<vmem>>[vector<16xi32>], vector<16xi32>,
      %shift_right_arithmetic3A_385 = arith.constant 10 : i32
      %shift_right_arithmetic3A_386 = vector.broadcast %shift_right_arithmetic3A_385 : i32 to vector<16xi32>
      %shift_right_arithmetic3A_387 = arith.shrsi %gather3A_384, %shift_right_arithmetic3A_386 : vector<16xi32>
      %mul3A_388 = arith.constant 21846 : i32
      %mul3A_389 = vector.broadcast %mul3A_388 : i32 to vector<16xi32>
      %mul3A_390 = arith.muli %shift_right_arithmetic3A_387, %mul3A_389 : vector<16xi32>
      %shift_right_arithmetic3A_391 = arith.constant 16 : i32
      %shift_right_arithmetic3A_392 = vector.broadcast %shift_right_arithmetic3A_391 : i32 to vector<16xi32>
      %shift_right_arithmetic3A_393 = arith.shrsi %mul3A_390, %shift_right_arithmetic3A_392 : vector<16xi32>
      %add3A_394 = arith.addi %gather3A_384, %shift_right_arithmetic3A_393 : vector<16xi32>
      tpu.vector_store_idx %arg6[%add3A_394], %get3A_373 : memref<49168xi32, #tpu.memory_space<vmem>>[vector<16xi32>], vector<16xi32>,
      tpu.vector_store_idx %arg7[%or3A_383], %broadcast_in_dim3A_1 {add = true} : memref<4096xi32, #tpu.memory_space<vmem>>[vector<16xi32>], vector<16xi32>,
      %add3A_395 = arith.constant 5 : i32
      %add3A_396 = arith.addi %mul3A_265, %add3A_395 : i32
      %mul3A_397 = arith.constant 16 : i32
      %mul3A_398 = arith.muli %add3A_396, %mul3A_397 : i32
      %get3A_399 = arith.index_cast %mul3A_398 : i32 to index
      %get3A_400 = tpu.vector_load %arg5[%get3A_399] {strides = array<i32>} : memref<49168xi32, #tpu.memory_space<vmem>>, vector<16xi32>,
      %shift_right_arithmetic3A_401 = arith.constant 0 : i32
      %shift_right_arithmetic3A_402 = vector.broadcast %shift_right_arithmetic3A_401 : i32 to vector<16xi32>
      %shift_right_arithmetic3A_403 = arith.shrsi %get3A_400, %shift_right_arithmetic3A_402 : vector<16xi32>
      %and3A_404 = arith.constant 255 : i32
      %and3A_405 = vector.broadcast %and3A_404 : i32 to vector<16xi32>
      %and3A_406 = arith.andi %shift_right_arithmetic3A_403, %and3A_405 : vector<16xi32>
      %shift_left3A_407 = arith.constant 4 : i32
      %shift_left3A_408 = vector.broadcast %shift_left3A_407 : i32 to vector<16xi32>
      %shift_left3A_409 = arith.shli %and3A_406, %shift_left3A_408 : vector<16xi32>
      %or3A_410 = arith.ori %shift_left3A_409, %iota3A : vector<16xi32>
      %gather3A_411 = tpu.vector_load_idx %arg7[%or3A_410] : memref<4096xi32, #tpu.memory_space<vmem>>[vector<16xi32>], vector<16xi32>,
      %shift_right_arithmetic3A_412 = arith.constant 10 : i32
      %shift_right_arithmetic3A_413 = vector.broadcast %shift_right_arithmetic3A_412 : i32 to vector<16xi32>
      %shift_right_arithmetic3A_414 = arith.shrsi %gather3A_411, %shift_right_arithmetic3A_413 : vector<16xi32>
      %mul3A_415 = arith.constant 21846 : i32
      %mul3A_416 = vector.broadcast %mul3A_415 : i32 to vector<16xi32>
      %mul3A_417 = arith.muli %shift_right_arithmetic3A_414, %mul3A_416 : vector<16xi32>
      %shift_right_arithmetic3A_418 = arith.constant 16 : i32
      %shift_right_arithmetic3A_419 = vector.broadcast %shift_right_arithmetic3A_418 : i32 to vector<16xi32>
      %shift_right_arithmetic3A_420 = arith.shrsi %mul3A_417, %shift_right_arithmetic3A_419 : vector<16xi32>
      %add3A_421 = arith.addi %gather3A_411, %shift_right_arithmetic3A_420 : vector<16xi32>
      tpu.vector_store_idx %arg6[%add3A_421], %get3A_400 : memref<49168xi32, #tpu.memory_space<vmem>>[vector<16xi32>], vector<16xi32>,
      tpu.vector_store_idx %arg7[%or3A_410], %broadcast_in_dim3A_1 {add = true} : memref<4096xi32, #tpu.memory_space<vmem>>[vector<16xi32>], vector<16xi32>,
      %add3A_422 = arith.constant 6 : i32
      %add3A_423 = arith.addi %mul3A_265, %add3A_422 : i32
      %mul3A_424 = arith.constant 16 : i32
      %mul3A_425 = arith.muli %add3A_423, %mul3A_424 : i32
      %get3A_426 = arith.index_cast %mul3A_425 : i32 to index
      %get3A_427 = tpu.vector_load %arg5[%get3A_426] {strides = array<i32>} : memref<49168xi32, #tpu.memory_space<vmem>>, vector<16xi32>,
      %shift_right_arithmetic3A_428 = arith.constant 0 : i32
      %shift_right_arithmetic3A_429 = vector.broadcast %shift_right_arithmetic3A_428 : i32 to vector<16xi32>
      %shift_right_arithmetic3A_430 = arith.shrsi %get3A_427, %shift_right_arithmetic3A_429 : vector<16xi32>
      %and3A_431 = arith.constant 255 : i32
      %and3A_432 = vector.broadcast %and3A_431 : i32 to vector<16xi32>
      %and3A_433 = arith.andi %shift_right_arithmetic3A_430, %and3A_432 : vector<16xi32>
      %shift_left3A_434 = arith.constant 4 : i32
      %shift_left3A_435 = vector.broadcast %shift_left3A_434 : i32 to vector<16xi32>
      %shift_left3A_436 = arith.shli %and3A_433, %shift_left3A_435 : vector<16xi32>
      %or3A_437 = arith.ori %shift_left3A_436, %iota3A : vector<16xi32>
      %gather3A_438 = tpu.vector_load_idx %arg7[%or3A_437] : memref<4096xi32, #tpu.memory_space<vmem>>[vector<16xi32>], vector<16xi32>,
      %shift_right_arithmetic3A_439 = arith.constant 10 : i32
      %shift_right_arithmetic3A_440 = vector.broadcast %shift_right_arithmetic3A_439 : i32 to vector<16xi32>
      %shift_right_arithmetic3A_441 = arith.shrsi %gather3A_438, %shift_right_arithmetic3A_440 : vector<16xi32>
      %mul3A_442 = arith.constant 21846 : i32
      %mul3A_443 = vector.broadcast %mul3A_442 : i32 to vector<16xi32>
      %mul3A_444 = arith.muli %shift_right_arithmetic3A_441, %mul3A_443 : vector<16xi32>
      %shift_right_arithmetic3A_445 = arith.constant 16 : i32
      %shift_right_arithmetic3A_446 = vector.broadcast %shift_right_arithmetic3A_445 : i32 to vector<16xi32>
      %shift_right_arithmetic3A_447 = arith.shrsi %mul3A_444, %shift_right_arithmetic3A_446 : vector<16xi32>
      %add3A_448 = arith.addi %gather3A_438, %shift_right_arithmetic3A_447 : vector<16xi32>
      tpu.vector_store_idx %arg6[%add3A_448], %get3A_427 : memref<49168xi32, #tpu.memory_space<vmem>>[vector<16xi32>], vector<16xi32>,
      tpu.vector_store_idx %arg7[%or3A_437], %broadcast_in_dim3A_1 {add = true} : memref<4096xi32, #tpu.memory_space<vmem>>[vector<16xi32>], vector<16xi32>,
      %add3A_449 = arith.constant 7 : i32
      %add3A_450 = arith.addi %mul3A_265, %add3A_449 : i32
      %mul3A_451 = arith.constant 16 : i32
      %mul3A_452 = arith.muli %add3A_450, %mul3A_451 : i32
      %get3A_453 = arith.index_cast %mul3A_452 : i32 to index
      %get3A_454 = tpu.vector_load %arg5[%get3A_453] {strides = array<i32>} : memref<49168xi32, #tpu.memory_space<vmem>>, vector<16xi32>,
      %shift_right_arithmetic3A_455 = arith.constant 0 : i32
      %shift_right_arithmetic3A_456 = vector.broadcast %shift_right_arithmetic3A_455 : i32 to vector<16xi32>
      %shift_right_arithmetic3A_457 = arith.shrsi %get3A_454, %shift_right_arithmetic3A_456 : vector<16xi32>
      %and3A_458 = arith.constant 255 : i32
      %and3A_459 = vector.broadcast %and3A_458 : i32 to vector<16xi32>
      %and3A_460 = arith.andi %shift_right_arithmetic3A_457, %and3A_459 : vector<16xi32>
      %shift_left3A_461 = arith.constant 4 : i32
      %shift_left3A_462 = vector.broadcast %shift_left3A_461 : i32 to vector<16xi32>
      %shift_left3A_463 = arith.shli %and3A_460, %shift_left3A_462 : vector<16xi32>
      %or3A_464 = arith.ori %shift_left3A_463, %iota3A : vector<16xi32>
      %gather3A_465 = tpu.vector_load_idx %arg7[%or3A_464] : memref<4096xi32, #tpu.memory_space<vmem>>[vector<16xi32>], vector<16xi32>,
      %shift_right_arithmetic3A_466 = arith.constant 10 : i32
      %shift_right_arithmetic3A_467 = vector.broadcast %shift_right_arithmetic3A_466 : i32 to vector<16xi32>
      %shift_right_arithmetic3A_468 = arith.shrsi %gather3A_465, %shift_right_arithmetic3A_467 : vector<16xi32>
      %mul3A_469 = arith.constant 21846 : i32
      %mul3A_470 = vector.broadcast %mul3A_469 : i32 to vector<16xi32>
      %mul3A_471 = arith.muli %shift_right_arithmetic3A_468, %mul3A_470 : vector<16xi32>
      %shift_right_arithmetic3A_472 = arith.constant 16 : i32
      %shift_right_arithmetic3A_473 = vector.broadcast %shift_right_arithmetic3A_472 : i32 to vector<16xi32>
      %shift_right_arithmetic3A_474 = arith.shrsi %mul3A_471, %shift_right_arithmetic3A_473 : vector<16xi32>
      %add3A_475 = arith.addi %gather3A_465, %shift_right_arithmetic3A_474 : vector<16xi32>
      tpu.vector_store_idx %arg6[%add3A_475], %get3A_454 : memref<49168xi32, #tpu.memory_space<vmem>>[vector<16xi32>], vector<16xi32>,
      tpu.vector_store_idx %arg7[%or3A_464], %broadcast_in_dim3A_1 {add = true} : memref<4096xi32, #tpu.memory_space<vmem>>[vector<16xi32>], vector<16xi32>,
      %scan3A_476 = arith.constant 0 : i32
      scf.yield %scan3A_476 : i32
    }
    %scan3A_171 = arith.constant 384 : i32
    %scan3A_172 = arith.constant 0 : i32
    %scan3A_173 = arith.constant 0 : i32
    %scan3A_174 = arith.constant 32 : i32
    %scan3A_175 = arith.addi %scan3A_173, %scan3A_174 : i32
    %scan3A_176 = arith.constant 1 : i32
    %scan3A_177 = scf.for %scan3A_262 = %scan3A_173 to %scan3A_175 step %scan3A_176 iter_args(%scan3A_263 = %scan3A_172) -> (i32)  : i32 {
      %mul3A_264 = arith.constant 8 : i32
      %mul3A_265 = arith.muli %scan3A_262, %mul3A_264 : i32
      %add3A_266 = arith.constant 0 : i32
      %add3A_267 = arith.addi %mul3A_265, %add3A_266 : i32
      %mul3A_268 = arith.constant 16 : i32
      %mul3A_269 = arith.muli %add3A_267, %mul3A_268 : i32
      %swap3A_270 = arith.index_cast %mul3A_269 : i32 to index
      %swap3A_271 = tpu.vector_load %arg7[%swap3A_270] {strides = array<i32>} : memref<4096xi32, #tpu.memory_space<vmem>>, vector<16xi32>,
      tpu.vector_store %arg7[%swap3A_270], %broadcast_in_dim3A_3 {strides = array<i32>} : memref<4096xi32, #tpu.memory_space<vmem>>, vector<16xi32>,
      %add3A_272 = arith.constant 1 : i32
      %add3A_273 = arith.addi %mul3A_265, %add3A_272 : i32
      %mul3A_274 = arith.constant 16 : i32
      %mul3A_275 = arith.muli %add3A_273, %mul3A_274 : i32
      %swap3A_276 = arith.index_cast %mul3A_275 : i32 to index
      %swap3A_277 = tpu.vector_load %arg7[%swap3A_276] {strides = array<i32>} : memref<4096xi32, #tpu.memory_space<vmem>>, vector<16xi32>,
      tpu.vector_store %arg7[%swap3A_276], %broadcast_in_dim3A_3 {strides = array<i32>} : memref<4096xi32, #tpu.memory_space<vmem>>, vector<16xi32>,
      %add3A_278 = arith.constant 2 : i32
      %add3A_279 = arith.addi %mul3A_265, %add3A_278 : i32
      %mul3A_280 = arith.constant 16 : i32
      %mul3A_281 = arith.muli %add3A_279, %mul3A_280 : i32
      %swap3A_282 = arith.index_cast %mul3A_281 : i32 to index
      %swap3A_283 = tpu.vector_load %arg7[%swap3A_282] {strides = array<i32>} : memref<4096xi32, #tpu.memory_space<vmem>>, vector<16xi32>,
      tpu.vector_store %arg7[%swap3A_282], %broadcast_in_dim3A_3 {strides = array<i32>} : memref<4096xi32, #tpu.memory_space<vmem>>, vector<16xi32>,
      %add3A_284 = arith.constant 3 : i32
      %add3A_285 = arith.addi %mul3A_265, %add3A_284 : i32
      %mul3A_286 = arith.constant 16 : i32
      %mul3A_287 = arith.muli %add3A_285, %mul3A_286 : i32
      %swap3A_288 = arith.index_cast %mul3A_287 : i32 to index
      %swap3A_289 = tpu.vector_load %arg7[%swap3A_288] {strides = array<i32>} : memref<4096xi32, #tpu.memory_space<vmem>>, vector<16xi32>,
      tpu.vector_store %arg7[%swap3A_288], %broadcast_in_dim3A_3 {strides = array<i32>} : memref<4096xi32, #tpu.memory_space<vmem>>, vector<16xi32>,
      %add3A_290 = arith.constant 4 : i32
      %add3A_291 = arith.addi %mul3A_265, %add3A_290 : i32
      %mul3A_292 = arith.constant 16 : i32
      %mul3A_293 = arith.muli %add3A_291, %mul3A_292 : i32
      %swap3A_294 = arith.index_cast %mul3A_293 : i32 to index
      %swap3A_295 = tpu.vector_load %arg7[%swap3A_294] {strides = array<i32>} : memref<4096xi32, #tpu.memory_space<vmem>>, vector<16xi32>,
      tpu.vector_store %arg7[%swap3A_294], %broadcast_in_dim3A_3 {strides = array<i32>} : memref<4096xi32, #tpu.memory_space<vmem>>, vector<16xi32>,
      %add3A_296 = arith.constant 5 : i32
      %add3A_297 = arith.addi %mul3A_265, %add3A_296 : i32
      %mul3A_298 = arith.constant 16 : i32
      %mul3A_299 = arith.muli %add3A_297, %mul3A_298 : i32
      %swap3A_300 = arith.index_cast %mul3A_299 : i32 to index
      %swap3A_301 = tpu.vector_load %arg7[%swap3A_300] {strides = array<i32>} : memref<4096xi32, #tpu.memory_space<vmem>>, vector<16xi32>,
      tpu.vector_store %arg7[%swap3A_300], %broadcast_in_dim3A_3 {strides = array<i32>} : memref<4096xi32, #tpu.memory_space<vmem>>, vector<16xi32>,
      %add3A_302 = arith.constant 6 : i32
      %add3A_303 = arith.addi %mul3A_265, %add3A_302 : i32
      %mul3A_304 = arith.constant 16 : i32
      %mul3A_305 = arith.muli %add3A_303, %mul3A_304 : i32
      %swap3A_306 = arith.index_cast %mul3A_305 : i32 to index
      %swap3A_307 = tpu.vector_load %arg7[%swap3A_306] {strides = array<i32>} : memref<4096xi32, #tpu.memory_space<vmem>>, vector<16xi32>,
      tpu.vector_store %arg7[%swap3A_306], %broadcast_in_dim3A_3 {strides = array<i32>} : memref<4096xi32, #tpu.memory_space<vmem>>, vector<16xi32>,
      %add3A_308 = arith.constant 7 : i32
      %add3A_309 = arith.addi %mul3A_265, %add3A_308 : i32
      %mul3A_310 = arith.constant 16 : i32
      %mul3A_311 = arith.muli %add3A_309, %mul3A_310 : i32
      %swap3A_312 = arith.index_cast %mul3A_311 : i32 to index
      %swap3A_313 = tpu.vector_load %arg7[%swap3A_312] {strides = array<i32>} : memref<4096xi32, #tpu.memory_space<vmem>>, vector<16xi32>,
      tpu.vector_store %arg7[%swap3A_312], %broadcast_in_dim3A_3 {strides = array<i32>} : memref<4096xi32, #tpu.memory_space<vmem>>, vector<16xi32>,
      %scan3A_314 = arith.constant 0 : i32
      scf.yield %scan3A_314 : i32
    }
    %scan3A_178 = arith.constant 32 : i32
    %scan3A_179 = arith.constant 0 : i32
    %scan3A_180 = arith.constant 0 : i32
    %scan3A_181 = arith.constant 384 : i32
    %scan3A_182 = arith.addi %scan3A_180, %scan3A_181 : i32
    %scan3A_183 = arith.constant 1 : i32
    %scan3A_184 = scf.for %scan3A_262 = %scan3A_180 to %scan3A_182 step %scan3A_183 iter_args(%scan3A_263 = %scan3A_179) -> (i32)  : i32 {
      %mul3A_264 = arith.constant 8 : i32
      %mul3A_265 = arith.muli %scan3A_262, %mul3A_264 : i32
      %add3A_266 = arith.constant 0 : i32
      %add3A_267 = arith.addi %mul3A_265, %add3A_266 : i32
      %add3A_268 = vector.broadcast %add3A_267 : i32 to vector<16xi32>
      %add3A_269 = arith.addi %mul3A_6, %add3A_268 : vector<16xi32>
      %gather3A = tpu.vector_load_idx %arg6[%add3A_269] : memref<49168xi32, #tpu.memory_space<vmem>>[vector<16xi32>], vector<16xi32>,
      %shift_right_arithmetic3A = arith.constant 8 : i32
      %shift_right_arithmetic3A_270 = vector.broadcast %shift_right_arithmetic3A : i32 to vector<16xi32>
      %shift_right_arithmetic3A_271 = arith.shrsi %gather3A, %shift_right_arithmetic3A_270 : vector<16xi32>
      %and3A = arith.constant 255 : i32
      %and3A_272 = vector.broadcast %and3A : i32 to vector<16xi32>
      %and3A_273 = arith.andi %shift_right_arithmetic3A_271, %and3A_272 : vector<16xi32>
      %shift_left3A = arith.constant 4 : i32
      %shift_left3A_274 = vector.broadcast %shift_left3A : i32 to vector<16xi32>
      %shift_left3A_275 = arith.shli %and3A_273, %shift_left3A_274 : vector<16xi32>
      %or3A = arith.ori %shift_left3A_275, %iota3A : vector<16xi32>
      tpu.vector_store_idx %arg7[%or3A], %broadcast_in_dim3A_1 {add = true} : memref<4096xi32, #tpu.memory_space<vmem>>[vector<16xi32>], vector<16xi32>,
      %add3A_276 = arith.constant 1 : i32
      %add3A_277 = arith.addi %mul3A_265, %add3A_276 : i32
      %add3A_278 = vector.broadcast %add3A_277 : i32 to vector<16xi32>
      %add3A_279 = arith.addi %mul3A_6, %add3A_278 : vector<16xi32>
      %gather3A_280 = tpu.vector_load_idx %arg6[%add3A_279] : memref<49168xi32, #tpu.memory_space<vmem>>[vector<16xi32>], vector<16xi32>,
      %shift_right_arithmetic3A_281 = arith.constant 8 : i32
      %shift_right_arithmetic3A_282 = vector.broadcast %shift_right_arithmetic3A_281 : i32 to vector<16xi32>
      %shift_right_arithmetic3A_283 = arith.shrsi %gather3A_280, %shift_right_arithmetic3A_282 : vector<16xi32>
      %and3A_284 = arith.constant 255 : i32
      %and3A_285 = vector.broadcast %and3A_284 : i32 to vector<16xi32>
      %and3A_286 = arith.andi %shift_right_arithmetic3A_283, %and3A_285 : vector<16xi32>
      %shift_left3A_287 = arith.constant 4 : i32
      %shift_left3A_288 = vector.broadcast %shift_left3A_287 : i32 to vector<16xi32>
      %shift_left3A_289 = arith.shli %and3A_286, %shift_left3A_288 : vector<16xi32>
      %or3A_290 = arith.ori %shift_left3A_289, %iota3A : vector<16xi32>
      tpu.vector_store_idx %arg7[%or3A_290], %broadcast_in_dim3A_1 {add = true} : memref<4096xi32, #tpu.memory_space<vmem>>[vector<16xi32>], vector<16xi32>,
      %add3A_291 = arith.constant 2 : i32
      %add3A_292 = arith.addi %mul3A_265, %add3A_291 : i32
      %add3A_293 = vector.broadcast %add3A_292 : i32 to vector<16xi32>
      %add3A_294 = arith.addi %mul3A_6, %add3A_293 : vector<16xi32>
      %gather3A_295 = tpu.vector_load_idx %arg6[%add3A_294] : memref<49168xi32, #tpu.memory_space<vmem>>[vector<16xi32>], vector<16xi32>,
      %shift_right_arithmetic3A_296 = arith.constant 8 : i32
      %shift_right_arithmetic3A_297 = vector.broadcast %shift_right_arithmetic3A_296 : i32 to vector<16xi32>
      %shift_right_arithmetic3A_298 = arith.shrsi %gather3A_295, %shift_right_arithmetic3A_297 : vector<16xi32>
      %and3A_299 = arith.constant 255 : i32
      %and3A_300 = vector.broadcast %and3A_299 : i32 to vector<16xi32>
      %and3A_301 = arith.andi %shift_right_arithmetic3A_298, %and3A_300 : vector<16xi32>
      %shift_left3A_302 = arith.constant 4 : i32
      %shift_left3A_303 = vector.broadcast %shift_left3A_302 : i32 to vector<16xi32>
      %shift_left3A_304 = arith.shli %and3A_301, %shift_left3A_303 : vector<16xi32>
      %or3A_305 = arith.ori %shift_left3A_304, %iota3A : vector<16xi32>
      tpu.vector_store_idx %arg7[%or3A_305], %broadcast_in_dim3A_1 {add = true} : memref<4096xi32, #tpu.memory_space<vmem>>[vector<16xi32>], vector<16xi32>,
      %add3A_306 = arith.constant 3 : i32
      %add3A_307 = arith.addi %mul3A_265, %add3A_306 : i32
      %add3A_308 = vector.broadcast %add3A_307 : i32 to vector<16xi32>
      %add3A_309 = arith.addi %mul3A_6, %add3A_308 : vector<16xi32>
      %gather3A_310 = tpu.vector_load_idx %arg6[%add3A_309] : memref<49168xi32, #tpu.memory_space<vmem>>[vector<16xi32>], vector<16xi32>,
      %shift_right_arithmetic3A_311 = arith.constant 8 : i32
      %shift_right_arithmetic3A_312 = vector.broadcast %shift_right_arithmetic3A_311 : i32 to vector<16xi32>
      %shift_right_arithmetic3A_313 = arith.shrsi %gather3A_310, %shift_right_arithmetic3A_312 : vector<16xi32>
      %and3A_314 = arith.constant 255 : i32
      %and3A_315 = vector.broadcast %and3A_314 : i32 to vector<16xi32>
      %and3A_316 = arith.andi %shift_right_arithmetic3A_313, %and3A_315 : vector<16xi32>
      %shift_left3A_317 = arith.constant 4 : i32
      %shift_left3A_318 = vector.broadcast %shift_left3A_317 : i32 to vector<16xi32>
      %shift_left3A_319 = arith.shli %and3A_316, %shift_left3A_318 : vector<16xi32>
      %or3A_320 = arith.ori %shift_left3A_319, %iota3A : vector<16xi32>
      tpu.vector_store_idx %arg7[%or3A_320], %broadcast_in_dim3A_1 {add = true} : memref<4096xi32, #tpu.memory_space<vmem>>[vector<16xi32>], vector<16xi32>,
      %add3A_321 = arith.constant 4 : i32
      %add3A_322 = arith.addi %mul3A_265, %add3A_321 : i32
      %add3A_323 = vector.broadcast %add3A_322 : i32 to vector<16xi32>
      %add3A_324 = arith.addi %mul3A_6, %add3A_323 : vector<16xi32>
      %gather3A_325 = tpu.vector_load_idx %arg6[%add3A_324] : memref<49168xi32, #tpu.memory_space<vmem>>[vector<16xi32>], vector<16xi32>,
      %shift_right_arithmetic3A_326 = arith.constant 8 : i32
      %shift_right_arithmetic3A_327 = vector.broadcast %shift_right_arithmetic3A_326 : i32 to vector<16xi32>
      %shift_right_arithmetic3A_328 = arith.shrsi %gather3A_325, %shift_right_arithmetic3A_327 : vector<16xi32>
      %and3A_329 = arith.constant 255 : i32
      %and3A_330 = vector.broadcast %and3A_329 : i32 to vector<16xi32>
      %and3A_331 = arith.andi %shift_right_arithmetic3A_328, %and3A_330 : vector<16xi32>
      %shift_left3A_332 = arith.constant 4 : i32
      %shift_left3A_333 = vector.broadcast %shift_left3A_332 : i32 to vector<16xi32>
      %shift_left3A_334 = arith.shli %and3A_331, %shift_left3A_333 : vector<16xi32>
      %or3A_335 = arith.ori %shift_left3A_334, %iota3A : vector<16xi32>
      tpu.vector_store_idx %arg7[%or3A_335], %broadcast_in_dim3A_1 {add = true} : memref<4096xi32, #tpu.memory_space<vmem>>[vector<16xi32>], vector<16xi32>,
      %add3A_336 = arith.constant 5 : i32
      %add3A_337 = arith.addi %mul3A_265, %add3A_336 : i32
      %add3A_338 = vector.broadcast %add3A_337 : i32 to vector<16xi32>
      %add3A_339 = arith.addi %mul3A_6, %add3A_338 : vector<16xi32>
      %gather3A_340 = tpu.vector_load_idx %arg6[%add3A_339] : memref<49168xi32, #tpu.memory_space<vmem>>[vector<16xi32>], vector<16xi32>,
      %shift_right_arithmetic3A_341 = arith.constant 8 : i32
      %shift_right_arithmetic3A_342 = vector.broadcast %shift_right_arithmetic3A_341 : i32 to vector<16xi32>
      %shift_right_arithmetic3A_343 = arith.shrsi %gather3A_340, %shift_right_arithmetic3A_342 : vector<16xi32>
      %and3A_344 = arith.constant 255 : i32
      %and3A_345 = vector.broadcast %and3A_344 : i32 to vector<16xi32>
      %and3A_346 = arith.andi %shift_right_arithmetic3A_343, %and3A_345 : vector<16xi32>
      %shift_left3A_347 = arith.constant 4 : i32
      %shift_left3A_348 = vector.broadcast %shift_left3A_347 : i32 to vector<16xi32>
      %shift_left3A_349 = arith.shli %and3A_346, %shift_left3A_348 : vector<16xi32>
      %or3A_350 = arith.ori %shift_left3A_349, %iota3A : vector<16xi32>
      tpu.vector_store_idx %arg7[%or3A_350], %broadcast_in_dim3A_1 {add = true} : memref<4096xi32, #tpu.memory_space<vmem>>[vector<16xi32>], vector<16xi32>,
      %add3A_351 = arith.constant 6 : i32
      %add3A_352 = arith.addi %mul3A_265, %add3A_351 : i32
      %add3A_353 = vector.broadcast %add3A_352 : i32 to vector<16xi32>
      %add3A_354 = arith.addi %mul3A_6, %add3A_353 : vector<16xi32>
      %gather3A_355 = tpu.vector_load_idx %arg6[%add3A_354] : memref<49168xi32, #tpu.memory_space<vmem>>[vector<16xi32>], vector<16xi32>,
      %shift_right_arithmetic3A_356 = arith.constant 8 : i32
      %shift_right_arithmetic3A_357 = vector.broadcast %shift_right_arithmetic3A_356 : i32 to vector<16xi32>
      %shift_right_arithmetic3A_358 = arith.shrsi %gather3A_355, %shift_right_arithmetic3A_357 : vector<16xi32>
      %and3A_359 = arith.constant 255 : i32
      %and3A_360 = vector.broadcast %and3A_359 : i32 to vector<16xi32>
      %and3A_361 = arith.andi %shift_right_arithmetic3A_358, %and3A_360 : vector<16xi32>
      %shift_left3A_362 = arith.constant 4 : i32
      %shift_left3A_363 = vector.broadcast %shift_left3A_362 : i32 to vector<16xi32>
      %shift_left3A_364 = arith.shli %and3A_361, %shift_left3A_363 : vector<16xi32>
      %or3A_365 = arith.ori %shift_left3A_364, %iota3A : vector<16xi32>
      tpu.vector_store_idx %arg7[%or3A_365], %broadcast_in_dim3A_1 {add = true} : memref<4096xi32, #tpu.memory_space<vmem>>[vector<16xi32>], vector<16xi32>,
      %add3A_366 = arith.constant 7 : i32
      %add3A_367 = arith.addi %mul3A_265, %add3A_366 : i32
      %add3A_368 = vector.broadcast %add3A_367 : i32 to vector<16xi32>
      %add3A_369 = arith.addi %mul3A_6, %add3A_368 : vector<16xi32>
      %gather3A_370 = tpu.vector_load_idx %arg6[%add3A_369] : memref<49168xi32, #tpu.memory_space<vmem>>[vector<16xi32>], vector<16xi32>,
      %shift_right_arithmetic3A_371 = arith.constant 8 : i32
      %shift_right_arithmetic3A_372 = vector.broadcast %shift_right_arithmetic3A_371 : i32 to vector<16xi32>
      %shift_right_arithmetic3A_373 = arith.shrsi %gather3A_370, %shift_right_arithmetic3A_372 : vector<16xi32>
      %and3A_374 = arith.constant 255 : i32
      %and3A_375 = vector.broadcast %and3A_374 : i32 to vector<16xi32>
      %and3A_376 = arith.andi %shift_right_arithmetic3A_373, %and3A_375 : vector<16xi32>
      %shift_left3A_377 = arith.constant 4 : i32
      %shift_left3A_378 = vector.broadcast %shift_left3A_377 : i32 to vector<16xi32>
      %shift_left3A_379 = arith.shli %and3A_376, %shift_left3A_378 : vector<16xi32>
      %or3A_380 = arith.ori %shift_left3A_379, %iota3A : vector<16xi32>
      tpu.vector_store_idx %arg7[%or3A_380], %broadcast_in_dim3A_1 {add = true} : memref<4096xi32, #tpu.memory_space<vmem>>[vector<16xi32>], vector<16xi32>,
      %scan3A_381 = arith.constant 0 : i32
      scf.yield %scan3A_381 : i32
    }
    %scan3A_185 = arith.constant 384 : i32
    %scan3A_186 = arith.constant 0 : i32
    %scan3A_187 = arith.constant 0 : i32
    %scan3A_188 = arith.constant 256 : i32
    %scan3A_189 = arith.addi %scan3A_187, %scan3A_188 : i32
    %scan3A_190 = arith.constant 1 : i32
    %scan3A_191 = scf.for %scan3A_262 = %scan3A_187 to %scan3A_189 step %scan3A_190 iter_args(%scan3A_263 = %scan3A_186) -> (i32)  : i32 {
      %mul3A_264 = arith.constant 16 : i32
      %mul3A_265 = arith.muli %scan3A_262, %mul3A_264 : i32
      %get3A = arith.index_cast %mul3A_265 : i32 to index
      %get3A_266 = tpu.vector_load %arg7[%get3A] {strides = array<i32>} : memref<4096xi32, #tpu.memory_space<vmem>>, vector<16xi32>,
      %broadcast_in_dim3A_267 = arith.constant true
      %broadcast_in_dim3A_268 = vector.broadcast %broadcast_in_dim3A_267 : i1 to vector<16xi1>
      %masked_cumsum3A = tpu.scan <sum>, %get3A_266 masked %broadcast_in_dim3A_268 : vector<16xi32>, vector<16xi1> -> vector<16xi32>
      %sub3A = arith.subi %masked_cumsum3A, %get3A_266 : vector<16xi32>
      %add3A_269 = vector.broadcast %scan3A_263 : i32 to vector<16xi32>
      %add3A_270 = arith.addi %sub3A, %add3A_269 : vector<16xi32>
      %mul3A_271 = arith.constant 16 : i32
      %mul3A_272 = arith.muli %scan3A_262, %mul3A_271 : i32
      %swap3A_273 = arith.index_cast %mul3A_272 : i32 to index
      %swap3A_274 = tpu.vector_load %arg7[%swap3A_273] {strides = array<i32>} : memref<4096xi32, #tpu.memory_space<vmem>>, vector<16xi32>,
      tpu.vector_store %arg7[%swap3A_273], %add3A_270 {strides = array<i32>} : memref<4096xi32, #tpu.memory_space<vmem>>, vector<16xi32>,
      %reduce_sum3A = arith.constant true
      %reduce_sum3A_275 = vector.broadcast %reduce_sum3A : i1 to vector<16xi1>
      %reduce_sum3A_276 = tpu.scan <sum>, %get3A_266 masked %reduce_sum3A_275 : vector<16xi32>, vector<16xi1> -> vector<16xi32>
      %reduce_sum3A_277 = vector.extract %reduce_sum3A_276[15] : i32 from vector<16xi32>
      %add3A_278 = arith.addi %scan3A_263, %reduce_sum3A_277 : i32
      scf.yield %add3A_278 : i32
    }
    %scan3A_192 = arith.constant 256 : i32
    %scan3A_193 = arith.constant 0 : i32
    %scan3A_194 = arith.constant 0 : i32
    %scan3A_195 = arith.constant 384 : i32
    %scan3A_196 = arith.addi %scan3A_194, %scan3A_195 : i32
    %scan3A_197 = arith.constant 1 : i32
    %scan3A_198 = scf.for %scan3A_262 = %scan3A_194 to %scan3A_196 step %scan3A_197 iter_args(%scan3A_263 = %scan3A_193) -> (i32)  : i32 {
      %mul3A_264 = arith.constant 8 : i32
      %mul3A_265 = arith.muli %scan3A_262, %mul3A_264 : i32
      %add3A_266 = arith.constant 0 : i32
      %add3A_267 = arith.addi %mul3A_265, %add3A_266 : i32
      %add3A_268 = vector.broadcast %add3A_267 : i32 to vector<16xi32>
      %add3A_269 = arith.addi %mul3A_6, %add3A_268 : vector<16xi32>
      %gather3A = tpu.vector_load_idx %arg6[%add3A_269] : memref<49168xi32, #tpu.memory_space<vmem>>[vector<16xi32>], vector<16xi32>,
      %shift_right_arithmetic3A = arith.constant 8 : i32
      %shift_right_arithmetic3A_270 = vector.broadcast %shift_right_arithmetic3A : i32 to vector<16xi32>
      %shift_right_arithmetic3A_271 = arith.shrsi %gather3A, %shift_right_arithmetic3A_270 : vector<16xi32>
      %and3A = arith.constant 255 : i32
      %and3A_272 = vector.broadcast %and3A : i32 to vector<16xi32>
      %and3A_273 = arith.andi %shift_right_arithmetic3A_271, %and3A_272 : vector<16xi32>
      %shift_left3A = arith.constant 4 : i32
      %shift_left3A_274 = vector.broadcast %shift_left3A : i32 to vector<16xi32>
      %shift_left3A_275 = arith.shli %and3A_273, %shift_left3A_274 : vector<16xi32>
      %or3A = arith.ori %shift_left3A_275, %iota3A : vector<16xi32>
      %gather3A_276 = tpu.vector_load_idx %arg7[%or3A] : memref<4096xi32, #tpu.memory_space<vmem>>[vector<16xi32>], vector<16xi32>,
      %shift_right_arithmetic3A_277 = arith.constant 10 : i32
      %shift_right_arithmetic3A_278 = vector.broadcast %shift_right_arithmetic3A_277 : i32 to vector<16xi32>
      %shift_right_arithmetic3A_279 = arith.shrsi %gather3A_276, %shift_right_arithmetic3A_278 : vector<16xi32>
      %mul3A_280 = arith.constant 21846 : i32
      %mul3A_281 = vector.broadcast %mul3A_280 : i32 to vector<16xi32>
      %mul3A_282 = arith.muli %shift_right_arithmetic3A_279, %mul3A_281 : vector<16xi32>
      %shift_right_arithmetic3A_283 = arith.constant 16 : i32
      %shift_right_arithmetic3A_284 = vector.broadcast %shift_right_arithmetic3A_283 : i32 to vector<16xi32>
      %shift_right_arithmetic3A_285 = arith.shrsi %mul3A_282, %shift_right_arithmetic3A_284 : vector<16xi32>
      %add3A_286 = arith.addi %gather3A_276, %shift_right_arithmetic3A_285 : vector<16xi32>
      tpu.vector_store_idx %arg5[%add3A_286], %gather3A : memref<49168xi32, #tpu.memory_space<vmem>>[vector<16xi32>], vector<16xi32>,
      tpu.vector_store_idx %arg7[%or3A], %broadcast_in_dim3A_1 {add = true} : memref<4096xi32, #tpu.memory_space<vmem>>[vector<16xi32>], vector<16xi32>,
      %add3A_287 = arith.constant 1 : i32
      %add3A_288 = arith.addi %mul3A_265, %add3A_287 : i32
      %add3A_289 = vector.broadcast %add3A_288 : i32 to vector<16xi32>
      %add3A_290 = arith.addi %mul3A_6, %add3A_289 : vector<16xi32>
      %gather3A_291 = tpu.vector_load_idx %arg6[%add3A_290] : memref<49168xi32, #tpu.memory_space<vmem>>[vector<16xi32>], vector<16xi32>,
      %shift_right_arithmetic3A_292 = arith.constant 8 : i32
      %shift_right_arithmetic3A_293 = vector.broadcast %shift_right_arithmetic3A_292 : i32 to vector<16xi32>
      %shift_right_arithmetic3A_294 = arith.shrsi %gather3A_291, %shift_right_arithmetic3A_293 : vector<16xi32>
      %and3A_295 = arith.constant 255 : i32
      %and3A_296 = vector.broadcast %and3A_295 : i32 to vector<16xi32>
      %and3A_297 = arith.andi %shift_right_arithmetic3A_294, %and3A_296 : vector<16xi32>
      %shift_left3A_298 = arith.constant 4 : i32
      %shift_left3A_299 = vector.broadcast %shift_left3A_298 : i32 to vector<16xi32>
      %shift_left3A_300 = arith.shli %and3A_297, %shift_left3A_299 : vector<16xi32>
      %or3A_301 = arith.ori %shift_left3A_300, %iota3A : vector<16xi32>
      %gather3A_302 = tpu.vector_load_idx %arg7[%or3A_301] : memref<4096xi32, #tpu.memory_space<vmem>>[vector<16xi32>], vector<16xi32>,
      %shift_right_arithmetic3A_303 = arith.constant 10 : i32
      %shift_right_arithmetic3A_304 = vector.broadcast %shift_right_arithmetic3A_303 : i32 to vector<16xi32>
      %shift_right_arithmetic3A_305 = arith.shrsi %gather3A_302, %shift_right_arithmetic3A_304 : vector<16xi32>
      %mul3A_306 = arith.constant 21846 : i32
      %mul3A_307 = vector.broadcast %mul3A_306 : i32 to vector<16xi32>
      %mul3A_308 = arith.muli %shift_right_arithmetic3A_305, %mul3A_307 : vector<16xi32>
      %shift_right_arithmetic3A_309 = arith.constant 16 : i32
      %shift_right_arithmetic3A_310 = vector.broadcast %shift_right_arithmetic3A_309 : i32 to vector<16xi32>
      %shift_right_arithmetic3A_311 = arith.shrsi %mul3A_308, %shift_right_arithmetic3A_310 : vector<16xi32>
      %add3A_312 = arith.addi %gather3A_302, %shift_right_arithmetic3A_311 : vector<16xi32>
      tpu.vector_store_idx %arg5[%add3A_312], %gather3A_291 : memref<49168xi32, #tpu.memory_space<vmem>>[vector<16xi32>], vector<16xi32>,
      tpu.vector_store_idx %arg7[%or3A_301], %broadcast_in_dim3A_1 {add = true} : memref<4096xi32, #tpu.memory_space<vmem>>[vector<16xi32>], vector<16xi32>,
      %add3A_313 = arith.constant 2 : i32
      %add3A_314 = arith.addi %mul3A_265, %add3A_313 : i32
      %add3A_315 = vector.broadcast %add3A_314 : i32 to vector<16xi32>
      %add3A_316 = arith.addi %mul3A_6, %add3A_315 : vector<16xi32>
      %gather3A_317 = tpu.vector_load_idx %arg6[%add3A_316] : memref<49168xi32, #tpu.memory_space<vmem>>[vector<16xi32>], vector<16xi32>,
      %shift_right_arithmetic3A_318 = arith.constant 8 : i32
      %shift_right_arithmetic3A_319 = vector.broadcast %shift_right_arithmetic3A_318 : i32 to vector<16xi32>
      %shift_right_arithmetic3A_320 = arith.shrsi %gather3A_317, %shift_right_arithmetic3A_319 : vector<16xi32>
      %and3A_321 = arith.constant 255 : i32
      %and3A_322 = vector.broadcast %and3A_321 : i32 to vector<16xi32>
      %and3A_323 = arith.andi %shift_right_arithmetic3A_320, %and3A_322 : vector<16xi32>
      %shift_left3A_324 = arith.constant 4 : i32
      %shift_left3A_325 = vector.broadcast %shift_left3A_324 : i32 to vector<16xi32>
      %shift_left3A_326 = arith.shli %and3A_323, %shift_left3A_325 : vector<16xi32>
      %or3A_327 = arith.ori %shift_left3A_326, %iota3A : vector<16xi32>
      %gather3A_328 = tpu.vector_load_idx %arg7[%or3A_327] : memref<4096xi32, #tpu.memory_space<vmem>>[vector<16xi32>], vector<16xi32>,
      %shift_right_arithmetic3A_329 = arith.constant 10 : i32
      %shift_right_arithmetic3A_330 = vector.broadcast %shift_right_arithmetic3A_329 : i32 to vector<16xi32>
      %shift_right_arithmetic3A_331 = arith.shrsi %gather3A_328, %shift_right_arithmetic3A_330 : vector<16xi32>
      %mul3A_332 = arith.constant 21846 : i32
      %mul3A_333 = vector.broadcast %mul3A_332 : i32 to vector<16xi32>
      %mul3A_334 = arith.muli %shift_right_arithmetic3A_331, %mul3A_333 : vector<16xi32>
      %shift_right_arithmetic3A_335 = arith.constant 16 : i32
      %shift_right_arithmetic3A_336 = vector.broadcast %shift_right_arithmetic3A_335 : i32 to vector<16xi32>
      %shift_right_arithmetic3A_337 = arith.shrsi %mul3A_334, %shift_right_arithmetic3A_336 : vector<16xi32>
      %add3A_338 = arith.addi %gather3A_328, %shift_right_arithmetic3A_337 : vector<16xi32>
      tpu.vector_store_idx %arg5[%add3A_338], %gather3A_317 : memref<49168xi32, #tpu.memory_space<vmem>>[vector<16xi32>], vector<16xi32>,
      tpu.vector_store_idx %arg7[%or3A_327], %broadcast_in_dim3A_1 {add = true} : memref<4096xi32, #tpu.memory_space<vmem>>[vector<16xi32>], vector<16xi32>,
      %add3A_339 = arith.constant 3 : i32
      %add3A_340 = arith.addi %mul3A_265, %add3A_339 : i32
      %add3A_341 = vector.broadcast %add3A_340 : i32 to vector<16xi32>
      %add3A_342 = arith.addi %mul3A_6, %add3A_341 : vector<16xi32>
      %gather3A_343 = tpu.vector_load_idx %arg6[%add3A_342] : memref<49168xi32, #tpu.memory_space<vmem>>[vector<16xi32>], vector<16xi32>,
      %shift_right_arithmetic3A_344 = arith.constant 8 : i32
      %shift_right_arithmetic3A_345 = vector.broadcast %shift_right_arithmetic3A_344 : i32 to vector<16xi32>
      %shift_right_arithmetic3A_346 = arith.shrsi %gather3A_343, %shift_right_arithmetic3A_345 : vector<16xi32>
      %and3A_347 = arith.constant 255 : i32
      %and3A_348 = vector.broadcast %and3A_347 : i32 to vector<16xi32>
      %and3A_349 = arith.andi %shift_right_arithmetic3A_346, %and3A_348 : vector<16xi32>
      %shift_left3A_350 = arith.constant 4 : i32
      %shift_left3A_351 = vector.broadcast %shift_left3A_350 : i32 to vector<16xi32>
      %shift_left3A_352 = arith.shli %and3A_349, %shift_left3A_351 : vector<16xi32>
      %or3A_353 = arith.ori %shift_left3A_352, %iota3A : vector<16xi32>
      %gather3A_354 = tpu.vector_load_idx %arg7[%or3A_353] : memref<4096xi32, #tpu.memory_space<vmem>>[vector<16xi32>], vector<16xi32>,
      %shift_right_arithmetic3A_355 = arith.constant 10 : i32
      %shift_right_arithmetic3A_356 = vector.broadcast %shift_right_arithmetic3A_355 : i32 to vector<16xi32>
      %shift_right_arithmetic3A_357 = arith.shrsi %gather3A_354, %shift_right_arithmetic3A_356 : vector<16xi32>
      %mul3A_358 = arith.constant 21846 : i32
      %mul3A_359 = vector.broadcast %mul3A_358 : i32 to vector<16xi32>
      %mul3A_360 = arith.muli %shift_right_arithmetic3A_357, %mul3A_359 : vector<16xi32>
      %shift_right_arithmetic3A_361 = arith.constant 16 : i32
      %shift_right_arithmetic3A_362 = vector.broadcast %shift_right_arithmetic3A_361 : i32 to vector<16xi32>
      %shift_right_arithmetic3A_363 = arith.shrsi %mul3A_360, %shift_right_arithmetic3A_362 : vector<16xi32>
      %add3A_364 = arith.addi %gather3A_354, %shift_right_arithmetic3A_363 : vector<16xi32>
      tpu.vector_store_idx %arg5[%add3A_364], %gather3A_343 : memref<49168xi32, #tpu.memory_space<vmem>>[vector<16xi32>], vector<16xi32>,
      tpu.vector_store_idx %arg7[%or3A_353], %broadcast_in_dim3A_1 {add = true} : memref<4096xi32, #tpu.memory_space<vmem>>[vector<16xi32>], vector<16xi32>,
      %add3A_365 = arith.constant 4 : i32
      %add3A_366 = arith.addi %mul3A_265, %add3A_365 : i32
      %add3A_367 = vector.broadcast %add3A_366 : i32 to vector<16xi32>
      %add3A_368 = arith.addi %mul3A_6, %add3A_367 : vector<16xi32>
      %gather3A_369 = tpu.vector_load_idx %arg6[%add3A_368] : memref<49168xi32, #tpu.memory_space<vmem>>[vector<16xi32>], vector<16xi32>,
      %shift_right_arithmetic3A_370 = arith.constant 8 : i32
      %shift_right_arithmetic3A_371 = vector.broadcast %shift_right_arithmetic3A_370 : i32 to vector<16xi32>
      %shift_right_arithmetic3A_372 = arith.shrsi %gather3A_369, %shift_right_arithmetic3A_371 : vector<16xi32>
      %and3A_373 = arith.constant 255 : i32
      %and3A_374 = vector.broadcast %and3A_373 : i32 to vector<16xi32>
      %and3A_375 = arith.andi %shift_right_arithmetic3A_372, %and3A_374 : vector<16xi32>
      %shift_left3A_376 = arith.constant 4 : i32
      %shift_left3A_377 = vector.broadcast %shift_left3A_376 : i32 to vector<16xi32>
      %shift_left3A_378 = arith.shli %and3A_375, %shift_left3A_377 : vector<16xi32>
      %or3A_379 = arith.ori %shift_left3A_378, %iota3A : vector<16xi32>
      %gather3A_380 = tpu.vector_load_idx %arg7[%or3A_379] : memref<4096xi32, #tpu.memory_space<vmem>>[vector<16xi32>], vector<16xi32>,
      %shift_right_arithmetic3A_381 = arith.constant 10 : i32
      %shift_right_arithmetic3A_382 = vector.broadcast %shift_right_arithmetic3A_381 : i32 to vector<16xi32>
      %shift_right_arithmetic3A_383 = arith.shrsi %gather3A_380, %shift_right_arithmetic3A_382 : vector<16xi32>
      %mul3A_384 = arith.constant 21846 : i32
      %mul3A_385 = vector.broadcast %mul3A_384 : i32 to vector<16xi32>
      %mul3A_386 = arith.muli %shift_right_arithmetic3A_383, %mul3A_385 : vector<16xi32>
      %shift_right_arithmetic3A_387 = arith.constant 16 : i32
      %shift_right_arithmetic3A_388 = vector.broadcast %shift_right_arithmetic3A_387 : i32 to vector<16xi32>
      %shift_right_arithmetic3A_389 = arith.shrsi %mul3A_386, %shift_right_arithmetic3A_388 : vector<16xi32>
      %add3A_390 = arith.addi %gather3A_380, %shift_right_arithmetic3A_389 : vector<16xi32>
      tpu.vector_store_idx %arg5[%add3A_390], %gather3A_369 : memref<49168xi32, #tpu.memory_space<vmem>>[vector<16xi32>], vector<16xi32>,
      tpu.vector_store_idx %arg7[%or3A_379], %broadcast_in_dim3A_1 {add = true} : memref<4096xi32, #tpu.memory_space<vmem>>[vector<16xi32>], vector<16xi32>,
      %add3A_391 = arith.constant 5 : i32
      %add3A_392 = arith.addi %mul3A_265, %add3A_391 : i32
      %add3A_393 = vector.broadcast %add3A_392 : i32 to vector<16xi32>
      %add3A_394 = arith.addi %mul3A_6, %add3A_393 : vector<16xi32>
      %gather3A_395 = tpu.vector_load_idx %arg6[%add3A_394] : memref<49168xi32, #tpu.memory_space<vmem>>[vector<16xi32>], vector<16xi32>,
      %shift_right_arithmetic3A_396 = arith.constant 8 : i32
      %shift_right_arithmetic3A_397 = vector.broadcast %shift_right_arithmetic3A_396 : i32 to vector<16xi32>
      %shift_right_arithmetic3A_398 = arith.shrsi %gather3A_395, %shift_right_arithmetic3A_397 : vector<16xi32>
      %and3A_399 = arith.constant 255 : i32
      %and3A_400 = vector.broadcast %and3A_399 : i32 to vector<16xi32>
      %and3A_401 = arith.andi %shift_right_arithmetic3A_398, %and3A_400 : vector<16xi32>
      %shift_left3A_402 = arith.constant 4 : i32
      %shift_left3A_403 = vector.broadcast %shift_left3A_402 : i32 to vector<16xi32>
      %shift_left3A_404 = arith.shli %and3A_401, %shift_left3A_403 : vector<16xi32>
      %or3A_405 = arith.ori %shift_left3A_404, %iota3A : vector<16xi32>
      %gather3A_406 = tpu.vector_load_idx %arg7[%or3A_405] : memref<4096xi32, #tpu.memory_space<vmem>>[vector<16xi32>], vector<16xi32>,
      %shift_right_arithmetic3A_407 = arith.constant 10 : i32
      %shift_right_arithmetic3A_408 = vector.broadcast %shift_right_arithmetic3A_407 : i32 to vector<16xi32>
      %shift_right_arithmetic3A_409 = arith.shrsi %gather3A_406, %shift_right_arithmetic3A_408 : vector<16xi32>
      %mul3A_410 = arith.constant 21846 : i32
      %mul3A_411 = vector.broadcast %mul3A_410 : i32 to vector<16xi32>
      %mul3A_412 = arith.muli %shift_right_arithmetic3A_409, %mul3A_411 : vector<16xi32>
      %shift_right_arithmetic3A_413 = arith.constant 16 : i32
      %shift_right_arithmetic3A_414 = vector.broadcast %shift_right_arithmetic3A_413 : i32 to vector<16xi32>
      %shift_right_arithmetic3A_415 = arith.shrsi %mul3A_412, %shift_right_arithmetic3A_414 : vector<16xi32>
      %add3A_416 = arith.addi %gather3A_406, %shift_right_arithmetic3A_415 : vector<16xi32>
      tpu.vector_store_idx %arg5[%add3A_416], %gather3A_395 : memref<49168xi32, #tpu.memory_space<vmem>>[vector<16xi32>], vector<16xi32>,
      tpu.vector_store_idx %arg7[%or3A_405], %broadcast_in_dim3A_1 {add = true} : memref<4096xi32, #tpu.memory_space<vmem>>[vector<16xi32>], vector<16xi32>,
      %add3A_417 = arith.constant 6 : i32
      %add3A_418 = arith.addi %mul3A_265, %add3A_417 : i32
      %add3A_419 = vector.broadcast %add3A_418 : i32 to vector<16xi32>
      %add3A_420 = arith.addi %mul3A_6, %add3A_419 : vector<16xi32>
      %gather3A_421 = tpu.vector_load_idx %arg6[%add3A_420] : memref<49168xi32, #tpu.memory_space<vmem>>[vector<16xi32>], vector<16xi32>,
      %shift_right_arithmetic3A_422 = arith.constant 8 : i32
      %shift_right_arithmetic3A_423 = vector.broadcast %shift_right_arithmetic3A_422 : i32 to vector<16xi32>
      %shift_right_arithmetic3A_424 = arith.shrsi %gather3A_421, %shift_right_arithmetic3A_423 : vector<16xi32>
      %and3A_425 = arith.constant 255 : i32
      %and3A_426 = vector.broadcast %and3A_425 : i32 to vector<16xi32>
      %and3A_427 = arith.andi %shift_right_arithmetic3A_424, %and3A_426 : vector<16xi32>
      %shift_left3A_428 = arith.constant 4 : i32
      %shift_left3A_429 = vector.broadcast %shift_left3A_428 : i32 to vector<16xi32>
      %shift_left3A_430 = arith.shli %and3A_427, %shift_left3A_429 : vector<16xi32>
      %or3A_431 = arith.ori %shift_left3A_430, %iota3A : vector<16xi32>
      %gather3A_432 = tpu.vector_load_idx %arg7[%or3A_431] : memref<4096xi32, #tpu.memory_space<vmem>>[vector<16xi32>], vector<16xi32>,
      %shift_right_arithmetic3A_433 = arith.constant 10 : i32
      %shift_right_arithmetic3A_434 = vector.broadcast %shift_right_arithmetic3A_433 : i32 to vector<16xi32>
      %shift_right_arithmetic3A_435 = arith.shrsi %gather3A_432, %shift_right_arithmetic3A_434 : vector<16xi32>
      %mul3A_436 = arith.constant 21846 : i32
      %mul3A_437 = vector.broadcast %mul3A_436 : i32 to vector<16xi32>
      %mul3A_438 = arith.muli %shift_right_arithmetic3A_435, %mul3A_437 : vector<16xi32>
      %shift_right_arithmetic3A_439 = arith.constant 16 : i32
      %shift_right_arithmetic3A_440 = vector.broadcast %shift_right_arithmetic3A_439 : i32 to vector<16xi32>
      %shift_right_arithmetic3A_441 = arith.shrsi %mul3A_438, %shift_right_arithmetic3A_440 : vector<16xi32>
      %add3A_442 = arith.addi %gather3A_432, %shift_right_arithmetic3A_441 : vector<16xi32>
      tpu.vector_store_idx %arg5[%add3A_442], %gather3A_421 : memref<49168xi32, #tpu.memory_space<vmem>>[vector<16xi32>], vector<16xi32>,
      tpu.vector_store_idx %arg7[%or3A_431], %broadcast_in_dim3A_1 {add = true} : memref<4096xi32, #tpu.memory_space<vmem>>[vector<16xi32>], vector<16xi32>,
      %add3A_443 = arith.constant 7 : i32
      %add3A_444 = arith.addi %mul3A_265, %add3A_443 : i32
      %add3A_445 = vector.broadcast %add3A_444 : i32 to vector<16xi32>
      %add3A_446 = arith.addi %mul3A_6, %add3A_445 : vector<16xi32>
      %gather3A_447 = tpu.vector_load_idx %arg6[%add3A_446] : memref<49168xi32, #tpu.memory_space<vmem>>[vector<16xi32>], vector<16xi32>,
      %shift_right_arithmetic3A_448 = arith.constant 8 : i32
      %shift_right_arithmetic3A_449 = vector.broadcast %shift_right_arithmetic3A_448 : i32 to vector<16xi32>
      %shift_right_arithmetic3A_450 = arith.shrsi %gather3A_447, %shift_right_arithmetic3A_449 : vector<16xi32>
      %and3A_451 = arith.constant 255 : i32
      %and3A_452 = vector.broadcast %and3A_451 : i32 to vector<16xi32>
      %and3A_453 = arith.andi %shift_right_arithmetic3A_450, %and3A_452 : vector<16xi32>
      %shift_left3A_454 = arith.constant 4 : i32
      %shift_left3A_455 = vector.broadcast %shift_left3A_454 : i32 to vector<16xi32>
      %shift_left3A_456 = arith.shli %and3A_453, %shift_left3A_455 : vector<16xi32>
      %or3A_457 = arith.ori %shift_left3A_456, %iota3A : vector<16xi32>
      %gather3A_458 = tpu.vector_load_idx %arg7[%or3A_457] : memref<4096xi32, #tpu.memory_space<vmem>>[vector<16xi32>], vector<16xi32>,
      %shift_right_arithmetic3A_459 = arith.constant 10 : i32
      %shift_right_arithmetic3A_460 = vector.broadcast %shift_right_arithmetic3A_459 : i32 to vector<16xi32>
      %shift_right_arithmetic3A_461 = arith.shrsi %gather3A_458, %shift_right_arithmetic3A_460 : vector<16xi32>
      %mul3A_462 = arith.constant 21846 : i32
      %mul3A_463 = vector.broadcast %mul3A_462 : i32 to vector<16xi32>
      %mul3A_464 = arith.muli %shift_right_arithmetic3A_461, %mul3A_463 : vector<16xi32>
      %shift_right_arithmetic3A_465 = arith.constant 16 : i32
      %shift_right_arithmetic3A_466 = vector.broadcast %shift_right_arithmetic3A_465 : i32 to vector<16xi32>
      %shift_right_arithmetic3A_467 = arith.shrsi %mul3A_464, %shift_right_arithmetic3A_466 : vector<16xi32>
      %add3A_468 = arith.addi %gather3A_458, %shift_right_arithmetic3A_467 : vector<16xi32>
      tpu.vector_store_idx %arg5[%add3A_468], %gather3A_447 : memref<49168xi32, #tpu.memory_space<vmem>>[vector<16xi32>], vector<16xi32>,
      tpu.vector_store_idx %arg7[%or3A_457], %broadcast_in_dim3A_1 {add = true} : memref<4096xi32, #tpu.memory_space<vmem>>[vector<16xi32>], vector<16xi32>,
      %scan3A_469 = arith.constant 0 : i32
      scf.yield %scan3A_469 : i32
    }
    %scan3A_199 = arith.constant 384 : i32
    %scan3A_200 = arith.constant 0 : i32
    %scan3A_201 = arith.constant 0 : i32
    %scan3A_202 = arith.constant 32 : i32
    %scan3A_203 = arith.addi %scan3A_201, %scan3A_202 : i32
    %scan3A_204 = arith.constant 1 : i32
    %scan3A_205 = scf.for %scan3A_262 = %scan3A_201 to %scan3A_203 step %scan3A_204 iter_args(%scan3A_263 = %scan3A_200) -> (i32)  : i32 {
      %mul3A_264 = arith.constant 8 : i32
      %mul3A_265 = arith.muli %scan3A_262, %mul3A_264 : i32
      %add3A_266 = arith.constant 0 : i32
      %add3A_267 = arith.addi %mul3A_265, %add3A_266 : i32
      %mul3A_268 = arith.constant 16 : i32
      %mul3A_269 = arith.muli %add3A_267, %mul3A_268 : i32
      %swap3A_270 = arith.index_cast %mul3A_269 : i32 to index
      %swap3A_271 = tpu.vector_load %arg7[%swap3A_270] {strides = array<i32>} : memref<4096xi32, #tpu.memory_space<vmem>>, vector<16xi32>,
      tpu.vector_store %arg7[%swap3A_270], %broadcast_in_dim3A_3 {strides = array<i32>} : memref<4096xi32, #tpu.memory_space<vmem>>, vector<16xi32>,
      %add3A_272 = arith.constant 1 : i32
      %add3A_273 = arith.addi %mul3A_265, %add3A_272 : i32
      %mul3A_274 = arith.constant 16 : i32
      %mul3A_275 = arith.muli %add3A_273, %mul3A_274 : i32
      %swap3A_276 = arith.index_cast %mul3A_275 : i32 to index
      %swap3A_277 = tpu.vector_load %arg7[%swap3A_276] {strides = array<i32>} : memref<4096xi32, #tpu.memory_space<vmem>>, vector<16xi32>,
      tpu.vector_store %arg7[%swap3A_276], %broadcast_in_dim3A_3 {strides = array<i32>} : memref<4096xi32, #tpu.memory_space<vmem>>, vector<16xi32>,
      %add3A_278 = arith.constant 2 : i32
      %add3A_279 = arith.addi %mul3A_265, %add3A_278 : i32
      %mul3A_280 = arith.constant 16 : i32
      %mul3A_281 = arith.muli %add3A_279, %mul3A_280 : i32
      %swap3A_282 = arith.index_cast %mul3A_281 : i32 to index
      %swap3A_283 = tpu.vector_load %arg7[%swap3A_282] {strides = array<i32>} : memref<4096xi32, #tpu.memory_space<vmem>>, vector<16xi32>,
      tpu.vector_store %arg7[%swap3A_282], %broadcast_in_dim3A_3 {strides = array<i32>} : memref<4096xi32, #tpu.memory_space<vmem>>, vector<16xi32>,
      %add3A_284 = arith.constant 3 : i32
      %add3A_285 = arith.addi %mul3A_265, %add3A_284 : i32
      %mul3A_286 = arith.constant 16 : i32
      %mul3A_287 = arith.muli %add3A_285, %mul3A_286 : i32
      %swap3A_288 = arith.index_cast %mul3A_287 : i32 to index
      %swap3A_289 = tpu.vector_load %arg7[%swap3A_288] {strides = array<i32>} : memref<4096xi32, #tpu.memory_space<vmem>>, vector<16xi32>,
      tpu.vector_store %arg7[%swap3A_288], %broadcast_in_dim3A_3 {strides = array<i32>} : memref<4096xi32, #tpu.memory_space<vmem>>, vector<16xi32>,
      %add3A_290 = arith.constant 4 : i32
      %add3A_291 = arith.addi %mul3A_265, %add3A_290 : i32
      %mul3A_292 = arith.constant 16 : i32
      %mul3A_293 = arith.muli %add3A_291, %mul3A_292 : i32
      %swap3A_294 = arith.index_cast %mul3A_293 : i32 to index
      %swap3A_295 = tpu.vector_load %arg7[%swap3A_294] {strides = array<i32>} : memref<4096xi32, #tpu.memory_space<vmem>>, vector<16xi32>,
      tpu.vector_store %arg7[%swap3A_294], %broadcast_in_dim3A_3 {strides = array<i32>} : memref<4096xi32, #tpu.memory_space<vmem>>, vector<16xi32>,
      %add3A_296 = arith.constant 5 : i32
      %add3A_297 = arith.addi %mul3A_265, %add3A_296 : i32
      %mul3A_298 = arith.constant 16 : i32
      %mul3A_299 = arith.muli %add3A_297, %mul3A_298 : i32
      %swap3A_300 = arith.index_cast %mul3A_299 : i32 to index
      %swap3A_301 = tpu.vector_load %arg7[%swap3A_300] {strides = array<i32>} : memref<4096xi32, #tpu.memory_space<vmem>>, vector<16xi32>,
      tpu.vector_store %arg7[%swap3A_300], %broadcast_in_dim3A_3 {strides = array<i32>} : memref<4096xi32, #tpu.memory_space<vmem>>, vector<16xi32>,
      %add3A_302 = arith.constant 6 : i32
      %add3A_303 = arith.addi %mul3A_265, %add3A_302 : i32
      %mul3A_304 = arith.constant 16 : i32
      %mul3A_305 = arith.muli %add3A_303, %mul3A_304 : i32
      %swap3A_306 = arith.index_cast %mul3A_305 : i32 to index
      %swap3A_307 = tpu.vector_load %arg7[%swap3A_306] {strides = array<i32>} : memref<4096xi32, #tpu.memory_space<vmem>>, vector<16xi32>,
      tpu.vector_store %arg7[%swap3A_306], %broadcast_in_dim3A_3 {strides = array<i32>} : memref<4096xi32, #tpu.memory_space<vmem>>, vector<16xi32>,
      %add3A_308 = arith.constant 7 : i32
      %add3A_309 = arith.addi %mul3A_265, %add3A_308 : i32
      %mul3A_310 = arith.constant 16 : i32
      %mul3A_311 = arith.muli %add3A_309, %mul3A_310 : i32
      %swap3A_312 = arith.index_cast %mul3A_311 : i32 to index
      %swap3A_313 = tpu.vector_load %arg7[%swap3A_312] {strides = array<i32>} : memref<4096xi32, #tpu.memory_space<vmem>>, vector<16xi32>,
      tpu.vector_store %arg7[%swap3A_312], %broadcast_in_dim3A_3 {strides = array<i32>} : memref<4096xi32, #tpu.memory_space<vmem>>, vector<16xi32>,
      %scan3A_314 = arith.constant 0 : i32
      scf.yield %scan3A_314 : i32
    }
    %scan3A_206 = arith.constant 32 : i32
    %scan3A_207 = arith.constant 0 : i32
    %scan3A_208 = arith.constant 0 : i32
    %scan3A_209 = arith.constant 384 : i32
    %scan3A_210 = arith.addi %scan3A_208, %scan3A_209 : i32
    %scan3A_211 = arith.constant 1 : i32
    %scan3A_212 = scf.for %scan3A_262 = %scan3A_208 to %scan3A_210 step %scan3A_211 iter_args(%scan3A_263 = %scan3A_207) -> (i32)  : i32 {
      %mul3A_264 = arith.constant 8 : i32
      %mul3A_265 = arith.muli %scan3A_262, %mul3A_264 : i32
      %add3A_266 = arith.constant 0 : i32
      %add3A_267 = arith.addi %mul3A_265, %add3A_266 : i32
      %add3A_268 = vector.broadcast %add3A_267 : i32 to vector<16xi32>
      %add3A_269 = arith.addi %mul3A_6, %add3A_268 : vector<16xi32>
      %gather3A = tpu.vector_load_idx %arg5[%add3A_269] : memref<49168xi32, #tpu.memory_space<vmem>>[vector<16xi32>], vector<16xi32>,
      %shift_right_arithmetic3A = arith.constant 16 : i32
      %shift_right_arithmetic3A_270 = vector.broadcast %shift_right_arithmetic3A : i32 to vector<16xi32>
      %shift_right_arithmetic3A_271 = arith.shrsi %gather3A, %shift_right_arithmetic3A_270 : vector<16xi32>
      %and3A = arith.constant 255 : i32
      %and3A_272 = vector.broadcast %and3A : i32 to vector<16xi32>
      %and3A_273 = arith.andi %shift_right_arithmetic3A_271, %and3A_272 : vector<16xi32>
      %shift_left3A = arith.constant 4 : i32
      %shift_left3A_274 = vector.broadcast %shift_left3A : i32 to vector<16xi32>
      %shift_left3A_275 = arith.shli %and3A_273, %shift_left3A_274 : vector<16xi32>
      %or3A = arith.ori %shift_left3A_275, %iota3A : vector<16xi32>
      tpu.vector_store_idx %arg7[%or3A], %broadcast_in_dim3A_1 {add = true} : memref<4096xi32, #tpu.memory_space<vmem>>[vector<16xi32>], vector<16xi32>,
      %add3A_276 = arith.constant 1 : i32
      %add3A_277 = arith.addi %mul3A_265, %add3A_276 : i32
      %add3A_278 = vector.broadcast %add3A_277 : i32 to vector<16xi32>
      %add3A_279 = arith.addi %mul3A_6, %add3A_278 : vector<16xi32>
      %gather3A_280 = tpu.vector_load_idx %arg5[%add3A_279] : memref<49168xi32, #tpu.memory_space<vmem>>[vector<16xi32>], vector<16xi32>,
      %shift_right_arithmetic3A_281 = arith.constant 16 : i32
      %shift_right_arithmetic3A_282 = vector.broadcast %shift_right_arithmetic3A_281 : i32 to vector<16xi32>
      %shift_right_arithmetic3A_283 = arith.shrsi %gather3A_280, %shift_right_arithmetic3A_282 : vector<16xi32>
      %and3A_284 = arith.constant 255 : i32
      %and3A_285 = vector.broadcast %and3A_284 : i32 to vector<16xi32>
      %and3A_286 = arith.andi %shift_right_arithmetic3A_283, %and3A_285 : vector<16xi32>
      %shift_left3A_287 = arith.constant 4 : i32
      %shift_left3A_288 = vector.broadcast %shift_left3A_287 : i32 to vector<16xi32>
      %shift_left3A_289 = arith.shli %and3A_286, %shift_left3A_288 : vector<16xi32>
      %or3A_290 = arith.ori %shift_left3A_289, %iota3A : vector<16xi32>
      tpu.vector_store_idx %arg7[%or3A_290], %broadcast_in_dim3A_1 {add = true} : memref<4096xi32, #tpu.memory_space<vmem>>[vector<16xi32>], vector<16xi32>,
      %add3A_291 = arith.constant 2 : i32
      %add3A_292 = arith.addi %mul3A_265, %add3A_291 : i32
      %add3A_293 = vector.broadcast %add3A_292 : i32 to vector<16xi32>
      %add3A_294 = arith.addi %mul3A_6, %add3A_293 : vector<16xi32>
      %gather3A_295 = tpu.vector_load_idx %arg5[%add3A_294] : memref<49168xi32, #tpu.memory_space<vmem>>[vector<16xi32>], vector<16xi32>,
      %shift_right_arithmetic3A_296 = arith.constant 16 : i32
      %shift_right_arithmetic3A_297 = vector.broadcast %shift_right_arithmetic3A_296 : i32 to vector<16xi32>
      %shift_right_arithmetic3A_298 = arith.shrsi %gather3A_295, %shift_right_arithmetic3A_297 : vector<16xi32>
      %and3A_299 = arith.constant 255 : i32
      %and3A_300 = vector.broadcast %and3A_299 : i32 to vector<16xi32>
      %and3A_301 = arith.andi %shift_right_arithmetic3A_298, %and3A_300 : vector<16xi32>
      %shift_left3A_302 = arith.constant 4 : i32
      %shift_left3A_303 = vector.broadcast %shift_left3A_302 : i32 to vector<16xi32>
      %shift_left3A_304 = arith.shli %and3A_301, %shift_left3A_303 : vector<16xi32>
      %or3A_305 = arith.ori %shift_left3A_304, %iota3A : vector<16xi32>
      tpu.vector_store_idx %arg7[%or3A_305], %broadcast_in_dim3A_1 {add = true} : memref<4096xi32, #tpu.memory_space<vmem>>[vector<16xi32>], vector<16xi32>,
      %add3A_306 = arith.constant 3 : i32
      %add3A_307 = arith.addi %mul3A_265, %add3A_306 : i32
      %add3A_308 = vector.broadcast %add3A_307 : i32 to vector<16xi32>
      %add3A_309 = arith.addi %mul3A_6, %add3A_308 : vector<16xi32>
      %gather3A_310 = tpu.vector_load_idx %arg5[%add3A_309] : memref<49168xi32, #tpu.memory_space<vmem>>[vector<16xi32>], vector<16xi32>,
      %shift_right_arithmetic3A_311 = arith.constant 16 : i32
      %shift_right_arithmetic3A_312 = vector.broadcast %shift_right_arithmetic3A_311 : i32 to vector<16xi32>
      %shift_right_arithmetic3A_313 = arith.shrsi %gather3A_310, %shift_right_arithmetic3A_312 : vector<16xi32>
      %and3A_314 = arith.constant 255 : i32
      %and3A_315 = vector.broadcast %and3A_314 : i32 to vector<16xi32>
      %and3A_316 = arith.andi %shift_right_arithmetic3A_313, %and3A_315 : vector<16xi32>
      %shift_left3A_317 = arith.constant 4 : i32
      %shift_left3A_318 = vector.broadcast %shift_left3A_317 : i32 to vector<16xi32>
      %shift_left3A_319 = arith.shli %and3A_316, %shift_left3A_318 : vector<16xi32>
      %or3A_320 = arith.ori %shift_left3A_319, %iota3A : vector<16xi32>
      tpu.vector_store_idx %arg7[%or3A_320], %broadcast_in_dim3A_1 {add = true} : memref<4096xi32, #tpu.memory_space<vmem>>[vector<16xi32>], vector<16xi32>,
      %add3A_321 = arith.constant 4 : i32
      %add3A_322 = arith.addi %mul3A_265, %add3A_321 : i32
      %add3A_323 = vector.broadcast %add3A_322 : i32 to vector<16xi32>
      %add3A_324 = arith.addi %mul3A_6, %add3A_323 : vector<16xi32>
      %gather3A_325 = tpu.vector_load_idx %arg5[%add3A_324] : memref<49168xi32, #tpu.memory_space<vmem>>[vector<16xi32>], vector<16xi32>,
      %shift_right_arithmetic3A_326 = arith.constant 16 : i32
      %shift_right_arithmetic3A_327 = vector.broadcast %shift_right_arithmetic3A_326 : i32 to vector<16xi32>
      %shift_right_arithmetic3A_328 = arith.shrsi %gather3A_325, %shift_right_arithmetic3A_327 : vector<16xi32>
      %and3A_329 = arith.constant 255 : i32
      %and3A_330 = vector.broadcast %and3A_329 : i32 to vector<16xi32>
      %and3A_331 = arith.andi %shift_right_arithmetic3A_328, %and3A_330 : vector<16xi32>
      %shift_left3A_332 = arith.constant 4 : i32
      %shift_left3A_333 = vector.broadcast %shift_left3A_332 : i32 to vector<16xi32>
      %shift_left3A_334 = arith.shli %and3A_331, %shift_left3A_333 : vector<16xi32>
      %or3A_335 = arith.ori %shift_left3A_334, %iota3A : vector<16xi32>
      tpu.vector_store_idx %arg7[%or3A_335], %broadcast_in_dim3A_1 {add = true} : memref<4096xi32, #tpu.memory_space<vmem>>[vector<16xi32>], vector<16xi32>,
      %add3A_336 = arith.constant 5 : i32
      %add3A_337 = arith.addi %mul3A_265, %add3A_336 : i32
      %add3A_338 = vector.broadcast %add3A_337 : i32 to vector<16xi32>
      %add3A_339 = arith.addi %mul3A_6, %add3A_338 : vector<16xi32>
      %gather3A_340 = tpu.vector_load_idx %arg5[%add3A_339] : memref<49168xi32, #tpu.memory_space<vmem>>[vector<16xi32>], vector<16xi32>,
      %shift_right_arithmetic3A_341 = arith.constant 16 : i32
      %shift_right_arithmetic3A_342 = vector.broadcast %shift_right_arithmetic3A_341 : i32 to vector<16xi32>
      %shift_right_arithmetic3A_343 = arith.shrsi %gather3A_340, %shift_right_arithmetic3A_342 : vector<16xi32>
      %and3A_344 = arith.constant 255 : i32
      %and3A_345 = vector.broadcast %and3A_344 : i32 to vector<16xi32>
      %and3A_346 = arith.andi %shift_right_arithmetic3A_343, %and3A_345 : vector<16xi32>
      %shift_left3A_347 = arith.constant 4 : i32
      %shift_left3A_348 = vector.broadcast %shift_left3A_347 : i32 to vector<16xi32>
      %shift_left3A_349 = arith.shli %and3A_346, %shift_left3A_348 : vector<16xi32>
      %or3A_350 = arith.ori %shift_left3A_349, %iota3A : vector<16xi32>
      tpu.vector_store_idx %arg7[%or3A_350], %broadcast_in_dim3A_1 {add = true} : memref<4096xi32, #tpu.memory_space<vmem>>[vector<16xi32>], vector<16xi32>,
      %add3A_351 = arith.constant 6 : i32
      %add3A_352 = arith.addi %mul3A_265, %add3A_351 : i32
      %add3A_353 = vector.broadcast %add3A_352 : i32 to vector<16xi32>
      %add3A_354 = arith.addi %mul3A_6, %add3A_353 : vector<16xi32>
      %gather3A_355 = tpu.vector_load_idx %arg5[%add3A_354] : memref<49168xi32, #tpu.memory_space<vmem>>[vector<16xi32>], vector<16xi32>,
      %shift_right_arithmetic3A_356 = arith.constant 16 : i32
      %shift_right_arithmetic3A_357 = vector.broadcast %shift_right_arithmetic3A_356 : i32 to vector<16xi32>
      %shift_right_arithmetic3A_358 = arith.shrsi %gather3A_355, %shift_right_arithmetic3A_357 : vector<16xi32>
      %and3A_359 = arith.constant 255 : i32
      %and3A_360 = vector.broadcast %and3A_359 : i32 to vector<16xi32>
      %and3A_361 = arith.andi %shift_right_arithmetic3A_358, %and3A_360 : vector<16xi32>
      %shift_left3A_362 = arith.constant 4 : i32
      %shift_left3A_363 = vector.broadcast %shift_left3A_362 : i32 to vector<16xi32>
      %shift_left3A_364 = arith.shli %and3A_361, %shift_left3A_363 : vector<16xi32>
      %or3A_365 = arith.ori %shift_left3A_364, %iota3A : vector<16xi32>
      tpu.vector_store_idx %arg7[%or3A_365], %broadcast_in_dim3A_1 {add = true} : memref<4096xi32, #tpu.memory_space<vmem>>[vector<16xi32>], vector<16xi32>,
      %add3A_366 = arith.constant 7 : i32
      %add3A_367 = arith.addi %mul3A_265, %add3A_366 : i32
      %add3A_368 = vector.broadcast %add3A_367 : i32 to vector<16xi32>
      %add3A_369 = arith.addi %mul3A_6, %add3A_368 : vector<16xi32>
      %gather3A_370 = tpu.vector_load_idx %arg5[%add3A_369] : memref<49168xi32, #tpu.memory_space<vmem>>[vector<16xi32>], vector<16xi32>,
      %shift_right_arithmetic3A_371 = arith.constant 16 : i32
      %shift_right_arithmetic3A_372 = vector.broadcast %shift_right_arithmetic3A_371 : i32 to vector<16xi32>
      %shift_right_arithmetic3A_373 = arith.shrsi %gather3A_370, %shift_right_arithmetic3A_372 : vector<16xi32>
      %and3A_374 = arith.constant 255 : i32
      %and3A_375 = vector.broadcast %and3A_374 : i32 to vector<16xi32>
      %and3A_376 = arith.andi %shift_right_arithmetic3A_373, %and3A_375 : vector<16xi32>
      %shift_left3A_377 = arith.constant 4 : i32
      %shift_left3A_378 = vector.broadcast %shift_left3A_377 : i32 to vector<16xi32>
      %shift_left3A_379 = arith.shli %and3A_376, %shift_left3A_378 : vector<16xi32>
      %or3A_380 = arith.ori %shift_left3A_379, %iota3A : vector<16xi32>
      tpu.vector_store_idx %arg7[%or3A_380], %broadcast_in_dim3A_1 {add = true} : memref<4096xi32, #tpu.memory_space<vmem>>[vector<16xi32>], vector<16xi32>,
      %scan3A_381 = arith.constant 0 : i32
      scf.yield %scan3A_381 : i32
    }
    %scan3A_213 = arith.constant 384 : i32
    %scan3A_214 = arith.constant 0 : i32
    %scan3A_215 = arith.constant 0 : i32
    %scan3A_216 = arith.constant 256 : i32
    %scan3A_217 = arith.addi %scan3A_215, %scan3A_216 : i32
    %scan3A_218 = arith.constant 1 : i32
    %scan3A_219 = scf.for %scan3A_262 = %scan3A_215 to %scan3A_217 step %scan3A_218 iter_args(%scan3A_263 = %scan3A_214) -> (i32)  : i32 {
      %mul3A_264 = arith.constant 16 : i32
      %mul3A_265 = arith.muli %scan3A_262, %mul3A_264 : i32
      %get3A = arith.index_cast %mul3A_265 : i32 to index
      %get3A_266 = tpu.vector_load %arg7[%get3A] {strides = array<i32>} : memref<4096xi32, #tpu.memory_space<vmem>>, vector<16xi32>,
      %broadcast_in_dim3A_267 = arith.constant true
      %broadcast_in_dim3A_268 = vector.broadcast %broadcast_in_dim3A_267 : i1 to vector<16xi1>
      %masked_cumsum3A = tpu.scan <sum>, %get3A_266 masked %broadcast_in_dim3A_268 : vector<16xi32>, vector<16xi1> -> vector<16xi32>
      %sub3A = arith.subi %masked_cumsum3A, %get3A_266 : vector<16xi32>
      %add3A_269 = vector.broadcast %scan3A_263 : i32 to vector<16xi32>
      %add3A_270 = arith.addi %sub3A, %add3A_269 : vector<16xi32>
      %mul3A_271 = arith.constant 16 : i32
      %mul3A_272 = arith.muli %scan3A_262, %mul3A_271 : i32
      %swap3A_273 = arith.index_cast %mul3A_272 : i32 to index
      %swap3A_274 = tpu.vector_load %arg7[%swap3A_273] {strides = array<i32>} : memref<4096xi32, #tpu.memory_space<vmem>>, vector<16xi32>,
      tpu.vector_store %arg7[%swap3A_273], %add3A_270 {strides = array<i32>} : memref<4096xi32, #tpu.memory_space<vmem>>, vector<16xi32>,
      %reduce_sum3A = arith.constant true
      %reduce_sum3A_275 = vector.broadcast %reduce_sum3A : i1 to vector<16xi1>
      %reduce_sum3A_276 = tpu.scan <sum>, %get3A_266 masked %reduce_sum3A_275 : vector<16xi32>, vector<16xi1> -> vector<16xi32>
      %reduce_sum3A_277 = vector.extract %reduce_sum3A_276[15] : i32 from vector<16xi32>
      %add3A_278 = arith.addi %scan3A_263, %reduce_sum3A_277 : i32
      scf.yield %add3A_278 : i32
    }
    %scan3A_220 = arith.constant 256 : i32
    %scan3A_221 = arith.constant 0 : i32
    %scan3A_222 = arith.constant 0 : i32
    %scan3A_223 = arith.constant 384 : i32
    %scan3A_224 = arith.addi %scan3A_222, %scan3A_223 : i32
    %scan3A_225 = arith.constant 1 : i32
    %scan3A_226 = scf.for %scan3A_262 = %scan3A_222 to %scan3A_224 step %scan3A_225 iter_args(%scan3A_263 = %scan3A_221) -> (i32)  : i32 {
      %mul3A_264 = arith.constant 8 : i32
      %mul3A_265 = arith.muli %scan3A_262, %mul3A_264 : i32
      %add3A_266 = arith.constant 0 : i32
      %add3A_267 = arith.addi %mul3A_265, %add3A_266 : i32
      %add3A_268 = vector.broadcast %add3A_267 : i32 to vector<16xi32>
      %add3A_269 = arith.addi %mul3A_6, %add3A_268 : vector<16xi32>
      %gather3A = tpu.vector_load_idx %arg5[%add3A_269] : memref<49168xi32, #tpu.memory_space<vmem>>[vector<16xi32>], vector<16xi32>,
      %shift_right_arithmetic3A = arith.constant 16 : i32
      %shift_right_arithmetic3A_270 = vector.broadcast %shift_right_arithmetic3A : i32 to vector<16xi32>
      %shift_right_arithmetic3A_271 = arith.shrsi %gather3A, %shift_right_arithmetic3A_270 : vector<16xi32>
      %and3A = arith.constant 255 : i32
      %and3A_272 = vector.broadcast %and3A : i32 to vector<16xi32>
      %and3A_273 = arith.andi %shift_right_arithmetic3A_271, %and3A_272 : vector<16xi32>
      %shift_left3A = arith.constant 4 : i32
      %shift_left3A_274 = vector.broadcast %shift_left3A : i32 to vector<16xi32>
      %shift_left3A_275 = arith.shli %and3A_273, %shift_left3A_274 : vector<16xi32>
      %or3A = arith.ori %shift_left3A_275, %iota3A : vector<16xi32>
      %gather3A_276 = tpu.vector_load_idx %arg7[%or3A] : memref<4096xi32, #tpu.memory_space<vmem>>[vector<16xi32>], vector<16xi32>,
      %shift_right_arithmetic3A_277 = arith.constant 10 : i32
      %shift_right_arithmetic3A_278 = vector.broadcast %shift_right_arithmetic3A_277 : i32 to vector<16xi32>
      %shift_right_arithmetic3A_279 = arith.shrsi %gather3A_276, %shift_right_arithmetic3A_278 : vector<16xi32>
      %mul3A_280 = arith.constant 21846 : i32
      %mul3A_281 = vector.broadcast %mul3A_280 : i32 to vector<16xi32>
      %mul3A_282 = arith.muli %shift_right_arithmetic3A_279, %mul3A_281 : vector<16xi32>
      %shift_right_arithmetic3A_283 = arith.constant 16 : i32
      %shift_right_arithmetic3A_284 = vector.broadcast %shift_right_arithmetic3A_283 : i32 to vector<16xi32>
      %shift_right_arithmetic3A_285 = arith.shrsi %mul3A_282, %shift_right_arithmetic3A_284 : vector<16xi32>
      %add3A_286 = arith.addi %gather3A_276, %shift_right_arithmetic3A_285 : vector<16xi32>
      tpu.vector_store_idx %arg6[%add3A_286], %gather3A : memref<49168xi32, #tpu.memory_space<vmem>>[vector<16xi32>], vector<16xi32>,
      tpu.vector_store_idx %arg7[%or3A], %broadcast_in_dim3A_1 {add = true} : memref<4096xi32, #tpu.memory_space<vmem>>[vector<16xi32>], vector<16xi32>,
      %add3A_287 = arith.constant 1 : i32
      %add3A_288 = arith.addi %mul3A_265, %add3A_287 : i32
      %add3A_289 = vector.broadcast %add3A_288 : i32 to vector<16xi32>
      %add3A_290 = arith.addi %mul3A_6, %add3A_289 : vector<16xi32>
      %gather3A_291 = tpu.vector_load_idx %arg5[%add3A_290] : memref<49168xi32, #tpu.memory_space<vmem>>[vector<16xi32>], vector<16xi32>,
      %shift_right_arithmetic3A_292 = arith.constant 16 : i32
      %shift_right_arithmetic3A_293 = vector.broadcast %shift_right_arithmetic3A_292 : i32 to vector<16xi32>
      %shift_right_arithmetic3A_294 = arith.shrsi %gather3A_291, %shift_right_arithmetic3A_293 : vector<16xi32>
      %and3A_295 = arith.constant 255 : i32
      %and3A_296 = vector.broadcast %and3A_295 : i32 to vector<16xi32>
      %and3A_297 = arith.andi %shift_right_arithmetic3A_294, %and3A_296 : vector<16xi32>
      %shift_left3A_298 = arith.constant 4 : i32
      %shift_left3A_299 = vector.broadcast %shift_left3A_298 : i32 to vector<16xi32>
      %shift_left3A_300 = arith.shli %and3A_297, %shift_left3A_299 : vector<16xi32>
      %or3A_301 = arith.ori %shift_left3A_300, %iota3A : vector<16xi32>
      %gather3A_302 = tpu.vector_load_idx %arg7[%or3A_301] : memref<4096xi32, #tpu.memory_space<vmem>>[vector<16xi32>], vector<16xi32>,
      %shift_right_arithmetic3A_303 = arith.constant 10 : i32
      %shift_right_arithmetic3A_304 = vector.broadcast %shift_right_arithmetic3A_303 : i32 to vector<16xi32>
      %shift_right_arithmetic3A_305 = arith.shrsi %gather3A_302, %shift_right_arithmetic3A_304 : vector<16xi32>
      %mul3A_306 = arith.constant 21846 : i32
      %mul3A_307 = vector.broadcast %mul3A_306 : i32 to vector<16xi32>
      %mul3A_308 = arith.muli %shift_right_arithmetic3A_305, %mul3A_307 : vector<16xi32>
      %shift_right_arithmetic3A_309 = arith.constant 16 : i32
      %shift_right_arithmetic3A_310 = vector.broadcast %shift_right_arithmetic3A_309 : i32 to vector<16xi32>
      %shift_right_arithmetic3A_311 = arith.shrsi %mul3A_308, %shift_right_arithmetic3A_310 : vector<16xi32>
      %add3A_312 = arith.addi %gather3A_302, %shift_right_arithmetic3A_311 : vector<16xi32>
      tpu.vector_store_idx %arg6[%add3A_312], %gather3A_291 : memref<49168xi32, #tpu.memory_space<vmem>>[vector<16xi32>], vector<16xi32>,
      tpu.vector_store_idx %arg7[%or3A_301], %broadcast_in_dim3A_1 {add = true} : memref<4096xi32, #tpu.memory_space<vmem>>[vector<16xi32>], vector<16xi32>,
      %add3A_313 = arith.constant 2 : i32
      %add3A_314 = arith.addi %mul3A_265, %add3A_313 : i32
      %add3A_315 = vector.broadcast %add3A_314 : i32 to vector<16xi32>
      %add3A_316 = arith.addi %mul3A_6, %add3A_315 : vector<16xi32>
      %gather3A_317 = tpu.vector_load_idx %arg5[%add3A_316] : memref<49168xi32, #tpu.memory_space<vmem>>[vector<16xi32>], vector<16xi32>,
      %shift_right_arithmetic3A_318 = arith.constant 16 : i32
      %shift_right_arithmetic3A_319 = vector.broadcast %shift_right_arithmetic3A_318 : i32 to vector<16xi32>
      %shift_right_arithmetic3A_320 = arith.shrsi %gather3A_317, %shift_right_arithmetic3A_319 : vector<16xi32>
      %and3A_321 = arith.constant 255 : i32
      %and3A_322 = vector.broadcast %and3A_321 : i32 to vector<16xi32>
      %and3A_323 = arith.andi %shift_right_arithmetic3A_320, %and3A_322 : vector<16xi32>
      %shift_left3A_324 = arith.constant 4 : i32
      %shift_left3A_325 = vector.broadcast %shift_left3A_324 : i32 to vector<16xi32>
      %shift_left3A_326 = arith.shli %and3A_323, %shift_left3A_325 : vector<16xi32>
      %or3A_327 = arith.ori %shift_left3A_326, %iota3A : vector<16xi32>
      %gather3A_328 = tpu.vector_load_idx %arg7[%or3A_327] : memref<4096xi32, #tpu.memory_space<vmem>>[vector<16xi32>], vector<16xi32>,
      %shift_right_arithmetic3A_329 = arith.constant 10 : i32
      %shift_right_arithmetic3A_330 = vector.broadcast %shift_right_arithmetic3A_329 : i32 to vector<16xi32>
      %shift_right_arithmetic3A_331 = arith.shrsi %gather3A_328, %shift_right_arithmetic3A_330 : vector<16xi32>
      %mul3A_332 = arith.constant 21846 : i32
      %mul3A_333 = vector.broadcast %mul3A_332 : i32 to vector<16xi32>
      %mul3A_334 = arith.muli %shift_right_arithmetic3A_331, %mul3A_333 : vector<16xi32>
      %shift_right_arithmetic3A_335 = arith.constant 16 : i32
      %shift_right_arithmetic3A_336 = vector.broadcast %shift_right_arithmetic3A_335 : i32 to vector<16xi32>
      %shift_right_arithmetic3A_337 = arith.shrsi %mul3A_334, %shift_right_arithmetic3A_336 : vector<16xi32>
      %add3A_338 = arith.addi %gather3A_328, %shift_right_arithmetic3A_337 : vector<16xi32>
      tpu.vector_store_idx %arg6[%add3A_338], %gather3A_317 : memref<49168xi32, #tpu.memory_space<vmem>>[vector<16xi32>], vector<16xi32>,
      tpu.vector_store_idx %arg7[%or3A_327], %broadcast_in_dim3A_1 {add = true} : memref<4096xi32, #tpu.memory_space<vmem>>[vector<16xi32>], vector<16xi32>,
      %add3A_339 = arith.constant 3 : i32
      %add3A_340 = arith.addi %mul3A_265, %add3A_339 : i32
      %add3A_341 = vector.broadcast %add3A_340 : i32 to vector<16xi32>
      %add3A_342 = arith.addi %mul3A_6, %add3A_341 : vector<16xi32>
      %gather3A_343 = tpu.vector_load_idx %arg5[%add3A_342] : memref<49168xi32, #tpu.memory_space<vmem>>[vector<16xi32>], vector<16xi32>,
      %shift_right_arithmetic3A_344 = arith.constant 16 : i32
      %shift_right_arithmetic3A_345 = vector.broadcast %shift_right_arithmetic3A_344 : i32 to vector<16xi32>
      %shift_right_arithmetic3A_346 = arith.shrsi %gather3A_343, %shift_right_arithmetic3A_345 : vector<16xi32>
      %and3A_347 = arith.constant 255 : i32
      %and3A_348 = vector.broadcast %and3A_347 : i32 to vector<16xi32>
      %and3A_349 = arith.andi %shift_right_arithmetic3A_346, %and3A_348 : vector<16xi32>
      %shift_left3A_350 = arith.constant 4 : i32
      %shift_left3A_351 = vector.broadcast %shift_left3A_350 : i32 to vector<16xi32>
      %shift_left3A_352 = arith.shli %and3A_349, %shift_left3A_351 : vector<16xi32>
      %or3A_353 = arith.ori %shift_left3A_352, %iota3A : vector<16xi32>
      %gather3A_354 = tpu.vector_load_idx %arg7[%or3A_353] : memref<4096xi32, #tpu.memory_space<vmem>>[vector<16xi32>], vector<16xi32>,
      %shift_right_arithmetic3A_355 = arith.constant 10 : i32
      %shift_right_arithmetic3A_356 = vector.broadcast %shift_right_arithmetic3A_355 : i32 to vector<16xi32>
      %shift_right_arithmetic3A_357 = arith.shrsi %gather3A_354, %shift_right_arithmetic3A_356 : vector<16xi32>
      %mul3A_358 = arith.constant 21846 : i32
      %mul3A_359 = vector.broadcast %mul3A_358 : i32 to vector<16xi32>
      %mul3A_360 = arith.muli %shift_right_arithmetic3A_357, %mul3A_359 : vector<16xi32>
      %shift_right_arithmetic3A_361 = arith.constant 16 : i32
      %shift_right_arithmetic3A_362 = vector.broadcast %shift_right_arithmetic3A_361 : i32 to vector<16xi32>
      %shift_right_arithmetic3A_363 = arith.shrsi %mul3A_360, %shift_right_arithmetic3A_362 : vector<16xi32>
      %add3A_364 = arith.addi %gather3A_354, %shift_right_arithmetic3A_363 : vector<16xi32>
      tpu.vector_store_idx %arg6[%add3A_364], %gather3A_343 : memref<49168xi32, #tpu.memory_space<vmem>>[vector<16xi32>], vector<16xi32>,
      tpu.vector_store_idx %arg7[%or3A_353], %broadcast_in_dim3A_1 {add = true} : memref<4096xi32, #tpu.memory_space<vmem>>[vector<16xi32>], vector<16xi32>,
      %add3A_365 = arith.constant 4 : i32
      %add3A_366 = arith.addi %mul3A_265, %add3A_365 : i32
      %add3A_367 = vector.broadcast %add3A_366 : i32 to vector<16xi32>
      %add3A_368 = arith.addi %mul3A_6, %add3A_367 : vector<16xi32>
      %gather3A_369 = tpu.vector_load_idx %arg5[%add3A_368] : memref<49168xi32, #tpu.memory_space<vmem>>[vector<16xi32>], vector<16xi32>,
      %shift_right_arithmetic3A_370 = arith.constant 16 : i32
      %shift_right_arithmetic3A_371 = vector.broadcast %shift_right_arithmetic3A_370 : i32 to vector<16xi32>
      %shift_right_arithmetic3A_372 = arith.shrsi %gather3A_369, %shift_right_arithmetic3A_371 : vector<16xi32>
      %and3A_373 = arith.constant 255 : i32
      %and3A_374 = vector.broadcast %and3A_373 : i32 to vector<16xi32>
      %and3A_375 = arith.andi %shift_right_arithmetic3A_372, %and3A_374 : vector<16xi32>
      %shift_left3A_376 = arith.constant 4 : i32
      %shift_left3A_377 = vector.broadcast %shift_left3A_376 : i32 to vector<16xi32>
      %shift_left3A_378 = arith.shli %and3A_375, %shift_left3A_377 : vector<16xi32>
      %or3A_379 = arith.ori %shift_left3A_378, %iota3A : vector<16xi32>
      %gather3A_380 = tpu.vector_load_idx %arg7[%or3A_379] : memref<4096xi32, #tpu.memory_space<vmem>>[vector<16xi32>], vector<16xi32>,
      %shift_right_arithmetic3A_381 = arith.constant 10 : i32
      %shift_right_arithmetic3A_382 = vector.broadcast %shift_right_arithmetic3A_381 : i32 to vector<16xi32>
      %shift_right_arithmetic3A_383 = arith.shrsi %gather3A_380, %shift_right_arithmetic3A_382 : vector<16xi32>
      %mul3A_384 = arith.constant 21846 : i32
      %mul3A_385 = vector.broadcast %mul3A_384 : i32 to vector<16xi32>
      %mul3A_386 = arith.muli %shift_right_arithmetic3A_383, %mul3A_385 : vector<16xi32>
      %shift_right_arithmetic3A_387 = arith.constant 16 : i32
      %shift_right_arithmetic3A_388 = vector.broadcast %shift_right_arithmetic3A_387 : i32 to vector<16xi32>
      %shift_right_arithmetic3A_389 = arith.shrsi %mul3A_386, %shift_right_arithmetic3A_388 : vector<16xi32>
      %add3A_390 = arith.addi %gather3A_380, %shift_right_arithmetic3A_389 : vector<16xi32>
      tpu.vector_store_idx %arg6[%add3A_390], %gather3A_369 : memref<49168xi32, #tpu.memory_space<vmem>>[vector<16xi32>], vector<16xi32>,
      tpu.vector_store_idx %arg7[%or3A_379], %broadcast_in_dim3A_1 {add = true} : memref<4096xi32, #tpu.memory_space<vmem>>[vector<16xi32>], vector<16xi32>,
      %add3A_391 = arith.constant 5 : i32
      %add3A_392 = arith.addi %mul3A_265, %add3A_391 : i32
      %add3A_393 = vector.broadcast %add3A_392 : i32 to vector<16xi32>
      %add3A_394 = arith.addi %mul3A_6, %add3A_393 : vector<16xi32>
      %gather3A_395 = tpu.vector_load_idx %arg5[%add3A_394] : memref<49168xi32, #tpu.memory_space<vmem>>[vector<16xi32>], vector<16xi32>,
      %shift_right_arithmetic3A_396 = arith.constant 16 : i32
      %shift_right_arithmetic3A_397 = vector.broadcast %shift_right_arithmetic3A_396 : i32 to vector<16xi32>
      %shift_right_arithmetic3A_398 = arith.shrsi %gather3A_395, %shift_right_arithmetic3A_397 : vector<16xi32>
      %and3A_399 = arith.constant 255 : i32
      %and3A_400 = vector.broadcast %and3A_399 : i32 to vector<16xi32>
      %and3A_401 = arith.andi %shift_right_arithmetic3A_398, %and3A_400 : vector<16xi32>
      %shift_left3A_402 = arith.constant 4 : i32
      %shift_left3A_403 = vector.broadcast %shift_left3A_402 : i32 to vector<16xi32>
      %shift_left3A_404 = arith.shli %and3A_401, %shift_left3A_403 : vector<16xi32>
      %or3A_405 = arith.ori %shift_left3A_404, %iota3A : vector<16xi32>
      %gather3A_406 = tpu.vector_load_idx %arg7[%or3A_405] : memref<4096xi32, #tpu.memory_space<vmem>>[vector<16xi32>], vector<16xi32>,
      %shift_right_arithmetic3A_407 = arith.constant 10 : i32
      %shift_right_arithmetic3A_408 = vector.broadcast %shift_right_arithmetic3A_407 : i32 to vector<16xi32>
      %shift_right_arithmetic3A_409 = arith.shrsi %gather3A_406, %shift_right_arithmetic3A_408 : vector<16xi32>
      %mul3A_410 = arith.constant 21846 : i32
      %mul3A_411 = vector.broadcast %mul3A_410 : i32 to vector<16xi32>
      %mul3A_412 = arith.muli %shift_right_arithmetic3A_409, %mul3A_411 : vector<16xi32>
      %shift_right_arithmetic3A_413 = arith.constant 16 : i32
      %shift_right_arithmetic3A_414 = vector.broadcast %shift_right_arithmetic3A_413 : i32 to vector<16xi32>
      %shift_right_arithmetic3A_415 = arith.shrsi %mul3A_412, %shift_right_arithmetic3A_414 : vector<16xi32>
      %add3A_416 = arith.addi %gather3A_406, %shift_right_arithmetic3A_415 : vector<16xi32>
      tpu.vector_store_idx %arg6[%add3A_416], %gather3A_395 : memref<49168xi32, #tpu.memory_space<vmem>>[vector<16xi32>], vector<16xi32>,
      tpu.vector_store_idx %arg7[%or3A_405], %broadcast_in_dim3A_1 {add = true} : memref<4096xi32, #tpu.memory_space<vmem>>[vector<16xi32>], vector<16xi32>,
      %add3A_417 = arith.constant 6 : i32
      %add3A_418 = arith.addi %mul3A_265, %add3A_417 : i32
      %add3A_419 = vector.broadcast %add3A_418 : i32 to vector<16xi32>
      %add3A_420 = arith.addi %mul3A_6, %add3A_419 : vector<16xi32>
      %gather3A_421 = tpu.vector_load_idx %arg5[%add3A_420] : memref<49168xi32, #tpu.memory_space<vmem>>[vector<16xi32>], vector<16xi32>,
      %shift_right_arithmetic3A_422 = arith.constant 16 : i32
      %shift_right_arithmetic3A_423 = vector.broadcast %shift_right_arithmetic3A_422 : i32 to vector<16xi32>
      %shift_right_arithmetic3A_424 = arith.shrsi %gather3A_421, %shift_right_arithmetic3A_423 : vector<16xi32>
      %and3A_425 = arith.constant 255 : i32
      %and3A_426 = vector.broadcast %and3A_425 : i32 to vector<16xi32>
      %and3A_427 = arith.andi %shift_right_arithmetic3A_424, %and3A_426 : vector<16xi32>
      %shift_left3A_428 = arith.constant 4 : i32
      %shift_left3A_429 = vector.broadcast %shift_left3A_428 : i32 to vector<16xi32>
      %shift_left3A_430 = arith.shli %and3A_427, %shift_left3A_429 : vector<16xi32>
      %or3A_431 = arith.ori %shift_left3A_430, %iota3A : vector<16xi32>
      %gather3A_432 = tpu.vector_load_idx %arg7[%or3A_431] : memref<4096xi32, #tpu.memory_space<vmem>>[vector<16xi32>], vector<16xi32>,
      %shift_right_arithmetic3A_433 = arith.constant 10 : i32
      %shift_right_arithmetic3A_434 = vector.broadcast %shift_right_arithmetic3A_433 : i32 to vector<16xi32>
      %shift_right_arithmetic3A_435 = arith.shrsi %gather3A_432, %shift_right_arithmetic3A_434 : vector<16xi32>
      %mul3A_436 = arith.constant 21846 : i32
      %mul3A_437 = vector.broadcast %mul3A_436 : i32 to vector<16xi32>
      %mul3A_438 = arith.muli %shift_right_arithmetic3A_435, %mul3A_437 : vector<16xi32>
      %shift_right_arithmetic3A_439 = arith.constant 16 : i32
      %shift_right_arithmetic3A_440 = vector.broadcast %shift_right_arithmetic3A_439 : i32 to vector<16xi32>
      %shift_right_arithmetic3A_441 = arith.shrsi %mul3A_438, %shift_right_arithmetic3A_440 : vector<16xi32>
      %add3A_442 = arith.addi %gather3A_432, %shift_right_arithmetic3A_441 : vector<16xi32>
      tpu.vector_store_idx %arg6[%add3A_442], %gather3A_421 : memref<49168xi32, #tpu.memory_space<vmem>>[vector<16xi32>], vector<16xi32>,
      tpu.vector_store_idx %arg7[%or3A_431], %broadcast_in_dim3A_1 {add = true} : memref<4096xi32, #tpu.memory_space<vmem>>[vector<16xi32>], vector<16xi32>,
      %add3A_443 = arith.constant 7 : i32
      %add3A_444 = arith.addi %mul3A_265, %add3A_443 : i32
      %add3A_445 = vector.broadcast %add3A_444 : i32 to vector<16xi32>
      %add3A_446 = arith.addi %mul3A_6, %add3A_445 : vector<16xi32>
      %gather3A_447 = tpu.vector_load_idx %arg5[%add3A_446] : memref<49168xi32, #tpu.memory_space<vmem>>[vector<16xi32>], vector<16xi32>,
      %shift_right_arithmetic3A_448 = arith.constant 16 : i32
      %shift_right_arithmetic3A_449 = vector.broadcast %shift_right_arithmetic3A_448 : i32 to vector<16xi32>
      %shift_right_arithmetic3A_450 = arith.shrsi %gather3A_447, %shift_right_arithmetic3A_449 : vector<16xi32>
      %and3A_451 = arith.constant 255 : i32
      %and3A_452 = vector.broadcast %and3A_451 : i32 to vector<16xi32>
      %and3A_453 = arith.andi %shift_right_arithmetic3A_450, %and3A_452 : vector<16xi32>
      %shift_left3A_454 = arith.constant 4 : i32
      %shift_left3A_455 = vector.broadcast %shift_left3A_454 : i32 to vector<16xi32>
      %shift_left3A_456 = arith.shli %and3A_453, %shift_left3A_455 : vector<16xi32>
      %or3A_457 = arith.ori %shift_left3A_456, %iota3A : vector<16xi32>
      %gather3A_458 = tpu.vector_load_idx %arg7[%or3A_457] : memref<4096xi32, #tpu.memory_space<vmem>>[vector<16xi32>], vector<16xi32>,
      %shift_right_arithmetic3A_459 = arith.constant 10 : i32
      %shift_right_arithmetic3A_460 = vector.broadcast %shift_right_arithmetic3A_459 : i32 to vector<16xi32>
      %shift_right_arithmetic3A_461 = arith.shrsi %gather3A_458, %shift_right_arithmetic3A_460 : vector<16xi32>
      %mul3A_462 = arith.constant 21846 : i32
      %mul3A_463 = vector.broadcast %mul3A_462 : i32 to vector<16xi32>
      %mul3A_464 = arith.muli %shift_right_arithmetic3A_461, %mul3A_463 : vector<16xi32>
      %shift_right_arithmetic3A_465 = arith.constant 16 : i32
      %shift_right_arithmetic3A_466 = vector.broadcast %shift_right_arithmetic3A_465 : i32 to vector<16xi32>
      %shift_right_arithmetic3A_467 = arith.shrsi %mul3A_464, %shift_right_arithmetic3A_466 : vector<16xi32>
      %add3A_468 = arith.addi %gather3A_458, %shift_right_arithmetic3A_467 : vector<16xi32>
      tpu.vector_store_idx %arg6[%add3A_468], %gather3A_447 : memref<49168xi32, #tpu.memory_space<vmem>>[vector<16xi32>], vector<16xi32>,
      tpu.vector_store_idx %arg7[%or3A_457], %broadcast_in_dim3A_1 {add = true} : memref<4096xi32, #tpu.memory_space<vmem>>[vector<16xi32>], vector<16xi32>,
      %scan3A_469 = arith.constant 0 : i32
      scf.yield %scan3A_469 : i32
    }
    %scan3A_227 = arith.constant 384 : i32
    %scan3A_228 = arith.constant 0 : i32
    %scan3A_229 = arith.constant 0 : i32
    %scan3A_230 = arith.constant 32 : i32
    %scan3A_231 = arith.addi %scan3A_229, %scan3A_230 : i32
    %scan3A_232 = arith.constant 1 : i32
    %scan3A_233 = scf.for %scan3A_262 = %scan3A_229 to %scan3A_231 step %scan3A_232 iter_args(%scan3A_263 = %scan3A_228) -> (i32)  : i32 {
      %mul3A_264 = arith.constant 8 : i32
      %mul3A_265 = arith.muli %scan3A_262, %mul3A_264 : i32
      %add3A_266 = arith.constant 0 : i32
      %add3A_267 = arith.addi %mul3A_265, %add3A_266 : i32
      %mul3A_268 = arith.constant 16 : i32
      %mul3A_269 = arith.muli %add3A_267, %mul3A_268 : i32
      %swap3A_270 = arith.index_cast %mul3A_269 : i32 to index
      %swap3A_271 = tpu.vector_load %arg7[%swap3A_270] {strides = array<i32>} : memref<4096xi32, #tpu.memory_space<vmem>>, vector<16xi32>,
      tpu.vector_store %arg7[%swap3A_270], %broadcast_in_dim3A_3 {strides = array<i32>} : memref<4096xi32, #tpu.memory_space<vmem>>, vector<16xi32>,
      %add3A_272 = arith.constant 1 : i32
      %add3A_273 = arith.addi %mul3A_265, %add3A_272 : i32
      %mul3A_274 = arith.constant 16 : i32
      %mul3A_275 = arith.muli %add3A_273, %mul3A_274 : i32
      %swap3A_276 = arith.index_cast %mul3A_275 : i32 to index
      %swap3A_277 = tpu.vector_load %arg7[%swap3A_276] {strides = array<i32>} : memref<4096xi32, #tpu.memory_space<vmem>>, vector<16xi32>,
      tpu.vector_store %arg7[%swap3A_276], %broadcast_in_dim3A_3 {strides = array<i32>} : memref<4096xi32, #tpu.memory_space<vmem>>, vector<16xi32>,
      %add3A_278 = arith.constant 2 : i32
      %add3A_279 = arith.addi %mul3A_265, %add3A_278 : i32
      %mul3A_280 = arith.constant 16 : i32
      %mul3A_281 = arith.muli %add3A_279, %mul3A_280 : i32
      %swap3A_282 = arith.index_cast %mul3A_281 : i32 to index
      %swap3A_283 = tpu.vector_load %arg7[%swap3A_282] {strides = array<i32>} : memref<4096xi32, #tpu.memory_space<vmem>>, vector<16xi32>,
      tpu.vector_store %arg7[%swap3A_282], %broadcast_in_dim3A_3 {strides = array<i32>} : memref<4096xi32, #tpu.memory_space<vmem>>, vector<16xi32>,
      %add3A_284 = arith.constant 3 : i32
      %add3A_285 = arith.addi %mul3A_265, %add3A_284 : i32
      %mul3A_286 = arith.constant 16 : i32
      %mul3A_287 = arith.muli %add3A_285, %mul3A_286 : i32
      %swap3A_288 = arith.index_cast %mul3A_287 : i32 to index
      %swap3A_289 = tpu.vector_load %arg7[%swap3A_288] {strides = array<i32>} : memref<4096xi32, #tpu.memory_space<vmem>>, vector<16xi32>,
      tpu.vector_store %arg7[%swap3A_288], %broadcast_in_dim3A_3 {strides = array<i32>} : memref<4096xi32, #tpu.memory_space<vmem>>, vector<16xi32>,
      %add3A_290 = arith.constant 4 : i32
      %add3A_291 = arith.addi %mul3A_265, %add3A_290 : i32
      %mul3A_292 = arith.constant 16 : i32
      %mul3A_293 = arith.muli %add3A_291, %mul3A_292 : i32
      %swap3A_294 = arith.index_cast %mul3A_293 : i32 to index
      %swap3A_295 = tpu.vector_load %arg7[%swap3A_294] {strides = array<i32>} : memref<4096xi32, #tpu.memory_space<vmem>>, vector<16xi32>,
      tpu.vector_store %arg7[%swap3A_294], %broadcast_in_dim3A_3 {strides = array<i32>} : memref<4096xi32, #tpu.memory_space<vmem>>, vector<16xi32>,
      %add3A_296 = arith.constant 5 : i32
      %add3A_297 = arith.addi %mul3A_265, %add3A_296 : i32
      %mul3A_298 = arith.constant 16 : i32
      %mul3A_299 = arith.muli %add3A_297, %mul3A_298 : i32
      %swap3A_300 = arith.index_cast %mul3A_299 : i32 to index
      %swap3A_301 = tpu.vector_load %arg7[%swap3A_300] {strides = array<i32>} : memref<4096xi32, #tpu.memory_space<vmem>>, vector<16xi32>,
      tpu.vector_store %arg7[%swap3A_300], %broadcast_in_dim3A_3 {strides = array<i32>} : memref<4096xi32, #tpu.memory_space<vmem>>, vector<16xi32>,
      %add3A_302 = arith.constant 6 : i32
      %add3A_303 = arith.addi %mul3A_265, %add3A_302 : i32
      %mul3A_304 = arith.constant 16 : i32
      %mul3A_305 = arith.muli %add3A_303, %mul3A_304 : i32
      %swap3A_306 = arith.index_cast %mul3A_305 : i32 to index
      %swap3A_307 = tpu.vector_load %arg7[%swap3A_306] {strides = array<i32>} : memref<4096xi32, #tpu.memory_space<vmem>>, vector<16xi32>,
      tpu.vector_store %arg7[%swap3A_306], %broadcast_in_dim3A_3 {strides = array<i32>} : memref<4096xi32, #tpu.memory_space<vmem>>, vector<16xi32>,
      %add3A_308 = arith.constant 7 : i32
      %add3A_309 = arith.addi %mul3A_265, %add3A_308 : i32
      %mul3A_310 = arith.constant 16 : i32
      %mul3A_311 = arith.muli %add3A_309, %mul3A_310 : i32
      %swap3A_312 = arith.index_cast %mul3A_311 : i32 to index
      %swap3A_313 = tpu.vector_load %arg7[%swap3A_312] {strides = array<i32>} : memref<4096xi32, #tpu.memory_space<vmem>>, vector<16xi32>,
      tpu.vector_store %arg7[%swap3A_312], %broadcast_in_dim3A_3 {strides = array<i32>} : memref<4096xi32, #tpu.memory_space<vmem>>, vector<16xi32>,
      %scan3A_314 = arith.constant 0 : i32
      scf.yield %scan3A_314 : i32
    }
    %scan3A_234 = arith.constant 32 : i32
    %scan3A_235 = arith.constant 0 : i32
    %scan3A_236 = arith.constant 0 : i32
    %scan3A_237 = arith.constant 384 : i32
    %scan3A_238 = arith.addi %scan3A_236, %scan3A_237 : i32
    %scan3A_239 = arith.constant 1 : i32
    %scan3A_240 = scf.for %scan3A_262 = %scan3A_236 to %scan3A_238 step %scan3A_239 iter_args(%scan3A_263 = %scan3A_235) -> (i32)  : i32 {
      %mul3A_264 = arith.constant 8 : i32
      %mul3A_265 = arith.muli %scan3A_262, %mul3A_264 : i32
      %add3A_266 = arith.constant 0 : i32
      %add3A_267 = arith.addi %mul3A_265, %add3A_266 : i32
      %add3A_268 = vector.broadcast %add3A_267 : i32 to vector<16xi32>
      %add3A_269 = arith.addi %mul3A_6, %add3A_268 : vector<16xi32>
      %gather3A = tpu.vector_load_idx %arg6[%add3A_269] : memref<49168xi32, #tpu.memory_space<vmem>>[vector<16xi32>], vector<16xi32>,
      %shift_right_arithmetic3A = arith.constant 24 : i32
      %shift_right_arithmetic3A_270 = vector.broadcast %shift_right_arithmetic3A : i32 to vector<16xi32>
      %shift_right_arithmetic3A_271 = arith.shrsi %gather3A, %shift_right_arithmetic3A_270 : vector<16xi32>
      %and3A = arith.constant 255 : i32
      %and3A_272 = vector.broadcast %and3A : i32 to vector<16xi32>
      %and3A_273 = arith.andi %shift_right_arithmetic3A_271, %and3A_272 : vector<16xi32>
      %shift_left3A = arith.constant 4 : i32
      %shift_left3A_274 = vector.broadcast %shift_left3A : i32 to vector<16xi32>
      %shift_left3A_275 = arith.shli %and3A_273, %shift_left3A_274 : vector<16xi32>
      %or3A = arith.ori %shift_left3A_275, %iota3A : vector<16xi32>
      tpu.vector_store_idx %arg7[%or3A], %broadcast_in_dim3A_1 {add = true} : memref<4096xi32, #tpu.memory_space<vmem>>[vector<16xi32>], vector<16xi32>,
      %add3A_276 = arith.constant 1 : i32
      %add3A_277 = arith.addi %mul3A_265, %add3A_276 : i32
      %add3A_278 = vector.broadcast %add3A_277 : i32 to vector<16xi32>
      %add3A_279 = arith.addi %mul3A_6, %add3A_278 : vector<16xi32>
      %gather3A_280 = tpu.vector_load_idx %arg6[%add3A_279] : memref<49168xi32, #tpu.memory_space<vmem>>[vector<16xi32>], vector<16xi32>,
      %shift_right_arithmetic3A_281 = arith.constant 24 : i32
      %shift_right_arithmetic3A_282 = vector.broadcast %shift_right_arithmetic3A_281 : i32 to vector<16xi32>
      %shift_right_arithmetic3A_283 = arith.shrsi %gather3A_280, %shift_right_arithmetic3A_282 : vector<16xi32>
      %and3A_284 = arith.constant 255 : i32
      %and3A_285 = vector.broadcast %and3A_284 : i32 to vector<16xi32>
      %and3A_286 = arith.andi %shift_right_arithmetic3A_283, %and3A_285 : vector<16xi32>
      %shift_left3A_287 = arith.constant 4 : i32
      %shift_left3A_288 = vector.broadcast %shift_left3A_287 : i32 to vector<16xi32>
      %shift_left3A_289 = arith.shli %and3A_286, %shift_left3A_288 : vector<16xi32>
      %or3A_290 = arith.ori %shift_left3A_289, %iota3A : vector<16xi32>
      tpu.vector_store_idx %arg7[%or3A_290], %broadcast_in_dim3A_1 {add = true} : memref<4096xi32, #tpu.memory_space<vmem>>[vector<16xi32>], vector<16xi32>,
      %add3A_291 = arith.constant 2 : i32
      %add3A_292 = arith.addi %mul3A_265, %add3A_291 : i32
      %add3A_293 = vector.broadcast %add3A_292 : i32 to vector<16xi32>
      %add3A_294 = arith.addi %mul3A_6, %add3A_293 : vector<16xi32>
      %gather3A_295 = tpu.vector_load_idx %arg6[%add3A_294] : memref<49168xi32, #tpu.memory_space<vmem>>[vector<16xi32>], vector<16xi32>,
      %shift_right_arithmetic3A_296 = arith.constant 24 : i32
      %shift_right_arithmetic3A_297 = vector.broadcast %shift_right_arithmetic3A_296 : i32 to vector<16xi32>
      %shift_right_arithmetic3A_298 = arith.shrsi %gather3A_295, %shift_right_arithmetic3A_297 : vector<16xi32>
      %and3A_299 = arith.constant 255 : i32
      %and3A_300 = vector.broadcast %and3A_299 : i32 to vector<16xi32>
      %and3A_301 = arith.andi %shift_right_arithmetic3A_298, %and3A_300 : vector<16xi32>
      %shift_left3A_302 = arith.constant 4 : i32
      %shift_left3A_303 = vector.broadcast %shift_left3A_302 : i32 to vector<16xi32>
      %shift_left3A_304 = arith.shli %and3A_301, %shift_left3A_303 : vector<16xi32>
      %or3A_305 = arith.ori %shift_left3A_304, %iota3A : vector<16xi32>
      tpu.vector_store_idx %arg7[%or3A_305], %broadcast_in_dim3A_1 {add = true} : memref<4096xi32, #tpu.memory_space<vmem>>[vector<16xi32>], vector<16xi32>,
      %add3A_306 = arith.constant 3 : i32
      %add3A_307 = arith.addi %mul3A_265, %add3A_306 : i32
      %add3A_308 = vector.broadcast %add3A_307 : i32 to vector<16xi32>
      %add3A_309 = arith.addi %mul3A_6, %add3A_308 : vector<16xi32>
      %gather3A_310 = tpu.vector_load_idx %arg6[%add3A_309] : memref<49168xi32, #tpu.memory_space<vmem>>[vector<16xi32>], vector<16xi32>,
      %shift_right_arithmetic3A_311 = arith.constant 24 : i32
      %shift_right_arithmetic3A_312 = vector.broadcast %shift_right_arithmetic3A_311 : i32 to vector<16xi32>
      %shift_right_arithmetic3A_313 = arith.shrsi %gather3A_310, %shift_right_arithmetic3A_312 : vector<16xi32>
      %and3A_314 = arith.constant 255 : i32
      %and3A_315 = vector.broadcast %and3A_314 : i32 to vector<16xi32>
      %and3A_316 = arith.andi %shift_right_arithmetic3A_313, %and3A_315 : vector<16xi32>
      %shift_left3A_317 = arith.constant 4 : i32
      %shift_left3A_318 = vector.broadcast %shift_left3A_317 : i32 to vector<16xi32>
      %shift_left3A_319 = arith.shli %and3A_316, %shift_left3A_318 : vector<16xi32>
      %or3A_320 = arith.ori %shift_left3A_319, %iota3A : vector<16xi32>
      tpu.vector_store_idx %arg7[%or3A_320], %broadcast_in_dim3A_1 {add = true} : memref<4096xi32, #tpu.memory_space<vmem>>[vector<16xi32>], vector<16xi32>,
      %add3A_321 = arith.constant 4 : i32
      %add3A_322 = arith.addi %mul3A_265, %add3A_321 : i32
      %add3A_323 = vector.broadcast %add3A_322 : i32 to vector<16xi32>
      %add3A_324 = arith.addi %mul3A_6, %add3A_323 : vector<16xi32>
      %gather3A_325 = tpu.vector_load_idx %arg6[%add3A_324] : memref<49168xi32, #tpu.memory_space<vmem>>[vector<16xi32>], vector<16xi32>,
      %shift_right_arithmetic3A_326 = arith.constant 24 : i32
      %shift_right_arithmetic3A_327 = vector.broadcast %shift_right_arithmetic3A_326 : i32 to vector<16xi32>
      %shift_right_arithmetic3A_328 = arith.shrsi %gather3A_325, %shift_right_arithmetic3A_327 : vector<16xi32>
      %and3A_329 = arith.constant 255 : i32
      %and3A_330 = vector.broadcast %and3A_329 : i32 to vector<16xi32>
      %and3A_331 = arith.andi %shift_right_arithmetic3A_328, %and3A_330 : vector<16xi32>
      %shift_left3A_332 = arith.constant 4 : i32
      %shift_left3A_333 = vector.broadcast %shift_left3A_332 : i32 to vector<16xi32>
      %shift_left3A_334 = arith.shli %and3A_331, %shift_left3A_333 : vector<16xi32>
      %or3A_335 = arith.ori %shift_left3A_334, %iota3A : vector<16xi32>
      tpu.vector_store_idx %arg7[%or3A_335], %broadcast_in_dim3A_1 {add = true} : memref<4096xi32, #tpu.memory_space<vmem>>[vector<16xi32>], vector<16xi32>,
      %add3A_336 = arith.constant 5 : i32
      %add3A_337 = arith.addi %mul3A_265, %add3A_336 : i32
      %add3A_338 = vector.broadcast %add3A_337 : i32 to vector<16xi32>
      %add3A_339 = arith.addi %mul3A_6, %add3A_338 : vector<16xi32>
      %gather3A_340 = tpu.vector_load_idx %arg6[%add3A_339] : memref<49168xi32, #tpu.memory_space<vmem>>[vector<16xi32>], vector<16xi32>,
      %shift_right_arithmetic3A_341 = arith.constant 24 : i32
      %shift_right_arithmetic3A_342 = vector.broadcast %shift_right_arithmetic3A_341 : i32 to vector<16xi32>
      %shift_right_arithmetic3A_343 = arith.shrsi %gather3A_340, %shift_right_arithmetic3A_342 : vector<16xi32>
      %and3A_344 = arith.constant 255 : i32
      %and3A_345 = vector.broadcast %and3A_344 : i32 to vector<16xi32>
      %and3A_346 = arith.andi %shift_right_arithmetic3A_343, %and3A_345 : vector<16xi32>
      %shift_left3A_347 = arith.constant 4 : i32
      %shift_left3A_348 = vector.broadcast %shift_left3A_347 : i32 to vector<16xi32>
      %shift_left3A_349 = arith.shli %and3A_346, %shift_left3A_348 : vector<16xi32>
      %or3A_350 = arith.ori %shift_left3A_349, %iota3A : vector<16xi32>
      tpu.vector_store_idx %arg7[%or3A_350], %broadcast_in_dim3A_1 {add = true} : memref<4096xi32, #tpu.memory_space<vmem>>[vector<16xi32>], vector<16xi32>,
      %add3A_351 = arith.constant 6 : i32
      %add3A_352 = arith.addi %mul3A_265, %add3A_351 : i32
      %add3A_353 = vector.broadcast %add3A_352 : i32 to vector<16xi32>
      %add3A_354 = arith.addi %mul3A_6, %add3A_353 : vector<16xi32>
      %gather3A_355 = tpu.vector_load_idx %arg6[%add3A_354] : memref<49168xi32, #tpu.memory_space<vmem>>[vector<16xi32>], vector<16xi32>,
      %shift_right_arithmetic3A_356 = arith.constant 24 : i32
      %shift_right_arithmetic3A_357 = vector.broadcast %shift_right_arithmetic3A_356 : i32 to vector<16xi32>
      %shift_right_arithmetic3A_358 = arith.shrsi %gather3A_355, %shift_right_arithmetic3A_357 : vector<16xi32>
      %and3A_359 = arith.constant 255 : i32
      %and3A_360 = vector.broadcast %and3A_359 : i32 to vector<16xi32>
      %and3A_361 = arith.andi %shift_right_arithmetic3A_358, %and3A_360 : vector<16xi32>
      %shift_left3A_362 = arith.constant 4 : i32
      %shift_left3A_363 = vector.broadcast %shift_left3A_362 : i32 to vector<16xi32>
      %shift_left3A_364 = arith.shli %and3A_361, %shift_left3A_363 : vector<16xi32>
      %or3A_365 = arith.ori %shift_left3A_364, %iota3A : vector<16xi32>
      tpu.vector_store_idx %arg7[%or3A_365], %broadcast_in_dim3A_1 {add = true} : memref<4096xi32, #tpu.memory_space<vmem>>[vector<16xi32>], vector<16xi32>,
      %add3A_366 = arith.constant 7 : i32
      %add3A_367 = arith.addi %mul3A_265, %add3A_366 : i32
      %add3A_368 = vector.broadcast %add3A_367 : i32 to vector<16xi32>
      %add3A_369 = arith.addi %mul3A_6, %add3A_368 : vector<16xi32>
      %gather3A_370 = tpu.vector_load_idx %arg6[%add3A_369] : memref<49168xi32, #tpu.memory_space<vmem>>[vector<16xi32>], vector<16xi32>,
      %shift_right_arithmetic3A_371 = arith.constant 24 : i32
      %shift_right_arithmetic3A_372 = vector.broadcast %shift_right_arithmetic3A_371 : i32 to vector<16xi32>
      %shift_right_arithmetic3A_373 = arith.shrsi %gather3A_370, %shift_right_arithmetic3A_372 : vector<16xi32>
      %and3A_374 = arith.constant 255 : i32
      %and3A_375 = vector.broadcast %and3A_374 : i32 to vector<16xi32>
      %and3A_376 = arith.andi %shift_right_arithmetic3A_373, %and3A_375 : vector<16xi32>
      %shift_left3A_377 = arith.constant 4 : i32
      %shift_left3A_378 = vector.broadcast %shift_left3A_377 : i32 to vector<16xi32>
      %shift_left3A_379 = arith.shli %and3A_376, %shift_left3A_378 : vector<16xi32>
      %or3A_380 = arith.ori %shift_left3A_379, %iota3A : vector<16xi32>
      tpu.vector_store_idx %arg7[%or3A_380], %broadcast_in_dim3A_1 {add = true} : memref<4096xi32, #tpu.memory_space<vmem>>[vector<16xi32>], vector<16xi32>,
      %scan3A_381 = arith.constant 0 : i32
      scf.yield %scan3A_381 : i32
    }
    %scan3A_241 = arith.constant 384 : i32
    %scan3A_242 = arith.constant 0 : i32
    %scan3A_243 = arith.constant 0 : i32
    %scan3A_244 = arith.constant 256 : i32
    %scan3A_245 = arith.addi %scan3A_243, %scan3A_244 : i32
    %scan3A_246 = arith.constant 1 : i32
    %scan3A_247 = scf.for %scan3A_262 = %scan3A_243 to %scan3A_245 step %scan3A_246 iter_args(%scan3A_263 = %scan3A_242) -> (i32)  : i32 {
      %mul3A_264 = arith.constant 16 : i32
      %mul3A_265 = arith.muli %scan3A_262, %mul3A_264 : i32
      %get3A = arith.index_cast %mul3A_265 : i32 to index
      %get3A_266 = tpu.vector_load %arg7[%get3A] {strides = array<i32>} : memref<4096xi32, #tpu.memory_space<vmem>>, vector<16xi32>,
      %broadcast_in_dim3A_267 = arith.constant true
      %broadcast_in_dim3A_268 = vector.broadcast %broadcast_in_dim3A_267 : i1 to vector<16xi1>
      %masked_cumsum3A = tpu.scan <sum>, %get3A_266 masked %broadcast_in_dim3A_268 : vector<16xi32>, vector<16xi1> -> vector<16xi32>
      %sub3A = arith.subi %masked_cumsum3A, %get3A_266 : vector<16xi32>
      %add3A_269 = vector.broadcast %scan3A_263 : i32 to vector<16xi32>
      %add3A_270 = arith.addi %sub3A, %add3A_269 : vector<16xi32>
      %mul3A_271 = arith.constant 16 : i32
      %mul3A_272 = arith.muli %scan3A_262, %mul3A_271 : i32
      %swap3A_273 = arith.index_cast %mul3A_272 : i32 to index
      %swap3A_274 = tpu.vector_load %arg7[%swap3A_273] {strides = array<i32>} : memref<4096xi32, #tpu.memory_space<vmem>>, vector<16xi32>,
      tpu.vector_store %arg7[%swap3A_273], %add3A_270 {strides = array<i32>} : memref<4096xi32, #tpu.memory_space<vmem>>, vector<16xi32>,
      %reduce_sum3A = arith.constant true
      %reduce_sum3A_275 = vector.broadcast %reduce_sum3A : i1 to vector<16xi1>
      %reduce_sum3A_276 = tpu.scan <sum>, %get3A_266 masked %reduce_sum3A_275 : vector<16xi32>, vector<16xi1> -> vector<16xi32>
      %reduce_sum3A_277 = vector.extract %reduce_sum3A_276[15] : i32 from vector<16xi32>
      %add3A_278 = arith.addi %scan3A_263, %reduce_sum3A_277 : i32
      scf.yield %add3A_278 : i32
    }
    %scan3A_248 = arith.constant 256 : i32
    %mul3A_249 = arith.constant 49168 : i32
    %mul3A_250 = arith.muli %add3A, %mul3A_249 : i32
    "tpu.region"() ({
      %run_scoped3A = tpu.sem_alloc : memref<!tpu.dma_semaphore, #tpu.memory_space<semaphore_mem>>
      %dma_start3A = tpu.memref_slice %arg9[%mul3A_250] : memref<1573376xi32, #tpu.memory_space<hbm>> -> memref<49168xi32, #tpu.memory_space<hbm>>
      %dma_start3A_262 = tpu.memref_slice %arg9[%mul3A_250] : memref<1573376xi32, #tpu.memory_space<hbm>> -> memref<49168xi32, #tpu.memory_space<hbm>>
      tpu.enqueue_dma source(%dma_start3A_262 : memref<49168xi32, #tpu.memory_space<hbm>>) target(%arg5 : memref<49168xi32, #tpu.memory_space<vmem>>) target_semaphore(%run_scoped3A : memref<!tpu.dma_semaphore, #tpu.memory_space<semaphore_mem>>)
      %dma_wait3A = tpu.memref_slice %arg9[%mul3A_250] : memref<1573376xi32, #tpu.memory_space<hbm>> -> memref<49168xi32, #tpu.memory_space<hbm>>
      %dma_wait3A_263 = tpu.memref_slice %arg9[%mul3A_250] : memref<1573376xi32, #tpu.memory_space<hbm>> -> memref<49168xi32, #tpu.memory_space<hbm>>
      tpu.wait_dma2 semaphore(%run_scoped3A : memref<!tpu.dma_semaphore, #tpu.memory_space<semaphore_mem>>) src(%dma_wait3A_263 : memref<49168xi32, #tpu.memory_space<hbm>>) dst(%arg5 : memref<49168xi32, #tpu.memory_space<vmem>>)
      tpu.yield
    }) : () -> ()
    %broadcast_in_dim3A_251 = arith.constant 0.000000e+00 : f32
    %broadcast_in_dim3A_252 = vector.broadcast %broadcast_in_dim3A_251 : f32 to vector<16xf32>
    %scan3A_253 = arith.constant 0 : i32
    %scan3A_254 = arith.constant 384 : i32
    %scan3A_255 = arith.addi %scan3A_253, %scan3A_254 : i32
    %scan3A_256 = arith.constant 1 : i32
    %scan3A_257 = scf.for %scan3A_262 = %scan3A_253 to %scan3A_255 step %scan3A_256 iter_args(%scan3A_263 = %broadcast_in_dim3A_252) -> (vector<16xf32>)  : i32 {
      %mul3A_264 = arith.constant 8 : i32
      %mul3A_265 = arith.muli %scan3A_262, %mul3A_264 : i32
      %add3A_266 = arith.constant 0 : i32
      %add3A_267 = arith.addi %mul3A_265, %add3A_266 : i32
      %add3A_268 = vector.broadcast %add3A_267 : i32 to vector<16xi32>
      %add3A_269 = arith.addi %mul3A_6, %add3A_268 : vector<16xi32>
      %gather3A = tpu.vector_load_idx %arg6[%add3A_269] : memref<49168xi32, #tpu.memory_space<vmem>>[vector<16xi32>], vector<16xi32>,
      %shift_right_arithmetic3A = arith.constant 24 : i32
      %shift_right_arithmetic3A_270 = vector.broadcast %shift_right_arithmetic3A : i32 to vector<16xi32>
      %shift_right_arithmetic3A_271 = arith.shrsi %gather3A, %shift_right_arithmetic3A_270 : vector<16xi32>
      %and3A = arith.constant 255 : i32
      %and3A_272 = vector.broadcast %and3A : i32 to vector<16xi32>
      %and3A_273 = arith.andi %shift_right_arithmetic3A_271, %and3A_272 : vector<16xi32>
      %shift_left3A = arith.constant 4 : i32
      %shift_left3A_274 = vector.broadcast %shift_left3A : i32 to vector<16xi32>
      %shift_left3A_275 = arith.shli %and3A_273, %shift_left3A_274 : vector<16xi32>
      %or3A = arith.ori %shift_left3A_275, %iota3A : vector<16xi32>
      %gather3A_276 = tpu.vector_load_idx %arg7[%or3A] : memref<4096xi32, #tpu.memory_space<vmem>>[vector<16xi32>], vector<16xi32>,
      %shift_right_arithmetic3A_277 = arith.constant 10 : i32
      %shift_right_arithmetic3A_278 = vector.broadcast %shift_right_arithmetic3A_277 : i32 to vector<16xi32>
      %shift_right_arithmetic3A_279 = arith.shrsi %gather3A_276, %shift_right_arithmetic3A_278 : vector<16xi32>
      %mul3A_280 = arith.constant 21846 : i32
      %mul3A_281 = vector.broadcast %mul3A_280 : i32 to vector<16xi32>
      %mul3A_282 = arith.muli %shift_right_arithmetic3A_279, %mul3A_281 : vector<16xi32>
      %shift_right_arithmetic3A_283 = arith.constant 16 : i32
      %shift_right_arithmetic3A_284 = vector.broadcast %shift_right_arithmetic3A_283 : i32 to vector<16xi32>
      %shift_right_arithmetic3A_285 = arith.shrsi %mul3A_282, %shift_right_arithmetic3A_284 : vector<16xi32>
      %add3A_286 = arith.addi %gather3A_276, %shift_right_arithmetic3A_285 : vector<16xi32>
      %gather3A_287 = tpu.vector_load_idx %arg5[%add3A_286] : memref<49168xi32, #tpu.memory_space<vmem>>[vector<16xi32>], vector<16xi32>,
      tpu.vector_store_idx %arg7[%or3A], %broadcast_in_dim3A_1 {add = true} : memref<4096xi32, #tpu.memory_space<vmem>>[vector<16xi32>], vector<16xi32>,
      %shift_right_arithmetic3A_288 = arith.constant 31 : i32
      %shift_right_arithmetic3A_289 = vector.broadcast %shift_right_arithmetic3A_288 : i32 to vector<16xi32>
      %shift_right_arithmetic3A_290 = arith.shrsi %gather3A_287, %shift_right_arithmetic3A_289 : vector<16xi32>
      %not3A = arith.constant dense<-1> : vector<16xi32>
      %not3A_291 = arith.xori %shift_right_arithmetic3A_290, %not3A : vector<16xi32>
      %or3A_292 = arith.constant -2147483648 : i32
      %or3A_293 = vector.broadcast %or3A_292 : i32 to vector<16xi32>
      %or3A_294 = arith.ori %not3A_291, %or3A_293 : vector<16xi32>
      %xor3A = arith.xori %gather3A_287, %or3A_294 : vector<16xi32>
      %bitcast3A = vector.bitcast %xor3A : vector<16xi32> to vector<16xf32>
      %shift_right_arithmetic3A_295 = arith.constant 31 : i32
      %shift_right_arithmetic3A_296 = vector.broadcast %shift_right_arithmetic3A_295 : i32 to vector<16xi32>
      %shift_right_arithmetic3A_297 = arith.shrsi %gather3A, %shift_right_arithmetic3A_296 : vector<16xi32>
      %not3A_298 = arith.constant dense<-1> : vector<16xi32>
      %not3A_299 = arith.xori %shift_right_arithmetic3A_297, %not3A_298 : vector<16xi32>
      %or3A_300 = arith.constant -2147483648 : i32
      %or3A_301 = vector.broadcast %or3A_300 : i32 to vector<16xi32>
      %or3A_302 = arith.ori %not3A_299, %or3A_301 : vector<16xi32>
      %xor3A_303 = arith.xori %gather3A, %or3A_302 : vector<16xi32>
      %bitcast3A_304 = vector.bitcast %xor3A_303 : vector<16xi32> to vector<16xf32>
      %sub3A = arith.subf %bitcast3A, %bitcast3A_304 : vector<16xf32>
      %mul3A_305 = arith.mulf %sub3A, %sub3A : vector<16xf32>
      %add3A_306 = arith.addf %scan3A_263, %mul3A_305 : vector<16xf32>
      %mul3A_307 = arith.constant 8 : i32
      %mul3A_308 = arith.muli %scan3A_262, %mul3A_307 : i32
      %add3A_309 = arith.constant 1 : i32
      %add3A_310 = arith.addi %mul3A_308, %add3A_309 : i32
      %add3A_311 = vector.broadcast %add3A_310 : i32 to vector<16xi32>
      %add3A_312 = arith.addi %mul3A_6, %add3A_311 : vector<16xi32>
      %gather3A_313 = tpu.vector_load_idx %arg6[%add3A_312] : memref<49168xi32, #tpu.memory_space<vmem>>[vector<16xi32>], vector<16xi32>,
      %shift_right_arithmetic3A_314 = arith.constant 24 : i32
      %shift_right_arithmetic3A_315 = vector.broadcast %shift_right_arithmetic3A_314 : i32 to vector<16xi32>
      %shift_right_arithmetic3A_316 = arith.shrsi %gather3A_313, %shift_right_arithmetic3A_315 : vector<16xi32>
      %and3A_317 = arith.constant 255 : i32
      %and3A_318 = vector.broadcast %and3A_317 : i32 to vector<16xi32>
      %and3A_319 = arith.andi %shift_right_arithmetic3A_316, %and3A_318 : vector<16xi32>
      %shift_left3A_320 = arith.constant 4 : i32
      %shift_left3A_321 = vector.broadcast %shift_left3A_320 : i32 to vector<16xi32>
      %shift_left3A_322 = arith.shli %and3A_319, %shift_left3A_321 : vector<16xi32>
      %or3A_323 = arith.ori %shift_left3A_322, %iota3A : vector<16xi32>
      %gather3A_324 = tpu.vector_load_idx %arg7[%or3A_323] : memref<4096xi32, #tpu.memory_space<vmem>>[vector<16xi32>], vector<16xi32>,
      %shift_right_arithmetic3A_325 = arith.constant 10 : i32
      %shift_right_arithmetic3A_326 = vector.broadcast %shift_right_arithmetic3A_325 : i32 to vector<16xi32>
      %shift_right_arithmetic3A_327 = arith.shrsi %gather3A_324, %shift_right_arithmetic3A_326 : vector<16xi32>
      %mul3A_328 = arith.constant 21846 : i32
      %mul3A_329 = vector.broadcast %mul3A_328 : i32 to vector<16xi32>
      %mul3A_330 = arith.muli %shift_right_arithmetic3A_327, %mul3A_329 : vector<16xi32>
      %shift_right_arithmetic3A_331 = arith.constant 16 : i32
      %shift_right_arithmetic3A_332 = vector.broadcast %shift_right_arithmetic3A_331 : i32 to vector<16xi32>
      %shift_right_arithmetic3A_333 = arith.shrsi %mul3A_330, %shift_right_arithmetic3A_332 : vector<16xi32>
      %add3A_334 = arith.addi %gather3A_324, %shift_right_arithmetic3A_333 : vector<16xi32>
      %gather3A_335 = tpu.vector_load_idx %arg5[%add3A_334] : memref<49168xi32, #tpu.memory_space<vmem>>[vector<16xi32>], vector<16xi32>,
      tpu.vector_store_idx %arg7[%or3A_323], %broadcast_in_dim3A_1 {add = true} : memref<4096xi32, #tpu.memory_space<vmem>>[vector<16xi32>], vector<16xi32>,
      %shift_right_arithmetic3A_336 = arith.constant 31 : i32
      %shift_right_arithmetic3A_337 = vector.broadcast %shift_right_arithmetic3A_336 : i32 to vector<16xi32>
      %shift_right_arithmetic3A_338 = arith.shrsi %gather3A_335, %shift_right_arithmetic3A_337 : vector<16xi32>
      %not3A_339 = arith.constant dense<-1> : vector<16xi32>
      %not3A_340 = arith.xori %shift_right_arithmetic3A_338, %not3A_339 : vector<16xi32>
      %or3A_341 = arith.constant -2147483648 : i32
      %or3A_342 = vector.broadcast %or3A_341 : i32 to vector<16xi32>
      %or3A_343 = arith.ori %not3A_340, %or3A_342 : vector<16xi32>
      %xor3A_344 = arith.xori %gather3A_335, %or3A_343 : vector<16xi32>
      %bitcast3A_345 = vector.bitcast %xor3A_344 : vector<16xi32> to vector<16xf32>
      %shift_right_arithmetic3A_346 = arith.constant 31 : i32
      %shift_right_arithmetic3A_347 = vector.broadcast %shift_right_arithmetic3A_346 : i32 to vector<16xi32>
      %shift_right_arithmetic3A_348 = arith.shrsi %gather3A_313, %shift_right_arithmetic3A_347 : vector<16xi32>
      %not3A_349 = arith.constant dense<-1> : vector<16xi32>
      %not3A_350 = arith.xori %shift_right_arithmetic3A_348, %not3A_349 : vector<16xi32>
      %or3A_351 = arith.constant -2147483648 : i32
      %or3A_352 = vector.broadcast %or3A_351 : i32 to vector<16xi32>
      %or3A_353 = arith.ori %not3A_350, %or3A_352 : vector<16xi32>
      %xor3A_354 = arith.xori %gather3A_313, %or3A_353 : vector<16xi32>
      %bitcast3A_355 = vector.bitcast %xor3A_354 : vector<16xi32> to vector<16xf32>
      %sub3A_356 = arith.subf %bitcast3A_345, %bitcast3A_355 : vector<16xf32>
      %mul3A_357 = arith.mulf %sub3A_356, %sub3A_356 : vector<16xf32>
      %add3A_358 = arith.addf %add3A_306, %mul3A_357 : vector<16xf32>
      %mul3A_359 = arith.constant 8 : i32
      %mul3A_360 = arith.muli %scan3A_262, %mul3A_359 : i32
      %add3A_361 = arith.constant 2 : i32
      %add3A_362 = arith.addi %mul3A_360, %add3A_361 : i32
      %add3A_363 = vector.broadcast %add3A_362 : i32 to vector<16xi32>
      %add3A_364 = arith.addi %mul3A_6, %add3A_363 : vector<16xi32>
      %gather3A_365 = tpu.vector_load_idx %arg6[%add3A_364] : memref<49168xi32, #tpu.memory_space<vmem>>[vector<16xi32>], vector<16xi32>,
      %shift_right_arithmetic3A_366 = arith.constant 24 : i32
      %shift_right_arithmetic3A_367 = vector.broadcast %shift_right_arithmetic3A_366 : i32 to vector<16xi32>
      %shift_right_arithmetic3A_368 = arith.shrsi %gather3A_365, %shift_right_arithmetic3A_367 : vector<16xi32>
      %and3A_369 = arith.constant 255 : i32
      %and3A_370 = vector.broadcast %and3A_369 : i32 to vector<16xi32>
      %and3A_371 = arith.andi %shift_right_arithmetic3A_368, %and3A_370 : vector<16xi32>
      %shift_left3A_372 = arith.constant 4 : i32
      %shift_left3A_373 = vector.broadcast %shift_left3A_372 : i32 to vector<16xi32>
      %shift_left3A_374 = arith.shli %and3A_371, %shift_left3A_373 : vector<16xi32>
      %or3A_375 = arith.ori %shift_left3A_374, %iota3A : vector<16xi32>
      %gather3A_376 = tpu.vector_load_idx %arg7[%or3A_375] : memref<4096xi32, #tpu.memory_space<vmem>>[vector<16xi32>], vector<16xi32>,
      %shift_right_arithmetic3A_377 = arith.constant 10 : i32
      %shift_right_arithmetic3A_378 = vector.broadcast %shift_right_arithmetic3A_377 : i32 to vector<16xi32>
      %shift_right_arithmetic3A_379 = arith.shrsi %gather3A_376, %shift_right_arithmetic3A_378 : vector<16xi32>
      %mul3A_380 = arith.constant 21846 : i32
      %mul3A_381 = vector.broadcast %mul3A_380 : i32 to vector<16xi32>
      %mul3A_382 = arith.muli %shift_right_arithmetic3A_379, %mul3A_381 : vector<16xi32>
      %shift_right_arithmetic3A_383 = arith.constant 16 : i32
      %shift_right_arithmetic3A_384 = vector.broadcast %shift_right_arithmetic3A_383 : i32 to vector<16xi32>
      %shift_right_arithmetic3A_385 = arith.shrsi %mul3A_382, %shift_right_arithmetic3A_384 : vector<16xi32>
      %add3A_386 = arith.addi %gather3A_376, %shift_right_arithmetic3A_385 : vector<16xi32>
      %gather3A_387 = tpu.vector_load_idx %arg5[%add3A_386] : memref<49168xi32, #tpu.memory_space<vmem>>[vector<16xi32>], vector<16xi32>,
      tpu.vector_store_idx %arg7[%or3A_375], %broadcast_in_dim3A_1 {add = true} : memref<4096xi32, #tpu.memory_space<vmem>>[vector<16xi32>], vector<16xi32>,
      %shift_right_arithmetic3A_388 = arith.constant 31 : i32
      %shift_right_arithmetic3A_389 = vector.broadcast %shift_right_arithmetic3A_388 : i32 to vector<16xi32>
      %shift_right_arithmetic3A_390 = arith.shrsi %gather3A_387, %shift_right_arithmetic3A_389 : vector<16xi32>
      %not3A_391 = arith.constant dense<-1> : vector<16xi32>
      %not3A_392 = arith.xori %shift_right_arithmetic3A_390, %not3A_391 : vector<16xi32>
      %or3A_393 = arith.constant -2147483648 : i32
      %or3A_394 = vector.broadcast %or3A_393 : i32 to vector<16xi32>
      %or3A_395 = arith.ori %not3A_392, %or3A_394 : vector<16xi32>
      %xor3A_396 = arith.xori %gather3A_387, %or3A_395 : vector<16xi32>
      %bitcast3A_397 = vector.bitcast %xor3A_396 : vector<16xi32> to vector<16xf32>
      %shift_right_arithmetic3A_398 = arith.constant 31 : i32
      %shift_right_arithmetic3A_399 = vector.broadcast %shift_right_arithmetic3A_398 : i32 to vector<16xi32>
      %shift_right_arithmetic3A_400 = arith.shrsi %gather3A_365, %shift_right_arithmetic3A_399 : vector<16xi32>
      %not3A_401 = arith.constant dense<-1> : vector<16xi32>
      %not3A_402 = arith.xori %shift_right_arithmetic3A_400, %not3A_401 : vector<16xi32>
      %or3A_403 = arith.constant -2147483648 : i32
      %or3A_404 = vector.broadcast %or3A_403 : i32 to vector<16xi32>
      %or3A_405 = arith.ori %not3A_402, %or3A_404 : vector<16xi32>
      %xor3A_406 = arith.xori %gather3A_365, %or3A_405 : vector<16xi32>
      %bitcast3A_407 = vector.bitcast %xor3A_406 : vector<16xi32> to vector<16xf32>
      %sub3A_408 = arith.subf %bitcast3A_397, %bitcast3A_407 : vector<16xf32>
      %mul3A_409 = arith.mulf %sub3A_408, %sub3A_408 : vector<16xf32>
      %add3A_410 = arith.addf %add3A_358, %mul3A_409 : vector<16xf32>
      %mul3A_411 = arith.constant 8 : i32
      %mul3A_412 = arith.muli %scan3A_262, %mul3A_411 : i32
      %add3A_413 = arith.constant 3 : i32
      %add3A_414 = arith.addi %mul3A_412, %add3A_413 : i32
      %add3A_415 = vector.broadcast %add3A_414 : i32 to vector<16xi32>
      %add3A_416 = arith.addi %mul3A_6, %add3A_415 : vector<16xi32>
      %gather3A_417 = tpu.vector_load_idx %arg6[%add3A_416] : memref<49168xi32, #tpu.memory_space<vmem>>[vector<16xi32>], vector<16xi32>,
      %shift_right_arithmetic3A_418 = arith.constant 24 : i32
      %shift_right_arithmetic3A_419 = vector.broadcast %shift_right_arithmetic3A_418 : i32 to vector<16xi32>
      %shift_right_arithmetic3A_420 = arith.shrsi %gather3A_417, %shift_right_arithmetic3A_419 : vector<16xi32>
      %and3A_421 = arith.constant 255 : i32
      %and3A_422 = vector.broadcast %and3A_421 : i32 to vector<16xi32>
      %and3A_423 = arith.andi %shift_right_arithmetic3A_420, %and3A_422 : vector<16xi32>
      %shift_left3A_424 = arith.constant 4 : i32
      %shift_left3A_425 = vector.broadcast %shift_left3A_424 : i32 to vector<16xi32>
      %shift_left3A_426 = arith.shli %and3A_423, %shift_left3A_425 : vector<16xi32>
      %or3A_427 = arith.ori %shift_left3A_426, %iota3A : vector<16xi32>
      %gather3A_428 = tpu.vector_load_idx %arg7[%or3A_427] : memref<4096xi32, #tpu.memory_space<vmem>>[vector<16xi32>], vector<16xi32>,
      %shift_right_arithmetic3A_429 = arith.constant 10 : i32
      %shift_right_arithmetic3A_430 = vector.broadcast %shift_right_arithmetic3A_429 : i32 to vector<16xi32>
      %shift_right_arithmetic3A_431 = arith.shrsi %gather3A_428, %shift_right_arithmetic3A_430 : vector<16xi32>
      %mul3A_432 = arith.constant 21846 : i32
      %mul3A_433 = vector.broadcast %mul3A_432 : i32 to vector<16xi32>
      %mul3A_434 = arith.muli %shift_right_arithmetic3A_431, %mul3A_433 : vector<16xi32>
      %shift_right_arithmetic3A_435 = arith.constant 16 : i32
      %shift_right_arithmetic3A_436 = vector.broadcast %shift_right_arithmetic3A_435 : i32 to vector<16xi32>
      %shift_right_arithmetic3A_437 = arith.shrsi %mul3A_434, %shift_right_arithmetic3A_436 : vector<16xi32>
      %add3A_438 = arith.addi %gather3A_428, %shift_right_arithmetic3A_437 : vector<16xi32>
      %gather3A_439 = tpu.vector_load_idx %arg5[%add3A_438] : memref<49168xi32, #tpu.memory_space<vmem>>[vector<16xi32>], vector<16xi32>,
      tpu.vector_store_idx %arg7[%or3A_427], %broadcast_in_dim3A_1 {add = true} : memref<4096xi32, #tpu.memory_space<vmem>>[vector<16xi32>], vector<16xi32>,
      %shift_right_arithmetic3A_440 = arith.constant 31 : i32
      %shift_right_arithmetic3A_441 = vector.broadcast %shift_right_arithmetic3A_440 : i32 to vector<16xi32>
      %shift_right_arithmetic3A_442 = arith.shrsi %gather3A_439, %shift_right_arithmetic3A_441 : vector<16xi32>
      %not3A_443 = arith.constant dense<-1> : vector<16xi32>
      %not3A_444 = arith.xori %shift_right_arithmetic3A_442, %not3A_443 : vector<16xi32>
      %or3A_445 = arith.constant -2147483648 : i32
      %or3A_446 = vector.broadcast %or3A_445 : i32 to vector<16xi32>
      %or3A_447 = arith.ori %not3A_444, %or3A_446 : vector<16xi32>
      %xor3A_448 = arith.xori %gather3A_439, %or3A_447 : vector<16xi32>
      %bitcast3A_449 = vector.bitcast %xor3A_448 : vector<16xi32> to vector<16xf32>
      %shift_right_arithmetic3A_450 = arith.constant 31 : i32
      %shift_right_arithmetic3A_451 = vector.broadcast %shift_right_arithmetic3A_450 : i32 to vector<16xi32>
      %shift_right_arithmetic3A_452 = arith.shrsi %gather3A_417, %shift_right_arithmetic3A_451 : vector<16xi32>
      %not3A_453 = arith.constant dense<-1> : vector<16xi32>
      %not3A_454 = arith.xori %shift_right_arithmetic3A_452, %not3A_453 : vector<16xi32>
      %or3A_455 = arith.constant -2147483648 : i32
      %or3A_456 = vector.broadcast %or3A_455 : i32 to vector<16xi32>
      %or3A_457 = arith.ori %not3A_454, %or3A_456 : vector<16xi32>
      %xor3A_458 = arith.xori %gather3A_417, %or3A_457 : vector<16xi32>
      %bitcast3A_459 = vector.bitcast %xor3A_458 : vector<16xi32> to vector<16xf32>
      %sub3A_460 = arith.subf %bitcast3A_449, %bitcast3A_459 : vector<16xf32>
      %mul3A_461 = arith.mulf %sub3A_460, %sub3A_460 : vector<16xf32>
      %add3A_462 = arith.addf %add3A_410, %mul3A_461 : vector<16xf32>
      %mul3A_463 = arith.constant 8 : i32
      %mul3A_464 = arith.muli %scan3A_262, %mul3A_463 : i32
      %add3A_465 = arith.constant 4 : i32
      %add3A_466 = arith.addi %mul3A_464, %add3A_465 : i32
      %add3A_467 = vector.broadcast %add3A_466 : i32 to vector<16xi32>
      %add3A_468 = arith.addi %mul3A_6, %add3A_467 : vector<16xi32>
      %gather3A_469 = tpu.vector_load_idx %arg6[%add3A_468] : memref<49168xi32, #tpu.memory_space<vmem>>[vector<16xi32>], vector<16xi32>,
      %shift_right_arithmetic3A_470 = arith.constant 24 : i32
      %shift_right_arithmetic3A_471 = vector.broadcast %shift_right_arithmetic3A_470 : i32 to vector<16xi32>
      %shift_right_arithmetic3A_472 = arith.shrsi %gather3A_469, %shift_right_arithmetic3A_471 : vector<16xi32>
      %and3A_473 = arith.constant 255 : i32
      %and3A_474 = vector.broadcast %and3A_473 : i32 to vector<16xi32>
      %and3A_475 = arith.andi %shift_right_arithmetic3A_472, %and3A_474 : vector<16xi32>
      %shift_left3A_476 = arith.constant 4 : i32
      %shift_left3A_477 = vector.broadcast %shift_left3A_476 : i32 to vector<16xi32>
      %shift_left3A_478 = arith.shli %and3A_475, %shift_left3A_477 : vector<16xi32>
      %or3A_479 = arith.ori %shift_left3A_478, %iota3A : vector<16xi32>
      %gather3A_480 = tpu.vector_load_idx %arg7[%or3A_479] : memref<4096xi32, #tpu.memory_space<vmem>>[vector<16xi32>], vector<16xi32>,
      %shift_right_arithmetic3A_481 = arith.constant 10 : i32
      %shift_right_arithmetic3A_482 = vector.broadcast %shift_right_arithmetic3A_481 : i32 to vector<16xi32>
      %shift_right_arithmetic3A_483 = arith.shrsi %gather3A_480, %shift_right_arithmetic3A_482 : vector<16xi32>
      %mul3A_484 = arith.constant 21846 : i32
      %mul3A_485 = vector.broadcast %mul3A_484 : i32 to vector<16xi32>
      %mul3A_486 = arith.muli %shift_right_arithmetic3A_483, %mul3A_485 : vector<16xi32>
      %shift_right_arithmetic3A_487 = arith.constant 16 : i32
      %shift_right_arithmetic3A_488 = vector.broadcast %shift_right_arithmetic3A_487 : i32 to vector<16xi32>
      %shift_right_arithmetic3A_489 = arith.shrsi %mul3A_486, %shift_right_arithmetic3A_488 : vector<16xi32>
      %add3A_490 = arith.addi %gather3A_480, %shift_right_arithmetic3A_489 : vector<16xi32>
      %gather3A_491 = tpu.vector_load_idx %arg5[%add3A_490] : memref<49168xi32, #tpu.memory_space<vmem>>[vector<16xi32>], vector<16xi32>,
      tpu.vector_store_idx %arg7[%or3A_479], %broadcast_in_dim3A_1 {add = true} : memref<4096xi32, #tpu.memory_space<vmem>>[vector<16xi32>], vector<16xi32>,
      %shift_right_arithmetic3A_492 = arith.constant 31 : i32
      %shift_right_arithmetic3A_493 = vector.broadcast %shift_right_arithmetic3A_492 : i32 to vector<16xi32>
      %shift_right_arithmetic3A_494 = arith.shrsi %gather3A_491, %shift_right_arithmetic3A_493 : vector<16xi32>
      %not3A_495 = arith.constant dense<-1> : vector<16xi32>
      %not3A_496 = arith.xori %shift_right_arithmetic3A_494, %not3A_495 : vector<16xi32>
      %or3A_497 = arith.constant -2147483648 : i32
      %or3A_498 = vector.broadcast %or3A_497 : i32 to vector<16xi32>
      %or3A_499 = arith.ori %not3A_496, %or3A_498 : vector<16xi32>
      %xor3A_500 = arith.xori %gather3A_491, %or3A_499 : vector<16xi32>
      %bitcast3A_501 = vector.bitcast %xor3A_500 : vector<16xi32> to vector<16xf32>
      %shift_right_arithmetic3A_502 = arith.constant 31 : i32
      %shift_right_arithmetic3A_503 = vector.broadcast %shift_right_arithmetic3A_502 : i32 to vector<16xi32>
      %shift_right_arithmetic3A_504 = arith.shrsi %gather3A_469, %shift_right_arithmetic3A_503 : vector<16xi32>
      %not3A_505 = arith.constant dense<-1> : vector<16xi32>
      %not3A_506 = arith.xori %shift_right_arithmetic3A_504, %not3A_505 : vector<16xi32>
      %or3A_507 = arith.constant -2147483648 : i32
      %or3A_508 = vector.broadcast %or3A_507 : i32 to vector<16xi32>
      %or3A_509 = arith.ori %not3A_506, %or3A_508 : vector<16xi32>
      %xor3A_510 = arith.xori %gather3A_469, %or3A_509 : vector<16xi32>
      %bitcast3A_511 = vector.bitcast %xor3A_510 : vector<16xi32> to vector<16xf32>
      %sub3A_512 = arith.subf %bitcast3A_501, %bitcast3A_511 : vector<16xf32>
      %mul3A_513 = arith.mulf %sub3A_512, %sub3A_512 : vector<16xf32>
      %add3A_514 = arith.addf %add3A_462, %mul3A_513 : vector<16xf32>
      %mul3A_515 = arith.constant 8 : i32
      %mul3A_516 = arith.muli %scan3A_262, %mul3A_515 : i32
      %add3A_517 = arith.constant 5 : i32
      %add3A_518 = arith.addi %mul3A_516, %add3A_517 : i32
      %add3A_519 = vector.broadcast %add3A_518 : i32 to vector<16xi32>
      %add3A_520 = arith.addi %mul3A_6, %add3A_519 : vector<16xi32>
      %gather3A_521 = tpu.vector_load_idx %arg6[%add3A_520] : memref<49168xi32, #tpu.memory_space<vmem>>[vector<16xi32>], vector<16xi32>,
      %shift_right_arithmetic3A_522 = arith.constant 24 : i32
      %shift_right_arithmetic3A_523 = vector.broadcast %shift_right_arithmetic3A_522 : i32 to vector<16xi32>
      %shift_right_arithmetic3A_524 = arith.shrsi %gather3A_521, %shift_right_arithmetic3A_523 : vector<16xi32>
      %and3A_525 = arith.constant 255 : i32
      %and3A_526 = vector.broadcast %and3A_525 : i32 to vector<16xi32>
      %and3A_527 = arith.andi %shift_right_arithmetic3A_524, %and3A_526 : vector<16xi32>
      %shift_left3A_528 = arith.constant 4 : i32
      %shift_left3A_529 = vector.broadcast %shift_left3A_528 : i32 to vector<16xi32>
      %shift_left3A_530 = arith.shli %and3A_527, %shift_left3A_529 : vector<16xi32>
      %or3A_531 = arith.ori %shift_left3A_530, %iota3A : vector<16xi32>
      %gather3A_532 = tpu.vector_load_idx %arg7[%or3A_531] : memref<4096xi32, #tpu.memory_space<vmem>>[vector<16xi32>], vector<16xi32>,
      %shift_right_arithmetic3A_533 = arith.constant 10 : i32
      %shift_right_arithmetic3A_534 = vector.broadcast %shift_right_arithmetic3A_533 : i32 to vector<16xi32>
      %shift_right_arithmetic3A_535 = arith.shrsi %gather3A_532, %shift_right_arithmetic3A_534 : vector<16xi32>
      %mul3A_536 = arith.constant 21846 : i32
      %mul3A_537 = vector.broadcast %mul3A_536 : i32 to vector<16xi32>
      %mul3A_538 = arith.muli %shift_right_arithmetic3A_535, %mul3A_537 : vector<16xi32>
      %shift_right_arithmetic3A_539 = arith.constant 16 : i32
      %shift_right_arithmetic3A_540 = vector.broadcast %shift_right_arithmetic3A_539 : i32 to vector<16xi32>
      %shift_right_arithmetic3A_541 = arith.shrsi %mul3A_538, %shift_right_arithmetic3A_540 : vector<16xi32>
      %add3A_542 = arith.addi %gather3A_532, %shift_right_arithmetic3A_541 : vector<16xi32>
      %gather3A_543 = tpu.vector_load_idx %arg5[%add3A_542] : memref<49168xi32, #tpu.memory_space<vmem>>[vector<16xi32>], vector<16xi32>,
      tpu.vector_store_idx %arg7[%or3A_531], %broadcast_in_dim3A_1 {add = true} : memref<4096xi32, #tpu.memory_space<vmem>>[vector<16xi32>], vector<16xi32>,
      %shift_right_arithmetic3A_544 = arith.constant 31 : i32
      %shift_right_arithmetic3A_545 = vector.broadcast %shift_right_arithmetic3A_544 : i32 to vector<16xi32>
      %shift_right_arithmetic3A_546 = arith.shrsi %gather3A_543, %shift_right_arithmetic3A_545 : vector<16xi32>
      %not3A_547 = arith.constant dense<-1> : vector<16xi32>
      %not3A_548 = arith.xori %shift_right_arithmetic3A_546, %not3A_547 : vector<16xi32>
      %or3A_549 = arith.constant -2147483648 : i32
      %or3A_550 = vector.broadcast %or3A_549 : i32 to vector<16xi32>
      %or3A_551 = arith.ori %not3A_548, %or3A_550 : vector<16xi32>
      %xor3A_552 = arith.xori %gather3A_543, %or3A_551 : vector<16xi32>
      %bitcast3A_553 = vector.bitcast %xor3A_552 : vector<16xi32> to vector<16xf32>
      %shift_right_arithmetic3A_554 = arith.constant 31 : i32
      %shift_right_arithmetic3A_555 = vector.broadcast %shift_right_arithmetic3A_554 : i32 to vector<16xi32>
      %shift_right_arithmetic3A_556 = arith.shrsi %gather3A_521, %shift_right_arithmetic3A_555 : vector<16xi32>
      %not3A_557 = arith.constant dense<-1> : vector<16xi32>
      %not3A_558 = arith.xori %shift_right_arithmetic3A_556, %not3A_557 : vector<16xi32>
      %or3A_559 = arith.constant -2147483648 : i32
      %or3A_560 = vector.broadcast %or3A_559 : i32 to vector<16xi32>
      %or3A_561 = arith.ori %not3A_558, %or3A_560 : vector<16xi32>
      %xor3A_562 = arith.xori %gather3A_521, %or3A_561 : vector<16xi32>
      %bitcast3A_563 = vector.bitcast %xor3A_562 : vector<16xi32> to vector<16xf32>
      %sub3A_564 = arith.subf %bitcast3A_553, %bitcast3A_563 : vector<16xf32>
      %mul3A_565 = arith.mulf %sub3A_564, %sub3A_564 : vector<16xf32>
      %add3A_566 = arith.addf %add3A_514, %mul3A_565 : vector<16xf32>
      %mul3A_567 = arith.constant 8 : i32
      %mul3A_568 = arith.muli %scan3A_262, %mul3A_567 : i32
      %add3A_569 = arith.constant 6 : i32
      %add3A_570 = arith.addi %mul3A_568, %add3A_569 : i32
      %add3A_571 = vector.broadcast %add3A_570 : i32 to vector<16xi32>
      %add3A_572 = arith.addi %mul3A_6, %add3A_571 : vector<16xi32>
      %gather3A_573 = tpu.vector_load_idx %arg6[%add3A_572] : memref<49168xi32, #tpu.memory_space<vmem>>[vector<16xi32>], vector<16xi32>,
      %shift_right_arithmetic3A_574 = arith.constant 24 : i32
      %shift_right_arithmetic3A_575 = vector.broadcast %shift_right_arithmetic3A_574 : i32 to vector<16xi32>
      %shift_right_arithmetic3A_576 = arith.shrsi %gather3A_573, %shift_right_arithmetic3A_575 : vector<16xi32>
      %and3A_577 = arith.constant 255 : i32
      %and3A_578 = vector.broadcast %and3A_577 : i32 to vector<16xi32>
      %and3A_579 = arith.andi %shift_right_arithmetic3A_576, %and3A_578 : vector<16xi32>
      %shift_left3A_580 = arith.constant 4 : i32
      %shift_left3A_581 = vector.broadcast %shift_left3A_580 : i32 to vector<16xi32>
      %shift_left3A_582 = arith.shli %and3A_579, %shift_left3A_581 : vector<16xi32>
      %or3A_583 = arith.ori %shift_left3A_582, %iota3A : vector<16xi32>
      %gather3A_584 = tpu.vector_load_idx %arg7[%or3A_583] : memref<4096xi32, #tpu.memory_space<vmem>>[vector<16xi32>], vector<16xi32>,
      %shift_right_arithmetic3A_585 = arith.constant 10 : i32
      %shift_right_arithmetic3A_586 = vector.broadcast %shift_right_arithmetic3A_585 : i32 to vector<16xi32>
      %shift_right_arithmetic3A_587 = arith.shrsi %gather3A_584, %shift_right_arithmetic3A_586 : vector<16xi32>
      %mul3A_588 = arith.constant 21846 : i32
      %mul3A_589 = vector.broadcast %mul3A_588 : i32 to vector<16xi32>
      %mul3A_590 = arith.muli %shift_right_arithmetic3A_587, %mul3A_589 : vector<16xi32>
      %shift_right_arithmetic3A_591 = arith.constant 16 : i32
      %shift_right_arithmetic3A_592 = vector.broadcast %shift_right_arithmetic3A_591 : i32 to vector<16xi32>
      %shift_right_arithmetic3A_593 = arith.shrsi %mul3A_590, %shift_right_arithmetic3A_592 : vector<16xi32>
      %add3A_594 = arith.addi %gather3A_584, %shift_right_arithmetic3A_593 : vector<16xi32>
      %gather3A_595 = tpu.vector_load_idx %arg5[%add3A_594] : memref<49168xi32, #tpu.memory_space<vmem>>[vector<16xi32>], vector<16xi32>,
      tpu.vector_store_idx %arg7[%or3A_583], %broadcast_in_dim3A_1 {add = true} : memref<4096xi32, #tpu.memory_space<vmem>>[vector<16xi32>], vector<16xi32>,
      %shift_right_arithmetic3A_596 = arith.constant 31 : i32
      %shift_right_arithmetic3A_597 = vector.broadcast %shift_right_arithmetic3A_596 : i32 to vector<16xi32>
      %shift_right_arithmetic3A_598 = arith.shrsi %gather3A_595, %shift_right_arithmetic3A_597 : vector<16xi32>
      %not3A_599 = arith.constant dense<-1> : vector<16xi32>
      %not3A_600 = arith.xori %shift_right_arithmetic3A_598, %not3A_599 : vector<16xi32>
      %or3A_601 = arith.constant -2147483648 : i32
      %or3A_602 = vector.broadcast %or3A_601 : i32 to vector<16xi32>
      %or3A_603 = arith.ori %not3A_600, %or3A_602 : vector<16xi32>
      %xor3A_604 = arith.xori %gather3A_595, %or3A_603 : vector<16xi32>
      %bitcast3A_605 = vector.bitcast %xor3A_604 : vector<16xi32> to vector<16xf32>
      %shift_right_arithmetic3A_606 = arith.constant 31 : i32
      %shift_right_arithmetic3A_607 = vector.broadcast %shift_right_arithmetic3A_606 : i32 to vector<16xi32>
      %shift_right_arithmetic3A_608 = arith.shrsi %gather3A_573, %shift_right_arithmetic3A_607 : vector<16xi32>
      %not3A_609 = arith.constant dense<-1> : vector<16xi32>
      %not3A_610 = arith.xori %shift_right_arithmetic3A_608, %not3A_609 : vector<16xi32>
      %or3A_611 = arith.constant -2147483648 : i32
      %or3A_612 = vector.broadcast %or3A_611 : i32 to vector<16xi32>
      %or3A_613 = arith.ori %not3A_610, %or3A_612 : vector<16xi32>
      %xor3A_614 = arith.xori %gather3A_573, %or3A_613 : vector<16xi32>
      %bitcast3A_615 = vector.bitcast %xor3A_614 : vector<16xi32> to vector<16xf32>
      %sub3A_616 = arith.subf %bitcast3A_605, %bitcast3A_615 : vector<16xf32>
      %mul3A_617 = arith.mulf %sub3A_616, %sub3A_616 : vector<16xf32>
      %add3A_618 = arith.addf %add3A_566, %mul3A_617 : vector<16xf32>
      %mul3A_619 = arith.constant 8 : i32
      %mul3A_620 = arith.muli %scan3A_262, %mul3A_619 : i32
      %add3A_621 = arith.constant 7 : i32
      %add3A_622 = arith.addi %mul3A_620, %add3A_621 : i32
      %add3A_623 = vector.broadcast %add3A_622 : i32 to vector<16xi32>
      %add3A_624 = arith.addi %mul3A_6, %add3A_623 : vector<16xi32>
      %gather3A_625 = tpu.vector_load_idx %arg6[%add3A_624] : memref<49168xi32, #tpu.memory_space<vmem>>[vector<16xi32>], vector<16xi32>,
      %shift_right_arithmetic3A_626 = arith.constant 24 : i32
      %shift_right_arithmetic3A_627 = vector.broadcast %shift_right_arithmetic3A_626 : i32 to vector<16xi32>
      %shift_right_arithmetic3A_628 = arith.shrsi %gather3A_625, %shift_right_arithmetic3A_627 : vector<16xi32>
      %and3A_629 = arith.constant 255 : i32
      %and3A_630 = vector.broadcast %and3A_629 : i32 to vector<16xi32>
      %and3A_631 = arith.andi %shift_right_arithmetic3A_628, %and3A_630 : vector<16xi32>
      %shift_left3A_632 = arith.constant 4 : i32
      %shift_left3A_633 = vector.broadcast %shift_left3A_632 : i32 to vector<16xi32>
      %shift_left3A_634 = arith.shli %and3A_631, %shift_left3A_633 : vector<16xi32>
      %or3A_635 = arith.ori %shift_left3A_634, %iota3A : vector<16xi32>
      %gather3A_636 = tpu.vector_load_idx %arg7[%or3A_635] : memref<4096xi32, #tpu.memory_space<vmem>>[vector<16xi32>], vector<16xi32>,
      %shift_right_arithmetic3A_637 = arith.constant 10 : i32
      %shift_right_arithmetic3A_638 = vector.broadcast %shift_right_arithmetic3A_637 : i32 to vector<16xi32>
      %shift_right_arithmetic3A_639 = arith.shrsi %gather3A_636, %shift_right_arithmetic3A_638 : vector<16xi32>
      %mul3A_640 = arith.constant 21846 : i32
      %mul3A_641 = vector.broadcast %mul3A_640 : i32 to vector<16xi32>
      %mul3A_642 = arith.muli %shift_right_arithmetic3A_639, %mul3A_641 : vector<16xi32>
      %shift_right_arithmetic3A_643 = arith.constant 16 : i32
      %shift_right_arithmetic3A_644 = vector.broadcast %shift_right_arithmetic3A_643 : i32 to vector<16xi32>
      %shift_right_arithmetic3A_645 = arith.shrsi %mul3A_642, %shift_right_arithmetic3A_644 : vector<16xi32>
      %add3A_646 = arith.addi %gather3A_636, %shift_right_arithmetic3A_645 : vector<16xi32>
      %gather3A_647 = tpu.vector_load_idx %arg5[%add3A_646] : memref<49168xi32, #tpu.memory_space<vmem>>[vector<16xi32>], vector<16xi32>,
      tpu.vector_store_idx %arg7[%or3A_635], %broadcast_in_dim3A_1 {add = true} : memref<4096xi32, #tpu.memory_space<vmem>>[vector<16xi32>], vector<16xi32>,
      %shift_right_arithmetic3A_648 = arith.constant 31 : i32
      %shift_right_arithmetic3A_649 = vector.broadcast %shift_right_arithmetic3A_648 : i32 to vector<16xi32>
      %shift_right_arithmetic3A_650 = arith.shrsi %gather3A_647, %shift_right_arithmetic3A_649 : vector<16xi32>
      %not3A_651 = arith.constant dense<-1> : vector<16xi32>
      %not3A_652 = arith.xori %shift_right_arithmetic3A_650, %not3A_651 : vector<16xi32>
      %or3A_653 = arith.constant -2147483648 : i32
      %or3A_654 = vector.broadcast %or3A_653 : i32 to vector<16xi32>
      %or3A_655 = arith.ori %not3A_652, %or3A_654 : vector<16xi32>
      %xor3A_656 = arith.xori %gather3A_647, %or3A_655 : vector<16xi32>
      %bitcast3A_657 = vector.bitcast %xor3A_656 : vector<16xi32> to vector<16xf32>
      %shift_right_arithmetic3A_658 = arith.constant 31 : i32
      %shift_right_arithmetic3A_659 = vector.broadcast %shift_right_arithmetic3A_658 : i32 to vector<16xi32>
      %shift_right_arithmetic3A_660 = arith.shrsi %gather3A_625, %shift_right_arithmetic3A_659 : vector<16xi32>
      %not3A_661 = arith.constant dense<-1> : vector<16xi32>
      %not3A_662 = arith.xori %shift_right_arithmetic3A_660, %not3A_661 : vector<16xi32>
      %or3A_663 = arith.constant -2147483648 : i32
      %or3A_664 = vector.broadcast %or3A_663 : i32 to vector<16xi32>
      %or3A_665 = arith.ori %not3A_662, %or3A_664 : vector<16xi32>
      %xor3A_666 = arith.xori %gather3A_625, %or3A_665 : vector<16xi32>
      %bitcast3A_667 = vector.bitcast %xor3A_666 : vector<16xi32> to vector<16xf32>
      %sub3A_668 = arith.subf %bitcast3A_657, %bitcast3A_667 : vector<16xf32>
      %mul3A_669 = arith.mulf %sub3A_668, %sub3A_668 : vector<16xf32>
      %add3A_670 = arith.addf %add3A_618, %mul3A_669 : vector<16xf32>
      scf.yield %add3A_670 : vector<16xf32>
    }
    %scan3A_258 = arith.constant 384 : i32
    %swap3A = arith.constant 0 : index
    %swap3A_259 = tpu.vector_load %arg8[%swap3A] {strides = array<i32>} : memref<16xf32, #tpu.memory_space<vmem>>, vector<16xf32>,
    tpu.vector_store %arg8[%swap3A], %scan3A_257 {strides = array<i32>} : memref<16xf32, #tpu.memory_space<vmem>>, vector<16xf32>,
    %mul3A_260 = arith.constant 16 : i32
    %mul3A_261 = arith.muli %add3A, %mul3A_260 : i32
    "tpu.region"() ({
      %run_scoped3A = tpu.sem_alloc : memref<!tpu.dma_semaphore, #tpu.memory_space<semaphore_mem>>
      %dma_start3A = tpu.memref_slice %arg4[%mul3A_261] : memref<512xf32, #tpu.memory_space<hbm>> -> memref<16xf32, #tpu.memory_space<hbm>>
      %dma_start3A_262 = tpu.memref_slice %arg4[%mul3A_261] : memref<512xf32, #tpu.memory_space<hbm>> -> memref<16xf32, #tpu.memory_space<hbm>>
      tpu.enqueue_dma source(%arg8 : memref<16xf32, #tpu.memory_space<vmem>>) target(%dma_start3A_262 : memref<16xf32, #tpu.memory_space<hbm>>) target_semaphore(%run_scoped3A : memref<!tpu.dma_semaphore, #tpu.memory_space<semaphore_mem>>)
      %dma_wait3A = tpu.memref_slice %arg4[%mul3A_261] : memref<512xf32, #tpu.memory_space<hbm>> -> memref<16xf32, #tpu.memory_space<hbm>>
      %dma_wait3A_263 = tpu.memref_slice %arg4[%mul3A_261] : memref<512xf32, #tpu.memory_space<hbm>> -> memref<16xf32, #tpu.memory_space<hbm>>
      tpu.wait_dma2 semaphore(%run_scoped3A : memref<!tpu.dma_semaphore, #tpu.memory_space<semaphore_mem>>) src(%arg8 : memref<16xf32, #tpu.memory_space<vmem>>) dst(%dma_wait3A_263 : memref<16xf32, #tpu.memory_space<hbm>>)
      tpu.yield
    }) : () -> ()
    return
  }
}

</mosaic_0001>

<sc_bundles>
// kernel: kernel.3.cloned.1.call-start
scs
__scs_entry_jumppad:
0x0: {  	(pc) =	sbr.rel $0x88, $3  }
0x1: {  	(tag) =	ssettag $0x0;
	lr =	simm.s32 $0x1  }
0x2: {  	[smem:$0x3F9F] =	sst lr;
	_ =	strace $0xD0000000  }
0x3: {  	_ = 	snop  }
0x4: {  	_ = 	snop  }
0x5: {  	_ = 	snop  }
0x6: {  	_ = 	snop  }
0x7: {  	_ = 	snop  }
__scs_overlays_trampoline_lowered:
0x8: {  	[smem:$0x3FAE] =	sst s0  }
0x9: {  	[smem:$0x3FAF] =	sst s1  }
0xa: {  	[smem:$0x3FB0] =	sst s2  }
0xb: {  	[smem:$0x3FB1] =	sst s3  }
0xc: {  	[smem:$0x3FB2] =	sst s4  }
0xd: {  	[smem:$0x3FB3] =	sst s5  }
0xe: {  	[smem:$0x3FB4] =	sst s6  }
0xf: {  	[smem:$0x3FB5] =	sst s7  }
0x10: {  	[smem:$0x3FB6] =	sst s8  }
0x11: {  	[smem:$0x3FB7] =	sst s9;
	s0 =	simm.s32 @!p0 $0x0  }
0x12: {  	s1 =	sld [smem:$0x3F9D];
	s0 =	simm.s32 @p0 $0x1  }
0x13: {  	[smem:$0x3FB8] =	sst s0;
	s0 =	simm.s32 @!p1 $0x0  }
0x14: {  	s2 =	sld [smem:$0x3F9C];
	s0 =	simm.s32 @p1 $0x1  }
0x15: {  	[smem:$0x3FB9] =	sst s0;
	s0 =	simm.s32 @!p2 $0x0  }
0x16: {  	s3 =	sld [smem:$0x3FDB];
	s0 =	simm.s32 @p2 $0x1  }
0x17: {  	s4 =	simm.s32 $0x1BF5;
	[smem:$0x3FBB] =	sst s0  }
0x18: {  	s0 =	sld [smem:$0x3F9E];
	_ =	swait.ge [sflag:s4], $0x0  }
0x19: {  	s7 =	sld [smem:$0x3F9F]  }
0x1a: {  	s8 =	sadd.s32 $0xFFFFE003, lr  }
0x1b: {  	s9 =	sadd.s32 $0xFFFFFEF7, lr;
	s5 =	simm.s32 $0xFFFFFFFF;
	p2 =	slt.u32 s8, $0xFFFFF086  }
0x1c: {  	p1 =	slt.u32 s9, $0xF7A;
	s5 =	simm.s32 @!p2 $0x0  }
0x1d: {  	s5 =	simm.s32 @p1 $0x1;
	p0 =	seq.s32 s7, s2  }
0x1e: {  	s7 =	smul.u32 @!p0 $0xF7A, s2;
	p2 =	seq.s32 @!p0 s5, $0x0  }
0x1f: {  	s9 =	smul.u32 $0xF7A, s1;
	s8 =	simm.s32 @!p0 $0x1BF5;
	p2 =	por !p2, p0  }
0x20: {  	[sflag:s8] =	ssyncset.s32 @!p0 $0xFFFFF086;
	s6 =	sadd.s32 @!p0 s3, s7;
	s7 =	simm.s32 @!p0 $0x108  }
0x21: {  	s3 =	sadd.s32 s3, s9;
	s6 =	sadd.s32 @!p0 $0x88, s6;
	s7 =	simm.s32 @p2 $0x1082  }
0x22: {  	[simem:s7], [sflag:s8] =	dma.local @!p0 [hbm:s6], $0xF7A  }
0x23: {  	s9 =	sor.u32 $0xD0000000, s2;
	s6 =	simm.s32 $0x108;
	_ =	swait.ge @!p0 [sflag:s8], $0x0  }
0x24: {  	s3 =	sadd.s32 $0x88, s3;
	s6 =	simm.s32 @!p1 $0x1082;
	[sflag:s4] =	ssyncset.s32 $0xFFFFF086  }
0x25: {  	[simem:s6], [sflag:s4] =	dma.local [hbm:s3], $0xF7A  }
0x26: {  	[smem:$0x3F9F] =	sst s1;
	(tag) =	ssettag s2;
	_ =	strace s9  }
0x27: {  	s1 =	sld [smem:$0x3FAF]  }
0x28: {  	s2 =	sld [smem:$0x3FB0]  }
0x29: {  	s4 =	sld [smem:$0x3FB2]  }
0x2a: {  	p0 =	seq.s32 s5, $0x0;
	s5 =	sld [smem:$0x3FB3]  }
0x2b: {  	s6 =	sld [smem:$0x3FB4]  }
0x2c: {  	s7 =	sld [smem:$0x3FB5]  }
0x2d: {  	s3 =	simm.s32 $0x108;
	s8 =	sld [smem:$0x3FB6]  }
0x2e: {  	s3 =	simm.s32 @!p0 $0x1082;
	s9 =	sld [smem:$0x3FB7]  }
0x2f: {  	lr =	sadd.s32 s0, s3;
	s0 =	sld [smem:$0x3FAE]  }
0x30: {  	s3 =	sld [smem:$0x3FB1]  }
0x31: {  	[smem:$0x3FBA] =	sst s10  }
0x32: {  	s10 =	sld [smem:$0x3FB8];
	_ =	sdelay $0x3  }
0x33: {  	p0 =	seq.s32 s10, $0x1;
	s10 =	sld [smem:$0x3FBA];
	_ =	sdelay $0x3  }
0x34: {  	[smem:$0x3FBA] =	sst s10  }
0x35: {  	s10 =	sld [smem:$0x3FB9];
	_ =	sdelay $0x3  }
0x36: {  	p1 =	seq.s32 s10, $0x1;
	s10 =	sld [smem:$0x3FBA];
	_ =	sdelay $0x3  }
0x37: {  	[smem:$0x3FBA] =	sst s10  }
0x38: {  	s10 =	sld [smem:$0x3FBB]  }
0x39: {  	_ = 	snop;
	(pc) =	sbr.ind lr, $3  }
0x3a: {  	_ = 	snop  }
0x3b: {  	_ = 	snop  }
0x3c: {  	p2 =	seq.s32 s10, $0x1;
	s10 =	sld [smem:$0x3FBA]  }
0x3d: {  	_ =	shalt  }
0x3e: {  	_ =	shalt  }
0x3f: {  	_ =	shalt  }
0x40: {  	_ =	shalt  }
0x41: {  	_ =	shalt  }
0x42: {  	_ =	shalt  }
0x43: {  	_ =	shalt  }
0x44: {  	_ =	shalt  }
0x45: {  	_ =	shalt  }
0x46: {  	_ =	shalt  }
0x47: {  	_ =	shalt  }
0x48: {  	_ =	shalt  }
0x49: {  	_ =	shalt  }
0x4a: {  	_ =	shalt  }
0x4b: {  	_ =	shalt  }
0x4c: {  	_ =	shalt  }
0x4d: {  	_ =	shalt  }
0x4e: {  	_ =	shalt  }
0x4f: {  	_ =	shalt  }
0x50: {  	_ =	shalt  }
0x51: {  	_ =	shalt  }
0x52: {  	_ =	shalt  }
0x53: {  	_ =	shalt  }
0x54: {  	_ =	shalt  }
0x55: {  	_ =	shalt  }
0x56: {  	_ =	shalt  }
0x57: {  	_ =	shalt  }
0x58: {  	_ =	shalt  }
0x59: {  	_ =	shalt  }
0x5a: {  	_ =	shalt  }
0x5b: {  	_ =	shalt  }
0x5c: {  	_ =	shalt  }
0x5d: {  	_ =	shalt  }
0x5e: {  	_ =	shalt  }
0x5f: {  	_ =	shalt  }
0x60: {  	_ =	shalt  }
0x61: {  	_ =	shalt  }
0x62: {  	_ =	shalt  }
0x63: {  	_ =	shalt  }
0x64: {  	_ =	shalt  }
0x65: {  	_ =	shalt  }
0x66: {  	_ =	shalt  }
0x67: {  	_ =	shalt  }
0x68: {  	_ =	shalt  }
0x69: {  	_ =	shalt  }
0x6a: {  	_ =	shalt  }
0x6b: {  	_ =	shalt  }
0x6c: {  	_ =	shalt  }
0x6d: {  	_ =	shalt  }
0x6e: {  	_ =	shalt  }
0x6f: {  	_ =	shalt  }
0x70: {  	_ =	shalt  }
0x71: {  	_ =	shalt  }
0x72: {  	_ =	shalt  }
0x73: {  	_ =	shalt  }
0x74: {  	_ =	shalt  }
0x75: {  	_ =	shalt  }
0x76: {  	_ =	shalt  }
0x77: {  	_ =	shalt  }
0x78: {  	_ =	shalt  }
0x79: {  	_ =	shalt  }
0x7a: {  	_ =	shalt  }
0x7b: {  	_ =	shalt  }
0x7c: {  	_ =	shalt  }
0x7d: {  	_ =	shalt  }
0x7e: {  	_ =	shalt  }
0x7f: {  	_ =	shalt  }
0x80: {  	_ =	shalt  }
0x81: {  	_ =	shalt  }
0x82: {  	_ =	shalt  }
0x83: {  	_ =	shalt  }
0x84: {  	_ =	shalt  }
0x85: {  	_ =	shalt  }
0x86: {  	_ =	shalt  }
0x87: {  	_ =	shalt  }
.Lfunc_end0:
.L_simem_size_0:
called_computation_lowered:
.L_overlay_start_0:
0x88: {  	s2 =	sld [smem:$0x3FD9]  }
0x89: {  	s3 =	sld [smem:$0x3FFE];
	_ =	sdelay $0x1  }
0x8a: {  	s1 =	srdreg.scid  }
0x8b: {  	s0 =	sand.u32 $0x1, s1  }
0x8c: {  	s17 =	sshll.u32 s0, $0xA;
	s2 =	sadd.s32 s3, s2  }
0x8d: {  	s3 =	sadd.s32 s2, s17  }
0x8e: {  	[smem:$0x3FC6] =	sst s3  }
0x8f: {  	_ = 	snop  }
0x90: {  	(tm) =	ssettm $0x1  }
0x91: {  	s18 =	sld [smem:$0x3FFB];
	_ =	sdelay $0x3  }
0x92: {  	_ =	strace s18  }
0x93: {  	s3 =	sld [smem:$0x3FFC];
	_ =	sdelay $0x3  }
0x94: {  	_ =	strace s3  }
0x95: {  	s3 =	sld [smem:$0x3FFD];
	_ =	sdelay $0x3  }
0x96: {  	_ =	strace s3  }
0x97: {  	_ =	strace $0x8FFFFFFF  }
0x98: {  	s19 =	sld [smem:$0x3FDB];
	_ =	sdelay $0x1  }
0x99: {  	s4 =	simm.s32 $_scs_section_size  }
0x9a: {  	s5 =	simm.s32 $_size__tile_overlayer_lowered;
	s6 =	simm.s32 $_tile_overlayer_lowered  }
0x9b: {  	s22 =	simm.s32 $0x1BFF;
	s21 =	sshll.u32 s6, $0x1;
	s3 =	sadd.s32 s4, s19  }
0x9c: {  	s7 =	simm.s32 $0x0;
	s20 =	sshll.u32 s5, $0x1;
	s5 =	sadd.s32 s21, s3  }
0x9d: {  	[timem:s7], [sflag:s22] =	dma.local [hbm:s5], s20  }
0x9e: {  	_ =	swait.ge [sflag:s22], s20  }
0x9f: {  	s4 =	ssub.s32 $0x0, s20;
	[sflag:s22] =	ssyncset.done $0x0  }
0xa0: {  	[sflag:s22] =	ssyncadd.s32 s4;
	_ =	sdelay $0x1  }
0xa1: {  	s23 =	simm.s32 $0x1B8B  }
0xa2: {  	_ =	swait.ge [sflag:s23], $0x1  }
0xa3: {  	[sflag:s23] =	ssyncset.done $0x0  }
0xa4: {  	s25 =	simm.s32 $0x1B8E;
	s24 =	sld [smem:$0x3FFE];
	[sflag:s23] =	ssyncadd.s32 $0xFFFFFFFF  }
0xa5: {  	s26 =	simm.s32 $execute0_lowered;
	[smem:$0x3FD2] =	sst s25  }
0xa6: {  	s5 =	sshll.u32 s26, $0x1;
	_ =	strace $0x80000046;
	[dreg:$0x1] =	wrdreg $0xFFFFFFFF  }
0xa7: {  	s28 =	simm.s32 $_size_execute0_lowered;
	s3 =	sadd.s32 s3, s5;
	[dreg:$0x0] =	wrdreg $0x0  }
0xa8: {  	s5 =	sshll.u32 s28, $0x1;
	[dreg:$0x2] =	wrdreg s3  }
0xa9: {  	[dreg:$0x3] =	wrdreg s5  }
0xaa: {  	[dreg:$0x4] =	wrdreg $0xC0  }
0xab: {  	_ =	task [dreg:s7], $0x5FFFF  }
0xac: {  	[dreg:$0x1] =	wrdreg $0xFFFFFFFF  }
0xad: {  	[dreg:$0x0] =	wrdreg $0x60  }
0xae: {  	s2 =	sadd.s32 $0x800, s2;
	[dreg:$0x2] =	wrdreg s24  }
0xaf: {  	[dreg:$0x3] =	wrdreg s2  }
0xb0: {  	[dreg:$0x4] =	wrdreg $0x9  }
0xb1: {  	_ =	task.clear_ibuf [dreg:s7], $0x5FFFF;
	_ =	strace $0x90000046  }
0xb2: {  	s29 =	simm.s32 $0x9;
	_ =	strace $0x80000048  }
0xb3: {  	_ =	swait.ge [sflag:s29], $0x1  }
0xb4: {  	[sflag:s29] =	ssyncadd.s32 $0xFFFFFFFF  }
0xb5: {  	_ =	strace $0x90000048  }
0xb6: {  	_ =	sfence  }
0xb7: {  	s30 =	sld [smem:$0x0];
	_ =	sdelay $0x2  }
0xb8: {  	s31 =	sshll.u32 s1, $0xD;
	s1 =	sshrl.u32 s1, $0x2  }
0xb9: {  	s3 =	sand.u32 $0x4000, s31;
	s1 =	sadd.s32 s1, s30  }
0xba: {  	s0 =	sor.u32 s3, s0;
	s1 =	sshll.u32 s1, $0x11  }
0xbb: {  	s0 =	sor.u32 s1, s0  }
0xbc: {  	s0 =	sadd.s32 $0x8F2B, s0  }
0xbd: {  	[sflag:s0] =	ssyncadd.remote.s32 $0x1  }
0xbe: {  	_ =	sfence.sel $0xFFFF  }
0xbf: {  	[dreg:$0x0] =	wrdreg $0xFFFFFFFF;
	(pc) =	sbr.abs _section_cstart, $3  }
0xc0: {  	[dreg:$0x1] =	wrdreg $0xFFFFFFFF  }
0xc1: {  	_ =	task.clear_ibuf [dreg:s7], $0x2FFFF;
	_ =	strace $0x9FFFFFFF  }
0xc2: {  	(tm) =	ssettm $0x7FFFFFFF  }
0xc3: {  	_ =	shalt  }
tec
execute0_lowered:
.L_overlay_start_1:
0x0: {  	(tag) =	ssettag $0x1  }
0x1: {  	s3 =	rddreg [dreg:$0x0]  }
0x2: {  	s16 =	rddreg [dreg:$0x1]  }
0x3: {  	s0 =	rddreg [dreg:$0x2];
	s2 =	simm.s32 $0x0;
	s4 =	srdreg.scid  }
0x4: {  	s1 =	stileid.u32;
	s13 =	simm.s32 $0x8000;
	s14 =	simm.s32 $0x18100  }
0x5: {  	s15 =	simm.s32 $0xC080;
	s18 =	simm.s32 $0x0;
	[smem:$0x7FF] =	sst s2  }
0x6: {  	s5 =	sadd.s32 $0x30A00, s3;
	s4 =	sand.u32 $0x1, s4;
	s6 =	sshll.u32 s1, $0x1  }
0x7: {  	s8 =	sadd.s32 $0xA00, s3;
	s6 =	sor.u32 s4, s6;
	s4 =	ssub.s32 $0x2, s4  }
0x8: {  	_ =	strace $0x80000047;
	s7 =	sshll.u32 s6, $0x1;
	s9 =	sshrl.u32 s4, $0x1  }
0x9: {  	s10 =	sshll.u32 s6, $0xB;
	s17 =	smul.u32 $0x1802, s6;
	s11 =	sadd.s32 s7, s3  }
0xa: {  	s12 =	ssub.s32 s4, s9;
	s30 =	sor.u32 $0x10000, s10;
	s3 =	sadd.s32 s5, s10  }
0xb: {  	s31 =	sor.u32 $0x20000, s10;
	s6 =	sadd.s32 s8, s10;
	s4 =	sadd.s32 s5, s30  }
0xc: {  	s5 =	sadd.s32 s5, s31;
	s7 =	sadd.s32 s8, s30;
	s8 =	sadd.s32 s8, s31  }
0xd: {  	v0 =	vimm.s32 $0x0;
	v1 =	vlaneseq.u32;
	s9 =	sadd.s32 $0x60A00, s11;
	s10 =	smax.u32 s12, $0x1;
	s11 =	simm.s32 $0x1  }
0xe: {  	v2 =	vimm.s32 $0x1;
	v4 =	vimm.s32 $0x80000000;
	v3 =	vmul.u32 $0xC01, v1;
	s12 =	simm.s32 $0x4000;
	s16 =	sadd.s32 s17, s16;
	s17 =	simm.s32 $0x19100  }
.LBB2_1:
0xf: {  	[tilespmem:s2], [sflag:$0x1] =	stream.linear.gather [hbm4b:s3+s2], $0x4000, $0x38;
	[tilespmem:$0x19180] =	vst v63  }
0x10: {  	_ =	swait.ge [sflag:s11], $0x4000  }
0x11: {  	[sflag:s11] =	ssyncset.done $0x0  }
0x12: {  	[sflag:s11] =	ssyncadd.s32 $0xFFFFC000  }
0x13: {  	[tilespmem:s12], [sflag:$0x1] =	stream.linear.gather [hbm4b:s4+s2], $0x4000, $0x38;
	[tilespmem:$0x19180] =	vst v63  }
0x14: {  	_ =	swait.ge [sflag:s11], $0x4000  }
0x15: {  	[sflag:s11] =	ssyncset.done $0x0  }
0x16: {  	[sflag:s11] =	ssyncadd.s32 $0xFFFFC000  }
0x17: {  	[tilespmem:s13], [sflag:$0x1] =	stream.linear.gather [hbm4b:s5+s2], $0x4000, $0x38;
	[tilespmem:$0x19180] =	vst v63  }
0x18: {  	_ =	swait.ge [sflag:s11], $0x4000  }
0x19: {  	[sflag:s11] =	ssyncset.done $0x0  }
0x1a: {  	s20 =	simm.s32 $0x0;
	s19 =	simm.s32 $0x200;
	[sflag:s11] =	ssyncadd.s32 $0xFFFFC000  }
.LBB2_2:
0x1b: {  	p0 =	sne.s32 s19, $0x3E00;
	[tilespmem:s20+$0x18170] =	vst v0  }
0x1c: {  	[tilespmem:s20+$0x18100] =	vst v0  }
0x1d: {  	[tilespmem:s20+$0x18110] =	vst v0  }
.Ltmp0:
0x1e: {  	[tilespmem:s20+$0x18120] =	vst v0;
	(pc) =	sbr.rel @p0 .LBB2_2-.Ltmp0, $4  }
0x1f: {  	[tilespmem:s20+$0x18130] =	vst v0  }
0x20: {  	[tilespmem:s20+$0x18140] =	vst v0  }
0x21: {  	[tilespmem:s20+$0x18150] =	vst v0  }
0x22: {  	[tilespmem:s20+$0x18160] =	vst v0;
	s20 =	sshra.s32 s19, $0x2;
	s19 =	sadd.s32 $0x200, s19  }
0x23: {  	[tilespmem:s20+$0x18170] =	vst v0  }
0x24: {  	[tilespmem:s20+$0x18100] =	vst v0  }
0x25: {  	[tilespmem:s20+$0x18110] =	vst v0  }
0x26: {  	[tilespmem:s20+$0x18120] =	vst v0  }
0x27: {  	[tilespmem:s20+$0x18130] =	vst v0  }
0x28: {  	[tilespmem:s20+$0x18140] =	vst v0  }
0x29: {  	[tilespmem:s20+$0x18150] =	vst v0  }
0x2a: {  	s19 =	simm.s32 $0x0;
	[tilespmem:s20+$0x18160] =	vst v0;
	s20 =	simm.s32 $0x0  }
.LBB2_4:
0x2b: {  	s21 =	sshra.s32 s20, $0x2  }
0x2c: {  	v5 =	vld [tilespmem:s21+$0x0];
	_ =	sdelay $0x4  }
0x2d: {  	v5 =	vshll.u32 v5, $0x4  }
0x2e: {  	v5 =	vor.u32 v1, v5  }
0x2f: {  	v5 =	vand.u32 $0xFFF, v5;
	_ =	sdelay $0x4  }
0x30: {  	[tilespmem:v5+s14+$0x0] =	vst.idx.add.s32.msk $0xffff, v2  }
0x31: {  	v5 =	vld [tilespmem:s21+$0x10];
	_ =	sdelay $0x4  }
0x32: {  	v5 =	vshll.u32 v5, $0x4  }
0x33: {  	v5 =	vor.u32 v1, v5  }
0x34: {  	v5 =	vand.u32 $0xFFF, v5;
	_ =	sdelay $0x4  }
0x35: {  	[tilespmem:v5+s14+$0x0] =	vst.idx.add.s32.msk $0xffff, v2  }
0x36: {  	v5 =	vld [tilespmem:s21+$0x20];
	_ =	sdelay $0x4  }
0x37: {  	v5 =	vshll.u32 v5, $0x4  }
0x38: {  	v5 =	vor.u32 v1, v5  }
0x39: {  	v5 =	vand.u32 $0xFFF, v5;
	_ =	sdelay $0x4  }
0x3a: {  	[tilespmem:v5+s14+$0x0] =	vst.idx.add.s32.msk $0xffff, v2  }
0x3b: {  	v5 =	vld [tilespmem:s21+$0x30];
	_ =	sdelay $0x4  }
0x3c: {  	v5 =	vshll.u32 v5, $0x4  }
0x3d: {  	v5 =	vor.u32 v1, v5  }
0x3e: {  	v5 =	vand.u32 $0xFFF, v5;
	_ =	sdelay $0x4  }
0x3f: {  	[tilespmem:v5+s14+$0x0] =	vst.idx.add.s32.msk $0xffff, v2  }
0x40: {  	v5 =	vld [tilespmem:s21+$0x40];
	_ =	sdelay $0x4  }
0x41: {  	v5 =	vshll.u32 v5, $0x4  }
0x42: {  	v5 =	vor.u32 v1, v5  }
0x43: {  	v5 =	vand.u32 $0xFFF, v5;
	_ =	sdelay $0x4  }
0x44: {  	[tilespmem:v5+s14+$0x0] =	vst.idx.add.s32.msk $0xffff, v2  }
0x45: {  	v5 =	vld [tilespmem:s21+$0x50];
	_ =	sdelay $0x4  }
0x46: {  	v5 =	vshll.u32 v5, $0x4  }
0x47: {  	v5 =	vor.u32 v1, v5  }
0x48: {  	v5 =	vand.u32 $0xFFF, v5;
	_ =	sdelay $0x4  }
0x49: {  	[tilespmem:v5+s14+$0x0] =	vst.idx.add.s32.msk $0xffff, v2  }
0x4a: {  	v5 =	vld [tilespmem:s21+$0x60];
	_ =	sdelay $0x4  }
0x4b: {  	v5 =	vshll.u32 v5, $0x4  }
0x4c: {  	v5 =	vor.u32 v1, v5  }
0x4d: {  	v5 =	vand.u32 $0xFFF, v5;
	_ =	sdelay $0x4  }
0x4e: {  	[tilespmem:v5+s14+$0x0] =	vst.idx.add.s32.msk $0xffff, v2  }
0x4f: {  	v5 =	vld [tilespmem:s21+$0x70];
	_ =	sdelay $0x4  }
0x50: {  	v5 =	vshll.u32 v5, $0x4  }
0x51: {  	v5 =	vor.u32 v1, v5  }
0x52: {  	p0 =	sne.s32 s20, $0x2FE00;
	v5 =	vand.u32 $0xFFF, v5  }
.Ltmp1:
0x53: {  	_ = 	snop;
	(pc) =	sbr.rel @p0 .LBB2_4-.Ltmp1, $2  }
0x54: {  	_ =	sdelay $0x2  }
0x55: {  	s20 =	sadd.s32 $0x200, s20;
	[tilespmem:v5+s14+$0x0] =	vst.idx.add.s32.msk $0xffff, v2  }
0x56: {  	s22 =	sshra.s32 s19, $0x2  }
0x57: {  	v5 =	vld [tilespmem:s22+$0x18100];
	_ =	sdelay $0x4  }
0x58: {  	(xrf0) =	vadd.scan.msk.s32 $0xffff, v5;
	_ =	sdelay $0x5  }
0x59: {  	v6, _, _ =	vpop (xrf0)  }
0x5a: {  	(v2sf) =	vpush v6, $0xF  }
0x5b: {  	v5 =	vsub.s32 s19, v5  }
0x5c: {  	s21 =	sadd.s32 $0x40, s19;
	v5 =	vadd.s32 v6, v5  }
0x5d: {  	s20 =	sshra.s32 s21, $0x2;
	s21 =	sadd.s32 $0x40, s21;
	[tilespmem:s22+$0x18100] =	vst v5  }
.LBB2_6:
0x5e: {  	p0 =	sne.s32 s21, $0x3FC0;
	v5 =	vld [tilespmem:s20+$0x18100];
	_ =	sdelay $0x4  }
0x5f: {  	(xrf0) =	vadd.scan.msk.s32 $0xffff, v5;
	_ =	sdelay $0x5  }
.Ltmp2:
0x60: {  	v6, _, _ =	vpop (xrf0);
	s22 =	spop (v2sf);
	(pc) =	sbr.rel @p0 .LBB2_6-.Ltmp2, $4  }
0x61: {  	(v2sf) =	vpush v6, $0xF;
	s19 =	sadd.s32 s19, s22  }
0x62: {  	v5 =	vsub.s32 s19, v5  }
0x63: {  	v5 =	vadd.s32 v6, v5  }
0x64: {  	[tilespmem:s20+$0x18100] =	vst v5;
	s20 =	sshra.s32 s21, $0x2;
	s21 =	sadd.s32 $0x40, s21  }
0x65: {  	v5 =	vld [tilespmem:s20+$0x18100];
	_ =	sdelay $0x4  }
0x66: {  	(xrf0) =	vadd.scan.msk.s32 $0xffff, v5;
	_ =	sdelay $0x5  }
0x67: {  	v6, _, _ =	vpop (xrf0)  }
0x68: {  	(v2sf) =	vpush v6, $0xF;
	_ =	sdelay $0xa  }
0x69: {  	s21 =	spop (v2sf)  }
0x6a: {  	s19 =	sadd.s32 s19, s21  }
0x6b: {  	v5 =	vsub.s32 s19, v5  }
0x6c: {  	v5 =	vadd.s32 v6, v5  }
0x6d: {  	s19 =	simm.s32 $0x0;
	[tilespmem:s20+$0x18100] =	vst v5;
	s20 =	simm.s32 $0x0;
	s31 =	spop (v2sf)  }
.LBB2_8:
0x6e: {  	s21 =	sshra.s32 s20, $0x2  }
0x6f: {  	v5 =	vld [tilespmem:s21+$0x0];
	_ =	sdelay $0x4  }
0x70: {  	v6 =	vshll.u32 v5, $0x4  }
0x71: {  	v6 =	vor.u32 v1, v6  }
0x72: {  	v6 =	vand.u32 $0xFFF, v6;
	_ =	sdelay $0x4  }
0x73: {  	v7 =	vld.idx.msk [tilespmem:v6+s14+$0x0], $0xffff;
	_ =	sdelay $0x4  }
0x74: {  	v8 =	vshra.s32 v7, $0xA  }
0x75: {  	v8 =	vmul.u32 $0x5556, v8;
	_ =	sdelay $0x1  }
0x76: {  	v8 =	vshra.s32 v8, $0x10  }
0x77: {  	v7 =	vadd.s32 v7, v8;
	_ =	sdelay $0x4  }
0x78: {  	[tilespmem:v7+s15+$0x0] =	vst.idx.msk $0xffff, v5  }
0x79: {  	[tilespmem:v6+s14+$0x0] =	vst.idx.add.s32.msk $0xffff, v2  }
0x7a: {  	v5 =	vld [tilespmem:s21+$0x10];
	_ =	sdelay $0x4  }
0x7b: {  	v6 =	vshll.u32 v5, $0x4  }
0x7c: {  	v6 =	vor.u32 v1, v6  }
0x7d: {  	v6 =	vand.u32 $0xFFF, v6;
	_ =	sdelay $0x4  }
0x7e: {  	v7 =	vld.idx.msk [tilespmem:v6+s14+$0x0], $0xffff;
	_ =	sdelay $0x4  }
0x7f: {  	v57 =	vshra.s32 v7, $0xA  }
0x80: {  	v8 =	vmul.u32 $0x5556, v57;
	_ =	sdelay $0x1  }
0x81: {  	v8 =	vshra.s32 v8, $0x10  }
0x82: {  	v7 =	vadd.s32 v7, v8;
	_ =	sdelay $0x4  }
0x83: {  	[tilespmem:v7+s15+$0x0] =	vst.idx.msk $0xffff, v5  }
0x84: {  	[tilespmem:v6+s14+$0x0] =	vst.idx.add.s32.msk $0xffff, v2  }
0x85: {  	v5 =	vld [tilespmem:s21+$0x20];
	_ =	sdelay $0x4  }
0x86: {  	v6 =	vshll.u32 v5, $0x4  }
0x87: {  	v6 =	vor.u32 v1, v6  }
0x88: {  	v6 =	vand.u32 $0xFFF, v6;
	_ =	sdelay $0x4  }
0x89: {  	v7 =	vld.idx.msk [tilespmem:v6+s14+$0x0], $0xffff;
	_ =	sdelay $0x4  }
0x8a: {  	v58 =	vshra.s32 v7, $0xA  }
0x8b: {  	v8 =	vmul.u32 $0x5556, v58;
	_ =	sdelay $0x1  }
0x8c: {  	v8 =	vshra.s32 v8, $0x10  }
0x8d: {  	v7 =	vadd.s32 v7, v8;
	_ =	sdelay $0x4  }
0x8e: {  	[tilespmem:v7+s15+$0x0] =	vst.idx.msk $0xffff, v5  }
0x8f: {  	[tilespmem:v6+s14+$0x0] =	vst.idx.add.s32.msk $0xffff, v2  }
0x90: {  	v5 =	vld [tilespmem:s21+$0x30];
	_ =	sdelay $0x4  }
0x91: {  	v6 =	vshll.u32 v5, $0x4  }
0x92: {  	v6 =	vor.u32 v1, v6  }
0x93: {  	v6 =	vand.u32 $0xFFF, v6;
	_ =	sdelay $0x4  }
0x94: {  	v7 =	vld.idx.msk [tilespmem:v6+s14+$0x0], $0xffff;
	_ =	sdelay $0x4  }
0x95: {  	v59 =	vshra.s32 v7, $0xA  }
0x96: {  	v8 =	vmul.u32 $0x5556, v59;
	_ =	sdelay $0x1  }
0x97: {  	v8 =	vshra.s32 v8, $0x10  }
0x98: {  	v7 =	vadd.s32 v7, v8;
	_ =	sdelay $0x4  }
0x99: {  	[tilespmem:v7+s15+$0x0] =	vst.idx.msk $0xffff, v5  }
0x9a: {  	[tilespmem:v6+s14+$0x0] =	vst.idx.add.s32.msk $0xffff, v2  }
0x9b: {  	v5 =	vld [tilespmem:s21+$0x40];
	_ =	sdelay $0x4  }
0x9c: {  	v6 =	vshll.u32 v5, $0x4  }
0x9d: {  	v6 =	vor.u32 v1, v6  }
0x9e: {  	v6 =	vand.u32 $0xFFF, v6;
	_ =	sdelay $0x4  }
0x9f: {  	v7 =	vld.idx.msk [tilespmem:v6+s14+$0x0], $0xffff;
	_ =	sdelay $0x4  }
0xa0: {  	v60 =	vshra.s32 v7, $0xA  }
0xa1: {  	v8 =	vmul.u32 $0x5556, v60;
	_ =	sdelay $0x1  }
0xa2: {  	v8 =	vshra.s32 v8, $0x10  }
0xa3: {  	v7 =	vadd.s32 v7, v8;
	_ =	sdelay $0x4  }
0xa4: {  	[tilespmem:v7+s15+$0x0] =	vst.idx.msk $0xffff, v5  }
0xa5: {  	[tilespmem:v6+s14+$0x0] =	vst.idx.add.s32.msk $0xffff, v2  }
0xa6: {  	v5 =	vld [tilespmem:s21+$0x50];
	_ =	sdelay $0x4  }
0xa7: {  	v6 =	vshll.u32 v5, $0x4  }
0xa8: {  	v6 =	vor.u32 v1, v6  }
0xa9: {  	v6 =	vand.u32 $0xFFF, v6;
	_ =	sdelay $0x4  }
0xaa: {  	v7 =	vld.idx.msk [tilespmem:v6+s14+$0x0], $0xffff;
	_ =	sdelay $0x4  }
0xab: {  	v61 =	vshra.s32 v7, $0xA  }
0xac: {  	v8 =	vmul.u32 $0x5556, v61;
	_ =	sdelay $0x1  }
0xad: {  	v8 =	vshra.s32 v8, $0x10  }
0xae: {  	v7 =	vadd.s32 v7, v8;
	_ =	sdelay $0x4  }
0xaf: {  	[tilespmem:v7+s15+$0x0] =	vst.idx.msk $0xffff, v5  }
0xb0: {  	[tilespmem:v6+s14+$0x0] =	vst.idx.add.s32.msk $0xffff, v2  }
0xb1: {  	v5 =	vld [tilespmem:s21+$0x60];
	_ =	sdelay $0x4  }
0xb2: {  	v6 =	vshll.u32 v5, $0x4  }
0xb3: {  	v6 =	vor.u32 v1, v6  }
0xb4: {  	v6 =	vand.u32 $0xFFF, v6;
	_ =	sdelay $0x4  }
0xb5: {  	v7 =	vld.idx.msk [tilespmem:v6+s14+$0x0], $0xffff;
	_ =	sdelay $0x4  }
0xb6: {  	v62 =	vshra.s32 v7, $0xA  }
0xb7: {  	v8 =	vmul.u32 $0x5556, v62;
	_ =	sdelay $0x1  }
0xb8: {  	v8 =	vshra.s32 v8, $0x10  }
0xb9: {  	v7 =	vadd.s32 v7, v8;
	_ =	sdelay $0x4  }
0xba: {  	[tilespmem:v7+s15+$0x0] =	vst.idx.msk $0xffff, v5  }
0xbb: {  	[tilespmem:v6+s14+$0x0] =	vst.idx.add.s32.msk $0xffff, v2  }
0xbc: {  	v5 =	vld [tilespmem:s21+$0x70];
	_ =	sdelay $0x4  }
0xbd: {  	v6 =	vshll.u32 v5, $0x4  }
0xbe: {  	v6 =	vor.u32 v1, v6  }
0xbf: {  	v6 =	vand.u32 $0xFFF, v6;
	_ =	sdelay $0x4  }
0xc0: {  	v7 =	vld.idx.msk [tilespmem:v6+s14+$0x0], $0xffff;
	_ =	sdelay $0x4  }
0xc1: {  	v63 =	vshra.s32 v7, $0xA  }
0xc2: {  	v8 =	vmul.u32 $0x5556, v63;
	_ =	sdelay $0x1  }
0xc3: {  	v8 =	vshra.s32 v8, $0x10  }
0xc4: {  	v7 =	vadd.s32 v7, v8  }
0xc5: {  	p0 =	sne.s32 s20, $0x2FE00  }
.Ltmp3:
0xc6: {  	_ = 	snop;
	(pc) =	sbr.rel @p0 .LBB2_8-.Ltmp3, $3  }
0xc7: {  	_ =	sdelay $0x1  }
0xc8: {  	[tilespmem:v7+s15+$0x0] =	vst.idx.msk $0xffff, v5  }
0xc9: {  	s20 =	sadd.s32 $0x200, s20;
	[tilespmem:v6+s14+$0x0] =	vst.idx.add.s32.msk $0xffff, v2  }
0xca: {  	s20 =	sshra.s32 s19, $0x2;
	s19 =	sadd.s32 $0x200, s19  }
.LBB2_10:
0xcb: {  	p0 =	sne.s32 s19, $0x3E00;
	[tilespmem:s20+$0x18170] =	vst v0  }
0xcc: {  	[tilespmem:s20+$0x18100] =	vst v0  }
0xcd: {  	[tilespmem:s20+$0x18110] =	vst v0  }
.Ltmp4:
0xce: {  	[tilespmem:s20+$0x18120] =	vst v0;
	(pc) =	sbr.rel @p0 .LBB2_10-.Ltmp4, $4  }
0xcf: {  	[tilespmem:s20+$0x18130] =	vst v0  }
0xd0: {  	[tilespmem:s20+$0x18140] =	vst v0  }
0xd1: {  	[tilespmem:s20+$0x18150] =	vst v0  }
0xd2: {  	[tilespmem:s20+$0x18160] =	vst v0;
	s20 =	sshra.s32 s19, $0x2;
	s19 =	sadd.s32 $0x200, s19  }
0xd3: {  	[tilespmem:s20+$0x18170] =	vst v0  }
0xd4: {  	[tilespmem:s20+$0x18100] =	vst v0  }
0xd5: {  	[tilespmem:s20+$0x18110] =	vst v0  }
0xd6: {  	[tilespmem:s20+$0x18120] =	vst v0  }
0xd7: {  	[tilespmem:s20+$0x18130] =	vst v0  }
0xd8: {  	[tilespmem:s20+$0x18140] =	vst v0  }
0xd9: {  	[tilespmem:s20+$0x18150] =	vst v0  }
0xda: {  	[tilespmem:s20+$0x18160] =	vst v0;
	s19 =	simm.s32 $0x7  }
.LBB2_12:
0xdb: {  	s20 =	sadd.s32 $0xFFFFFFF9, s19  }
0xdc: {  	v5 =	vadd.s32 s20, v3;
	_ =	sdelay $0x4  }
0xdd: {  	v5 =	vld.idx.msk [tilespmem:v5+s15+$0x0], $0xffff;
	_ =	sdelay $0x4  }
0xde: {  	v5 =	vshrl.u32 v5, $0x4  }
0xdf: {  	v5 =	vand.u32 $0xFF0, v5  }
0xe0: {  	s25 =	sadd.s32 $0xFFFFFFFA, s19;
	v5 =	vor.u32 v1, v5  }
0xe1: {  	v6 =	vadd.s32 s25, v3;
	_ =	sdelay $0x3  }
0xe2: {  	[tilespmem:v5+s14+$0x0] =	vst.idx.add.s32.msk $0xffff, v2  }
0xe3: {  	v5 =	vld.idx.msk [tilespmem:v6+s15+$0x0], $0xffff;
	_ =	sdelay $0x4  }
0xe4: {  	v5 =	vshrl.u32 v5, $0x4  }
0xe5: {  	v5 =	vand.u32 $0xFF0, v5  }
0xe6: {  	s26 =	sadd.s32 $0xFFFFFFFB, s19;
	v5 =	vor.u32 v1, v5  }
0xe7: {  	v6 =	vadd.s32 s26, v3;
	_ =	sdelay $0x3  }
0xe8: {  	[tilespmem:v5+s14+$0x0] =	vst.idx.add.s32.msk $0xffff, v2  }
0xe9: {  	v5 =	vld.idx.msk [tilespmem:v6+s15+$0x0], $0xffff;
	_ =	sdelay $0x4  }
0xea: {  	v5 =	vshrl.u32 v5, $0x4  }
0xeb: {  	v5 =	vand.u32 $0xFF0, v5  }
0xec: {  	s28 =	sadd.s32 $0xFFFFFFFC, s19;
	v5 =	vor.u32 v1, v5  }
0xed: {  	v6 =	vadd.s32 s28, v3;
	_ =	sdelay $0x3  }
0xee: {  	[tilespmem:v5+s14+$0x0] =	vst.idx.add.s32.msk $0xffff, v2  }
0xef: {  	v5 =	vld.idx.msk [tilespmem:v6+s15+$0x0], $0xffff;
	_ =	sdelay $0x4  }
0xf0: {  	v5 =	vshrl.u32 v5, $0x4  }
0xf1: {  	v5 =	vand.u32 $0xFF0, v5  }
0xf2: {  	s29 =	sadd.s32 $0xFFFFFFFD, s19;
	v5 =	vor.u32 v1, v5  }
0xf3: {  	v6 =	vadd.s32 s29, v3;
	_ =	sdelay $0x3  }
0xf4: {  	[tilespmem:v5+s14+$0x0] =	vst.idx.add.s32.msk $0xffff, v2  }
0xf5: {  	v5 =	vld.idx.msk [tilespmem:v6+s15+$0x0], $0xffff;
	_ =	sdelay $0x4  }
0xf6: {  	v5 =	vshrl.u32 v5, $0x4  }
0xf7: {  	v5 =	vand.u32 $0xFF0, v5  }
0xf8: {  	s30 =	sadd.s32 $0xFFFFFFFE, s19;
	v5 =	vor.u32 v1, v5  }
0xf9: {  	v6 =	vadd.s32 s30, v3;
	_ =	sdelay $0x3  }
0xfa: {  	[tilespmem:v5+s14+$0x0] =	vst.idx.add.s32.msk $0xffff, v2  }
0xfb: {  	v5 =	vld.idx.msk [tilespmem:v6+s15+$0x0], $0xffff;
	_ =	sdelay $0x4  }
0xfc: {  	v5 =	vshrl.u32 v5, $0x4  }
0xfd: {  	v5 =	vand.u32 $0xFF0, v5  }
0xfe: {  	s31 =	sadd.s32 $0xFFFFFFFF, s19;
	v5 =	vor.u32 v1, v5  }
0xff: {  	v6 =	vadd.s32 s31, v3;
	_ =	sdelay $0x3  }
0x100: {  	[tilespmem:v5+s14+$0x0] =	vst.idx.add.s32.msk $0xffff, v2  }
0x101: {  	v5 =	vld.idx.msk [tilespmem:v6+s15+$0x0], $0xffff;
	_ =	sdelay $0x4  }
0x102: {  	v5 =	vshrl.u32 v5, $0x4  }
0x103: {  	v5 =	vand.u32 $0xFF0, v5  }
0x104: {  	v5 =	vor.u32 v1, v5  }
0x105: {  	v6 =	vadd.s32 s19, v3;
	_ =	sdelay $0x3  }
0x106: {  	[tilespmem:v5+s14+$0x0] =	vst.idx.add.s32.msk $0xffff, v2  }
0x107: {  	v5 =	vld.idx.msk [tilespmem:v6+s15+$0x0], $0xffff;
	_ =	sdelay $0x4  }
0x108: {  	v5 =	vshrl.u32 v5, $0x4  }
0x109: {  	v5 =	vand.u32 $0xFF0, v5  }
0x10a: {  	p0 =	sne.s32 s19, $0xBFF;
	v5 =	vor.u32 v1, v5  }
.Ltmp5:
0x10b: {  	_ = 	snop;
	(pc) =	sbr.rel @p0 .LBB2_12-.Ltmp5, $2  }
0x10c: {  	_ =	sdelay $0x2  }
0x10d: {  	s19 =	sadd.s32 $0x8, s19;
	[tilespmem:v5+s14+$0x0] =	vst.idx.add.s32.msk $0xffff, v2  }
0x10e: {  	s22 =	simm.s32 $0x0  }
0x10f: {  	v5 =	vld [tilespmem:s22+$0x18100];
	_ =	sdelay $0x4  }
0x110: {  	(xrf0) =	vadd.scan.msk.s32 $0xffff, v5;
	_ =	sdelay $0x5  }
0x111: {  	v6, _, _ =	vpop (xrf0)  }
0x112: {  	s19 =	simm.s32 $0x0;
	(v2sf) =	vpush v6, $0xF  }
0x113: {  	v5 =	vsub.s32 s19, v5  }
0x114: {  	v5 =	vadd.s32 v6, v5  }
0x115: {  	s20 =	simm.s32 $0x10;
	s21 =	simm.s32 $0x80;
	[tilespmem:s22+$0x18100] =	vst v5  }
.LBB2_14:
0x116: {  	p0 =	sne.s32 s21, $0x3FC0;
	v5 =	vld [tilespmem:s20+$0x18100];
	_ =	sdelay $0x4  }
0x117: {  	(xrf0) =	vadd.scan.msk.s32 $0xffff, v5;
	_ =	sdelay $0x5  }
.Ltmp6:
0x118: {  	v6, _, _ =	vpop (xrf0);
	s22 =	spop (v2sf);
	(pc) =	sbr.rel @p0 .LBB2_14-.Ltmp6, $4  }
0x119: {  	(v2sf) =	vpush v6, $0xF;
	s19 =	sadd.s32 s19, s22  }
0x11a: {  	v5 =	vsub.s32 s19, v5  }
0x11b: {  	v5 =	vadd.s32 v6, v5  }
0x11c: {  	[tilespmem:s20+$0x18100] =	vst v5;
	s20 =	sshra.s32 s21, $0x2;
	s21 =	sadd.s32 $0x40, s21  }
0x11d: {  	v5 =	vld [tilespmem:s20+$0x18100];
	_ =	sdelay $0x4  }
0x11e: {  	(xrf0) =	vadd.scan.msk.s32 $0xffff, v5;
	_ =	sdelay $0x5  }
0x11f: {  	v6, _, _ =	vpop (xrf0)  }
0x120: {  	(v2sf) =	vpush v6, $0xF;
	_ =	sdelay $0xa  }
0x121: {  	s21 =	spop (v2sf)  }
0x122: {  	s19 =	sadd.s32 s19, s21  }
0x123: {  	v5 =	vsub.s32 s19, v5  }
0x124: {  	v5 =	vadd.s32 v6, v5  }
0x125: {  	s19 =	simm.s32 $0x7;
	[tilespmem:s20+$0x18100] =	vst v5;
	s31 =	spop (v2sf)  }
.LBB2_16:
0x126: {  	s20 =	sadd.s32 $0xFFFFFFF9, s19  }
0x127: {  	v5 =	vadd.s32 s20, v3;
	_ =	sdelay $0x4  }
0x128: {  	v5 =	vld.idx.msk [tilespmem:v5+s15+$0x0], $0xffff;
	_ =	sdelay $0x4  }
0x129: {  	v6 =	vshrl.u32 v5, $0x4  }
0x12a: {  	v6 =	vand.u32 $0xFF0, v6  }
0x12b: {  	v6 =	vor.u32 v1, v6;
	_ =	sdelay $0x4  }
0x12c: {  	v7 =	vld.idx.msk [tilespmem:v6+s14+$0x0], $0xffff;
	_ =	sdelay $0x4  }
0x12d: {  	v8 =	vshra.s32 v7, $0xA  }
0x12e: {  	v8 =	vmul.u32 $0x5556, v8;
	_ =	sdelay $0x1  }
0x12f: {  	v8 =	vshra.s32 v8, $0x10  }
0x130: {  	v7 =	vadd.s32 v7, v8  }
0x131: {  	s26 =	sadd.s32 $0xFFFFFFFA, s19  }
0x132: {  	v50 =	vadd.s32 s26, v3;
	_ =	sdelay $0x1  }
0x133: {  	s20 =	simm.s32 $0x0  }
0x134: {  	[tilespmem:v7+s20+$0x0] =	vst.idx.msk $0xffff, v5  }
0x135: {  	[tilespmem:v6+s14+$0x0] =	vst.idx.add.s32.msk $0xffff, v2  }
0x136: {  	v5 =	vld.idx.msk [tilespmem:v50+s15+$0x0], $0xffff;
	_ =	sdelay $0x4  }
0x137: {  	v6 =	vshrl.u32 v5, $0x4  }
0x138: {  	v6 =	vand.u32 $0xFF0, v6  }
0x139: {  	v6 =	vor.u32 v1, v6;
	_ =	sdelay $0x4  }
0x13a: {  	v7 =	vld.idx.msk [tilespmem:v6+s14+$0x0], $0xffff;
	_ =	sdelay $0x4  }
0x13b: {  	v51 =	vshra.s32 v7, $0xA  }
0x13c: {  	v8 =	vmul.u32 $0x5556, v51;
	_ =	sdelay $0x1  }
0x13d: {  	v8 =	vshra.s32 v8, $0x10  }
0x13e: {  	v7 =	vadd.s32 v7, v8  }
0x13f: {  	s21 =	sadd.s32 $0xFFFFFFFB, s19  }
0x140: {  	v52 =	vadd.s32 s21, v3;
	_ =	sdelay $0x2  }
0x141: {  	[tilespmem:v7+s20+$0x0] =	vst.idx.msk $0xffff, v5  }
0x142: {  	[tilespmem:v6+s14+$0x0] =	vst.idx.add.s32.msk $0xffff, v2  }
0x143: {  	v5 =	vld.idx.msk [tilespmem:v52+s15+$0x0], $0xffff;
	_ =	sdelay $0x4  }
0x144: {  	v6 =	vshrl.u32 v5, $0x4  }
0x145: {  	v6 =	vand.u32 $0xFF0, v6  }
0x146: {  	v6 =	vor.u32 v1, v6;
	_ =	sdelay $0x4  }
0x147: {  	v7 =	vld.idx.msk [tilespmem:v6+s14+$0x0], $0xffff;
	_ =	sdelay $0x4  }
0x148: {  	v53 =	vshra.s32 v7, $0xA  }
0x149: {  	v8 =	vmul.u32 $0x5556, v53;
	_ =	sdelay $0x1  }
0x14a: {  	v8 =	vshra.s32 v8, $0x10  }
0x14b: {  	v7 =	vadd.s32 v7, v8  }
0x14c: {  	s28 =	sadd.s32 $0xFFFFFFFC, s19  }
0x14d: {  	v54 =	vadd.s32 s28, v3;
	_ =	sdelay $0x2  }
0x14e: {  	[tilespmem:v7+s20+$0x0] =	vst.idx.msk $0xffff, v5  }
0x14f: {  	[tilespmem:v6+s14+$0x0] =	vst.idx.add.s32.msk $0xffff, v2  }
0x150: {  	v5 =	vld.idx.msk [tilespmem:v54+s15+$0x0], $0xffff;
	_ =	sdelay $0x4  }
0x151: {  	v6 =	vshrl.u32 v5, $0x4  }
0x152: {  	v6 =	vand.u32 $0xFF0, v6  }
0x153: {  	v6 =	vor.u32 v1, v6;
	_ =	sdelay $0x4  }
0x154: {  	v7 =	vld.idx.msk [tilespmem:v6+s14+$0x0], $0xffff;
	_ =	sdelay $0x4  }
0x155: {  	v55 =	vshra.s32 v7, $0xA  }
0x156: {  	v8 =	vmul.u32 $0x5556, v55;
	_ =	sdelay $0x1  }
0x157: {  	v8 =	vshra.s32 v8, $0x10  }
0x158: {  	v7 =	vadd.s32 v7, v8  }
0x159: {  	s29 =	sadd.s32 $0xFFFFFFFD, s19  }
0x15a: {  	v56 =	vadd.s32 s29, v3;
	_ =	sdelay $0x2  }
0x15b: {  	[tilespmem:v7+s20+$0x0] =	vst.idx.msk $0xffff, v5  }
0x15c: {  	[tilespmem:v6+s14+$0x0] =	vst.idx.add.s32.msk $0xffff, v2  }
0x15d: {  	v5 =	vld.idx.msk [tilespmem:v56+s15+$0x0], $0xffff;
	_ =	sdelay $0x4  }
0x15e: {  	v6 =	vshrl.u32 v5, $0x4  }
0x15f: {  	v6 =	vand.u32 $0xFF0, v6  }
0x160: {  	v6 =	vor.u32 v1, v6;
	_ =	sdelay $0x4  }
0x161: {  	v7 =	vld.idx.msk [tilespmem:v6+s14+$0x0], $0xffff;
	_ =	sdelay $0x4  }
0x162: {  	v57 =	vshra.s32 v7, $0xA  }
0x163: {  	v8 =	vmul.u32 $0x5556, v57;
	_ =	sdelay $0x1  }
0x164: {  	v8 =	vshra.s32 v8, $0x10  }
0x165: {  	v7 =	vadd.s32 v7, v8  }
0x166: {  	s30 =	sadd.s32 $0xFFFFFFFE, s19  }
0x167: {  	v58 =	vadd.s32 s30, v3;
	_ =	sdelay $0x2  }
0x168: {  	[tilespmem:v7+s20+$0x0] =	vst.idx.msk $0xffff, v5  }
0x169: {  	[tilespmem:v6+s14+$0x0] =	vst.idx.add.s32.msk $0xffff, v2  }
0x16a: {  	v5 =	vld.idx.msk [tilespmem:v58+s15+$0x0], $0xffff;
	_ =	sdelay $0x4  }
0x16b: {  	v6 =	vshrl.u32 v5, $0x4  }
0x16c: {  	v6 =	vand.u32 $0xFF0, v6  }
0x16d: {  	v6 =	vor.u32 v1, v6;
	_ =	sdelay $0x4  }
0x16e: {  	v7 =	vld.idx.msk [tilespmem:v6+s14+$0x0], $0xffff;
	_ =	sdelay $0x4  }
0x16f: {  	v59 =	vshra.s32 v7, $0xA  }
0x170: {  	v8 =	vmul.u32 $0x5556, v59;
	_ =	sdelay $0x1  }
0x171: {  	v8 =	vshra.s32 v8, $0x10  }
0x172: {  	v7 =	vadd.s32 v7, v8  }
0x173: {  	s31 =	sadd.s32 $0xFFFFFFFF, s19  }
0x174: {  	v60 =	vadd.s32 s31, v3;
	_ =	sdelay $0x2  }
0x175: {  	[tilespmem:v7+s20+$0x0] =	vst.idx.msk $0xffff, v5  }
0x176: {  	[tilespmem:v6+s14+$0x0] =	vst.idx.add.s32.msk $0xffff, v2  }
0x177: {  	v5 =	vld.idx.msk [tilespmem:v60+s15+$0x0], $0xffff;
	_ =	sdelay $0x4  }
0x178: {  	v6 =	vshrl.u32 v5, $0x4  }
0x179: {  	v6 =	vand.u32 $0xFF0, v6  }
0x17a: {  	v6 =	vor.u32 v1, v6;
	_ =	sdelay $0x4  }
0x17b: {  	v7 =	vld.idx.msk [tilespmem:v6+s14+$0x0], $0xffff;
	_ =	sdelay $0x4  }
0x17c: {  	v61 =	vshra.s32 v7, $0xA  }
0x17d: {  	v8 =	vmul.u32 $0x5556, v61;
	_ =	sdelay $0x1  }
0x17e: {  	v8 =	vshra.s32 v8, $0x10  }
0x17f: {  	v7 =	vadd.s32 v7, v8;
	_ =	sdelay $0x1  }
0x180: {  	v62 =	vadd.s32 s19, v3;
	_ =	sdelay $0x2  }
0x181: {  	[tilespmem:v7+s20+$0x0] =	vst.idx.msk $0xffff, v5  }
0x182: {  	[tilespmem:v6+s14+$0x0] =	vst.idx.add.s32.msk $0xffff, v2  }
0x183: {  	v5 =	vld.idx.msk [tilespmem:v62+s15+$0x0], $0xffff;
	_ =	sdelay $0x4  }
0x184: {  	v6 =	vshrl.u32 v5, $0x4  }
0x185: {  	v6 =	vand.u32 $0xFF0, v6  }
0x186: {  	v6 =	vor.u32 v1, v6;
	_ =	sdelay $0x4  }
0x187: {  	v7 =	vld.idx.msk [tilespmem:v6+s14+$0x0], $0xffff;
	_ =	sdelay $0x4  }
0x188: {  	v63 =	vshra.s32 v7, $0xA  }
0x189: {  	v8 =	vmul.u32 $0x5556, v63;
	_ =	sdelay $0x1  }
0x18a: {  	v8 =	vshra.s32 v8, $0x10  }
0x18b: {  	v7 =	vadd.s32 v7, v8  }
0x18c: {  	p0 =	sne.s32 s19, $0xBFF  }
.Ltmp7:
0x18d: {  	_ = 	snop;
	(pc) =	sbr.rel @p0 .LBB2_16-.Ltmp7, $3  }
0x18e: {  	_ =	sdelay $0x1  }
0x18f: {  	[tilespmem:v7+s20+$0x0] =	vst.idx.msk $0xffff, v5  }
0x190: {  	s19 =	sadd.s32 $0x8, s19;
	[tilespmem:v6+s14+$0x0] =	vst.idx.add.s32.msk $0xffff, v2  }
0x191: {  	s19 =	sshra.s32 s20, $0x2;
	s20 =	sadd.s32 $0x200, s20  }
.LBB2_18:
0x192: {  	p0 =	sne.s32 s20, $0x3E00;
	[tilespmem:s19+$0x18170] =	vst v0  }
0x193: {  	[tilespmem:s19+$0x18100] =	vst v0  }
0x194: {  	[tilespmem:s19+$0x18110] =	vst v0  }
.Ltmp8:
0x195: {  	[tilespmem:s19+$0x18120] =	vst v0;
	(pc) =	sbr.rel @p0 .LBB2_18-.Ltmp8, $4  }
0x196: {  	[tilespmem:s19+$0x18130] =	vst v0  }
0x197: {  	[tilespmem:s19+$0x18140] =	vst v0  }
0x198: {  	[tilespmem:s19+$0x18150] =	vst v0  }
0x199: {  	[tilespmem:s19+$0x18160] =	vst v0;
	s19 =	sshra.s32 s20, $0x2;
	s20 =	sadd.s32 $0x200, s20  }
0x19a: {  	[tilespmem:s19+$0x18170] =	vst v0  }
0x19b: {  	[tilespmem:s19+$0x18100] =	vst v0  }
0x19c: {  	[tilespmem:s19+$0x18110] =	vst v0  }
0x19d: {  	[tilespmem:s19+$0x18120] =	vst v0  }
0x19e: {  	[tilespmem:s19+$0x18130] =	vst v0  }
0x19f: {  	[tilespmem:s19+$0x18140] =	vst v0  }
0x1a0: {  	[tilespmem:s19+$0x18150] =	vst v0  }
0x1a1: {  	[tilespmem:s19+$0x18160] =	vst v0;
	s20 =	simm.s32 $0x7  }
.LBB2_20:
0x1a2: {  	s19 =	sadd.s32 $0xFFFFFFF9, s20  }
0x1a3: {  	v5 =	vadd.s32 s19, v3;
	_ =	sdelay $0x3  }
0x1a4: {  	s19 =	simm.s32 $0x0  }
0x1a5: {  	v5 =	vld.idx.msk [tilespmem:v5+s19+$0x0], $0xffff;
	_ =	sdelay $0x4  }
0x1a6: {  	v5 =	vshrl.u32 v5, $0xC  }
0x1a7: {  	v5 =	vand.u32 $0xFF0, v5  }
0x1a8: {  	s21 =	sadd.s32 $0xFFFFFFFA, s20;
	v5 =	vor.u32 v1, v5  }
0x1a9: {  	v6 =	vadd.s32 s21, v3;
	_ =	sdelay $0x3  }
0x1aa: {  	[tilespmem:v5+s14+$0x0] =	vst.idx.add.s32.msk $0xffff, v2  }
0x1ab: {  	v5 =	vld.idx.msk [tilespmem:v6+s19+$0x0], $0xffff;
	_ =	sdelay $0x4  }
0x1ac: {  	v5 =	vshrl.u32 v5, $0xC  }
0x1ad: {  	v5 =	vand.u32 $0xFF0, v5  }
0x1ae: {  	s26 =	sadd.s32 $0xFFFFFFFB, s20;
	v5 =	vor.u32 v1, v5  }
0x1af: {  	v6 =	vadd.s32 s26, v3;
	_ =	sdelay $0x3  }
0x1b0: {  	[tilespmem:v5+s14+$0x0] =	vst.idx.add.s32.msk $0xffff, v2  }
0x1b1: {  	v5 =	vld.idx.msk [tilespmem:v6+s19+$0x0], $0xffff;
	_ =	sdelay $0x4  }
0x1b2: {  	v5 =	vshrl.u32 v5, $0xC  }
0x1b3: {  	v5 =	vand.u32 $0xFF0, v5  }
0x1b4: {  	s28 =	sadd.s32 $0xFFFFFFFC, s20;
	v5 =	vor.u32 v1, v5  }
0x1b5: {  	v6 =	vadd.s32 s28, v3;
	_ =	sdelay $0x3  }
0x1b6: {  	[tilespmem:v5+s14+$0x0] =	vst.idx.add.s32.msk $0xffff, v2  }
0x1b7: {  	v5 =	vld.idx.msk [tilespmem:v6+s19+$0x0], $0xffff;
	_ =	sdelay $0x4  }
0x1b8: {  	v5 =	vshrl.u32 v5, $0xC  }
0x1b9: {  	v5 =	vand.u32 $0xFF0, v5  }
0x1ba: {  	s29 =	sadd.s32 $0xFFFFFFFD, s20;
	v5 =	vor.u32 v1, v5  }
0x1bb: {  	v6 =	vadd.s32 s29, v3;
	_ =	sdelay $0x3  }
0x1bc: {  	[tilespmem:v5+s14+$0x0] =	vst.idx.add.s32.msk $0xffff, v2  }
0x1bd: {  	v5 =	vld.idx.msk [tilespmem:v6+s19+$0x0], $0xffff;
	_ =	sdelay $0x4  }
0x1be: {  	v5 =	vshrl.u32 v5, $0xC  }
0x1bf: {  	v5 =	vand.u32 $0xFF0, v5  }
0x1c0: {  	s30 =	sadd.s32 $0xFFFFFFFE, s20;
	v5 =	vor.u32 v1, v5  }
0x1c1: {  	v6 =	vadd.s32 s30, v3;
	_ =	sdelay $0x3  }
0x1c2: {  	[tilespmem:v5+s14+$0x0] =	vst.idx.add.s32.msk $0xffff, v2  }
0x1c3: {  	v5 =	vld.idx.msk [tilespmem:v6+s19+$0x0], $0xffff;
	_ =	sdelay $0x4  }
0x1c4: {  	v5 =	vshrl.u32 v5, $0xC  }
0x1c5: {  	v5 =	vand.u32 $0xFF0, v5  }
0x1c6: {  	s31 =	sadd.s32 $0xFFFFFFFF, s20;
	v5 =	vor.u32 v1, v5  }
0x1c7: {  	v6 =	vadd.s32 s31, v3;
	_ =	sdelay $0x3  }
0x1c8: {  	[tilespmem:v5+s14+$0x0] =	vst.idx.add.s32.msk $0xffff, v2  }
0x1c9: {  	v5 =	vld.idx.msk [tilespmem:v6+s19+$0x0], $0xffff;
	_ =	sdelay $0x4  }
0x1ca: {  	v5 =	vshrl.u32 v5, $0xC  }
0x1cb: {  	v5 =	vand.u32 $0xFF0, v5  }
0x1cc: {  	v5 =	vor.u32 v1, v5  }
0x1cd: {  	v6 =	vadd.s32 s20, v3;
	_ =	sdelay $0x3  }
0x1ce: {  	[tilespmem:v5+s14+$0x0] =	vst.idx.add.s32.msk $0xffff, v2  }
0x1cf: {  	v5 =	vld.idx.msk [tilespmem:v6+s19+$0x0], $0xffff;
	_ =	sdelay $0x4  }
0x1d0: {  	v5 =	vshrl.u32 v5, $0xC  }
0x1d1: {  	v5 =	vand.u32 $0xFF0, v5  }
0x1d2: {  	p0 =	sne.s32 s20, $0xBFF;
	v5 =	vor.u32 v1, v5  }
.Ltmp9:
0x1d3: {  	_ = 	snop;
	(pc) =	sbr.rel @p0 .LBB2_20-.Ltmp9, $2  }
0x1d4: {  	_ =	sdelay $0x2  }
0x1d5: {  	s20 =	sadd.s32 $0x8, s20;
	[tilespmem:v5+s14+$0x0] =	vst.idx.add.s32.msk $0xffff, v2  }
0x1d6: {  	s22 =	sshra.s32 s19, $0x2  }
0x1d7: {  	v5 =	vld [tilespmem:s22+$0x18100];
	_ =	sdelay $0x4  }
0x1d8: {  	(xrf0) =	vadd.scan.msk.s32 $0xffff, v5;
	_ =	sdelay $0x5  }
0x1d9: {  	v6, _, _ =	vpop (xrf0)  }
0x1da: {  	(v2sf) =	vpush v6, $0xF  }
0x1db: {  	v5 =	vsub.s32 s19, v5  }
0x1dc: {  	s21 =	sadd.s32 $0x40, s19;
	v5 =	vadd.s32 v6, v5  }
0x1dd: {  	s20 =	sshra.s32 s21, $0x2;
	s21 =	sadd.s32 $0x40, s21;
	[tilespmem:s22+$0x18100] =	vst v5  }
.LBB2_22:
0x1de: {  	p0 =	sne.s32 s21, $0x3FC0;
	v5 =	vld [tilespmem:s20+$0x18100];
	_ =	sdelay $0x4  }
0x1df: {  	(xrf0) =	vadd.scan.msk.s32 $0xffff, v5;
	_ =	sdelay $0x5  }
.Ltmp10:
0x1e0: {  	v6, _, _ =	vpop (xrf0);
	s22 =	spop (v2sf);
	(pc) =	sbr.rel @p0 .LBB2_22-.Ltmp10, $4  }
0x1e1: {  	(v2sf) =	vpush v6, $0xF;
	s19 =	sadd.s32 s19, s22  }
0x1e2: {  	v5 =	vsub.s32 s19, v5  }
0x1e3: {  	v5 =	vadd.s32 v6, v5  }
0x1e4: {  	[tilespmem:s20+$0x18100] =	vst v5;
	s20 =	sshra.s32 s21, $0x2;
	s21 =	sadd.s32 $0x40, s21  }
0x1e5: {  	v5 =	vld [tilespmem:s20+$0x18100];
	_ =	sdelay $0x4  }
0x1e6: {  	(xrf0) =	vadd.scan.msk.s32 $0xffff, v5;
	_ =	sdelay $0x5  }
0x1e7: {  	v6, _, _ =	vpop (xrf0)  }
0x1e8: {  	(v2sf) =	vpush v6, $0xF;
	_ =	sdelay $0xa  }
0x1e9: {  	s21 =	spop (v2sf)  }
0x1ea: {  	s19 =	sadd.s32 s19, s21  }
0x1eb: {  	v5 =	vsub.s32 s19, v5  }
0x1ec: {  	v5 =	vadd.s32 v6, v5  }
0x1ed: {  	s19 =	simm.s32 $0x7;
	[tilespmem:s20+$0x18100] =	vst v5;
	s31 =	spop (v2sf)  }
.LBB2_24:
0x1ee: {  	s20 =	sadd.s32 $0xFFFFFFF9, s19  }
0x1ef: {  	v5 =	vadd.s32 s20, v3;
	_ =	sdelay $0x3  }
0x1f0: {  	s20 =	simm.s32 $0x0  }
0x1f1: {  	v5 =	vld.idx.msk [tilespmem:v5+s20+$0x0], $0xffff;
	_ =	sdelay $0x4  }
0x1f2: {  	v6 =	vshrl.u32 v5, $0xC  }
0x1f3: {  	v6 =	vand.u32 $0xFF0, v6  }
0x1f4: {  	v6 =	vor.u32 v1, v6;
	_ =	sdelay $0x4  }
0x1f5: {  	v7 =	vld.idx.msk [tilespmem:v6+s14+$0x0], $0xffff;
	_ =	sdelay $0x4  }
0x1f6: {  	v8 =	vshra.s32 v7, $0xA  }
0x1f7: {  	v8 =	vmul.u32 $0x5556, v8;
	_ =	sdelay $0x1  }
0x1f8: {  	v8 =	vshra.s32 v8, $0x10  }
0x1f9: {  	v7 =	vadd.s32 v7, v8  }
0x1fa: {  	s21 =	sadd.s32 $0xFFFFFFFA, s19  }
0x1fb: {  	v50 =	vadd.s32 s21, v3;
	_ =	sdelay $0x2  }
0x1fc: {  	[tilespmem:v7+s15+$0x0] =	vst.idx.msk $0xffff, v5  }
0x1fd: {  	[tilespmem:v6+s14+$0x0] =	vst.idx.add.s32.msk $0xffff, v2  }
0x1fe: {  	v5 =	vld.idx.msk [tilespmem:v50+s20+$0x0], $0xffff;
	_ =	sdelay $0x4  }
0x1ff: {  	v6 =	vshrl.u32 v5, $0xC  }
0x200: {  	v6 =	vand.u32 $0xFF0, v6  }
0x201: {  	v6 =	vor.u32 v1, v6;
	_ =	sdelay $0x4  }
0x202: {  	v7 =	vld.idx.msk [tilespmem:v6+s14+$0x0], $0xffff;
	_ =	sdelay $0x4  }
0x203: {  	v51 =	vshra.s32 v7, $0xA  }
0x204: {  	v8 =	vmul.u32 $0x5556, v51;
	_ =	sdelay $0x1  }
0x205: {  	v8 =	vshra.s32 v8, $0x10  }
0x206: {  	v7 =	vadd.s32 v7, v8  }
0x207: {  	s26 =	sadd.s32 $0xFFFFFFFB, s19  }
0x208: {  	v52 =	vadd.s32 s26, v3;
	_ =	sdelay $0x2  }
0x209: {  	[tilespmem:v7+s15+$0x0] =	vst.idx.msk $0xffff, v5  }
0x20a: {  	[tilespmem:v6+s14+$0x0] =	vst.idx.add.s32.msk $0xffff, v2  }
0x20b: {  	v5 =	vld.idx.msk [tilespmem:v52+s20+$0x0], $0xffff;
	_ =	sdelay $0x4  }
0x20c: {  	v6 =	vshrl.u32 v5, $0xC  }
0x20d: {  	v6 =	vand.u32 $0xFF0, v6  }
0x20e: {  	v6 =	vor.u32 v1, v6;
	_ =	sdelay $0x4  }
0x20f: {  	v7 =	vld.idx.msk [tilespmem:v6+s14+$0x0], $0xffff;
	_ =	sdelay $0x4  }
0x210: {  	v53 =	vshra.s32 v7, $0xA  }
0x211: {  	v8 =	vmul.u32 $0x5556, v53;
	_ =	sdelay $0x1  }
0x212: {  	v8 =	vshra.s32 v8, $0x10  }
0x213: {  	v7 =	vadd.s32 v7, v8  }
0x214: {  	s28 =	sadd.s32 $0xFFFFFFFC, s19  }
0x215: {  	v54 =	vadd.s32 s28, v3;
	_ =	sdelay $0x2  }
0x216: {  	[tilespmem:v7+s15+$0x0] =	vst.idx.msk $0xffff, v5  }
0x217: {  	[tilespmem:v6+s14+$0x0] =	vst.idx.add.s32.msk $0xffff, v2  }
0x218: {  	v5 =	vld.idx.msk [tilespmem:v54+s20+$0x0], $0xffff;
	_ =	sdelay $0x4  }
0x219: {  	v6 =	vshrl.u32 v5, $0xC  }
0x21a: {  	v6 =	vand.u32 $0xFF0, v6  }
0x21b: {  	v6 =	vor.u32 v1, v6;
	_ =	sdelay $0x4  }
0x21c: {  	v7 =	vld.idx.msk [tilespmem:v6+s14+$0x0], $0xffff;
	_ =	sdelay $0x4  }
0x21d: {  	v55 =	vshra.s32 v7, $0xA  }
0x21e: {  	v8 =	vmul.u32 $0x5556, v55;
	_ =	sdelay $0x1  }
0x21f: {  	v8 =	vshra.s32 v8, $0x10  }
0x220: {  	v7 =	vadd.s32 v7, v8  }
0x221: {  	s29 =	sadd.s32 $0xFFFFFFFD, s19  }
0x222: {  	v56 =	vadd.s32 s29, v3;
	_ =	sdelay $0x2  }
0x223: {  	[tilespmem:v7+s15+$0x0] =	vst.idx.msk $0xffff, v5  }
0x224: {  	[tilespmem:v6+s14+$0x0] =	vst.idx.add.s32.msk $0xffff, v2  }
0x225: {  	v5 =	vld.idx.msk [tilespmem:v56+s20+$0x0], $0xffff;
	_ =	sdelay $0x4  }
0x226: {  	v6 =	vshrl.u32 v5, $0xC  }
0x227: {  	v6 =	vand.u32 $0xFF0, v6  }
0x228: {  	v6 =	vor.u32 v1, v6;
	_ =	sdelay $0x4  }
0x229: {  	v7 =	vld.idx.msk [tilespmem:v6+s14+$0x0], $0xffff;
	_ =	sdelay $0x4  }
0x22a: {  	v57 =	vshra.s32 v7, $0xA  }
0x22b: {  	v8 =	vmul.u32 $0x5556, v57;
	_ =	sdelay $0x1  }
0x22c: {  	v8 =	vshra.s32 v8, $0x10  }
0x22d: {  	v7 =	vadd.s32 v7, v8  }
0x22e: {  	s30 =	sadd.s32 $0xFFFFFFFE, s19  }
0x22f: {  	v58 =	vadd.s32 s30, v3;
	_ =	sdelay $0x2  }
0x230: {  	[tilespmem:v7+s15+$0x0] =	vst.idx.msk $0xffff, v5  }
0x231: {  	[tilespmem:v6+s14+$0x0] =	vst.idx.add.s32.msk $0xffff, v2  }
0x232: {  	v5 =	vld.idx.msk [tilespmem:v58+s20+$0x0], $0xffff;
	_ =	sdelay $0x4  }
0x233: {  	v6 =	vshrl.u32 v5, $0xC  }
0x234: {  	v6 =	vand.u32 $0xFF0, v6  }
0x235: {  	v6 =	vor.u32 v1, v6;
	_ =	sdelay $0x4  }
0x236: {  	v7 =	vld.idx.msk [tilespmem:v6+s14+$0x0], $0xffff;
	_ =	sdelay $0x4  }
0x237: {  	v59 =	vshra.s32 v7, $0xA  }
0x238: {  	v8 =	vmul.u32 $0x5556, v59;
	_ =	sdelay $0x1  }
0x239: {  	v8 =	vshra.s32 v8, $0x10  }
0x23a: {  	v7 =	vadd.s32 v7, v8  }
0x23b: {  	s31 =	sadd.s32 $0xFFFFFFFF, s19  }
0x23c: {  	v60 =	vadd.s32 s31, v3;
	_ =	sdelay $0x2  }
0x23d: {  	[tilespmem:v7+s15+$0x0] =	vst.idx.msk $0xffff, v5  }
0x23e: {  	[tilespmem:v6+s14+$0x0] =	vst.idx.add.s32.msk $0xffff, v2  }
0x23f: {  	v5 =	vld.idx.msk [tilespmem:v60+s20+$0x0], $0xffff;
	_ =	sdelay $0x4  }
0x240: {  	v6 =	vshrl.u32 v5, $0xC  }
0x241: {  	v6 =	vand.u32 $0xFF0, v6  }
0x242: {  	v6 =	vor.u32 v1, v6;
	_ =	sdelay $0x4  }
0x243: {  	v7 =	vld.idx.msk [tilespmem:v6+s14+$0x0], $0xffff;
	_ =	sdelay $0x4  }
0x244: {  	v61 =	vshra.s32 v7, $0xA  }
0x245: {  	v8 =	vmul.u32 $0x5556, v61;
	_ =	sdelay $0x1  }
0x246: {  	v8 =	vshra.s32 v8, $0x10  }
0x247: {  	v7 =	vadd.s32 v7, v8;
	_ =	sdelay $0x1  }
0x248: {  	v62 =	vadd.s32 s19, v3;
	_ =	sdelay $0x2  }
0x249: {  	[tilespmem:v7+s15+$0x0] =	vst.idx.msk $0xffff, v5  }
0x24a: {  	[tilespmem:v6+s14+$0x0] =	vst.idx.add.s32.msk $0xffff, v2  }
0x24b: {  	v5 =	vld.idx.msk [tilespmem:v62+s20+$0x0], $0xffff;
	_ =	sdelay $0x4  }
0x24c: {  	v6 =	vshrl.u32 v5, $0xC  }
0x24d: {  	v6 =	vand.u32 $0xFF0, v6  }
0x24e: {  	v6 =	vor.u32 v1, v6;
	_ =	sdelay $0x4  }
0x24f: {  	v7 =	vld.idx.msk [tilespmem:v6+s14+$0x0], $0xffff;
	_ =	sdelay $0x4  }
0x250: {  	v63 =	vshra.s32 v7, $0xA  }
0x251: {  	v8 =	vmul.u32 $0x5556, v63;
	_ =	sdelay $0x1  }
0x252: {  	v8 =	vshra.s32 v8, $0x10  }
0x253: {  	v7 =	vadd.s32 v7, v8  }
0x254: {  	p0 =	sne.s32 s19, $0xBFF  }
.Ltmp11:
0x255: {  	_ = 	snop;
	(pc) =	sbr.rel @p0 .LBB2_24-.Ltmp11, $3  }
0x256: {  	_ =	sdelay $0x1  }
0x257: {  	[tilespmem:v7+s15+$0x0] =	vst.idx.msk $0xffff, v5  }
0x258: {  	s19 =	sadd.s32 $0x8, s19;
	[tilespmem:v6+s14+$0x0] =	vst.idx.add.s32.msk $0xffff, v2  }
0x259: {  	s19 =	sshra.s32 s20, $0x2;
	s20 =	sadd.s32 $0x200, s20  }
.LBB2_26:
0x25a: {  	p0 =	sne.s32 s20, $0x3E00;
	[tilespmem:s19+$0x18170] =	vst v0  }
0x25b: {  	[tilespmem:s19+$0x18100] =	vst v0  }
0x25c: {  	[tilespmem:s19+$0x18110] =	vst v0  }
.Ltmp12:
0x25d: {  	[tilespmem:s19+$0x18120] =	vst v0;
	(pc) =	sbr.rel @p0 .LBB2_26-.Ltmp12, $4  }
0x25e: {  	[tilespmem:s19+$0x18130] =	vst v0  }
0x25f: {  	[tilespmem:s19+$0x18140] =	vst v0  }
0x260: {  	[tilespmem:s19+$0x18150] =	vst v0  }
0x261: {  	[tilespmem:s19+$0x18160] =	vst v0;
	s19 =	sshra.s32 s20, $0x2;
	s20 =	sadd.s32 $0x200, s20  }
0x262: {  	[tilespmem:s19+$0x18170] =	vst v0  }
0x263: {  	[tilespmem:s19+$0x18100] =	vst v0  }
0x264: {  	[tilespmem:s19+$0x18110] =	vst v0  }
0x265: {  	[tilespmem:s19+$0x18120] =	vst v0  }
0x266: {  	[tilespmem:s19+$0x18130] =	vst v0  }
0x267: {  	[tilespmem:s19+$0x18140] =	vst v0  }
0x268: {  	[tilespmem:s19+$0x18150] =	vst v0  }
0x269: {  	[tilespmem:s19+$0x18160] =	vst v0;
	s19 =	simm.s32 $0x7  }
.LBB2_28:
0x26a: {  	s20 =	sadd.s32 $0xFFFFFFF9, s19  }
0x26b: {  	v5 =	vadd.s32 s20, v3;
	_ =	sdelay $0x4  }
0x26c: {  	v5 =	vld.idx.msk [tilespmem:v5+s15+$0x0], $0xffff;
	_ =	sdelay $0x4  }
0x26d: {  	v5 =	vshrl.u32 v5, $0x14  }
0x26e: {  	v5 =	vand.u32 $0xFF0, v5  }
0x26f: {  	s25 =	sadd.s32 $0xFFFFFFFA, s19;
	v5 =	vor.u32 v1, v5  }
0x270: {  	v6 =	vadd.s32 s25, v3;
	_ =	sdelay $0x3  }
0x271: {  	[tilespmem:v5+s14+$0x0] =	vst.idx.add.s32.msk $0xffff, v2  }
0x272: {  	v5 =	vld.idx.msk [tilespmem:v6+s15+$0x0], $0xffff;
	_ =	sdelay $0x4  }
0x273: {  	v5 =	vshrl.u32 v5, $0x14  }
0x274: {  	v5 =	vand.u32 $0xFF0, v5  }
0x275: {  	s26 =	sadd.s32 $0xFFFFFFFB, s19;
	v5 =	vor.u32 v1, v5  }
0x276: {  	v6 =	vadd.s32 s26, v3;
	_ =	sdelay $0x3  }
0x277: {  	[tilespmem:v5+s14+$0x0] =	vst.idx.add.s32.msk $0xffff, v2  }
0x278: {  	v5 =	vld.idx.msk [tilespmem:v6+s15+$0x0], $0xffff;
	_ =	sdelay $0x4  }
0x279: {  	v5 =	vshrl.u32 v5, $0x14  }
0x27a: {  	v5 =	vand.u32 $0xFF0, v5  }
0x27b: {  	s28 =	sadd.s32 $0xFFFFFFFC, s19;
	v5 =	vor.u32 v1, v5  }
0x27c: {  	v6 =	vadd.s32 s28, v3;
	_ =	sdelay $0x3  }
0x27d: {  	[tilespmem:v5+s14+$0x0] =	vst.idx.add.s32.msk $0xffff, v2  }
0x27e: {  	v5 =	vld.idx.msk [tilespmem:v6+s15+$0x0], $0xffff;
	_ =	sdelay $0x4  }
0x27f: {  	v5 =	vshrl.u32 v5, $0x14  }
0x280: {  	v5 =	vand.u32 $0xFF0, v5  }
0x281: {  	s29 =	sadd.s32 $0xFFFFFFFD, s19;
	v5 =	vor.u32 v1, v5  }
0x282: {  	v6 =	vadd.s32 s29, v3;
	_ =	sdelay $0x3  }
0x283: {  	[tilespmem:v5+s14+$0x0] =	vst.idx.add.s32.msk $0xffff, v2  }
0x284: {  	v5 =	vld.idx.msk [tilespmem:v6+s15+$0x0], $0xffff;
	_ =	sdelay $0x4  }
0x285: {  	v5 =	vshrl.u32 v5, $0x14  }
0x286: {  	v5 =	vand.u32 $0xFF0, v5  }
0x287: {  	s30 =	sadd.s32 $0xFFFFFFFE, s19;
	v5 =	vor.u32 v1, v5  }
0x288: {  	v6 =	vadd.s32 s30, v3;
	_ =	sdelay $0x3  }
0x289: {  	[tilespmem:v5+s14+$0x0] =	vst.idx.add.s32.msk $0xffff, v2  }
0x28a: {  	v5 =	vld.idx.msk [tilespmem:v6+s15+$0x0], $0xffff;
	_ =	sdelay $0x4  }
0x28b: {  	v5 =	vshrl.u32 v5, $0x14  }
0x28c: {  	v5 =	vand.u32 $0xFF0, v5  }
0x28d: {  	s31 =	sadd.s32 $0xFFFFFFFF, s19;
	v5 =	vor.u32 v1, v5  }
0x28e: {  	v6 =	vadd.s32 s31, v3;
	_ =	sdelay $0x3  }
0x28f: {  	[tilespmem:v5+s14+$0x0] =	vst.idx.add.s32.msk $0xffff, v2  }
0x290: {  	v5 =	vld.idx.msk [tilespmem:v6+s15+$0x0], $0xffff;
	_ =	sdelay $0x4  }
0x291: {  	v5 =	vshrl.u32 v5, $0x14  }
0x292: {  	v5 =	vand.u32 $0xFF0, v5  }
0x293: {  	v5 =	vor.u32 v1, v5  }
0x294: {  	v6 =	vadd.s32 s19, v3;
	_ =	sdelay $0x3  }
0x295: {  	[tilespmem:v5+s14+$0x0] =	vst.idx.add.s32.msk $0xffff, v2  }
0x296: {  	v5 =	vld.idx.msk [tilespmem:v6+s15+$0x0], $0xffff;
	_ =	sdelay $0x4  }
0x297: {  	v5 =	vshrl.u32 v5, $0x14  }
0x298: {  	v5 =	vand.u32 $0xFF0, v5  }
0x299: {  	p0 =	sne.s32 s19, $0xBFF;
	v5 =	vor.u32 v1, v5  }
.Ltmp13:
0x29a: {  	_ = 	snop;
	(pc) =	sbr.rel @p0 .LBB2_28-.Ltmp13, $2  }
0x29b: {  	_ =	sdelay $0x2  }
0x29c: {  	s19 =	sadd.s32 $0x8, s19;
	[tilespmem:v5+s14+$0x0] =	vst.idx.add.s32.msk $0xffff, v2  }
0x29d: {  	s22 =	simm.s32 $0x0  }
0x29e: {  	v5 =	vld [tilespmem:s22+$0x18100];
	_ =	sdelay $0x4  }
0x29f: {  	(xrf0) =	vadd.scan.msk.s32 $0xffff, v5;
	_ =	sdelay $0x5  }
0x2a0: {  	v6, _, _ =	vpop (xrf0)  }
0x2a1: {  	s19 =	simm.s32 $0x0;
	(v2sf) =	vpush v6, $0xF  }
0x2a2: {  	v5 =	vsub.s32 s19, v5  }
0x2a3: {  	v5 =	vadd.s32 v6, v5  }
0x2a4: {  	s20 =	simm.s32 $0x10;
	s21 =	simm.s32 $0x80;
	[tilespmem:s22+$0x18100] =	vst v5  }
.LBB2_30:
0x2a5: {  	p0 =	sne.s32 s21, $0x3FC0;
	v5 =	vld [tilespmem:s20+$0x18100];
	_ =	sdelay $0x4  }
0x2a6: {  	(xrf0) =	vadd.scan.msk.s32 $0xffff, v5;
	_ =	sdelay $0x5  }
.Ltmp14:
0x2a7: {  	v6, _, _ =	vpop (xrf0);
	s22 =	spop (v2sf);
	(pc) =	sbr.rel @p0 .LBB2_30-.Ltmp14, $4  }
0x2a8: {  	(v2sf) =	vpush v6, $0xF;
	s19 =	sadd.s32 s19, s22  }
0x2a9: {  	v5 =	vsub.s32 s19, v5  }
0x2aa: {  	v5 =	vadd.s32 v6, v5  }
0x2ab: {  	[tilespmem:s20+$0x18100] =	vst v5;
	s20 =	sshra.s32 s21, $0x2;
	s21 =	sadd.s32 $0x40, s21  }
0x2ac: {  	v5 =	vld [tilespmem:s20+$0x18100];
	_ =	sdelay $0x4  }
0x2ad: {  	(xrf0) =	vadd.scan.msk.s32 $0xffff, v5;
	_ =	sdelay $0x5  }
0x2ae: {  	v6, _, _ =	vpop (xrf0)  }
0x2af: {  	(v2sf) =	vpush v6, $0xF;
	_ =	sdelay $0xa  }
0x2b0: {  	s21 =	spop (v2sf)  }
0x2b1: {  	s19 =	sadd.s32 s19, s21  }
0x2b2: {  	v5 =	vsub.s32 s19, v5  }
0x2b3: {  	v5 =	vadd.s32 v6, v5  }
0x2b4: {  	s19 =	simm.s32 $0x7;
	[tilespmem:s20+$0x18100] =	vst v5;
	s31 =	spop (v2sf)  }
.LBB2_32:
0x2b5: {  	s20 =	sadd.s32 $0xFFFFFFF9, s19  }
0x2b6: {  	v5 =	vadd.s32 s20, v3;
	_ =	sdelay $0x4  }
0x2b7: {  	v5 =	vld.idx.msk [tilespmem:v5+s15+$0x0], $0xffff;
	_ =	sdelay $0x4  }
0x2b8: {  	v6 =	vshrl.u32 v5, $0x14  }
0x2b9: {  	v6 =	vand.u32 $0xFF0, v6  }
0x2ba: {  	v6 =	vor.u32 v1, v6;
	_ =	sdelay $0x4  }
0x2bb: {  	v7 =	vld.idx.msk [tilespmem:v6+s14+$0x0], $0xffff;
	_ =	sdelay $0x4  }
0x2bc: {  	v8 =	vshra.s32 v7, $0xA  }
0x2bd: {  	v8 =	vmul.u32 $0x5556, v8;
	_ =	sdelay $0x1  }
0x2be: {  	v8 =	vshra.s32 v8, $0x10  }
0x2bf: {  	v7 =	vadd.s32 v7, v8  }
0x2c0: {  	s25 =	sadd.s32 $0xFFFFFFFA, s19  }
0x2c1: {  	v50 =	vadd.s32 s25, v3;
	_ =	sdelay $0x2  }
0x2c2: {  	[tilespmem:v7+s2+$0x0] =	vst.idx.msk $0xffff, v5  }
0x2c3: {  	[tilespmem:v6+s14+$0x0] =	vst.idx.add.s32.msk $0xffff, v2  }
0x2c4: {  	v5 =	vld.idx.msk [tilespmem:v50+s15+$0x0], $0xffff;
	_ =	sdelay $0x4  }
0x2c5: {  	v6 =	vshrl.u32 v5, $0x14  }
0x2c6: {  	v6 =	vand.u32 $0xFF0, v6  }
0x2c7: {  	v6 =	vor.u32 v1, v6;
	_ =	sdelay $0x4  }
0x2c8: {  	v7 =	vld.idx.msk [tilespmem:v6+s14+$0x0], $0xffff;
	_ =	sdelay $0x4  }
0x2c9: {  	v51 =	vshra.s32 v7, $0xA  }
0x2ca: {  	v8 =	vmul.u32 $0x5556, v51;
	_ =	sdelay $0x1  }
0x2cb: {  	v8 =	vshra.s32 v8, $0x10  }
0x2cc: {  	v7 =	vadd.s32 v7, v8  }
0x2cd: {  	s26 =	sadd.s32 $0xFFFFFFFB, s19  }
0x2ce: {  	v52 =	vadd.s32 s26, v3;
	_ =	sdelay $0x2  }
0x2cf: {  	[tilespmem:v7+s2+$0x0] =	vst.idx.msk $0xffff, v5  }
0x2d0: {  	[tilespmem:v6+s14+$0x0] =	vst.idx.add.s32.msk $0xffff, v2  }
0x2d1: {  	v5 =	vld.idx.msk [tilespmem:v52+s15+$0x0], $0xffff;
	_ =	sdelay $0x4  }
0x2d2: {  	v6 =	vshrl.u32 v5, $0x14  }
0x2d3: {  	v6 =	vand.u32 $0xFF0, v6  }
0x2d4: {  	v6 =	vor.u32 v1, v6;
	_ =	sdelay $0x4  }
0x2d5: {  	v7 =	vld.idx.msk [tilespmem:v6+s14+$0x0], $0xffff;
	_ =	sdelay $0x4  }
0x2d6: {  	v53 =	vshra.s32 v7, $0xA  }
0x2d7: {  	v8 =	vmul.u32 $0x5556, v53;
	_ =	sdelay $0x1  }
0x2d8: {  	v8 =	vshra.s32 v8, $0x10  }
0x2d9: {  	v7 =	vadd.s32 v7, v8  }
0x2da: {  	s28 =	sadd.s32 $0xFFFFFFFC, s19  }
0x2db: {  	v54 =	vadd.s32 s28, v3;
	_ =	sdelay $0x2  }
0x2dc: {  	[tilespmem:v7+s2+$0x0] =	vst.idx.msk $0xffff, v5  }
0x2dd: {  	[tilespmem:v6+s14+$0x0] =	vst.idx.add.s32.msk $0xffff, v2  }
0x2de: {  	v5 =	vld.idx.msk [tilespmem:v54+s15+$0x0], $0xffff;
	_ =	sdelay $0x4  }
0x2df: {  	v6 =	vshrl.u32 v5, $0x14  }
0x2e0: {  	v6 =	vand.u32 $0xFF0, v6  }
0x2e1: {  	v6 =	vor.u32 v1, v6;
	_ =	sdelay $0x4  }
0x2e2: {  	v7 =	vld.idx.msk [tilespmem:v6+s14+$0x0], $0xffff;
	_ =	sdelay $0x4  }
0x2e3: {  	v55 =	vshra.s32 v7, $0xA  }
0x2e4: {  	v8 =	vmul.u32 $0x5556, v55;
	_ =	sdelay $0x1  }
0x2e5: {  	v8 =	vshra.s32 v8, $0x10  }
0x2e6: {  	v7 =	vadd.s32 v7, v8  }
0x2e7: {  	s29 =	sadd.s32 $0xFFFFFFFD, s19  }
0x2e8: {  	v56 =	vadd.s32 s29, v3;
	_ =	sdelay $0x2  }
0x2e9: {  	[tilespmem:v7+s2+$0x0] =	vst.idx.msk $0xffff, v5  }
0x2ea: {  	[tilespmem:v6+s14+$0x0] =	vst.idx.add.s32.msk $0xffff, v2  }
0x2eb: {  	v5 =	vld.idx.msk [tilespmem:v56+s15+$0x0], $0xffff;
	_ =	sdelay $0x4  }
0x2ec: {  	v6 =	vshrl.u32 v5, $0x14  }
0x2ed: {  	v6 =	vand.u32 $0xFF0, v6  }
0x2ee: {  	v6 =	vor.u32 v1, v6;
	_ =	sdelay $0x4  }
0x2ef: {  	v7 =	vld.idx.msk [tilespmem:v6+s14+$0x0], $0xffff;
	_ =	sdelay $0x4  }
0x2f0: {  	v57 =	vshra.s32 v7, $0xA  }
0x2f1: {  	v8 =	vmul.u32 $0x5556, v57;
	_ =	sdelay $0x1  }
0x2f2: {  	v8 =	vshra.s32 v8, $0x10  }
0x2f3: {  	v7 =	vadd.s32 v7, v8  }
0x2f4: {  	s30 =	sadd.s32 $0xFFFFFFFE, s19  }
0x2f5: {  	v58 =	vadd.s32 s30, v3;
	_ =	sdelay $0x2  }
0x2f6: {  	[tilespmem:v7+s2+$0x0] =	vst.idx.msk $0xffff, v5  }
0x2f7: {  	[tilespmem:v6+s14+$0x0] =	vst.idx.add.s32.msk $0xffff, v2  }
0x2f8: {  	v5 =	vld.idx.msk [tilespmem:v58+s15+$0x0], $0xffff;
	_ =	sdelay $0x4  }
0x2f9: {  	v6 =	vshrl.u32 v5, $0x14  }
0x2fa: {  	v6 =	vand.u32 $0xFF0, v6  }
0x2fb: {  	v6 =	vor.u32 v1, v6;
	_ =	sdelay $0x4  }
0x2fc: {  	v7 =	vld.idx.msk [tilespmem:v6+s14+$0x0], $0xffff;
	_ =	sdelay $0x4  }
0x2fd: {  	v59 =	vshra.s32 v7, $0xA  }
0x2fe: {  	v8 =	vmul.u32 $0x5556, v59;
	_ =	sdelay $0x1  }
0x2ff: {  	v8 =	vshra.s32 v8, $0x10  }
0x300: {  	v7 =	vadd.s32 v7, v8  }
0x301: {  	s31 =	sadd.s32 $0xFFFFFFFF, s19  }
0x302: {  	v60 =	vadd.s32 s31, v3;
	_ =	sdelay $0x2  }
0x303: {  	[tilespmem:v7+s2+$0x0] =	vst.idx.msk $0xffff, v5  }
0x304: {  	[tilespmem:v6+s14+$0x0] =	vst.idx.add.s32.msk $0xffff, v2  }
0x305: {  	v5 =	vld.idx.msk [tilespmem:v60+s15+$0x0], $0xffff;
	_ =	sdelay $0x4  }
0x306: {  	v6 =	vshrl.u32 v5, $0x14  }
0x307: {  	v6 =	vand.u32 $0xFF0, v6  }
0x308: {  	v6 =	vor.u32 v1, v6;
	_ =	sdelay $0x4  }
0x309: {  	v7 =	vld.idx.msk [tilespmem:v6+s14+$0x0], $0xffff;
	_ =	sdelay $0x4  }
0x30a: {  	v61 =	vshra.s32 v7, $0xA  }
0x30b: {  	v8 =	vmul.u32 $0x5556, v61;
	_ =	sdelay $0x1  }
0x30c: {  	v8 =	vshra.s32 v8, $0x10  }
0x30d: {  	v7 =	vadd.s32 v7, v8;
	_ =	sdelay $0x1  }
0x30e: {  	v62 =	vadd.s32 s19, v3;
	_ =	sdelay $0x2  }
0x30f: {  	[tilespmem:v7+s2+$0x0] =	vst.idx.msk $0xffff, v5  }
0x310: {  	[tilespmem:v6+s14+$0x0] =	vst.idx.add.s32.msk $0xffff, v2  }
0x311: {  	v5 =	vld.idx.msk [tilespmem:v62+s15+$0x0], $0xffff;
	_ =	sdelay $0x4  }
0x312: {  	v6 =	vshrl.u32 v5, $0x14  }
0x313: {  	v6 =	vand.u32 $0xFF0, v6  }
0x314: {  	v6 =	vor.u32 v1, v6;
	_ =	sdelay $0x4  }
0x315: {  	v7 =	vld.idx.msk [tilespmem:v6+s14+$0x0], $0xffff;
	_ =	sdelay $0x4  }
0x316: {  	v63 =	vshra.s32 v7, $0xA  }
0x317: {  	v8 =	vmul.u32 $0x5556, v63;
	_ =	sdelay $0x1  }
0x318: {  	v8 =	vshra.s32 v8, $0x10  }
0x319: {  	v7 =	vadd.s32 v7, v8  }
0x31a: {  	p0 =	sne.s32 s19, $0xBFF  }
.Ltmp15:
0x31b: {  	_ = 	snop;
	(pc) =	sbr.rel @p0 .LBB2_32-.Ltmp15, $3  }
0x31c: {  	_ =	sdelay $0x1  }
0x31d: {  	[tilespmem:v7+s2+$0x0] =	vst.idx.msk $0xffff, v5  }
0x31e: {  	s19 =	sadd.s32 $0x8, s19;
	[tilespmem:v6+s14+$0x0] =	vst.idx.add.s32.msk $0xffff, v2  }
0x31f: {  	s20 =	simm.s32 $0x0  }
0x320: {  	[hbm4b:s16+s20] =	stream.linear.scatter [tilespmem:s20], [sflag:$0x1], $0xC010, $0x38;
	[tilespmem:$0x19180] =	vst v63  }
0x321: {  	_ =	swait.ge [sflag:s11], $0xC010  }
0x322: {  	[sflag:s11] =	ssyncset.done $0x0  }
0x323: {  	[sflag:s11] =	ssyncadd.s32 $0xFFFF3FF0  }
0x324: {  	[tilespmem:s20], [sflag:$0x1] =	stream.linear.gather [hbm4b:s6+s20], $0x4000, $0x38;
	[tilespmem:$0x19180] =	vst v63  }
0x325: {  	_ =	swait.ge [sflag:s11], $0x4000  }
0x326: {  	[sflag:s11] =	ssyncset.done $0x0  }
0x327: {  	[sflag:s11] =	ssyncadd.s32 $0xFFFFC000  }
0x328: {  	[tilespmem:s12], [sflag:$0x1] =	stream.linear.gather [hbm4b:s7+s20], $0x4000, $0x38;
	[tilespmem:$0x19180] =	vst v63  }
0x329: {  	_ =	swait.ge [sflag:s11], $0x4000  }
0x32a: {  	[sflag:s11] =	ssyncset.done $0x0  }
0x32b: {  	[sflag:s11] =	ssyncadd.s32 $0xFFFFC000  }
0x32c: {  	[tilespmem:s13], [sflag:$0x1] =	stream.linear.gather [hbm4b:s8+s20], $0x4000, $0x38;
	[tilespmem:$0x19180] =	vst v63  }
0x32d: {  	_ =	swait.ge [sflag:s11], $0x4000  }
0x32e: {  	[sflag:s11] =	ssyncset.done $0x0  }
0x32f: {  	s19 =	simm.s32 $0x0;
	s21 =	simm.s32 $0x200;
	[sflag:s11] =	ssyncadd.s32 $0xFFFFC000  }
.LBB2_34:
0x330: {  	p0 =	sne.s32 s21, $0x3E00;
	[tilespmem:s19+$0x18170] =	vst v0  }
0x331: {  	[tilespmem:s19+$0x18100] =	vst v0  }
0x332: {  	[tilespmem:s19+$0x18110] =	vst v0  }
.Ltmp16:
0x333: {  	[tilespmem:s19+$0x18120] =	vst v0;
	(pc) =	sbr.rel @p0 .LBB2_34-.Ltmp16, $4  }
0x334: {  	[tilespmem:s19+$0x18130] =	vst v0  }
0x335: {  	[tilespmem:s19+$0x18140] =	vst v0  }
0x336: {  	[tilespmem:s19+$0x18150] =	vst v0  }
0x337: {  	[tilespmem:s19+$0x18160] =	vst v0;
	s19 =	sshra.s32 s21, $0x2;
	s21 =	sadd.s32 $0x200, s21  }
0x338: {  	[tilespmem:s19+$0x18170] =	vst v0  }
0x339: {  	[tilespmem:s19+$0x18100] =	vst v0  }
0x33a: {  	[tilespmem:s19+$0x18110] =	vst v0  }
0x33b: {  	[tilespmem:s19+$0x18120] =	vst v0  }
0x33c: {  	[tilespmem:s19+$0x18130] =	vst v0  }
0x33d: {  	[tilespmem:s19+$0x18140] =	vst v0  }
0x33e: {  	[tilespmem:s19+$0x18150] =	vst v0  }
0x33f: {  	[tilespmem:s19+$0x18160] =	vst v0  }
.LBB2_36:
0x340: {  	s19 =	sshra.s32 s20, $0x2  }
0x341: {  	v5 =	vld [tilespmem:s19+$0x0];
	_ =	sdelay $0x4  }
0x342: {  	v5 =	vshll.u32 v5, $0x4  }
0x343: {  	v5 =	vor.u32 v1, v5  }
0x344: {  	v5 =	vand.u32 $0xFFF, v5;
	_ =	sdelay $0x4  }
0x345: {  	[tilespmem:v5+s14+$0x0] =	vst.idx.add.s32.msk $0xffff, v2  }
0x346: {  	v5 =	vld [tilespmem:s19+$0x10];
	_ =	sdelay $0x4  }
0x347: {  	v5 =	vshll.u32 v5, $0x4  }
0x348: {  	v5 =	vor.u32 v1, v5  }
0x349: {  	v5 =	vand.u32 $0xFFF, v5;
	_ =	sdelay $0x4  }
0x34a: {  	[tilespmem:v5+s14+$0x0] =	vst.idx.add.s32.msk $0xffff, v2  }
0x34b: {  	v5 =	vld [tilespmem:s19+$0x20];
	_ =	sdelay $0x4  }
0x34c: {  	v5 =	vshll.u32 v5, $0x4  }
0x34d: {  	v5 =	vor.u32 v1, v5  }
0x34e: {  	v5 =	vand.u32 $0xFFF, v5;
	_ =	sdelay $0x4  }
0x34f: {  	[tilespmem:v5+s14+$0x0] =	vst.idx.add.s32.msk $0xffff, v2  }
0x350: {  	v5 =	vld [tilespmem:s19+$0x30];
	_ =	sdelay $0x4  }
0x351: {  	v5 =	vshll.u32 v5, $0x4  }
0x352: {  	v5 =	vor.u32 v1, v5  }
0x353: {  	v5 =	vand.u32 $0xFFF, v5;
	_ =	sdelay $0x4  }
0x354: {  	[tilespmem:v5+s14+$0x0] =	vst.idx.add.s32.msk $0xffff, v2  }
0x355: {  	v5 =	vld [tilespmem:s19+$0x40];
	_ =	sdelay $0x4  }
0x356: {  	v5 =	vshll.u32 v5, $0x4  }
0x357: {  	v5 =	vor.u32 v1, v5  }
0x358: {  	v5 =	vand.u32 $0xFFF, v5;
	_ =	sdelay $0x4  }
0x359: {  	[tilespmem:v5+s14+$0x0] =	vst.idx.add.s32.msk $0xffff, v2  }
0x35a: {  	v5 =	vld [tilespmem:s19+$0x50];
	_ =	sdelay $0x4  }
0x35b: {  	v5 =	vshll.u32 v5, $0x4  }
0x35c: {  	v5 =	vor.u32 v1, v5  }
0x35d: {  	v5 =	vand.u32 $0xFFF, v5;
	_ =	sdelay $0x4  }
0x35e: {  	[tilespmem:v5+s14+$0x0] =	vst.idx.add.s32.msk $0xffff, v2  }
0x35f: {  	v5 =	vld [tilespmem:s19+$0x60];
	_ =	sdelay $0x4  }
0x360: {  	v5 =	vshll.u32 v5, $0x4  }
0x361: {  	v5 =	vor.u32 v1, v5  }
0x362: {  	v5 =	vand.u32 $0xFFF, v5;
	_ =	sdelay $0x4  }
0x363: {  	[tilespmem:v5+s14+$0x0] =	vst.idx.add.s32.msk $0xffff, v2  }
0x364: {  	v5 =	vld [tilespmem:s19+$0x70];
	_ =	sdelay $0x4  }
0x365: {  	v5 =	vshll.u32 v5, $0x4  }
0x366: {  	v5 =	vor.u32 v1, v5  }
0x367: {  	p0 =	sne.s32 s20, $0x2FE00;
	v5 =	vand.u32 $0xFFF, v5  }
.Ltmp17:
0x368: {  	_ = 	snop;
	(pc) =	sbr.rel @p0 .LBB2_36-.Ltmp17, $2  }
0x369: {  	_ =	sdelay $0x2  }
0x36a: {  	s20 =	sadd.s32 $0x200, s20;
	s19 =	simm.s32 $0x0;
	[tilespmem:v5+s14+$0x0] =	vst.idx.add.s32.msk $0xffff, v2  }
0x36b: {  	s21 =	sshra.s32 s19, $0x2  }
0x36c: {  	v5 =	vld [tilespmem:s21+$0x18100];
	_ =	sdelay $0x4  }
0x36d: {  	(xrf0) =	vadd.scan.msk.s32 $0xffff, v5;
	_ =	sdelay $0x5  }
0x36e: {  	v6, _, _ =	vpop (xrf0)  }
0x36f: {  	(v2sf) =	vpush v6, $0xF  }
0x370: {  	v5 =	vsub.s32 s19, v5  }
0x371: {  	s22 =	sadd.s32 $0x40, s19;
	v5 =	vadd.s32 v6, v5  }
0x372: {  	s20 =	sshra.s32 s22, $0x2;
	s22 =	sadd.s32 $0x40, s22;
	[tilespmem:s21+$0x18100] =	vst v5;
	s21 =	simm.s32 $0x0  }
.LBB2_38:
0x373: {  	p0 =	sne.s32 s22, $0x3FC0;
	v5 =	vld [tilespmem:s20+$0x18100];
	_ =	sdelay $0x4  }
0x374: {  	(xrf0) =	vadd.scan.msk.s32 $0xffff, v5;
	_ =	sdelay $0x5  }
.Ltmp18:
0x375: {  	v6, _, _ =	vpop (xrf0);
	s23 =	spop (v2sf);
	(pc) =	sbr.rel @p0 .LBB2_38-.Ltmp18, $4  }
0x376: {  	(v2sf) =	vpush v6, $0xF;
	s21 =	sadd.s32 s21, s23  }
0x377: {  	v5 =	vsub.s32 s21, v5  }
0x378: {  	v5 =	vadd.s32 v6, v5  }
0x379: {  	[tilespmem:s20+$0x18100] =	vst v5;
	s20 =	sshra.s32 s22, $0x2;
	s22 =	sadd.s32 $0x40, s22  }
0x37a: {  	v5 =	vld [tilespmem:s20+$0x18100];
	_ =	sdelay $0x4  }
0x37b: {  	(xrf0) =	vadd.scan.msk.s32 $0xffff, v5;
	_ =	sdelay $0x5  }
0x37c: {  	v6, _, _ =	vpop (xrf0)  }
0x37d: {  	(v2sf) =	vpush v6, $0xF;
	_ =	sdelay $0xa  }
0x37e: {  	s22 =	spop (v2sf)  }
0x37f: {  	s21 =	sadd.s32 s21, s22  }
0x380: {  	v5 =	vsub.s32 s21, v5  }
0x381: {  	v5 =	vadd.s32 v6, v5  }
0x382: {  	[tilespmem:s20+$0x18100] =	vst v5;
	s31 =	spop (v2sf)  }
.LBB2_40:
0x383: {  	s20 =	sshra.s32 s19, $0x2  }
0x384: {  	v5 =	vld [tilespmem:s20+$0x0];
	_ =	sdelay $0x4  }
0x385: {  	v6 =	vshll.u32 v5, $0x4  }
0x386: {  	v6 =	vor.u32 v1, v6  }
0x387: {  	v6 =	vand.u32 $0xFFF, v6;
	_ =	sdelay $0x4  }
0x388: {  	v7 =	vld.idx.msk [tilespmem:v6+s14+$0x0], $0xffff;
	_ =	sdelay $0x4  }
0x389: {  	v8 =	vshra.s32 v7, $0xA  }
0x38a: {  	v8 =	vmul.u32 $0x5556, v8;
	_ =	sdelay $0x1  }
0x38b: {  	v8 =	vshra.s32 v8, $0x10  }
0x38c: {  	v7 =	vadd.s32 v7, v8;
	_ =	sdelay $0x4  }
0x38d: {  	[tilespmem:v7+s15+$0x0] =	vst.idx.msk $0xffff, v5  }
0x38e: {  	[tilespmem:v6+s14+$0x0] =	vst.idx.add.s32.msk $0xffff, v2  }
0x38f: {  	v5 =	vld [tilespmem:s20+$0x10];
	_ =	sdelay $0x4  }
0x390: {  	v6 =	vshll.u32 v5, $0x4  }
0x391: {  	v6 =	vor.u32 v1, v6  }
0x392: {  	v6 =	vand.u32 $0xFFF, v6;
	_ =	sdelay $0x4  }
0x393: {  	v7 =	vld.idx.msk [tilespmem:v6+s14+$0x0], $0xffff;
	_ =	sdelay $0x4  }
0x394: {  	v57 =	vshra.s32 v7, $0xA  }
0x395: {  	v8 =	vmul.u32 $0x5556, v57;
	_ =	sdelay $0x1  }
0x396: {  	v8 =	vshra.s32 v8, $0x10  }
0x397: {  	v7 =	vadd.s32 v7, v8;
	_ =	sdelay $0x4  }
0x398: {  	[tilespmem:v7+s15+$0x0] =	vst.idx.msk $0xffff, v5  }
0x399: {  	[tilespmem:v6+s14+$0x0] =	vst.idx.add.s32.msk $0xffff, v2  }
0x39a: {  	v5 =	vld [tilespmem:s20+$0x20];
	_ =	sdelay $0x4  }
0x39b: {  	v6 =	vshll.u32 v5, $0x4  }
0x39c: {  	v6 =	vor.u32 v1, v6  }
0x39d: {  	v6 =	vand.u32 $0xFFF, v6;
	_ =	sdelay $0x4  }
0x39e: {  	v7 =	vld.idx.msk [tilespmem:v6+s14+$0x0], $0xffff;
	_ =	sdelay $0x4  }
0x39f: {  	v58 =	vshra.s32 v7, $0xA  }
0x3a0: {  	v8 =	vmul.u32 $0x5556, v58;
	_ =	sdelay $0x1  }
0x3a1: {  	v8 =	vshra.s32 v8, $0x10  }
0x3a2: {  	v7 =	vadd.s32 v7, v8;
	_ =	sdelay $0x4  }
0x3a3: {  	[tilespmem:v7+s15+$0x0] =	vst.idx.msk $0xffff, v5  }
0x3a4: {  	[tilespmem:v6+s14+$0x0] =	vst.idx.add.s32.msk $0xffff, v2  }
0x3a5: {  	v5 =	vld [tilespmem:s20+$0x30];
	_ =	sdelay $0x4  }
0x3a6: {  	v6 =	vshll.u32 v5, $0x4  }
0x3a7: {  	v6 =	vor.u32 v1, v6  }
0x3a8: {  	v6 =	vand.u32 $0xFFF, v6;
	_ =	sdelay $0x4  }
0x3a9: {  	v7 =	vld.idx.msk [tilespmem:v6+s14+$0x0], $0xffff;
	_ =	sdelay $0x4  }
0x3aa: {  	v59 =	vshra.s32 v7, $0xA  }
0x3ab: {  	v8 =	vmul.u32 $0x5556, v59;
	_ =	sdelay $0x1  }
0x3ac: {  	v8 =	vshra.s32 v8, $0x10  }
0x3ad: {  	v7 =	vadd.s32 v7, v8;
	_ =	sdelay $0x4  }
0x3ae: {  	[tilespmem:v7+s15+$0x0] =	vst.idx.msk $0xffff, v5  }
0x3af: {  	[tilespmem:v6+s14+$0x0] =	vst.idx.add.s32.msk $0xffff, v2  }
0x3b0: {  	v5 =	vld [tilespmem:s20+$0x40];
	_ =	sdelay $0x4  }
0x3b1: {  	v6 =	vshll.u32 v5, $0x4  }
0x3b2: {  	v6 =	vor.u32 v1, v6  }
0x3b3: {  	v6 =	vand.u32 $0xFFF, v6;
	_ =	sdelay $0x4  }
0x3b4: {  	v7 =	vld.idx.msk [tilespmem:v6+s14+$0x0], $0xffff;
	_ =	sdelay $0x4  }
0x3b5: {  	v60 =	vshra.s32 v7, $0xA  }
0x3b6: {  	v8 =	vmul.u32 $0x5556, v60;
	_ =	sdelay $0x1  }
0x3b7: {  	v8 =	vshra.s32 v8, $0x10  }
0x3b8: {  	v7 =	vadd.s32 v7, v8;
	_ =	sdelay $0x4  }
0x3b9: {  	[tilespmem:v7+s15+$0x0] =	vst.idx.msk $0xffff, v5  }
0x3ba: {  	[tilespmem:v6+s14+$0x0] =	vst.idx.add.s32.msk $0xffff, v2  }
0x3bb: {  	v5 =	vld [tilespmem:s20+$0x50];
	_ =	sdelay $0x4  }
0x3bc: {  	v6 =	vshll.u32 v5, $0x4  }
0x3bd: {  	v6 =	vor.u32 v1, v6  }
0x3be: {  	v6 =	vand.u32 $0xFFF, v6;
	_ =	sdelay $0x4  }
0x3bf: {  	v7 =	vld.idx.msk [tilespmem:v6+s14+$0x0], $0xffff;
	_ =	sdelay $0x4  }
0x3c0: {  	v61 =	vshra.s32 v7, $0xA  }
0x3c1: {  	v8 =	vmul.u32 $0x5556, v61;
	_ =	sdelay $0x1  }
0x3c2: {  	v8 =	vshra.s32 v8, $0x10  }
0x3c3: {  	v7 =	vadd.s32 v7, v8;
	_ =	sdelay $0x4  }
0x3c4: {  	[tilespmem:v7+s15+$0x0] =	vst.idx.msk $0xffff, v5  }
0x3c5: {  	[tilespmem:v6+s14+$0x0] =	vst.idx.add.s32.msk $0xffff, v2  }
0x3c6: {  	v5 =	vld [tilespmem:s20+$0x60];
	_ =	sdelay $0x4  }
0x3c7: {  	v6 =	vshll.u32 v5, $0x4  }
0x3c8: {  	v6 =	vor.u32 v1, v6  }
0x3c9: {  	v6 =	vand.u32 $0xFFF, v6;
	_ =	sdelay $0x4  }
0x3ca: {  	v7 =	vld.idx.msk [tilespmem:v6+s14+$0x0], $0xffff;
	_ =	sdelay $0x4  }
0x3cb: {  	v62 =	vshra.s32 v7, $0xA  }
0x3cc: {  	v8 =	vmul.u32 $0x5556, v62;
	_ =	sdelay $0x1  }
0x3cd: {  	v8 =	vshra.s32 v8, $0x10  }
0x3ce: {  	v7 =	vadd.s32 v7, v8;
	_ =	sdelay $0x4  }
0x3cf: {  	[tilespmem:v7+s15+$0x0] =	vst.idx.msk $0xffff, v5  }
0x3d0: {  	[tilespmem:v6+s14+$0x0] =	vst.idx.add.s32.msk $0xffff, v2  }
0x3d1: {  	v5 =	vld [tilespmem:s20+$0x70];
	_ =	sdelay $0x4  }
0x3d2: {  	v6 =	vshll.u32 v5, $0x4  }
0x3d3: {  	v6 =	vor.u32 v1, v6  }
0x3d4: {  	v6 =	vand.u32 $0xFFF, v6;
	_ =	sdelay $0x4  }
0x3d5: {  	v7 =	vld.idx.msk [tilespmem:v6+s14+$0x0], $0xffff;
	_ =	sdelay $0x4  }
0x3d6: {  	v63 =	vshra.s32 v7, $0xA  }
0x3d7: {  	v8 =	vmul.u32 $0x5556, v63;
	_ =	sdelay $0x1  }
0x3d8: {  	v8 =	vshra.s32 v8, $0x10  }
0x3d9: {  	v7 =	vadd.s32 v7, v8  }
0x3da: {  	p0 =	sne.s32 s19, $0x2FE00  }
.Ltmp19:
0x3db: {  	_ = 	snop;
	(pc) =	sbr.rel @p0 .LBB2_40-.Ltmp19, $3  }
0x3dc: {  	_ =	sdelay $0x1  }
0x3dd: {  	[tilespmem:v7+s15+$0x0] =	vst.idx.msk $0xffff, v5  }
0x3de: {  	s19 =	sadd.s32 $0x200, s19;
	[tilespmem:v6+s14+$0x0] =	vst.idx.add.s32.msk $0xffff, v2  }
0x3df: {  	s19 =	simm.s32 $0x0;
	s20 =	simm.s32 $0x200  }
.LBB2_42:
0x3e0: {  	p0 =	sne.s32 s20, $0x3E00;
	[tilespmem:s19+$0x18170] =	vst v0  }
0x3e1: {  	[tilespmem:s19+$0x18100] =	vst v0  }
0x3e2: {  	[tilespmem:s19+$0x18110] =	vst v0  }
.Ltmp20:
0x3e3: {  	[tilespmem:s19+$0x18120] =	vst v0;
	(pc) =	sbr.rel @p0 .LBB2_42-.Ltmp20, $4  }
0x3e4: {  	[tilespmem:s19+$0x18130] =	vst v0  }
0x3e5: {  	[tilespmem:s19+$0x18140] =	vst v0  }
0x3e6: {  	[tilespmem:s19+$0x18150] =	vst v0  }
0x3e7: {  	[tilespmem:s19+$0x18160] =	vst v0;
	s19 =	sshra.s32 s20, $0x2;
	s20 =	sadd.s32 $0x200, s20  }
0x3e8: {  	[tilespmem:s19+$0x18170] =	vst v0  }
0x3e9: {  	[tilespmem:s19+$0x18100] =	vst v0  }
0x3ea: {  	[tilespmem:s19+$0x18110] =	vst v0  }
0x3eb: {  	[tilespmem:s19+$0x18120] =	vst v0  }
0x3ec: {  	[tilespmem:s19+$0x18130] =	vst v0  }
0x3ed: {  	[tilespmem:s19+$0x18140] =	vst v0  }
0x3ee: {  	[tilespmem:s19+$0x18150] =	vst v0  }
0x3ef: {  	[tilespmem:s19+$0x18160] =	vst v0;
	s19 =	simm.s32 $0x7  }
.LBB2_44:
0x3f0: {  	s20 =	sadd.s32 $0xFFFFFFF9, s19  }
0x3f1: {  	v5 =	vadd.s32 s20, v3;
	_ =	sdelay $0x4  }
0x3f2: {  	v5 =	vld.idx.msk [tilespmem:v5+s15+$0x0], $0xffff;
	_ =	sdelay $0x4  }
0x3f3: {  	v5 =	vshrl.u32 v5, $0x4  }
0x3f4: {  	v5 =	vand.u32 $0xFF0, v5  }
0x3f5: {  	s25 =	sadd.s32 $0xFFFFFFFA, s19;
	v5 =	vor.u32 v1, v5  }
0x3f6: {  	v6 =	vadd.s32 s25, v3;
	_ =	sdelay $0x3  }
0x3f7: {  	[tilespmem:v5+s14+$0x0] =	vst.idx.add.s32.msk $0xffff, v2  }
0x3f8: {  	v5 =	vld.idx.msk [tilespmem:v6+s15+$0x0], $0xffff;
	_ =	sdelay $0x4  }
0x3f9: {  	v5 =	vshrl.u32 v5, $0x4  }
0x3fa: {  	v5 =	vand.u32 $0xFF0, v5  }
0x3fb: {  	s26 =	sadd.s32 $0xFFFFFFFB, s19;
	v5 =	vor.u32 v1, v5  }
0x3fc: {  	v6 =	vadd.s32 s26, v3;
	_ =	sdelay $0x3  }
0x3fd: {  	[tilespmem:v5+s14+$0x0] =	vst.idx.add.s32.msk $0xffff, v2  }
0x3fe: {  	v5 =	vld.idx.msk [tilespmem:v6+s15+$0x0], $0xffff;
	_ =	sdelay $0x4  }
0x3ff: {  	v5 =	vshrl.u32 v5, $0x4  }
0x400: {  	v5 =	vand.u32 $0xFF0, v5  }
0x401: {  	s28 =	sadd.s32 $0xFFFFFFFC, s19;
	v5 =	vor.u32 v1, v5  }
0x402: {  	v6 =	vadd.s32 s28, v3;
	_ =	sdelay $0x3  }
0x403: {  	[tilespmem:v5+s14+$0x0] =	vst.idx.add.s32.msk $0xffff, v2  }
0x404: {  	v5 =	vld.idx.msk [tilespmem:v6+s15+$0x0], $0xffff;
	_ =	sdelay $0x4  }
0x405: {  	v5 =	vshrl.u32 v5, $0x4  }
0x406: {  	v5 =	vand.u32 $0xFF0, v5  }
0x407: {  	s29 =	sadd.s32 $0xFFFFFFFD, s19;
	v5 =	vor.u32 v1, v5  }
0x408: {  	v6 =	vadd.s32 s29, v3;
	_ =	sdelay $0x3  }
0x409: {  	[tilespmem:v5+s14+$0x0] =	vst.idx.add.s32.msk $0xffff, v2  }
0x40a: {  	v5 =	vld.idx.msk [tilespmem:v6+s15+$0x0], $0xffff;
	_ =	sdelay $0x4  }
0x40b: {  	v5 =	vshrl.u32 v5, $0x4  }
0x40c: {  	v5 =	vand.u32 $0xFF0, v5  }
0x40d: {  	s30 =	sadd.s32 $0xFFFFFFFE, s19;
	v5 =	vor.u32 v1, v5  }
0x40e: {  	v6 =	vadd.s32 s30, v3;
	_ =	sdelay $0x3  }
0x40f: {  	[tilespmem:v5+s14+$0x0] =	vst.idx.add.s32.msk $0xffff, v2  }
0x410: {  	v5 =	vld.idx.msk [tilespmem:v6+s15+$0x0], $0xffff;
	_ =	sdelay $0x4  }
0x411: {  	v5 =	vshrl.u32 v5, $0x4  }
0x412: {  	v5 =	vand.u32 $0xFF0, v5  }
0x413: {  	s31 =	sadd.s32 $0xFFFFFFFF, s19;
	v5 =	vor.u32 v1, v5  }
0x414: {  	v6 =	vadd.s32 s31, v3;
	_ =	sdelay $0x3  }
0x415: {  	[tilespmem:v5+s14+$0x0] =	vst.idx.add.s32.msk $0xffff, v2  }
0x416: {  	v5 =	vld.idx.msk [tilespmem:v6+s15+$0x0], $0xffff;
	_ =	sdelay $0x4  }
0x417: {  	v5 =	vshrl.u32 v5, $0x4  }
0x418: {  	v5 =	vand.u32 $0xFF0, v5  }
0x419: {  	v5 =	vor.u32 v1, v5  }
0x41a: {  	v6 =	vadd.s32 s19, v3;
	_ =	sdelay $0x3  }
0x41b: {  	[tilespmem:v5+s14+$0x0] =	vst.idx.add.s32.msk $0xffff, v2  }
0x41c: {  	v5 =	vld.idx.msk [tilespmem:v6+s15+$0x0], $0xffff;
	_ =	sdelay $0x4  }
0x41d: {  	v5 =	vshrl.u32 v5, $0x4  }
0x41e: {  	v5 =	vand.u32 $0xFF0, v5  }
0x41f: {  	p0 =	sne.s32 s19, $0xBFF;
	v5 =	vor.u32 v1, v5  }
.Ltmp21:
0x420: {  	_ = 	snop;
	(pc) =	sbr.rel @p0 .LBB2_44-.Ltmp21, $2  }
0x421: {  	_ =	sdelay $0x2  }
0x422: {  	s19 =	sadd.s32 $0x8, s19;
	[tilespmem:v5+s14+$0x0] =	vst.idx.add.s32.msk $0xffff, v2  }
0x423: {  	s22 =	simm.s32 $0x0  }
0x424: {  	v5 =	vld [tilespmem:s22+$0x18100];
	_ =	sdelay $0x4  }
0x425: {  	(xrf0) =	vadd.scan.msk.s32 $0xffff, v5;
	_ =	sdelay $0x5  }
0x426: {  	v6, _, _ =	vpop (xrf0)  }
0x427: {  	s19 =	simm.s32 $0x0;
	(v2sf) =	vpush v6, $0xF  }
0x428: {  	v5 =	vsub.s32 s19, v5  }
0x429: {  	v5 =	vadd.s32 v6, v5  }
0x42a: {  	s20 =	simm.s32 $0x10;
	s21 =	simm.s32 $0x80;
	[tilespmem:s22+$0x18100] =	vst v5  }
.LBB2_46:
0x42b: {  	p0 =	sne.s32 s21, $0x3FC0;
	v5 =	vld [tilespmem:s20+$0x18100];
	_ =	sdelay $0x4  }
0x42c: {  	(xrf0) =	vadd.scan.msk.s32 $0xffff, v5;
	_ =	sdelay $0x5  }
.Ltmp22:
0x42d: {  	v6, _, _ =	vpop (xrf0);
	s22 =	spop (v2sf);
	(pc) =	sbr.rel @p0 .LBB2_46-.Ltmp22, $4  }
0x42e: {  	(v2sf) =	vpush v6, $0xF;
	s19 =	sadd.s32 s19, s22  }
0x42f: {  	v5 =	vsub.s32 s19, v5  }
0x430: {  	v5 =	vadd.s32 v6, v5  }
0x431: {  	[tilespmem:s20+$0x18100] =	vst v5;
	s20 =	sshra.s32 s21, $0x2;
	s21 =	sadd.s32 $0x40, s21  }
0x432: {  	v5 =	vld [tilespmem:s20+$0x18100];
	_ =	sdelay $0x4  }
0x433: {  	(xrf0) =	vadd.scan.msk.s32 $0xffff, v5;
	_ =	sdelay $0x5  }
0x434: {  	v6, _, _ =	vpop (xrf0)  }
0x435: {  	(v2sf) =	vpush v6, $0xF;
	_ =	sdelay $0xa  }
0x436: {  	s21 =	spop (v2sf)  }
0x437: {  	s19 =	sadd.s32 s19, s21  }
0x438: {  	v5 =	vsub.s32 s19, v5  }
0x439: {  	v5 =	vadd.s32 v6, v5  }
0x43a: {  	s19 =	simm.s32 $0x7;
	[tilespmem:s20+$0x18100] =	vst v5;
	s31 =	spop (v2sf)  }
.LBB2_48:
0x43b: {  	s20 =	sadd.s32 $0xFFFFFFF9, s19  }
0x43c: {  	v5 =	vadd.s32 s20, v3;
	_ =	sdelay $0x4  }
0x43d: {  	v5 =	vld.idx.msk [tilespmem:v5+s15+$0x0], $0xffff;
	_ =	sdelay $0x4  }
0x43e: {  	v6 =	vshrl.u32 v5, $0x4  }
0x43f: {  	v6 =	vand.u32 $0xFF0, v6  }
0x440: {  	v6 =	vor.u32 v1, v6;
	_ =	sdelay $0x4  }
0x441: {  	v7 =	vld.idx.msk [tilespmem:v6+s14+$0x0], $0xffff;
	_ =	sdelay $0x4  }
0x442: {  	v8 =	vshra.s32 v7, $0xA  }
0x443: {  	v8 =	vmul.u32 $0x5556, v8;
	_ =	sdelay $0x1  }
0x444: {  	v8 =	vshra.s32 v8, $0x10  }
0x445: {  	v7 =	vadd.s32 v7, v8  }
0x446: {  	s26 =	sadd.s32 $0xFFFFFFFA, s19  }
0x447: {  	v50 =	vadd.s32 s26, v3;
	_ =	sdelay $0x1  }
0x448: {  	s20 =	simm.s32 $0x0  }
0x449: {  	[tilespmem:v7+s20+$0x0] =	vst.idx.msk $0xffff, v5  }
0x44a: {  	[tilespmem:v6+s14+$0x0] =	vst.idx.add.s32.msk $0xffff, v2  }
0x44b: {  	v5 =	vld.idx.msk [tilespmem:v50+s15+$0x0], $0xffff;
	_ =	sdelay $0x4  }
0x44c: {  	v6 =	vshrl.u32 v5, $0x4  }
0x44d: {  	v6 =	vand.u32 $0xFF0, v6  }
0x44e: {  	v6 =	vor.u32 v1, v6;
	_ =	sdelay $0x4  }
0x44f: {  	v7 =	vld.idx.msk [tilespmem:v6+s14+$0x0], $0xffff;
	_ =	sdelay $0x4  }
0x450: {  	v51 =	vshra.s32 v7, $0xA  }
0x451: {  	v8 =	vmul.u32 $0x5556, v51;
	_ =	sdelay $0x1  }
0x452: {  	v8 =	vshra.s32 v8, $0x10  }
0x453: {  	v7 =	vadd.s32 v7, v8  }
0x454: {  	s21 =	sadd.s32 $0xFFFFFFFB, s19  }
0x455: {  	v52 =	vadd.s32 s21, v3;
	_ =	sdelay $0x2  }
0x456: {  	[tilespmem:v7+s20+$0x0] =	vst.idx.msk $0xffff, v5  }
0x457: {  	[tilespmem:v6+s14+$0x0] =	vst.idx.add.s32.msk $0xffff, v2  }
0x458: {  	v5 =	vld.idx.msk [tilespmem:v52+s15+$0x0], $0xffff;
	_ =	sdelay $0x4  }
0x459: {  	v6 =	vshrl.u32 v5, $0x4  }
0x45a: {  	v6 =	vand.u32 $0xFF0, v6  }
0x45b: {  	v6 =	vor.u32 v1, v6;
	_ =	sdelay $0x4  }
0x45c: {  	v7 =	vld.idx.msk [tilespmem:v6+s14+$0x0], $0xffff;
	_ =	sdelay $0x4  }
0x45d: {  	v53 =	vshra.s32 v7, $0xA  }
0x45e: {  	v8 =	vmul.u32 $0x5556, v53;
	_ =	sdelay $0x1  }
0x45f: {  	v8 =	vshra.s32 v8, $0x10  }
0x460: {  	v7 =	vadd.s32 v7, v8  }
0x461: {  	s28 =	sadd.s32 $0xFFFFFFFC, s19  }
0x462: {  	v54 =	vadd.s32 s28, v3;
	_ =	sdelay $0x2  }
0x463: {  	[tilespmem:v7+s20+$0x0] =	vst.idx.msk $0xffff, v5  }
0x464: {  	[tilespmem:v6+s14+$0x0] =	vst.idx.add.s32.msk $0xffff, v2  }
0x465: {  	v5 =	vld.idx.msk [tilespmem:v54+s15+$0x0], $0xffff;
	_ =	sdelay $0x4  }
0x466: {  	v6 =	vshrl.u32 v5, $0x4  }
0x467: {  	v6 =	vand.u32 $0xFF0, v6  }
0x468: {  	v6 =	vor.u32 v1, v6;
	_ =	sdelay $0x4  }
0x469: {  	v7 =	vld.idx.msk [tilespmem:v6+s14+$0x0], $0xffff;
	_ =	sdelay $0x4  }
0x46a: {  	v55 =	vshra.s32 v7, $0xA  }
0x46b: {  	v8 =	vmul.u32 $0x5556, v55;
	_ =	sdelay $0x1  }
0x46c: {  	v8 =	vshra.s32 v8, $0x10  }
0x46d: {  	v7 =	vadd.s32 v7, v8  }
0x46e: {  	s29 =	sadd.s32 $0xFFFFFFFD, s19  }
0x46f: {  	v56 =	vadd.s32 s29, v3;
	_ =	sdelay $0x2  }
0x470: {  	[tilespmem:v7+s20+$0x0] =	vst.idx.msk $0xffff, v5  }
0x471: {  	[tilespmem:v6+s14+$0x0] =	vst.idx.add.s32.msk $0xffff, v2  }
0x472: {  	v5 =	vld.idx.msk [tilespmem:v56+s15+$0x0], $0xffff;
	_ =	sdelay $0x4  }
0x473: {  	v6 =	vshrl.u32 v5, $0x4  }
0x474: {  	v6 =	vand.u32 $0xFF0, v6  }
0x475: {  	v6 =	vor.u32 v1, v6;
	_ =	sdelay $0x4  }
0x476: {  	v7 =	vld.idx.msk [tilespmem:v6+s14+$0x0], $0xffff;
	_ =	sdelay $0x4  }
0x477: {  	v57 =	vshra.s32 v7, $0xA  }
0x478: {  	v8 =	vmul.u32 $0x5556, v57;
	_ =	sdelay $0x1  }
0x479: {  	v8 =	vshra.s32 v8, $0x10  }
0x47a: {  	v7 =	vadd.s32 v7, v8  }
0x47b: {  	s30 =	sadd.s32 $0xFFFFFFFE, s19  }
0x47c: {  	v58 =	vadd.s32 s30, v3;
	_ =	sdelay $0x2  }
0x47d: {  	[tilespmem:v7+s20+$0x0] =	vst.idx.msk $0xffff, v5  }
0x47e: {  	[tilespmem:v6+s14+$0x0] =	vst.idx.add.s32.msk $0xffff, v2  }
0x47f: {  	v5 =	vld.idx.msk [tilespmem:v58+s15+$0x0], $0xffff;
	_ =	sdelay $0x4  }
0x480: {  	v6 =	vshrl.u32 v5, $0x4  }
0x481: {  	v6 =	vand.u32 $0xFF0, v6  }
0x482: {  	v6 =	vor.u32 v1, v6;
	_ =	sdelay $0x4  }
0x483: {  	v7 =	vld.idx.msk [tilespmem:v6+s14+$0x0], $0xffff;
	_ =	sdelay $0x4  }
0x484: {  	v59 =	vshra.s32 v7, $0xA  }
0x485: {  	v8 =	vmul.u32 $0x5556, v59;
	_ =	sdelay $0x1  }
0x486: {  	v8 =	vshra.s32 v8, $0x10  }
0x487: {  	v7 =	vadd.s32 v7, v8  }
0x488: {  	s31 =	sadd.s32 $0xFFFFFFFF, s19  }
0x489: {  	v60 =	vadd.s32 s31, v3;
	_ =	sdelay $0x2  }
0x48a: {  	[tilespmem:v7+s20+$0x0] =	vst.idx.msk $0xffff, v5  }
0x48b: {  	[tilespmem:v6+s14+$0x0] =	vst.idx.add.s32.msk $0xffff, v2  }
0x48c: {  	v5 =	vld.idx.msk [tilespmem:v60+s15+$0x0], $0xffff;
	_ =	sdelay $0x4  }
0x48d: {  	v6 =	vshrl.u32 v5, $0x4  }
0x48e: {  	v6 =	vand.u32 $0xFF0, v6  }
0x48f: {  	v6 =	vor.u32 v1, v6;
	_ =	sdelay $0x4  }
0x490: {  	v7 =	vld.idx.msk [tilespmem:v6+s14+$0x0], $0xffff;
	_ =	sdelay $0x4  }
0x491: {  	v61 =	vshra.s32 v7, $0xA  }
0x492: {  	v8 =	vmul.u32 $0x5556, v61;
	_ =	sdelay $0x1  }
0x493: {  	v8 =	vshra.s32 v8, $0x10  }
0x494: {  	v7 =	vadd.s32 v7, v8;
	_ =	sdelay $0x1  }
0x495: {  	v62 =	vadd.s32 s19, v3;
	_ =	sdelay $0x2  }
0x496: {  	[tilespmem:v7+s20+$0x0] =	vst.idx.msk $0xffff, v5  }
0x497: {  	[tilespmem:v6+s14+$0x0] =	vst.idx.add.s32.msk $0xffff, v2  }
0x498: {  	v5 =	vld.idx.msk [tilespmem:v62+s15+$0x0], $0xffff;
	_ =	sdelay $0x4  }
0x499: {  	v6 =	vshrl.u32 v5, $0x4  }
0x49a: {  	v6 =	vand.u32 $0xFF0, v6  }
0x49b: {  	v6 =	vor.u32 v1, v6;
	_ =	sdelay $0x4  }
0x49c: {  	v7 =	vld.idx.msk [tilespmem:v6+s14+$0x0], $0xffff;
	_ =	sdelay $0x4  }
0x49d: {  	v63 =	vshra.s32 v7, $0xA  }
0x49e: {  	v8 =	vmul.u32 $0x5556, v63;
	_ =	sdelay $0x1  }
0x49f: {  	v8 =	vshra.s32 v8, $0x10  }
0x4a0: {  	v7 =	vadd.s32 v7, v8  }
0x4a1: {  	p0 =	sne.s32 s19, $0xBFF  }
.Ltmp23:
0x4a2: {  	_ = 	snop;
	(pc) =	sbr.rel @p0 .LBB2_48-.Ltmp23, $3  }
0x4a3: {  	_ =	sdelay $0x1  }
0x4a4: {  	[tilespmem:v7+s20+$0x0] =	vst.idx.msk $0xffff, v5  }
0x4a5: {  	s19 =	sadd.s32 $0x8, s19;
	[tilespmem:v6+s14+$0x0] =	vst.idx.add.s32.msk $0xffff, v2  }
0x4a6: {  	s19 =	sshra.s32 s20, $0x2;
	s20 =	sadd.s32 $0x200, s20  }
.LBB2_50:
0x4a7: {  	p0 =	sne.s32 s20, $0x3E00;
	[tilespmem:s19+$0x18170] =	vst v0  }
0x4a8: {  	[tilespmem:s19+$0x18100] =	vst v0  }
0x4a9: {  	[tilespmem:s19+$0x18110] =	vst v0  }
.Ltmp24:
0x4aa: {  	[tilespmem:s19+$0x18120] =	vst v0;
	(pc) =	sbr.rel @p0 .LBB2_50-.Ltmp24, $4  }
0x4ab: {  	[tilespmem:s19+$0x18130] =	vst v0  }
0x4ac: {  	[tilespmem:s19+$0x18140] =	vst v0  }
0x4ad: {  	[tilespmem:s19+$0x18150] =	vst v0  }
0x4ae: {  	[tilespmem:s19+$0x18160] =	vst v0;
	s19 =	sshra.s32 s20, $0x2;
	s20 =	sadd.s32 $0x200, s20  }
0x4af: {  	[tilespmem:s19+$0x18170] =	vst v0  }
0x4b0: {  	[tilespmem:s19+$0x18100] =	vst v0  }
0x4b1: {  	[tilespmem:s19+$0x18110] =	vst v0  }
0x4b2: {  	[tilespmem:s19+$0x18120] =	vst v0  }
0x4b3: {  	[tilespmem:s19+$0x18130] =	vst v0  }
0x4b4: {  	[tilespmem:s19+$0x18140] =	vst v0  }
0x4b5: {  	[tilespmem:s19+$0x18150] =	vst v0  }
0x4b6: {  	[tilespmem:s19+$0x18160] =	vst v0;
	s20 =	simm.s32 $0x7  }
.LBB2_52:
0x4b7: {  	s19 =	sadd.s32 $0xFFFFFFF9, s20  }
0x4b8: {  	v5 =	vadd.s32 s19, v3;
	_ =	sdelay $0x3  }
0x4b9: {  	s19 =	simm.s32 $0x0  }
0x4ba: {  	v5 =	vld.idx.msk [tilespmem:v5+s19+$0x0], $0xffff;
	_ =	sdelay $0x4  }
0x4bb: {  	v5 =	vshrl.u32 v5, $0xC  }
0x4bc: {  	v5 =	vand.u32 $0xFF0, v5  }
0x4bd: {  	s21 =	sadd.s32 $0xFFFFFFFA, s20;
	v5 =	vor.u32 v1, v5  }
0x4be: {  	v6 =	vadd.s32 s21, v3;
	_ =	sdelay $0x3  }
0x4bf: {  	[tilespmem:v5+s14+$0x0] =	vst.idx.add.s32.msk $0xffff, v2  }
0x4c0: {  	v5 =	vld.idx.msk [tilespmem:v6+s19+$0x0], $0xffff;
	_ =	sdelay $0x4  }
0x4c1: {  	v5 =	vshrl.u32 v5, $0xC  }
0x4c2: {  	v5 =	vand.u32 $0xFF0, v5  }
0x4c3: {  	s26 =	sadd.s32 $0xFFFFFFFB, s20;
	v5 =	vor.u32 v1, v5  }
0x4c4: {  	v6 =	vadd.s32 s26, v3;
	_ =	sdelay $0x3  }
0x4c5: {  	[tilespmem:v5+s14+$0x0] =	vst.idx.add.s32.msk $0xffff, v2  }
0x4c6: {  	v5 =	vld.idx.msk [tilespmem:v6+s19+$0x0], $0xffff;
	_ =	sdelay $0x4  }
0x4c7: {  	v5 =	vshrl.u32 v5, $0xC  }
0x4c8: {  	v5 =	vand.u32 $0xFF0, v5  }
0x4c9: {  	s28 =	sadd.s32 $0xFFFFFFFC, s20;
	v5 =	vor.u32 v1, v5  }
0x4ca: {  	v6 =	vadd.s32 s28, v3;
	_ =	sdelay $0x3  }
0x4cb: {  	[tilespmem:v5+s14+$0x0] =	vst.idx.add.s32.msk $0xffff, v2  }
0x4cc: {  	v5 =	vld.idx.msk [tilespmem:v6+s19+$0x0], $0xffff;
	_ =	sdelay $0x4  }
0x4cd: {  	v5 =	vshrl.u32 v5, $0xC  }
0x4ce: {  	v5 =	vand.u32 $0xFF0, v5  }
0x4cf: {  	s29 =	sadd.s32 $0xFFFFFFFD, s20;
	v5 =	vor.u32 v1, v5  }
0x4d0: {  	v6 =	vadd.s32 s29, v3;
	_ =	sdelay $0x3  }
0x4d1: {  	[tilespmem:v5+s14+$0x0] =	vst.idx.add.s32.msk $0xffff, v2  }
0x4d2: {  	v5 =	vld.idx.msk [tilespmem:v6+s19+$0x0], $0xffff;
	_ =	sdelay $0x4  }
0x4d3: {  	v5 =	vshrl.u32 v5, $0xC  }
0x4d4: {  	v5 =	vand.u32 $0xFF0, v5  }
0x4d5: {  	s30 =	sadd.s32 $0xFFFFFFFE, s20;
	v5 =	vor.u32 v1, v5  }
0x4d6: {  	v6 =	vadd.s32 s30, v3;
	_ =	sdelay $0x3  }
0x4d7: {  	[tilespmem:v5+s14+$0x0] =	vst.idx.add.s32.msk $0xffff, v2  }
0x4d8: {  	v5 =	vld.idx.msk [tilespmem:v6+s19+$0x0], $0xffff;
	_ =	sdelay $0x4  }
0x4d9: {  	v5 =	vshrl.u32 v5, $0xC  }
0x4da: {  	v5 =	vand.u32 $0xFF0, v5  }
0x4db: {  	s31 =	sadd.s32 $0xFFFFFFFF, s20;
	v5 =	vor.u32 v1, v5  }
0x4dc: {  	v6 =	vadd.s32 s31, v3;
	_ =	sdelay $0x3  }
0x4dd: {  	[tilespmem:v5+s14+$0x0] =	vst.idx.add.s32.msk $0xffff, v2  }
0x4de: {  	v5 =	vld.idx.msk [tilespmem:v6+s19+$0x0], $0xffff;
	_ =	sdelay $0x4  }
0x4df: {  	v5 =	vshrl.u32 v5, $0xC  }
0x4e0: {  	v5 =	vand.u32 $0xFF0, v5  }
0x4e1: {  	v5 =	vor.u32 v1, v5  }
0x4e2: {  	v6 =	vadd.s32 s20, v3;
	_ =	sdelay $0x3  }
0x4e3: {  	[tilespmem:v5+s14+$0x0] =	vst.idx.add.s32.msk $0xffff, v2  }
0x4e4: {  	v5 =	vld.idx.msk [tilespmem:v6+s19+$0x0], $0xffff;
	_ =	sdelay $0x4  }
0x4e5: {  	v5 =	vshrl.u32 v5, $0xC  }
0x4e6: {  	v5 =	vand.u32 $0xFF0, v5  }
0x4e7: {  	p0 =	sne.s32 s20, $0xBFF;
	v5 =	vor.u32 v1, v5  }
.Ltmp25:
0x4e8: {  	_ = 	snop;
	(pc) =	sbr.rel @p0 .LBB2_52-.Ltmp25, $2  }
0x4e9: {  	_ =	sdelay $0x2  }
0x4ea: {  	s20 =	sadd.s32 $0x8, s20;
	[tilespmem:v5+s14+$0x0] =	vst.idx.add.s32.msk $0xffff, v2  }
0x4eb: {  	s22 =	sshra.s32 s19, $0x2  }
0x4ec: {  	v5 =	vld [tilespmem:s22+$0x18100];
	_ =	sdelay $0x4  }
0x4ed: {  	(xrf0) =	vadd.scan.msk.s32 $0xffff, v5;
	_ =	sdelay $0x5  }
0x4ee: {  	v6, _, _ =	vpop (xrf0)  }
0x4ef: {  	(v2sf) =	vpush v6, $0xF  }
0x4f0: {  	v5 =	vsub.s32 s19, v5  }
0x4f1: {  	s21 =	sadd.s32 $0x40, s19;
	v5 =	vadd.s32 v6, v5  }
0x4f2: {  	s20 =	sshra.s32 s21, $0x2;
	s21 =	sadd.s32 $0x40, s21;
	[tilespmem:s22+$0x18100] =	vst v5  }
.LBB2_54:
0x4f3: {  	p0 =	sne.s32 s21, $0x3FC0;
	v5 =	vld [tilespmem:s20+$0x18100];
	_ =	sdelay $0x4  }
0x4f4: {  	(xrf0) =	vadd.scan.msk.s32 $0xffff, v5;
	_ =	sdelay $0x5  }
.Ltmp26:
0x4f5: {  	v6, _, _ =	vpop (xrf0);
	s22 =	spop (v2sf);
	(pc) =	sbr.rel @p0 .LBB2_54-.Ltmp26, $4  }
0x4f6: {  	(v2sf) =	vpush v6, $0xF;
	s19 =	sadd.s32 s19, s22  }
0x4f7: {  	v5 =	vsub.s32 s19, v5  }
0x4f8: {  	v5 =	vadd.s32 v6, v5  }
0x4f9: {  	[tilespmem:s20+$0x18100] =	vst v5;
	s20 =	sshra.s32 s21, $0x2;
	s21 =	sadd.s32 $0x40, s21  }
0x4fa: {  	v5 =	vld [tilespmem:s20+$0x18100];
	_ =	sdelay $0x4  }
0x4fb: {  	(xrf0) =	vadd.scan.msk.s32 $0xffff, v5;
	_ =	sdelay $0x5  }
0x4fc: {  	v6, _, _ =	vpop (xrf0)  }
0x4fd: {  	(v2sf) =	vpush v6, $0xF;
	_ =	sdelay $0xa  }
0x4fe: {  	s21 =	spop (v2sf)  }
0x4ff: {  	s19 =	sadd.s32 s19, s21  }
0x500: {  	v5 =	vsub.s32 s19, v5  }
0x501: {  	v5 =	vadd.s32 v6, v5  }
0x502: {  	s19 =	simm.s32 $0x7;
	[tilespmem:s20+$0x18100] =	vst v5;
	s31 =	spop (v2sf)  }
.LBB2_56:
0x503: {  	s20 =	sadd.s32 $0xFFFFFFF9, s19  }
0x504: {  	v5 =	vadd.s32 s20, v3;
	_ =	sdelay $0x3  }
0x505: {  	s20 =	simm.s32 $0x0  }
0x506: {  	v5 =	vld.idx.msk [tilespmem:v5+s20+$0x0], $0xffff;
	_ =	sdelay $0x4  }
0x507: {  	v6 =	vshrl.u32 v5, $0xC  }
0x508: {  	v6 =	vand.u32 $0xFF0, v6  }
0x509: {  	v6 =	vor.u32 v1, v6;
	_ =	sdelay $0x4  }
0x50a: {  	v7 =	vld.idx.msk [tilespmem:v6+s14+$0x0], $0xffff;
	_ =	sdelay $0x4  }
0x50b: {  	v8 =	vshra.s32 v7, $0xA  }
0x50c: {  	v8 =	vmul.u32 $0x5556, v8;
	_ =	sdelay $0x1  }
0x50d: {  	v8 =	vshra.s32 v8, $0x10  }
0x50e: {  	v7 =	vadd.s32 v7, v8  }
0x50f: {  	s21 =	sadd.s32 $0xFFFFFFFA, s19  }
0x510: {  	v50 =	vadd.s32 s21, v3;
	_ =	sdelay $0x2  }
0x511: {  	[tilespmem:v7+s15+$0x0] =	vst.idx.msk $0xffff, v5  }
0x512: {  	[tilespmem:v6+s14+$0x0] =	vst.idx.add.s32.msk $0xffff, v2  }
0x513: {  	v5 =	vld.idx.msk [tilespmem:v50+s20+$0x0], $0xffff;
	_ =	sdelay $0x4  }
0x514: {  	v6 =	vshrl.u32 v5, $0xC  }
0x515: {  	v6 =	vand.u32 $0xFF0, v6  }
0x516: {  	v6 =	vor.u32 v1, v6;
	_ =	sdelay $0x4  }
0x517: {  	v7 =	vld.idx.msk [tilespmem:v6+s14+$0x0], $0xffff;
	_ =	sdelay $0x4  }
0x518: {  	v51 =	vshra.s32 v7, $0xA  }
0x519: {  	v8 =	vmul.u32 $0x5556, v51;
	_ =	sdelay $0x1  }
0x51a: {  	v8 =	vshra.s32 v8, $0x10  }
0x51b: {  	v7 =	vadd.s32 v7, v8  }
0x51c: {  	s26 =	sadd.s32 $0xFFFFFFFB, s19  }
0x51d: {  	v52 =	vadd.s32 s26, v3;
	_ =	sdelay $0x2  }
0x51e: {  	[tilespmem:v7+s15+$0x0] =	vst.idx.msk $0xffff, v5  }
0x51f: {  	[tilespmem:v6+s14+$0x0] =	vst.idx.add.s32.msk $0xffff, v2  }
0x520: {  	v5 =	vld.idx.msk [tilespmem:v52+s20+$0x0], $0xffff;
	_ =	sdelay $0x4  }
0x521: {  	v6 =	vshrl.u32 v5, $0xC  }
0x522: {  	v6 =	vand.u32 $0xFF0, v6  }
0x523: {  	v6 =	vor.u32 v1, v6;
	_ =	sdelay $0x4  }
0x524: {  	v7 =	vld.idx.msk [tilespmem:v6+s14+$0x0], $0xffff;
	_ =	sdelay $0x4  }
0x525: {  	v53 =	vshra.s32 v7, $0xA  }
0x526: {  	v8 =	vmul.u32 $0x5556, v53;
	_ =	sdelay $0x1  }
0x527: {  	v8 =	vshra.s32 v8, $0x10  }
0x528: {  	v7 =	vadd.s32 v7, v8  }
0x529: {  	s28 =	sadd.s32 $0xFFFFFFFC, s19  }
0x52a: {  	v54 =	vadd.s32 s28, v3;
	_ =	sdelay $0x2  }
0x52b: {  	[tilespmem:v7+s15+$0x0] =	vst.idx.msk $0xffff, v5  }
0x52c: {  	[tilespmem:v6+s14+$0x0] =	vst.idx.add.s32.msk $0xffff, v2  }
0x52d: {  	v5 =	vld.idx.msk [tilespmem:v54+s20+$0x0], $0xffff;
	_ =	sdelay $0x4  }
0x52e: {  	v6 =	vshrl.u32 v5, $0xC  }
0x52f: {  	v6 =	vand.u32 $0xFF0, v6  }
0x530: {  	v6 =	vor.u32 v1, v6;
	_ =	sdelay $0x4  }
0x531: {  	v7 =	vld.idx.msk [tilespmem:v6+s14+$0x0], $0xffff;
	_ =	sdelay $0x4  }
0x532: {  	v55 =	vshra.s32 v7, $0xA  }
0x533: {  	v8 =	vmul.u32 $0x5556, v55;
	_ =	sdelay $0x1  }
0x534: {  	v8 =	vshra.s32 v8, $0x10  }
0x535: {  	v7 =	vadd.s32 v7, v8  }
0x536: {  	s29 =	sadd.s32 $0xFFFFFFFD, s19  }
0x537: {  	v56 =	vadd.s32 s29, v3;
	_ =	sdelay $0x2  }
0x538: {  	[tilespmem:v7+s15+$0x0] =	vst.idx.msk $0xffff, v5  }
0x539: {  	[tilespmem:v6+s14+$0x0] =	vst.idx.add.s32.msk $0xffff, v2  }
0x53a: {  	v5 =	vld.idx.msk [tilespmem:v56+s20+$0x0], $0xffff;
	_ =	sdelay $0x4  }
0x53b: {  	v6 =	vshrl.u32 v5, $0xC  }
0x53c: {  	v6 =	vand.u32 $0xFF0, v6  }
0x53d: {  	v6 =	vor.u32 v1, v6;
	_ =	sdelay $0x4  }
0x53e: {  	v7 =	vld.idx.msk [tilespmem:v6+s14+$0x0], $0xffff;
	_ =	sdelay $0x4  }
0x53f: {  	v57 =	vshra.s32 v7, $0xA  }
0x540: {  	v8 =	vmul.u32 $0x5556, v57;
	_ =	sdelay $0x1  }
0x541: {  	v8 =	vshra.s32 v8, $0x10  }
0x542: {  	v7 =	vadd.s32 v7, v8  }
0x543: {  	s30 =	sadd.s32 $0xFFFFFFFE, s19  }
0x544: {  	v58 =	vadd.s32 s30, v3;
	_ =	sdelay $0x2  }
0x545: {  	[tilespmem:v7+s15+$0x0] =	vst.idx.msk $0xffff, v5  }
0x546: {  	[tilespmem:v6+s14+$0x0] =	vst.idx.add.s32.msk $0xffff, v2  }
0x547: {  	v5 =	vld.idx.msk [tilespmem:v58+s20+$0x0], $0xffff;
	_ =	sdelay $0x4  }
0x548: {  	v6 =	vshrl.u32 v5, $0xC  }
0x549: {  	v6 =	vand.u32 $0xFF0, v6  }
0x54a: {  	v6 =	vor.u32 v1, v6;
	_ =	sdelay $0x4  }
0x54b: {  	v7 =	vld.idx.msk [tilespmem:v6+s14+$0x0], $0xffff;
	_ =	sdelay $0x4  }
0x54c: {  	v59 =	vshra.s32 v7, $0xA  }
0x54d: {  	v8 =	vmul.u32 $0x5556, v59;
	_ =	sdelay $0x1  }
0x54e: {  	v8 =	vshra.s32 v8, $0x10  }
0x54f: {  	v7 =	vadd.s32 v7, v8  }
0x550: {  	s31 =	sadd.s32 $0xFFFFFFFF, s19  }
0x551: {  	v60 =	vadd.s32 s31, v3;
	_ =	sdelay $0x2  }
0x552: {  	[tilespmem:v7+s15+$0x0] =	vst.idx.msk $0xffff, v5  }
0x553: {  	[tilespmem:v6+s14+$0x0] =	vst.idx.add.s32.msk $0xffff, v2  }
0x554: {  	v5 =	vld.idx.msk [tilespmem:v60+s20+$0x0], $0xffff;
	_ =	sdelay $0x4  }
0x555: {  	v6 =	vshrl.u32 v5, $0xC  }
0x556: {  	v6 =	vand.u32 $0xFF0, v6  }
0x557: {  	v6 =	vor.u32 v1, v6;
	_ =	sdelay $0x4  }
0x558: {  	v7 =	vld.idx.msk [tilespmem:v6+s14+$0x0], $0xffff;
	_ =	sdelay $0x4  }
0x559: {  	v61 =	vshra.s32 v7, $0xA  }
0x55a: {  	v8 =	vmul.u32 $0x5556, v61;
	_ =	sdelay $0x1  }
0x55b: {  	v8 =	vshra.s32 v8, $0x10  }
0x55c: {  	v7 =	vadd.s32 v7, v8;
	_ =	sdelay $0x1  }
0x55d: {  	v62 =	vadd.s32 s19, v3;
	_ =	sdelay $0x2  }
0x55e: {  	[tilespmem:v7+s15+$0x0] =	vst.idx.msk $0xffff, v5  }
0x55f: {  	[tilespmem:v6+s14+$0x0] =	vst.idx.add.s32.msk $0xffff, v2  }
0x560: {  	v5 =	vld.idx.msk [tilespmem:v62+s20+$0x0], $0xffff;
	_ =	sdelay $0x4  }
0x561: {  	v6 =	vshrl.u32 v5, $0xC  }
0x562: {  	v6 =	vand.u32 $0xFF0, v6  }
0x563: {  	v6 =	vor.u32 v1, v6;
	_ =	sdelay $0x4  }
0x564: {  	v7 =	vld.idx.msk [tilespmem:v6+s14+$0x0], $0xffff;
	_ =	sdelay $0x4  }
0x565: {  	v63 =	vshra.s32 v7, $0xA  }
0x566: {  	v8 =	vmul.u32 $0x5556, v63;
	_ =	sdelay $0x1  }
0x567: {  	v8 =	vshra.s32 v8, $0x10  }
0x568: {  	v7 =	vadd.s32 v7, v8  }
0x569: {  	p0 =	sne.s32 s19, $0xBFF  }
.Ltmp27:
0x56a: {  	_ = 	snop;
	(pc) =	sbr.rel @p0 .LBB2_56-.Ltmp27, $3  }
0x56b: {  	_ =	sdelay $0x1  }
0x56c: {  	[tilespmem:v7+s15+$0x0] =	vst.idx.msk $0xffff, v5  }
0x56d: {  	s19 =	sadd.s32 $0x8, s19;
	[tilespmem:v6+s14+$0x0] =	vst.idx.add.s32.msk $0xffff, v2  }
0x56e: {  	s19 =	sshra.s32 s20, $0x2;
	s20 =	sadd.s32 $0x200, s20  }
.LBB2_58:
0x56f: {  	p0 =	sne.s32 s20, $0x3E00;
	[tilespmem:s19+$0x18170] =	vst v0  }
0x570: {  	[tilespmem:s19+$0x18100] =	vst v0  }
0x571: {  	[tilespmem:s19+$0x18110] =	vst v0  }
.Ltmp28:
0x572: {  	[tilespmem:s19+$0x18120] =	vst v0;
	(pc) =	sbr.rel @p0 .LBB2_58-.Ltmp28, $4  }
0x573: {  	[tilespmem:s19+$0x18130] =	vst v0  }
0x574: {  	[tilespmem:s19+$0x18140] =	vst v0  }
0x575: {  	[tilespmem:s19+$0x18150] =	vst v0  }
0x576: {  	[tilespmem:s19+$0x18160] =	vst v0;
	s19 =	sshra.s32 s20, $0x2;
	s20 =	sadd.s32 $0x200, s20  }
0x577: {  	[tilespmem:s19+$0x18170] =	vst v0  }
0x578: {  	[tilespmem:s19+$0x18100] =	vst v0  }
0x579: {  	[tilespmem:s19+$0x18110] =	vst v0  }
0x57a: {  	[tilespmem:s19+$0x18120] =	vst v0  }
0x57b: {  	[tilespmem:s19+$0x18130] =	vst v0  }
0x57c: {  	[tilespmem:s19+$0x18140] =	vst v0  }
0x57d: {  	[tilespmem:s19+$0x18150] =	vst v0  }
0x57e: {  	[tilespmem:s19+$0x18160] =	vst v0;
	s19 =	simm.s32 $0x7  }
.LBB2_60:
0x57f: {  	s20 =	sadd.s32 $0xFFFFFFF9, s19  }
0x580: {  	v5 =	vadd.s32 s20, v3;
	_ =	sdelay $0x4  }
0x581: {  	v5 =	vld.idx.msk [tilespmem:v5+s15+$0x0], $0xffff;
	_ =	sdelay $0x4  }
0x582: {  	v5 =	vshrl.u32 v5, $0x14  }
0x583: {  	v5 =	vand.u32 $0xFF0, v5  }
0x584: {  	s25 =	sadd.s32 $0xFFFFFFFA, s19;
	v5 =	vor.u32 v1, v5  }
0x585: {  	v6 =	vadd.s32 s25, v3;
	_ =	sdelay $0x3  }
0x586: {  	[tilespmem:v5+s14+$0x0] =	vst.idx.add.s32.msk $0xffff, v2  }
0x587: {  	v5 =	vld.idx.msk [tilespmem:v6+s15+$0x0], $0xffff;
	_ =	sdelay $0x4  }
0x588: {  	v5 =	vshrl.u32 v5, $0x14  }
0x589: {  	v5 =	vand.u32 $0xFF0, v5  }
0x58a: {  	s26 =	sadd.s32 $0xFFFFFFFB, s19;
	v5 =	vor.u32 v1, v5  }
0x58b: {  	v6 =	vadd.s32 s26, v3;
	_ =	sdelay $0x3  }
0x58c: {  	[tilespmem:v5+s14+$0x0] =	vst.idx.add.s32.msk $0xffff, v2  }
0x58d: {  	v5 =	vld.idx.msk [tilespmem:v6+s15+$0x0], $0xffff;
	_ =	sdelay $0x4  }
0x58e: {  	v5 =	vshrl.u32 v5, $0x14  }
0x58f: {  	v5 =	vand.u32 $0xFF0, v5  }
0x590: {  	s28 =	sadd.s32 $0xFFFFFFFC, s19;
	v5 =	vor.u32 v1, v5  }
0x591: {  	v6 =	vadd.s32 s28, v3;
	_ =	sdelay $0x3  }
0x592: {  	[tilespmem:v5+s14+$0x0] =	vst.idx.add.s32.msk $0xffff, v2  }
0x593: {  	v5 =	vld.idx.msk [tilespmem:v6+s15+$0x0], $0xffff;
	_ =	sdelay $0x4  }
0x594: {  	v5 =	vshrl.u32 v5, $0x14  }
0x595: {  	v5 =	vand.u32 $0xFF0, v5  }
0x596: {  	s29 =	sadd.s32 $0xFFFFFFFD, s19;
	v5 =	vor.u32 v1, v5  }
0x597: {  	v6 =	vadd.s32 s29, v3;
	_ =	sdelay $0x3  }
0x598: {  	[tilespmem:v5+s14+$0x0] =	vst.idx.add.s32.msk $0xffff, v2  }
0x599: {  	v5 =	vld.idx.msk [tilespmem:v6+s15+$0x0], $0xffff;
	_ =	sdelay $0x4  }
0x59a: {  	v5 =	vshrl.u32 v5, $0x14  }
0x59b: {  	v5 =	vand.u32 $0xFF0, v5  }
0x59c: {  	s30 =	sadd.s32 $0xFFFFFFFE, s19;
	v5 =	vor.u32 v1, v5  }
0x59d: {  	v6 =	vadd.s32 s30, v3;
	_ =	sdelay $0x3  }
0x59e: {  	[tilespmem:v5+s14+$0x0] =	vst.idx.add.s32.msk $0xffff, v2  }
0x59f: {  	v5 =	vld.idx.msk [tilespmem:v6+s15+$0x0], $0xffff;
	_ =	sdelay $0x4  }
0x5a0: {  	v5 =	vshrl.u32 v5, $0x14  }
0x5a1: {  	v5 =	vand.u32 $0xFF0, v5  }
0x5a2: {  	s31 =	sadd.s32 $0xFFFFFFFF, s19;
	v5 =	vor.u32 v1, v5  }
0x5a3: {  	v6 =	vadd.s32 s31, v3;
	_ =	sdelay $0x3  }
0x5a4: {  	[tilespmem:v5+s14+$0x0] =	vst.idx.add.s32.msk $0xffff, v2  }
0x5a5: {  	v5 =	vld.idx.msk [tilespmem:v6+s15+$0x0], $0xffff;
	_ =	sdelay $0x4  }
0x5a6: {  	v5 =	vshrl.u32 v5, $0x14  }
0x5a7: {  	v5 =	vand.u32 $0xFF0, v5  }
0x5a8: {  	v5 =	vor.u32 v1, v5  }
0x5a9: {  	v6 =	vadd.s32 s19, v3;
	_ =	sdelay $0x3  }
0x5aa: {  	[tilespmem:v5+s14+$0x0] =	vst.idx.add.s32.msk $0xffff, v2  }
0x5ab: {  	v5 =	vld.idx.msk [tilespmem:v6+s15+$0x0], $0xffff;
	_ =	sdelay $0x4  }
0x5ac: {  	v5 =	vshrl.u32 v5, $0x14  }
0x5ad: {  	v5 =	vand.u32 $0xFF0, v5  }
0x5ae: {  	p0 =	sne.s32 s19, $0xBFF;
	v5 =	vor.u32 v1, v5  }
.Ltmp29:
0x5af: {  	_ = 	snop;
	(pc) =	sbr.rel @p0 .LBB2_60-.Ltmp29, $2  }
0x5b0: {  	_ =	sdelay $0x2  }
0x5b1: {  	s19 =	sadd.s32 $0x8, s19;
	[tilespmem:v5+s14+$0x0] =	vst.idx.add.s32.msk $0xffff, v2  }
0x5b2: {  	s22 =	simm.s32 $0x0  }
0x5b3: {  	v5 =	vld [tilespmem:s22+$0x18100];
	_ =	sdelay $0x4  }
0x5b4: {  	(xrf0) =	vadd.scan.msk.s32 $0xffff, v5;
	_ =	sdelay $0x5  }
0x5b5: {  	v6, _, _ =	vpop (xrf0)  }
0x5b6: {  	s19 =	simm.s32 $0x0;
	(v2sf) =	vpush v6, $0xF  }
0x5b7: {  	v5 =	vsub.s32 s19, v5  }
0x5b8: {  	v5 =	vadd.s32 v6, v5  }
0x5b9: {  	s20 =	simm.s32 $0x10;
	s21 =	simm.s32 $0x80;
	[tilespmem:s22+$0x18100] =	vst v5  }
.LBB2_62:
0x5ba: {  	p0 =	sne.s32 s21, $0x3FC0;
	v5 =	vld [tilespmem:s20+$0x18100];
	_ =	sdelay $0x4  }
0x5bb: {  	(xrf0) =	vadd.scan.msk.s32 $0xffff, v5;
	_ =	sdelay $0x5  }
.Ltmp30:
0x5bc: {  	v6, _, _ =	vpop (xrf0);
	s22 =	spop (v2sf);
	(pc) =	sbr.rel @p0 .LBB2_62-.Ltmp30, $4  }
0x5bd: {  	(v2sf) =	vpush v6, $0xF;
	s19 =	sadd.s32 s19, s22  }
0x5be: {  	v5 =	vsub.s32 s19, v5  }
0x5bf: {  	v5 =	vadd.s32 v6, v5  }
0x5c0: {  	[tilespmem:s20+$0x18100] =	vst v5;
	s20 =	sshra.s32 s21, $0x2;
	s21 =	sadd.s32 $0x40, s21  }
0x5c1: {  	v5 =	vld [tilespmem:s20+$0x18100];
	_ =	sdelay $0x4  }
0x5c2: {  	(xrf0) =	vadd.scan.msk.s32 $0xffff, v5;
	_ =	sdelay $0x5  }
0x5c3: {  	v6, _, _ =	vpop (xrf0)  }
0x5c4: {  	(v2sf) =	vpush v6, $0xF;
	_ =	sdelay $0x8  }
0x5c5: {  	s21 =	spop (v2sf)  }
0x5c6: {  	s19 =	sadd.s32 s19, s21  }
0x5c7: {  	v5 =	vsub.s32 s19, v5  }
0x5c8: {  	v5 =	vadd.s32 v6, v5  }
0x5c9: {  	[tilespmem:s20+$0x18100] =	vst v5  }
0x5ca: {  	[tilespmem:s2], [sflag:$0x1] =	stream.linear.gather [hbm4b:s16+s2], $0xC010, $0x38;
	[tilespmem:$0x19180] =	vst v63  }
0x5cb: {  	s31 =	spop (v2sf)  }
0x5cc: {  	_ =	swait.ge [sflag:s11], $0xC010  }
0x5cd: {  	[sflag:s11] =	ssyncset.done $0x0  }
0x5ce: {  	s19 =	simm.s32 $0x7;
	v5 =	vimm.f32 $0.0e+00;
	[sflag:s11] =	ssyncadd.s32 $0xFFFF3FF0  }
.LBB2_64:
0x5cf: {  	s20 =	sadd.s32 $0xFFFFFFF9, s19  }
0x5d0: {  	v6 =	vadd.s32 s20, v3;
	_ =	sdelay $0x4  }
0x5d1: {  	v6 =	vld.idx.msk [tilespmem:v6+s15+$0x0], $0xffff;
	_ =	sdelay $0x4  }
0x5d2: {  	v7 =	vshrl.u32 v6, $0x14  }
0x5d3: {  	v7 =	vand.u32 $0xFF0, v7  }
0x5d4: {  	v7 =	vor.u32 v1, v7;
	_ =	sdelay $0x4  }
0x5d5: {  	v8 =	vld.idx.msk [tilespmem:v7+s14+$0x0], $0xffff;
	_ =	sdelay $0x4  }
0x5d6: {  	v9 =	vshra.s32 v8, $0xA  }
0x5d7: {  	v9 =	vmul.u32 $0x5556, v9;
	_ =	sdelay $0x1  }
0x5d8: {  	v9 =	vshra.s32 v9, $0x10  }
0x5d9: {  	v8 =	vadd.s32 v8, v9  }
0x5da: {  	s25 =	sadd.s32 $0xFFFFFFFA, s19  }
0x5db: {  	v41 =	vadd.s32 s25, v3;
	_ =	sdelay $0x2  }
0x5dc: {  	v8 =	vld.idx.msk [tilespmem:v8+s2+$0x0], $0xffff  }
0x5dd: {  	[tilespmem:v7+s14+$0x0] =	vst.idx.add.s32.msk $0xffff, v2  }
0x5de: {  	v7 =	vld.idx.msk [tilespmem:v41+s15+$0x0], $0xffff;
	_ =	sdelay $0x4  }
0x5df: {  	v9 =	vshrl.u32 v7, $0x14  }
0x5e0: {  	v9 =	vand.u32 $0xFF0, v9  }
0x5e1: {  	v9 =	vor.u32 v1, v9;
	_ =	sdelay $0x4  }
0x5e2: {  	v10 =	vld.idx.msk [tilespmem:v9+s14+$0x0], $0xffff;
	_ =	sdelay $0x4  }
0x5e3: {  	v11 =	vshra.s32 v10, $0xA  }
0x5e4: {  	v11 =	vmul.u32 $0x5556, v11;
	_ =	sdelay $0x1  }
0x5e5: {  	v11 =	vshra.s32 v11, $0x10  }
0x5e6: {  	v10 =	vadd.s32 v10, v11  }
0x5e7: {  	s26 =	sadd.s32 $0xFFFFFFFB, s19  }
0x5e8: {  	v42 =	vadd.s32 s26, v3;
	_ =	sdelay $0x2  }
0x5e9: {  	v10 =	vld.idx.msk [tilespmem:v10+s2+$0x0], $0xffff  }
0x5ea: {  	[tilespmem:v9+s14+$0x0] =	vst.idx.add.s32.msk $0xffff, v2  }
0x5eb: {  	v9 =	vld.idx.msk [tilespmem:v42+s15+$0x0], $0xffff;
	_ =	sdelay $0x4  }
0x5ec: {  	v11 =	vshrl.u32 v9, $0x14  }
0x5ed: {  	v11 =	vand.u32 $0xFF0, v11  }
0x5ee: {  	v11 =	vor.u32 v1, v11;
	_ =	sdelay $0x4  }
0x5ef: {  	v12 =	vld.idx.msk [tilespmem:v11+s14+$0x0], $0xffff;
	_ =	sdelay $0x4  }
0x5f0: {  	v13 =	vshra.s32 v12, $0xA  }
0x5f1: {  	v13 =	vmul.u32 $0x5556, v13;
	_ =	sdelay $0x1  }
0x5f2: {  	v13 =	vshra.s32 v13, $0x10  }
0x5f3: {  	v12 =	vadd.s32 v12, v13  }
0x5f4: {  	s28 =	sadd.s32 $0xFFFFFFFC, s19  }
0x5f5: {  	v43 =	vadd.s32 s28, v3;
	_ =	sdelay $0x2  }
0x5f6: {  	v12 =	vld.idx.msk [tilespmem:v12+s2+$0x0], $0xffff  }
0x5f7: {  	[tilespmem:v11+s14+$0x0] =	vst.idx.add.s32.msk $0xffff, v2  }
0x5f8: {  	v11 =	vld.idx.msk [tilespmem:v43+s15+$0x0], $0xffff;
	_ =	sdelay $0x4  }
0x5f9: {  	v13 =	vshrl.u32 v11, $0x14  }
0x5fa: {  	v13 =	vand.u32 $0xFF0, v13  }
0x5fb: {  	v13 =	vor.u32 v1, v13;
	_ =	sdelay $0x4  }
0x5fc: {  	v14 =	vld.idx.msk [tilespmem:v13+s14+$0x0], $0xffff;
	_ =	sdelay $0x4  }
0x5fd: {  	v15 =	vshra.s32 v14, $0xA  }
0x5fe: {  	v15 =	vmul.u32 $0x5556, v15;
	_ =	sdelay $0x1  }
0x5ff: {  	v15 =	vshra.s32 v15, $0x10  }
0x600: {  	v14 =	vadd.s32 v14, v15  }
0x601: {  	s29 =	sadd.s32 $0xFFFFFFFD, s19  }
0x602: {  	v44 =	vadd.s32 s29, v3;
	_ =	sdelay $0x2  }
0x603: {  	v14 =	vld.idx.msk [tilespmem:v14+s2+$0x0], $0xffff  }
0x604: {  	[tilespmem:v13+s14+$0x0] =	vst.idx.add.s32.msk $0xffff, v2  }
0x605: {  	v13 =	vld.idx.msk [tilespmem:v44+s15+$0x0], $0xffff;
	_ =	sdelay $0x4  }
0x606: {  	v15 =	vshrl.u32 v13, $0x14  }
0x607: {  	v15 =	vand.u32 $0xFF0, v15  }
0x608: {  	v15 =	vor.u32 v1, v15;
	_ =	sdelay $0x4  }
0x609: {  	v16 =	vld.idx.msk [tilespmem:v15+s14+$0x0], $0xffff;
	_ =	sdelay $0x4  }
0x60a: {  	v17 =	vshra.s32 v16, $0xA  }
0x60b: {  	v17 =	vmul.u32 $0x5556, v17;
	_ =	sdelay $0x1  }
0x60c: {  	v17 =	vshra.s32 v17, $0x10  }
0x60d: {  	v16 =	vadd.s32 v16, v17  }
0x60e: {  	s30 =	sadd.s32 $0xFFFFFFFE, s19  }
0x60f: {  	v45 =	vadd.s32 s30, v3;
	_ =	sdelay $0x2  }
0x610: {  	v16 =	vld.idx.msk [tilespmem:v16+s2+$0x0], $0xffff  }
0x611: {  	[tilespmem:v15+s14+$0x0] =	vst.idx.add.s32.msk $0xffff, v2  }
0x612: {  	v15 =	vld.idx.msk [tilespmem:v45+s15+$0x0], $0xffff;
	_ =	sdelay $0x4  }
0x613: {  	v17 =	vshrl.u32 v15, $0x14  }
0x614: {  	v17 =	vand.u32 $0xFF0, v17  }
0x615: {  	v17 =	vor.u32 v1, v17;
	_ =	sdelay $0x4  }
0x616: {  	v18 =	vld.idx.msk [tilespmem:v17+s14+$0x0], $0xffff;
	_ =	sdelay $0x4  }
0x617: {  	v19 =	vshra.s32 v18, $0xA  }
0x618: {  	v19 =	vmul.u32 $0x5556, v19;
	_ =	sdelay $0x1  }
0x619: {  	v19 =	vshra.s32 v19, $0x10  }
0x61a: {  	v18 =	vadd.s32 v18, v19  }
0x61b: {  	s31 =	sadd.s32 $0xFFFFFFFF, s19  }
0x61c: {  	v46 =	vadd.s32 s31, v3;
	_ =	sdelay $0x2  }
0x61d: {  	v18 =	vld.idx.msk [tilespmem:v18+s2+$0x0], $0xffff  }
0x61e: {  	[tilespmem:v17+s14+$0x0] =	vst.idx.add.s32.msk $0xffff, v2  }
0x61f: {  	v17 =	vld.idx.msk [tilespmem:v46+s15+$0x0], $0xffff;
	_ =	sdelay $0x4  }
0x620: {  	v19 =	vshrl.u32 v17, $0x14  }
0x621: {  	v19 =	vand.u32 $0xFF0, v19  }
0x622: {  	v19 =	vor.u32 v1, v19;
	_ =	sdelay $0x4  }
0x623: {  	v20 =	vld.idx.msk [tilespmem:v19+s14+$0x0], $0xffff;
	_ =	sdelay $0x4  }
0x624: {  	v21 =	vshra.s32 v20, $0xA  }
0x625: {  	v21 =	vmul.u32 $0x5556, v21;
	_ =	sdelay $0x1  }
0x626: {  	v21 =	vshra.s32 v21, $0x10  }
0x627: {  	v20 =	vadd.s32 v20, v21;
	_ =	sdelay $0x1  }
0x628: {  	v47 =	vadd.s32 s19, v3;
	_ =	sdelay $0x2  }
0x629: {  	v20 =	vld.idx.msk [tilespmem:v20+s2+$0x0], $0xffff  }
0x62a: {  	[tilespmem:v19+s14+$0x0] =	vst.idx.add.s32.msk $0xffff, v2  }
0x62b: {  	v19 =	vld.idx.msk [tilespmem:v47+s15+$0x0], $0xffff;
	_ =	sdelay $0x4  }
0x62c: {  	vm14 =	vgt.s32 v6, $0xFFFFFFFF;
	v21 =	vshrl.u32 v19, $0x14  }
0x62d: {  	v48 =	vsel vm14, $0xFFFFFFFF, v4;
	vm0 =	vgt.s32 v8, $0xFFFFFFFF;
	v21 =	vand.u32 $0xFF0, v21  }
0x62e: {  	v6 =	vxor.u32 v6, v48;
	v22 =	vsel vm0, $0xFFFFFFFF, v4;
	v21 =	vor.u32 v1, v21  }
0x62f: {  	vm1 =	vgt.s32 v7, $0xFFFFFFFF;
	v8 =	vxor.u32 v8, v22;
	vm15 =	vgt.s32 v10, $0xFFFFFFFF  }
0x630: {  	v50 =	vsel vm1, $0xFFFFFFFF, v4;
	v6 =	vsub.f32 v8, v6;
	v49 =	vsel vm15, $0xFFFFFFFF, v4  }
0x631: {  	v7 =	vxor.u32 v7, v50;
	v8 =	vxor.u32 v10, v49  }
0x632: {  	v6 =	vmul.f32 v6, v6;
	v7 =	vsub.f32 v8, v7  }
0x633: {  	v51 =	vld.idx.msk [tilespmem:v21+s14+$0x0], $0xffff  }
0x634: {  	v5 =	vadd.f32 v6, v5;
	v6 =	vmul.f32 v7, v7;
	vm4 =	vgt.s32 v12, $0xFFFFFFFF  }
0x635: {  	vm5 =	vgt.s32 v9, $0xFFFFFFFF;
	v7 =	vsel vm4, $0xFFFFFFFF, v4  }
0x636: {  	v5 =	vadd.f32 v6, v5;
	v6 =	vxor.u32 v12, v7;
	v7 =	vsel vm5, $0xFFFFFFFF, v4  }
0x637: {  	v7 =	vxor.u32 v9, v7  }
0x638: {  	vm7 =	vgt.s32 v11, $0xFFFFFFFF;
	v6 =	vsub.f32 v6, v7;
	v52 =	vshra.s32 v51, $0xA  }
0x639: {  	v54 =	vsel vm7, $0xFFFFFFFF, v4;
	vm6 =	vgt.s32 v14, $0xFFFFFFFF;
	v10 =	vmul.u32 $0x5556, v52  }
0x63a: {  	v11 =	vxor.u32 v11, v54;
	v6 =	vmul.f32 v6, v6;
	v53 =	vsel vm6, $0xFFFFFFFF, v4  }
0x63b: {  	vm9 =	vgt.s32 v13, $0xFFFFFFFF;
	v55 =	vxor.u32 v14, v53;
	v56 =	vshra.s32 v10, $0x10  }
0x63c: {  	v7 =	vsub.f32 v55, v11;
	vm8 =	vgt.s32 v16, $0xFFFFFFFF;
	v8 =	vadd.s32 v51, v56  }
0x63d: {  	v5 =	vadd.f32 v6, v5;
	v58 =	vsel vm9, $0xFFFFFFFF, v4;
	v57 =	vsel vm8, $0xFFFFFFFF, v4  }
0x63e: {  	v7 =	vmul.f32 v7, v7;
	v9 =	vxor.u32 v16, v57;
	v10 =	vxor.u32 v13, v58  }
0x63f: {  	v6 =	vsub.f32 v9, v10  }
0x640: {  	v5 =	vadd.f32 v7, v5  }
0x641: {  	vm10 =	vgt.s32 v18, $0xFFFFFFFF;
	vm13 =	vgt.s32 v17, $0xFFFFFFFF;
	v6 =	vmul.f32 v6, v6;
	v7 =	vld.idx.msk [tilespmem:v8+s2+$0x0], $0xffff  }
0x642: {  	vm11 =	vgt.s32 v15, $0xFFFFFFFF;
	v59 =	vsel vm10, $0xFFFFFFFF, v4;
	v61 =	vsel vm13, $0xFFFFFFFF, v4  }
0x643: {  	vm12 =	vgt.s32 v20, $0xFFFFFFFF;
	v5 =	vadd.f32 v6, v5;
	v6 =	vsel vm11, $0xFFFFFFFF, v4  }
0x644: {  	vm15 =	vgt.s32 v19, $0xFFFFFFFF;
	v8 =	vxor.u32 v18, v59;
	v6 =	vxor.u32 v15, v6  }
0x645: {  	v60 =	vsel vm12, $0xFFFFFFFF, v4;
	v63 =	vsel vm15, $0xFFFFFFFF, v4;
	v6 =	vsub.f32 v8, v6  }
0x646: {  	v9 =	vxor.u32 v17, v61;
	v8 =	vxor.u32 v20, v60;
	vm14 =	vgt.s32 v7, $0xFFFFFFFF  }
0x647: {  	v8 =	vsub.f32 v8, v9;
	v6 =	vmul.f32 v6, v6;
	v62 =	vsel vm14, $0xFFFFFFFF, v4  }
0x648: {  	p0 =	sne.s32 s19, $0xBFF;
	v9 =	vxor.u32 v19, v63;
	v7 =	vxor.u32 v7, v62  }
.Ltmp31:
0x649: {  	v5 =	vadd.f32 v6, v5;
	v6 =	vmul.f32 v8, v8;
	v7 =	vsub.f32 v7, v9;
	(pc) =	sbr.rel @p0 .LBB2_64-.Ltmp31, $3  }
0x64a: {  	_ = 	snop  }
0x64b: {  	v5 =	vadd.f32 v6, v5;
	v6 =	vmul.f32 v7, v7;
	_ =	sdelay $0x1  }
0x64c: {  	s19 =	sadd.s32 $0x8, s19;
	[tilespmem:v21+s14+$0x0] =	vst.idx.add.s32.msk $0xffff, v2;
	v5 =	vadd.f32 v6, v5  }
0x64d: {  	s18 =	sadd.s32 $0x1, s18  }
0x64e: {  	p0 =	sne.s32 s18, s10  }
.Ltmp32:
0x64f: {  	[tilespmem:$0x19100] =	vst v5;
	(pc) =	sbr.rel @p0 .LBB2_1-.Ltmp32, $4  }
0x650: {  	[hbm4b:s9+s2] =	stream.linear.scatter [tilespmem:s17], [sflag:$0x1], $0x10, $0x38;
	[tilespmem:$0x19180] =	vst v63  }
0x651: {  	_ =	swait.ge [sflag:s11], $0x10  }
0x652: {  	[sflag:s11] =	ssyncset.done $0x0  }
0x653: {  	[sflag:s11] =	ssyncadd.s32 $0xFFFFFFF0  }
0x654: {  	_ =	sfence.sel $0x180000  }
0x655: {  	[bflag:$0x0] =	sbarrier.arrive $0xFFFF  }
0x656: {  	p0 =	sne.s32 s1, $0x0;
	_ =	strace $0x90000047  }
0x657: {  	s0 =	sadd.s32 @!p0 $0x100000, s0;
	[bflag:$0x2] =	sbarrier.arrive $0xFFFF  }
0x658: {  	[sflag:s0] =	ssyncadd.tile.s32 @!p0 $0x1;
	_ =	shalt  }
.Lfunc_end2:
_tile_overlayer_lowered:
.L_overlay_start_2:
0x659: {  	(tag) =	ssettag $0x2  }
0x65a: {  	s0 =	rddreg [dreg:$0x0];
	s2 =	stileid.u32  }
0x65b: {  	s1 =	rddreg [dreg:$0x1];
	p0 =	sne.s32 s2, $0x0  }
0x65c: {  	s3 =	rddreg [dreg:$0x2];
	[bflag:$0x3] =	sbarrier.arrive $0xFFFF;
	s2 =	simm.s32 @!p0 $0x1C01  }
0x65d: {  	[timem:s3], [sflag:s2] =	dma.local @!p0 [hbm:s0], s1  }
0x65e: {  	s0 =	simm.s32 @!p0 $0x1  }
0x65f: {  	_ =	swait.ge @!p0 [sflag:s0], s1  }
0x660: {  	s1 =	ssub.s32 @!p0 $0x0, s1;
	[sflag:s0] =	ssyncset.done @!p0 $0x0  }
0x661: {  	[sflag:s0] =	ssyncadd.s32 @!p0 s1  }
0x662: {  	[bflag:$0x3] =	sbarrier.arrive $0xFFFF  }
0x663: {  	_ =	shalt  }

</sc_bundles>
